<compile_context>
chip_gen: v7x
topology: tpu7x:2x2x1
jax: 0.10.2.dev20260603
libtpu: 0.0.44.dev20260713+nightly
codegen_flags: <defaults>
</compile_context>

<pallas_src>
import functools

import jax
import jax.numpy as jnp
from jax import lax
from jax.experimental import pallas as pl
from jax.experimental.pallas import tpu as pltpu
from jax.experimental.pallas import tpu_sc as plsc

B = 8
IN_CH = 1024
HID = 256
CTX = 32
N_EVENTS = 16
T = 1024
DILATIONS = [1, 2, 4, 8, 16, 32, 64, 1]
PAD = 128

NC = 2
NS = 16


NB = 1
SEG = T + PAD
WIDE = NB * SEG


def _sigmoid(x):
    return 0.5 * jnp.tanh(0.5 * x) + 0.5


def _tc_encoder_body(xin, wproj, pe, wfg, wv, wsw, attn_out, evt_out, xw):
    bf16 = jnp.bfloat16
    zpad = jnp.zeros((PAD, HID), jnp.float32)
    for b in range(NB):
        off = b * SEG
        proj = lax.dot_general(xin[b].astype(bf16), wproj[...],
                               (((0,), (0,)), ((), ())),
                               preferred_element_type=jnp.float32)
        xw[off:off + T] = proj + pe[...]
        xw[off + T:off + SEG] = zpad
    zbf = jnp.zeros((PAD, HID), jnp.bfloat16)
    for i, d in enumerate(DILATIONS):
        xb = xw[...].astype(bf16)
        xs = jnp.concatenate([xw[d:d + T].astype(bf16), zbf], axis=0)
        ag = (jnp.dot(xb, wfg[i, 0], preferred_element_type=jnp.float32)
              + jnp.dot(xs, wfg[i, 1], preferred_element_type=jnp.float32))
        a = ag[:, :HID]
        g = ag[:, HID:]
        xw[...] = jnp.tanh(a) * _sigmoid(g) + xw[...]
    xb = xw[...].astype(bf16)
    evt = jnp.dot(xb, wv[...], preferred_element_type=jnp.float32)
    w = wsw[...].astype(jnp.float32)
    esw = jnp.sum(xb.astype(jnp.float32) * w, axis=1, keepdims=True)
    for b in range(NB):
        off = b * SEG
        evt_out[b] = evt[off:off + T]
        attn_out[b] = jnp.maximum(esw[off:off + T], 0.0)


def _tc_encoder(xin_bf, wproj, pe, wfg, wv, wsw):
    f32 = jnp.float32
    return pl.pallas_call(
        _tc_encoder_body,
        grid=(B // NB,),
        in_specs=[
            pl.BlockSpec((NB, IN_CH, T), lambda b: (b, 0, 0)),
            pl.BlockSpec((IN_CH, HID), lambda b: (0, 0)),
            pl.BlockSpec((T, HID), lambda b: (0, 0)),
            pl.BlockSpec((len(DILATIONS), 2, HID, 2 * HID),
                         lambda b: (0, 0, 0, 0)),
            pl.BlockSpec((HID, CTX), lambda b: (0, 0)),
            pl.BlockSpec((1, HID), lambda b: (0, 0)),
        ],
        out_specs=[
            pl.BlockSpec((NB, T, 1), lambda b: (b, 0, 0)),
            pl.BlockSpec((NB, T, CTX), lambda b: (b, 0, 0)),
        ],
        out_shape=[
            jax.ShapeDtypeStruct((B, T, 1), f32),
            jax.ShapeDtypeStruct((B, T, CTX), f32),
        ],
        scratch_shapes=[pltpu.VMEM((WIDE, HID), f32)],
        compiler_params=pltpu.CompilerParams(
            dimension_semantics=("arbitrary",),
            vmem_limit_bytes=60 * 1024 * 1024),
    )(xin_bf, wproj, pe, wfg, wv, wsw)


QT = T // 4


def _lex_select(vals, idxs, vk, ik, bv, bi, v, ii):
    valid = (v < vk) | ((v == vk) & (ii > ik))
    take = valid & (v > bv)
    return jnp.where(take, v, bv), jnp.where(take, ii, bi)


def _butterfly(lane, bv, bi):
    for s in (8, 4, 2, 1):
        perm = jnp.bitwise_xor(lane, s)
        ov = bv[perm]
        oi = bi[perm]
        take = (ov > bv) | ((ov == bv) & (oi < bi))
        bv = jnp.where(take, ov, bv)
        bi = jnp.where(take, oi, bi)
    return bv, bi


def _sc_topk_body_serial(attn_hbm, evec_hbm, vecs_hbm, sched_hbm,
                         attn_v, idx_v, rows_v, sched_v, sem):
    wid = lax.axis_index("s") * NC + lax.axis_index("c")

    @pl.when(wid < B)
    def _():
        pltpu.sync_copy(attn_hbm.at[wid], attn_v)
        lane = lax.broadcasted_iota(jnp.int32, (16,), 0)
        vals = jnp.zeros((16,), jnp.float32)
        idxs = jnp.zeros((16,), jnp.int32)
        vk = jnp.full((16,), jnp.inf, jnp.float32)
        ik = jnp.full((16,), -1, jnp.int32)
        for k in range(N_EVENTS):
            def scan_body(c, carry):
                bv, bi = carry
                v = attn_v[pl.ds(c * 16, 16)]
                ii = c * 16 + lane
                valid = (v < vk) | ((v == vk) & (ii > ik))
                take = valid & ((v > bv) | ((v == bv) & (ii < bi)))
                return jnp.where(take, v, bv), jnp.where(take, ii, bi)
            bv, bi = lax.fori_loop(
                0, T // 16, scan_body,
                (jnp.full((16,), -1.0, jnp.float32),
                 jnp.full((16,), 1 << 30, jnp.int32)))
            bv, bi = _butterfly(lane, bv, bi)
            vals = jnp.where(lane == k, bv, vals)
            idxs = jnp.where(lane == k, bi, idxs)
            vk, ik = bv, bi
        idx_v[...] = idxs + wid * T
        pltpu.async_copy(evec_hbm.at[idx_v], rows_v, sem).wait()
        pltpu.sync_copy(rows_v, vecs_hbm.at[pl.ds(wid * N_EVENTS, 16)])
        for r in range(N_EVENTS):
            rsel = jnp.full((16,), r, jnp.int32)
            ir = idxs[rsel]
            vr = vals[rsel]
            def zbody(j, carry):
                col = j * 16 + lane
                sched_v[r, pl.ds(j * 16, 16)] = jnp.where(col == ir, vr, 0.0)
                return carry
            lax.fori_loop(0, T // 16, zbody, 0)
        pltpu.sync_copy(sched_v, sched_hbm.at[pl.ds(wid * N_EVENTS, 16)])


def _sc_topk_serial(attn, evflat):
    f32 = jnp.float32
    mesh = plsc.VectorSubcoreMesh(
        core_axis_name="c", subcore_axis_name="s",
        num_cores=NC, num_subcores=NS)
    return pl.kernel(
        _sc_topk_body_serial,
        out_type=[
            jax.ShapeDtypeStruct((B * N_EVENTS, CTX), f32),
            jax.ShapeDtypeStruct((B * N_EVENTS, T), f32),
        ],
        mesh=mesh,
        scratch_types=[
            pltpu.VMEM((T,), f32),
            pltpu.VMEM((N_EVENTS,), jnp.int32),
            pltpu.VMEM((N_EVENTS, CTX), f32),
            pltpu.VMEM((N_EVENTS, T), f32),
            pltpu.SemaphoreType.DMA,
        ],
        compiler_params=pltpu.CompilerParams(use_tc_tiling_on_sc=False),
    )(attn, evflat)


def _sc_topk_body(attn_hbm, evec_hbm, vecs_hbm, sched_hbm,
                  attn_v, locv_v, loci_v, mergev_v, mergei_v,
                  idx_v, rows_v, sched4_v, shared_v, shared_i, sem):
    s = lax.axis_index("s")
    c = lax.axis_index("c")
    row = c * NS + s
    batch = c * 4 + s // 4
    part = s % 4
    lane = lax.broadcasted_iota(jnp.int32, (16,), 0)
    pltpu.sync_copy(attn_hbm.at[row], attn_v)
    pbase = part * QT
    vals = jnp.zeros((16,), jnp.float32)
    idxs = jnp.zeros((16,), jnp.int32)
    vk = jnp.full((16,), jnp.inf, jnp.float32)
    ik = jnp.full((16,), -1, jnp.int32)
    for k in range(N_EVENTS):
        bv = jnp.full((16,), -1.0, jnp.float32)
        bi = jnp.full((16,), 1 << 30, jnp.int32)
        for ch in range(QT // 16):
            v = attn_v[pl.ds(ch * 16, 16)]
            ii = pbase + (ch * 16 + lane)
            bv, bi = _lex_select(vals, idxs, vk, ik, bv, bi, v, ii)
        bv, bi = _butterfly(lane, bv, bi)
        vals = jnp.where(lane == k, bv, vals)
        idxs = jnp.where(lane == k, bi, idxs)
        vk, ik = bv, bi
    locv_v[...] = vals
    loci_v[...] = idxs
    pltpu.sync_copy(locv_v, shared_v.at[s])
    pltpu.sync_copy(loci_v, shared_i.at[s])
    plsc.subcore_barrier()
    g = s - part
    pltpu.sync_copy(shared_v.at[pl.ds(g, 4)], mergev_v)
    pltpu.sync_copy(shared_i.at[pl.ds(g, 4)], mergei_v)
    vals = jnp.zeros((16,), jnp.float32)
    idxs = jnp.zeros((16,), jnp.int32)
    vk = jnp.full((16,), jnp.inf, jnp.float32)
    ik = jnp.full((16,), -1, jnp.int32)
    for k in range(N_EVENTS):
        bv = jnp.full((16,), -1.0, jnp.float32)
        bi = jnp.full((16,), 1 << 30, jnp.int32)
        for j in range(4):
            v = mergev_v[j]
            ii = mergei_v[j]
            bv, bi = _lex_select(vals, idxs, vk, ik, bv, bi, v, ii)
        bv, bi = _butterfly(lane, bv, bi)
        vals = jnp.where(lane == k, bv, vals)
        idxs = jnp.where(lane == k, bi, idxs)
        vk, ik = bv, bi
    @pl.when(part == 0)
    def _():
        idx_v[...] = idxs + batch * T
        pltpu.async_copy(evec_hbm.at[idx_v], rows_v, sem).wait()
        pltpu.sync_copy(rows_v, vecs_hbm.at[pl.ds(batch * N_EVENTS, 16)])
    for rr in range(4):
        rsel = part * 4 + rr + jnp.zeros((16,), jnp.int32)
        ir = idxs[rsel]
        vr = vals[rsel]
        def zbody(j, carry):
            for u in range(4):
                jj = j * 4 + u
                col = jj * 16 + lane
                sched4_v[rr, pl.ds(jj * 16, 16)] = jnp.where(
                    col == ir, vr, 0.0)
            return carry
        lax.fori_loop(0, T // 64, zbody, 0)
    pltpu.sync_copy(
        sched4_v,
        sched_hbm.at[pl.ds(batch * N_EVENTS + part * 4, 4)])


def _sc_topk(attn4, evflat):
    f32 = jnp.float32
    mesh = plsc.VectorSubcoreMesh(
        core_axis_name="c", subcore_axis_name="s",
        num_cores=NC, num_subcores=NS)
    return pl.kernel(
        _sc_topk_body,
        out_type=[
            jax.ShapeDtypeStruct((B * N_EVENTS, CTX), f32),
            jax.ShapeDtypeStruct((B * N_EVENTS, T), f32),
        ],
        mesh=mesh,
        scratch_types=[
            pltpu.VMEM((QT,), f32),
            pltpu.VMEM((16,), f32),
            pltpu.VMEM((16,), jnp.int32),
            pltpu.VMEM((4, 16), f32),
            pltpu.VMEM((4, 16), jnp.int32),
            pltpu.VMEM((N_EVENTS,), jnp.int32),
            pltpu.VMEM((N_EVENTS, CTX), f32),
            pltpu.VMEM((4, T), f32),
            pltpu.VMEM_SHARED((NS, 16), f32),
            pltpu.VMEM_SHARED((NS, 16), jnp.int32),
            pltpu.SemaphoreType.DMA,
        ],
        compiler_params=pltpu.CompilerParams(use_tc_tiling_on_sc=False),
    )(attn4, evflat)


def kernel(transformed, proj_W, proj_b, Wf, bf, Wg, bg,
           evec_W, evec_b, esw_W, esw_b):
    bf16 = jnp.bfloat16
    xin = transformed
    wproj = proj_W[:, :, 0].T.astype(bf16)
    wfg = jnp.stack(
        [jnp.concatenate([Wf[:, :, :, k].transpose(0, 2, 1),
                          Wg[:, :, :, k].transpose(0, 2, 1)], axis=-1)
         for k in (0, 1)], axis=1).astype(bf16)
    wv = evec_W[:, :, 0].T.astype(bf16)
    wsw = esw_W[:, :, 0].astype(bf16)
    pos = jnp.arange(T, dtype=jnp.float32)[:, None]
    i = jnp.arange(HID // 2, dtype=jnp.float32)[None, :]
    freqs = jnp.exp(-jnp.log(10000.0) * (2.0 * i / HID))
    pe = jnp.concatenate(
        [jnp.sin(pos * freqs), jnp.cos(pos * freqs)], axis=-1)

    attn3, evt = _tc_encoder(xin, wproj, pe, wfg, wv, wsw)
    evflat = evt.reshape(B * T, CTX)
    vecs, sched = _sc_topk_serial(attn3.reshape(B, T), evflat)
    return (vecs.reshape(B, N_EVENTS, CTX), sched.reshape(B, N_EVENTS, T))

# --- scband reference (transcript-rebuilt; emitter-appended) ---
"""Pipeline reference for scband-model-28905129902405 (READ-ONLY COPY).

The authoritative reference and input builder live on the scoring server;
editing this copy changes nothing except your own understanding.
"""

import jax, jax.numpy as jnp
import numpy as np
from jax import lax

B = 8
IN_CH = 1024
HID = 256
CTX = 32
N_EVENTS = 16
T = 1024
DILATIONS = [1, 2, 4, 8, 16, 32, 64, 1]
KS = 2


def setup_inputs(seed: int = 0) -> dict:
    key = jax.random.key(seed)
    ks = jax.random.split(key, 8)
    s = 0.02
    nd = len(DILATIONS)
    return {
        "transformed": jax.random.normal(ks[0], (B, IN_CH, T), dtype=jnp.float32),
        "proj_W": jax.random.normal(ks[1], (HID, IN_CH, 1), dtype=jnp.float32) * s,
        "proj_b": jnp.zeros((HID,), dtype=jnp.float32),
        "Wf": jax.random.normal(ks[2], (nd, HID, HID, KS), dtype=jnp.float32) * s,
        "bf": jnp.zeros((nd, HID), dtype=jnp.float32),
        "Wg": jax.random.normal(ks[3], (nd, HID, HID, KS), dtype=jnp.float32) * s,
        "bg": jnp.zeros((nd, HID), dtype=jnp.float32),
        "evec_W": jax.random.normal(ks[4], (CTX, HID, 1), dtype=jnp.float32) * s,
        "evec_b": jnp.zeros((CTX,), dtype=jnp.float32),
        "esw_W": jax.random.normal(ks[5], (1, HID, 1), dtype=jnp.float32) * s,
        "esw_b": jnp.zeros((1,), dtype=jnp.float32),
    }


def _conv1d(x, W, b, dilation=1, right_pad=0):
    out = lax.conv_general_dilated(
        x, W, window_strides=(1,), padding=[(0, right_pad)],
        rhs_dilation=(dilation,), dimension_numbers=("NCH", "OIH", "NCH"))
    return out + b[None, :, None]


def _pos_encoding(channels, time):
    pos = jnp.arange(time, dtype=jnp.float32)[:, None]
    i = jnp.arange(channels // 2, dtype=jnp.float32)[None, :]
    freqs = jnp.exp(-jnp.log(10000.0) * (2.0 * i / channels))
    enc = jnp.concatenate([jnp.sin(pos * freqs), jnp.cos(pos * freqs)], axis=-1)
    return jnp.transpose(enc)[None, :, :]


def _encoder(x, proj_W, proj_b, Wf, bf, Wg, bg):
    # AntiCausalAnalysis: 1x1 input projection + positional encodings +
    # stack of anti-causal (right-padded) gated dilated conv blocks w/ residual
    x = _conv1d(x, proj_W, proj_b)
    x = x + _pos_encoding(HID, x.shape[-1])
    for i, d in enumerate(DILATIONS):
        pad = d * (KS - 1)
        a = _conv1d(x, Wf[i], bf[i], dilation=d, right_pad=pad)
        g = _conv1d(x, Wg[i], bg[i], dilation=d, right_pad=pad)
        x = jnp.tanh(a) * jax.nn.sigmoid(g) + x
    return x


def reference(transformed, proj_W, proj_b, Wf, bf, Wg, bg, evec_W, evec_b, esw_W, esw_b):
    batch = transformed.shape[0]
    encoded = _encoder(transformed, proj_W, proj_b, Wf, bf, Wg, bg)
    event_vecs = _conv1d(encoded, evec_W, evec_b)   # [B, CTX, T]
    event_switch = _conv1d(encoded, esw_W, esw_b)   # [B, 1, T]
    attn = jax.nn.relu(event_switch).reshape(batch, -1)  # [B, T]
    # sparsify: keep top n_events, zero elsewhere
    values, indices = lax.top_k(attn, N_EVENTS)
    attn_sparse = jnp.zeros_like(attn).at[jnp.arange(batch)[:, None], indices].set(values)
    # sparsify_vectors: top-k on sparsified attention, gather event vectors
    v2, idx2 = lax.top_k(attn_sparse, N_EVENTS)
    vecs = jnp.take_along_axis(event_vecs, idx2[:, None, :], axis=2)  # [B, CTX, K]
    vecs = jnp.transpose(vecs, (0, 2, 1))  # [B, K, CTX]
    # scheduling[b, j, idx[b, j]] = attn_sparse[b, idx[b, j]]
    gathered = jnp.take_along_axis(attn_sparse, idx2, axis=1)  # [B, K]
    scheduling = jax.nn.one_hot(idx2, attn.shape[-1], dtype=jnp.float32) * gathered[..., None]
    return (vecs, scheduling)

if __name__ == "__main__":
    import jax
    _d = setup_inputs()
    print(jax.jit(kernel)(*tuple(_d.values())))

</pallas_src>

<mosaic_0001>
#map = affine_map<(d0, d1) -> (0, 0)>
module attributes {stable_mosaic.version = 14 : i64} {
  func.func @_sc_topk_body_serial(%arg0: i32, %arg1: i32, %arg2: memref<8x1024xf32, #tpu.memory_space<hbm>>, %arg3: memref<8192x32xf32, #tpu.memory_space<hbm>>, %arg4: memref<128x32xf32, #tpu.memory_space<hbm>>, %arg5: memref<128x1024xf32, #tpu.memory_space<hbm>>, %arg6: memref<1024xf32, #tpu.memory_space<vmem>>, %arg7: memref<16xi32, #tpu.memory_space<vmem>>, %arg8: memref<16x32xf32, #tpu.memory_space<vmem>>, %arg9: memref<16x1024xf32, #tpu.memory_space<vmem>>, %arg10: memref<!tpu.dma_semaphore, #tpu.memory_space<semaphore_mem>>) attributes {dimension_semantics = [#tpu.dimension_semantics<core_parallel>, #tpu.dimension_semantics<subcore_parallel>], iteration_bounds = array<i64: 2, 16>, scalar_prefetch = 0 : i64, scratch_operands = 5 : i64, tpu.core_type = #tpu.core_type<sc_vector_subcore>, window_params = [{transform_indices = #map}, {transform_indices = #map}, {transform_indices = #map}, {transform_indices = #map}]} {
    %mul3A = arith.constant 2 : i32
    %mul3A_0 = arith.muli %arg1, %mul3A : i32
    %add3A = arith.addi %mul3A_0, %arg0 : i32
    %lt3A = arith.constant 8 : i32
    %lt3A_1 = arith.cmpi slt, %add3A, %lt3A : i32
    %convert_element_type3A = arith.extui %lt3A_1 : i1 to i32
    %cond3A = arith.constant 0 : i32
    %cond3A_2 = arith.cmpi ne, %convert_element_type3A, %cond3A : i32
    scf.if %cond3A_2 {
      "tpu.region"() ({
        %run_scoped3A = tpu.sem_alloc : memref<!tpu.dma_semaphore, #tpu.memory_space<semaphore_mem>>
        %dma_start3A_2673 = arith.constant 0 : i32
        %dma_start3A_2674 = tpu.memref_slice %arg2[%add3A, %dma_start3A_2673] : memref<8x1024xf32, #tpu.memory_space<hbm>> -> memref<1x1024xf32, #tpu.memory_space<hbm>>
        %dma_start3A_2675 = tpu.memref_squeeze %dma_start3A_2674 : memref<1x1024xf32, #tpu.memory_space<hbm>> -> memref<1024xf32, #tpu.memory_space<hbm>>
        %dma_start3A_2676 = arith.constant 0 : i32
        %dma_start3A_2677 = tpu.memref_slice %arg2[%add3A, %dma_start3A_2676] : memref<8x1024xf32, #tpu.memory_space<hbm>> -> memref<1x1024xf32, #tpu.memory_space<hbm>>
        %dma_start3A_2678 = tpu.memref_squeeze %dma_start3A_2677 : memref<1x1024xf32, #tpu.memory_space<hbm>> -> memref<1024xf32, #tpu.memory_space<hbm>>
        tpu.enqueue_dma source(%dma_start3A_2678 : memref<1024xf32, #tpu.memory_space<hbm>>) target(%arg6 : memref<1024xf32, #tpu.memory_space<vmem>>) target_semaphore(%run_scoped3A : memref<!tpu.dma_semaphore, #tpu.memory_space<semaphore_mem>>)
        %dma_wait3A_2679 = arith.constant 0 : i32
        %dma_wait3A_2680 = tpu.memref_slice %arg2[%add3A, %dma_wait3A_2679] : memref<8x1024xf32, #tpu.memory_space<hbm>> -> memref<1x1024xf32, #tpu.memory_space<hbm>>
        %dma_wait3A_2681 = tpu.memref_squeeze %dma_wait3A_2680 : memref<1x1024xf32, #tpu.memory_space<hbm>> -> memref<1024xf32, #tpu.memory_space<hbm>>
        %dma_wait3A_2682 = arith.constant 0 : i32
        %dma_wait3A_2683 = tpu.memref_slice %arg2[%add3A, %dma_wait3A_2682] : memref<8x1024xf32, #tpu.memory_space<hbm>> -> memref<1x1024xf32, #tpu.memory_space<hbm>>
        %dma_wait3A_2684 = tpu.memref_squeeze %dma_wait3A_2683 : memref<1x1024xf32, #tpu.memory_space<hbm>> -> memref<1024xf32, #tpu.memory_space<hbm>>
        tpu.wait_dma2 semaphore(%run_scoped3A : memref<!tpu.dma_semaphore, #tpu.memory_space<semaphore_mem>>) src(%dma_wait3A_2684 : memref<1024xf32, #tpu.memory_space<hbm>>) dst(%arg6 : memref<1024xf32, #tpu.memory_space<vmem>>)
        tpu.yield
      }) : () -> ()
      %iota3A = tpu.iota {dimensions = array<i32: 0>} : vector<16xi32>
      %broadcast_in_dim3A = arith.constant 0.000000e+00 : f32
      %broadcast_in_dim3A_3 = vector.broadcast %broadcast_in_dim3A : f32 to vector<16xf32>
      %broadcast_in_dim3A_4 = arith.constant 0 : i32
      %broadcast_in_dim3A_5 = vector.broadcast %broadcast_in_dim3A_4 : i32 to vector<16xi32>
      %broadcast_in_dim3A_6 = arith.constant 0x7F800000 : f32
      %broadcast_in_dim3A_7 = vector.broadcast %broadcast_in_dim3A_6 : f32 to vector<16xf32>
      %broadcast_in_dim3A_8 = arith.constant -1 : i32
      %broadcast_in_dim3A_9 = vector.broadcast %broadcast_in_dim3A_8 : i32 to vector<16xi32>
      %broadcast_in_dim3A_10 = arith.constant -1.000000e+00 : f32
      %broadcast_in_dim3A_11 = vector.broadcast %broadcast_in_dim3A_10 : f32 to vector<16xf32>
      %broadcast_in_dim3A_12 = arith.constant 1073741824 : i32
      %broadcast_in_dim3A_13 = vector.broadcast %broadcast_in_dim3A_12 : i32 to vector<16xi32>
      %scan3A = arith.constant 0 : i32
      %scan3A_14 = arith.constant 64 : i32
      %scan3A_15 = arith.addi %scan3A, %scan3A_14 : i32
      %scan3A_16 = arith.constant 1 : i32
      %scan3A_17:2 = scf.for %scan3A_2673 = %scan3A to %scan3A_15 step %scan3A_16 iter_args(%scan3A_2674 = %broadcast_in_dim3A_11, %scan3A_2675 = %broadcast_in_dim3A_13) -> (vector<16xf32>, vector<16xi32>)  : i32 {
        %mul3A_2676 = arith.constant 16 : i32
        %mul3A_2677 = arith.muli %scan3A_2673, %mul3A_2676 : i32
        %get3A = arith.index_cast %mul3A_2677 : i32 to index
        %get3A_2678 = tpu.vector_load %arg6[%get3A] {strides = array<i32>} : memref<1024xf32, #tpu.memory_space<vmem>>, vector<16xf32>,
        %get3A_2679 = vector.shape_cast %get3A_2678 : vector<16xf32> to vector<16xf32>
        %mul3A_2680 = arith.constant 16 : i32
        %mul3A_2681 = arith.muli %scan3A_2673, %mul3A_2680 : i32
        %add3A_2682 = vector.broadcast %mul3A_2681 : i32 to vector<16xi32>
        %add3A_2683 = arith.addi %add3A_2682, %iota3A : vector<16xi32>
        %lt3A_2684 = arith.cmpf olt, %get3A_2679, %broadcast_in_dim3A_7 : vector<16xf32>
        %eq3A_2685 = arith.cmpf oeq, %get3A_2679, %broadcast_in_dim3A_7 : vector<16xf32>
        %gt3A_2686 = arith.cmpi sgt, %add3A_2683, %broadcast_in_dim3A_9 : vector<16xi32>
        %and3A_2687 = arith.andi %eq3A_2685, %gt3A_2686 : vector<16xi1>
        %or3A_2688 = arith.ori %lt3A_2684, %and3A_2687 : vector<16xi1>
        %gt3A_2689 = arith.cmpf ogt, %get3A_2679, %scan3A_2674 : vector<16xf32>
        %eq3A_2690 = arith.cmpf oeq, %get3A_2679, %scan3A_2674 : vector<16xf32>
        %lt3A_2691 = arith.cmpi slt, %add3A_2683, %scan3A_2675 : vector<16xi32>
        %and3A_2692 = arith.andi %eq3A_2690, %lt3A_2691 : vector<16xi1>
        %or3A_2693 = arith.ori %gt3A_2689, %and3A_2692 : vector<16xi1>
        %and3A_2694 = arith.andi %or3A_2688, %or3A_2693 : vector<16xi1>
        %select_n3A_2695 = arith.select %and3A_2694, %get3A_2679, %scan3A_2674 : vector<16xi1>, vector<16xf32>
        %select_n3A_2696 = arith.select %and3A_2694, %add3A_2683, %scan3A_2675 : vector<16xi1>, vector<16xi32>
        scf.yield %select_n3A_2695, %select_n3A_2696 : vector<16xf32>, vector<16xi32>
      }
      %scan3A_18 = arith.constant 64 : i32
      %xor3A = arith.constant 8 : i32
      %xor3A_19 = vector.broadcast %xor3A : i32 to vector<16xi32>
      %xor3A_20 = arith.xori %iota3A, %xor3A_19 : vector<16xi32>
      %lt3A_21 = arith.constant 0 : i32
      %lt3A_22 = vector.broadcast %lt3A_21 : i32 to vector<16xi32>
      %lt3A_23 = arith.cmpi slt, %xor3A_20, %lt3A_22 : vector<16xi32>
      %add3A_24 = arith.constant 16 : i32
      %add3A_25 = vector.broadcast %add3A_24 : i32 to vector<16xi32>
      %add3A_26 = arith.addi %xor3A_20, %add3A_25 : vector<16xi32>
      %select_n3A = arith.select %lt3A_23, %add3A_26, %xor3A_20 : vector<16xi1>, vector<16xi32>
      %broadcast_in_dim3A_27 = vector.shape_cast %select_n3A : vector<16xi32> to vector<16x1xi32>
      %gather3A = vector.shape_cast %broadcast_in_dim3A_27 : vector<16x1xi32> to vector<16xi32>
      %gather3A_28 = tpu.dynamic_gather %scan3A_17#0[%gather3A] in [0] : vector<16xf32>, vector<16xi32> -> vector<16xf32>
      %lt3A_29 = arith.constant 0 : i32
      %lt3A_30 = vector.broadcast %lt3A_29 : i32 to vector<16xi32>
      %lt3A_31 = arith.cmpi slt, %xor3A_20, %lt3A_30 : vector<16xi32>
      %add3A_32 = arith.constant 16 : i32
      %add3A_33 = vector.broadcast %add3A_32 : i32 to vector<16xi32>
      %add3A_34 = arith.addi %xor3A_20, %add3A_33 : vector<16xi32>
      %select_n3A_35 = arith.select %lt3A_31, %add3A_34, %xor3A_20 : vector<16xi1>, vector<16xi32>
      %broadcast_in_dim3A_36 = vector.shape_cast %select_n3A_35 : vector<16xi32> to vector<16x1xi32>
      %gather3A_37 = vector.shape_cast %broadcast_in_dim3A_36 : vector<16x1xi32> to vector<16xi32>
      %gather3A_38 = tpu.dynamic_gather %scan3A_17#1[%gather3A_37] in [0] : vector<16xi32>, vector<16xi32> -> vector<16xi32>
      %gt3A = arith.cmpf ogt, %gather3A_28, %scan3A_17#0 : vector<16xf32>
      %eq3A = arith.cmpf oeq, %gather3A_28, %scan3A_17#0 : vector<16xf32>
      %lt3A_39 = arith.cmpi slt, %gather3A_38, %scan3A_17#1 : vector<16xi32>
      %and3A = arith.andi %eq3A, %lt3A_39 : vector<16xi1>
      %or3A = arith.ori %gt3A, %and3A : vector<16xi1>
      %select_n3A_40 = arith.select %or3A, %gather3A_28, %scan3A_17#0 : vector<16xi1>, vector<16xf32>
      %select_n3A_41 = arith.select %or3A, %gather3A_38, %scan3A_17#1 : vector<16xi1>, vector<16xi32>
      %xor3A_42 = arith.constant 4 : i32
      %xor3A_43 = vector.broadcast %xor3A_42 : i32 to vector<16xi32>
      %xor3A_44 = arith.xori %iota3A, %xor3A_43 : vector<16xi32>
      %lt3A_45 = arith.constant 0 : i32
      %lt3A_46 = vector.broadcast %lt3A_45 : i32 to vector<16xi32>
      %lt3A_47 = arith.cmpi slt, %xor3A_44, %lt3A_46 : vector<16xi32>
      %add3A_48 = arith.constant 16 : i32
      %add3A_49 = vector.broadcast %add3A_48 : i32 to vector<16xi32>
      %add3A_50 = arith.addi %xor3A_44, %add3A_49 : vector<16xi32>
      %select_n3A_51 = arith.select %lt3A_47, %add3A_50, %xor3A_44 : vector<16xi1>, vector<16xi32>
      %broadcast_in_dim3A_52 = vector.shape_cast %select_n3A_51 : vector<16xi32> to vector<16x1xi32>
      %gather3A_53 = vector.shape_cast %broadcast_in_dim3A_52 : vector<16x1xi32> to vector<16xi32>
      %gather3A_54 = tpu.dynamic_gather %select_n3A_40[%gather3A_53] in [0] : vector<16xf32>, vector<16xi32> -> vector<16xf32>
      %lt3A_55 = arith.constant 0 : i32
      %lt3A_56 = vector.broadcast %lt3A_55 : i32 to vector<16xi32>
      %lt3A_57 = arith.cmpi slt, %xor3A_44, %lt3A_56 : vector<16xi32>
      %add3A_58 = arith.constant 16 : i32
      %add3A_59 = vector.broadcast %add3A_58 : i32 to vector<16xi32>
      %add3A_60 = arith.addi %xor3A_44, %add3A_59 : vector<16xi32>
      %select_n3A_61 = arith.select %lt3A_57, %add3A_60, %xor3A_44 : vector<16xi1>, vector<16xi32>
      %broadcast_in_dim3A_62 = vector.shape_cast %select_n3A_61 : vector<16xi32> to vector<16x1xi32>
      %gather3A_63 = vector.shape_cast %broadcast_in_dim3A_62 : vector<16x1xi32> to vector<16xi32>
      %gather3A_64 = tpu.dynamic_gather %select_n3A_41[%gather3A_63] in [0] : vector<16xi32>, vector<16xi32> -> vector<16xi32>
      %gt3A_65 = arith.cmpf ogt, %gather3A_54, %select_n3A_40 : vector<16xf32>
      %eq3A_66 = arith.cmpf oeq, %gather3A_54, %select_n3A_40 : vector<16xf32>
      %lt3A_67 = arith.cmpi slt, %gather3A_64, %select_n3A_41 : vector<16xi32>
      %and3A_68 = arith.andi %eq3A_66, %lt3A_67 : vector<16xi1>
      %or3A_69 = arith.ori %gt3A_65, %and3A_68 : vector<16xi1>
      %select_n3A_70 = arith.select %or3A_69, %gather3A_54, %select_n3A_40 : vector<16xi1>, vector<16xf32>
      %select_n3A_71 = arith.select %or3A_69, %gather3A_64, %select_n3A_41 : vector<16xi1>, vector<16xi32>
      %xor3A_72 = arith.constant 2 : i32
      %xor3A_73 = vector.broadcast %xor3A_72 : i32 to vector<16xi32>
      %xor3A_74 = arith.xori %iota3A, %xor3A_73 : vector<16xi32>
      %lt3A_75 = arith.constant 0 : i32
      %lt3A_76 = vector.broadcast %lt3A_75 : i32 to vector<16xi32>
      %lt3A_77 = arith.cmpi slt, %xor3A_74, %lt3A_76 : vector<16xi32>
      %add3A_78 = arith.constant 16 : i32
      %add3A_79 = vector.broadcast %add3A_78 : i32 to vector<16xi32>
      %add3A_80 = arith.addi %xor3A_74, %add3A_79 : vector<16xi32>
      %select_n3A_81 = arith.select %lt3A_77, %add3A_80, %xor3A_74 : vector<16xi1>, vector<16xi32>
      %broadcast_in_dim3A_82 = vector.shape_cast %select_n3A_81 : vector<16xi32> to vector<16x1xi32>
      %gather3A_83 = vector.shape_cast %broadcast_in_dim3A_82 : vector<16x1xi32> to vector<16xi32>
      %gather3A_84 = tpu.dynamic_gather %select_n3A_70[%gather3A_83] in [0] : vector<16xf32>, vector<16xi32> -> vector<16xf32>
      %lt3A_85 = arith.constant 0 : i32
      %lt3A_86 = vector.broadcast %lt3A_85 : i32 to vector<16xi32>
      %lt3A_87 = arith.cmpi slt, %xor3A_74, %lt3A_86 : vector<16xi32>
      %add3A_88 = arith.constant 16 : i32
      %add3A_89 = vector.broadcast %add3A_88 : i32 to vector<16xi32>
      %add3A_90 = arith.addi %xor3A_74, %add3A_89 : vector<16xi32>
      %select_n3A_91 = arith.select %lt3A_87, %add3A_90, %xor3A_74 : vector<16xi1>, vector<16xi32>
      %broadcast_in_dim3A_92 = vector.shape_cast %select_n3A_91 : vector<16xi32> to vector<16x1xi32>
      %gather3A_93 = vector.shape_cast %broadcast_in_dim3A_92 : vector<16x1xi32> to vector<16xi32>
      %gather3A_94 = tpu.dynamic_gather %select_n3A_71[%gather3A_93] in [0] : vector<16xi32>, vector<16xi32> -> vector<16xi32>
      %gt3A_95 = arith.cmpf ogt, %gather3A_84, %select_n3A_70 : vector<16xf32>
      %eq3A_96 = arith.cmpf oeq, %gather3A_84, %select_n3A_70 : vector<16xf32>
      %lt3A_97 = arith.cmpi slt, %gather3A_94, %select_n3A_71 : vector<16xi32>
      %and3A_98 = arith.andi %eq3A_96, %lt3A_97 : vector<16xi1>
      %or3A_99 = arith.ori %gt3A_95, %and3A_98 : vector<16xi1>
      %select_n3A_100 = arith.select %or3A_99, %gather3A_84, %select_n3A_70 : vector<16xi1>, vector<16xf32>
      %select_n3A_101 = arith.select %or3A_99, %gather3A_94, %select_n3A_71 : vector<16xi1>, vector<16xi32>
      %xor3A_102 = arith.constant 1 : i32
      %xor3A_103 = vector.broadcast %xor3A_102 : i32 to vector<16xi32>
      %xor3A_104 = arith.xori %iota3A, %xor3A_103 : vector<16xi32>
      %lt3A_105 = arith.constant 0 : i32
      %lt3A_106 = vector.broadcast %lt3A_105 : i32 to vector<16xi32>
      %lt3A_107 = arith.cmpi slt, %xor3A_104, %lt3A_106 : vector<16xi32>
      %add3A_108 = arith.constant 16 : i32
      %add3A_109 = vector.broadcast %add3A_108 : i32 to vector<16xi32>
      %add3A_110 = arith.addi %xor3A_104, %add3A_109 : vector<16xi32>
      %select_n3A_111 = arith.select %lt3A_107, %add3A_110, %xor3A_104 : vector<16xi1>, vector<16xi32>
      %broadcast_in_dim3A_112 = vector.shape_cast %select_n3A_111 : vector<16xi32> to vector<16x1xi32>
      %gather3A_113 = vector.shape_cast %broadcast_in_dim3A_112 : vector<16x1xi32> to vector<16xi32>
      %gather3A_114 = tpu.dynamic_gather %select_n3A_100[%gather3A_113] in [0] : vector<16xf32>, vector<16xi32> -> vector<16xf32>
      %lt3A_115 = arith.constant 0 : i32
      %lt3A_116 = vector.broadcast %lt3A_115 : i32 to vector<16xi32>
      %lt3A_117 = arith.cmpi slt, %xor3A_104, %lt3A_116 : vector<16xi32>
      %add3A_118 = arith.constant 16 : i32
      %add3A_119 = vector.broadcast %add3A_118 : i32 to vector<16xi32>
      %add3A_120 = arith.addi %xor3A_104, %add3A_119 : vector<16xi32>
      %select_n3A_121 = arith.select %lt3A_117, %add3A_120, %xor3A_104 : vector<16xi1>, vector<16xi32>
      %broadcast_in_dim3A_122 = vector.shape_cast %select_n3A_121 : vector<16xi32> to vector<16x1xi32>
      %gather3A_123 = vector.shape_cast %broadcast_in_dim3A_122 : vector<16x1xi32> to vector<16xi32>
      %gather3A_124 = tpu.dynamic_gather %select_n3A_101[%gather3A_123] in [0] : vector<16xi32>, vector<16xi32> -> vector<16xi32>
      %gt3A_125 = arith.cmpf ogt, %gather3A_114, %select_n3A_100 : vector<16xf32>
      %eq3A_126 = arith.cmpf oeq, %gather3A_114, %select_n3A_100 : vector<16xf32>
      %lt3A_127 = arith.cmpi slt, %gather3A_124, %select_n3A_101 : vector<16xi32>
      %and3A_128 = arith.andi %eq3A_126, %lt3A_127 : vector<16xi1>
      %or3A_129 = arith.ori %gt3A_125, %and3A_128 : vector<16xi1>
      %select_n3A_130 = arith.select %or3A_129, %gather3A_114, %select_n3A_100 : vector<16xi1>, vector<16xf32>
      %select_n3A_131 = arith.select %or3A_129, %gather3A_124, %select_n3A_101 : vector<16xi1>, vector<16xi32>
      %eq3A_132 = arith.constant 0 : i32
      %eq3A_133 = vector.broadcast %eq3A_132 : i32 to vector<16xi32>
      %eq3A_134 = arith.cmpi eq, %iota3A, %eq3A_133 : vector<16xi32>
      %select_n3A_135 = arith.select %eq3A_134, %select_n3A_130, %broadcast_in_dim3A_3 : vector<16xi1>, vector<16xf32>
      %eq3A_136 = arith.constant 0 : i32
      %eq3A_137 = vector.broadcast %eq3A_136 : i32 to vector<16xi32>
      %eq3A_138 = arith.cmpi eq, %iota3A, %eq3A_137 : vector<16xi32>
      %select_n3A_139 = arith.select %eq3A_138, %select_n3A_131, %broadcast_in_dim3A_5 : vector<16xi1>, vector<16xi32>
      %broadcast_in_dim3A_140 = arith.constant -1.000000e+00 : f32
      %broadcast_in_dim3A_141 = vector.broadcast %broadcast_in_dim3A_140 : f32 to vector<16xf32>
      %broadcast_in_dim3A_142 = arith.constant 1073741824 : i32
      %broadcast_in_dim3A_143 = vector.broadcast %broadcast_in_dim3A_142 : i32 to vector<16xi32>
      %scan3A_144 = arith.constant 0 : i32
      %scan3A_145 = arith.constant 64 : i32
      %scan3A_146 = arith.addi %scan3A_144, %scan3A_145 : i32
      %scan3A_147 = arith.constant 1 : i32
      %scan3A_148:2 = scf.for %scan3A_2673 = %scan3A_144 to %scan3A_146 step %scan3A_147 iter_args(%scan3A_2674 = %broadcast_in_dim3A_141, %scan3A_2675 = %broadcast_in_dim3A_143) -> (vector<16xf32>, vector<16xi32>)  : i32 {
        %mul3A_2676 = arith.constant 16 : i32
        %mul3A_2677 = arith.muli %scan3A_2673, %mul3A_2676 : i32
        %get3A = arith.index_cast %mul3A_2677 : i32 to index
        %get3A_2678 = tpu.vector_load %arg6[%get3A] {strides = array<i32>} : memref<1024xf32, #tpu.memory_space<vmem>>, vector<16xf32>,
        %get3A_2679 = vector.shape_cast %get3A_2678 : vector<16xf32> to vector<16xf32>
        %mul3A_2680 = arith.constant 16 : i32
        %mul3A_2681 = arith.muli %scan3A_2673, %mul3A_2680 : i32
        %add3A_2682 = vector.broadcast %mul3A_2681 : i32 to vector<16xi32>
        %add3A_2683 = arith.addi %add3A_2682, %iota3A : vector<16xi32>
        %lt3A_2684 = arith.cmpf olt, %get3A_2679, %select_n3A_130 : vector<16xf32>
        %eq3A_2685 = arith.cmpf oeq, %get3A_2679, %select_n3A_130 : vector<16xf32>
        %gt3A_2686 = arith.cmpi sgt, %add3A_2683, %select_n3A_131 : vector<16xi32>
        %and3A_2687 = arith.andi %eq3A_2685, %gt3A_2686 : vector<16xi1>
        %or3A_2688 = arith.ori %lt3A_2684, %and3A_2687 : vector<16xi1>
        %gt3A_2689 = arith.cmpf ogt, %get3A_2679, %scan3A_2674 : vector<16xf32>
        %eq3A_2690 = arith.cmpf oeq, %get3A_2679, %scan3A_2674 : vector<16xf32>
        %lt3A_2691 = arith.cmpi slt, %add3A_2683, %scan3A_2675 : vector<16xi32>
        %and3A_2692 = arith.andi %eq3A_2690, %lt3A_2691 : vector<16xi1>
        %or3A_2693 = arith.ori %gt3A_2689, %and3A_2692 : vector<16xi1>
        %and3A_2694 = arith.andi %or3A_2688, %or3A_2693 : vector<16xi1>
        %select_n3A_2695 = arith.select %and3A_2694, %get3A_2679, %scan3A_2674 : vector<16xi1>, vector<16xf32>
        %select_n3A_2696 = arith.select %and3A_2694, %add3A_2683, %scan3A_2675 : vector<16xi1>, vector<16xi32>
        scf.yield %select_n3A_2695, %select_n3A_2696 : vector<16xf32>, vector<16xi32>
      }
      %scan3A_149 = arith.constant 64 : i32
      %xor3A_150 = arith.constant 8 : i32
      %xor3A_151 = vector.broadcast %xor3A_150 : i32 to vector<16xi32>
      %xor3A_152 = arith.xori %iota3A, %xor3A_151 : vector<16xi32>
      %lt3A_153 = arith.constant 0 : i32
      %lt3A_154 = vector.broadcast %lt3A_153 : i32 to vector<16xi32>
      %lt3A_155 = arith.cmpi slt, %xor3A_152, %lt3A_154 : vector<16xi32>
      %add3A_156 = arith.constant 16 : i32
      %add3A_157 = vector.broadcast %add3A_156 : i32 to vector<16xi32>
      %add3A_158 = arith.addi %xor3A_152, %add3A_157 : vector<16xi32>
      %select_n3A_159 = arith.select %lt3A_155, %add3A_158, %xor3A_152 : vector<16xi1>, vector<16xi32>
      %broadcast_in_dim3A_160 = vector.shape_cast %select_n3A_159 : vector<16xi32> to vector<16x1xi32>
      %gather3A_161 = vector.shape_cast %broadcast_in_dim3A_160 : vector<16x1xi32> to vector<16xi32>
      %gather3A_162 = tpu.dynamic_gather %scan3A_148#0[%gather3A_161] in [0] : vector<16xf32>, vector<16xi32> -> vector<16xf32>
      %lt3A_163 = arith.constant 0 : i32
      %lt3A_164 = vector.broadcast %lt3A_163 : i32 to vector<16xi32>
      %lt3A_165 = arith.cmpi slt, %xor3A_152, %lt3A_164 : vector<16xi32>
      %add3A_166 = arith.constant 16 : i32
      %add3A_167 = vector.broadcast %add3A_166 : i32 to vector<16xi32>
      %add3A_168 = arith.addi %xor3A_152, %add3A_167 : vector<16xi32>
      %select_n3A_169 = arith.select %lt3A_165, %add3A_168, %xor3A_152 : vector<16xi1>, vector<16xi32>
      %broadcast_in_dim3A_170 = vector.shape_cast %select_n3A_169 : vector<16xi32> to vector<16x1xi32>
      %gather3A_171 = vector.shape_cast %broadcast_in_dim3A_170 : vector<16x1xi32> to vector<16xi32>
      %gather3A_172 = tpu.dynamic_gather %scan3A_148#1[%gather3A_171] in [0] : vector<16xi32>, vector<16xi32> -> vector<16xi32>
      %gt3A_173 = arith.cmpf ogt, %gather3A_162, %scan3A_148#0 : vector<16xf32>
      %eq3A_174 = arith.cmpf oeq, %gather3A_162, %scan3A_148#0 : vector<16xf32>
      %lt3A_175 = arith.cmpi slt, %gather3A_172, %scan3A_148#1 : vector<16xi32>
      %and3A_176 = arith.andi %eq3A_174, %lt3A_175 : vector<16xi1>
      %or3A_177 = arith.ori %gt3A_173, %and3A_176 : vector<16xi1>
      %select_n3A_178 = arith.select %or3A_177, %gather3A_162, %scan3A_148#0 : vector<16xi1>, vector<16xf32>
      %select_n3A_179 = arith.select %or3A_177, %gather3A_172, %scan3A_148#1 : vector<16xi1>, vector<16xi32>
      %xor3A_180 = arith.constant 4 : i32
      %xor3A_181 = vector.broadcast %xor3A_180 : i32 to vector<16xi32>
      %xor3A_182 = arith.xori %iota3A, %xor3A_181 : vector<16xi32>
      %lt3A_183 = arith.constant 0 : i32
      %lt3A_184 = vector.broadcast %lt3A_183 : i32 to vector<16xi32>
      %lt3A_185 = arith.cmpi slt, %xor3A_182, %lt3A_184 : vector<16xi32>
      %add3A_186 = arith.constant 16 : i32
      %add3A_187 = vector.broadcast %add3A_186 : i32 to vector<16xi32>
      %add3A_188 = arith.addi %xor3A_182, %add3A_187 : vector<16xi32>
      %select_n3A_189 = arith.select %lt3A_185, %add3A_188, %xor3A_182 : vector<16xi1>, vector<16xi32>
      %broadcast_in_dim3A_190 = vector.shape_cast %select_n3A_189 : vector<16xi32> to vector<16x1xi32>
      %gather3A_191 = vector.shape_cast %broadcast_in_dim3A_190 : vector<16x1xi32> to vector<16xi32>
      %gather3A_192 = tpu.dynamic_gather %select_n3A_178[%gather3A_191] in [0] : vector<16xf32>, vector<16xi32> -> vector<16xf32>
      %lt3A_193 = arith.constant 0 : i32
      %lt3A_194 = vector.broadcast %lt3A_193 : i32 to vector<16xi32>
      %lt3A_195 = arith.cmpi slt, %xor3A_182, %lt3A_194 : vector<16xi32>
      %add3A_196 = arith.constant 16 : i32
      %add3A_197 = vector.broadcast %add3A_196 : i32 to vector<16xi32>
      %add3A_198 = arith.addi %xor3A_182, %add3A_197 : vector<16xi32>
      %select_n3A_199 = arith.select %lt3A_195, %add3A_198, %xor3A_182 : vector<16xi1>, vector<16xi32>
      %broadcast_in_dim3A_200 = vector.shape_cast %select_n3A_199 : vector<16xi32> to vector<16x1xi32>
      %gather3A_201 = vector.shape_cast %broadcast_in_dim3A_200 : vector<16x1xi32> to vector<16xi32>
      %gather3A_202 = tpu.dynamic_gather %select_n3A_179[%gather3A_201] in [0] : vector<16xi32>, vector<16xi32> -> vector<16xi32>
      %gt3A_203 = arith.cmpf ogt, %gather3A_192, %select_n3A_178 : vector<16xf32>
      %eq3A_204 = arith.cmpf oeq, %gather3A_192, %select_n3A_178 : vector<16xf32>
      %lt3A_205 = arith.cmpi slt, %gather3A_202, %select_n3A_179 : vector<16xi32>
      %and3A_206 = arith.andi %eq3A_204, %lt3A_205 : vector<16xi1>
      %or3A_207 = arith.ori %gt3A_203, %and3A_206 : vector<16xi1>
      %select_n3A_208 = arith.select %or3A_207, %gather3A_192, %select_n3A_178 : vector<16xi1>, vector<16xf32>
      %select_n3A_209 = arith.select %or3A_207, %gather3A_202, %select_n3A_179 : vector<16xi1>, vector<16xi32>
      %xor3A_210 = arith.constant 2 : i32
      %xor3A_211 = vector.broadcast %xor3A_210 : i32 to vector<16xi32>
      %xor3A_212 = arith.xori %iota3A, %xor3A_211 : vector<16xi32>
      %lt3A_213 = arith.constant 0 : i32
      %lt3A_214 = vector.broadcast %lt3A_213 : i32 to vector<16xi32>
      %lt3A_215 = arith.cmpi slt, %xor3A_212, %lt3A_214 : vector<16xi32>
      %add3A_216 = arith.constant 16 : i32
      %add3A_217 = vector.broadcast %add3A_216 : i32 to vector<16xi32>
      %add3A_218 = arith.addi %xor3A_212, %add3A_217 : vector<16xi32>
      %select_n3A_219 = arith.select %lt3A_215, %add3A_218, %xor3A_212 : vector<16xi1>, vector<16xi32>
      %broadcast_in_dim3A_220 = vector.shape_cast %select_n3A_219 : vector<16xi32> to vector<16x1xi32>
      %gather3A_221 = vector.shape_cast %broadcast_in_dim3A_220 : vector<16x1xi32> to vector<16xi32>
      %gather3A_222 = tpu.dynamic_gather %select_n3A_208[%gather3A_221] in [0] : vector<16xf32>, vector<16xi32> -> vector<16xf32>
      %lt3A_223 = arith.constant 0 : i32
      %lt3A_224 = vector.broadcast %lt3A_223 : i32 to vector<16xi32>
      %lt3A_225 = arith.cmpi slt, %xor3A_212, %lt3A_224 : vector<16xi32>
      %add3A_226 = arith.constant 16 : i32
      %add3A_227 = vector.broadcast %add3A_226 : i32 to vector<16xi32>
      %add3A_228 = arith.addi %xor3A_212, %add3A_227 : vector<16xi32>
      %select_n3A_229 = arith.select %lt3A_225, %add3A_228, %xor3A_212 : vector<16xi1>, vector<16xi32>
      %broadcast_in_dim3A_230 = vector.shape_cast %select_n3A_229 : vector<16xi32> to vector<16x1xi32>
      %gather3A_231 = vector.shape_cast %broadcast_in_dim3A_230 : vector<16x1xi32> to vector<16xi32>
      %gather3A_232 = tpu.dynamic_gather %select_n3A_209[%gather3A_231] in [0] : vector<16xi32>, vector<16xi32> -> vector<16xi32>
      %gt3A_233 = arith.cmpf ogt, %gather3A_222, %select_n3A_208 : vector<16xf32>
      %eq3A_234 = arith.cmpf oeq, %gather3A_222, %select_n3A_208 : vector<16xf32>
      %lt3A_235 = arith.cmpi slt, %gather3A_232, %select_n3A_209 : vector<16xi32>
      %and3A_236 = arith.andi %eq3A_234, %lt3A_235 : vector<16xi1>
      %or3A_237 = arith.ori %gt3A_233, %and3A_236 : vector<16xi1>
      %select_n3A_238 = arith.select %or3A_237, %gather3A_222, %select_n3A_208 : vector<16xi1>, vector<16xf32>
      %select_n3A_239 = arith.select %or3A_237, %gather3A_232, %select_n3A_209 : vector<16xi1>, vector<16xi32>
      %xor3A_240 = arith.constant 1 : i32
      %xor3A_241 = vector.broadcast %xor3A_240 : i32 to vector<16xi32>
      %xor3A_242 = arith.xori %iota3A, %xor3A_241 : vector<16xi32>
      %lt3A_243 = arith.constant 0 : i32
      %lt3A_244 = vector.broadcast %lt3A_243 : i32 to vector<16xi32>
      %lt3A_245 = arith.cmpi slt, %xor3A_242, %lt3A_244 : vector<16xi32>
      %add3A_246 = arith.constant 16 : i32
      %add3A_247 = vector.broadcast %add3A_246 : i32 to vector<16xi32>
      %add3A_248 = arith.addi %xor3A_242, %add3A_247 : vector<16xi32>
      %select_n3A_249 = arith.select %lt3A_245, %add3A_248, %xor3A_242 : vector<16xi1>, vector<16xi32>
      %broadcast_in_dim3A_250 = vector.shape_cast %select_n3A_249 : vector<16xi32> to vector<16x1xi32>
      %gather3A_251 = vector.shape_cast %broadcast_in_dim3A_250 : vector<16x1xi32> to vector<16xi32>
      %gather3A_252 = tpu.dynamic_gather %select_n3A_238[%gather3A_251] in [0] : vector<16xf32>, vector<16xi32> -> vector<16xf32>
      %lt3A_253 = arith.constant 0 : i32
      %lt3A_254 = vector.broadcast %lt3A_253 : i32 to vector<16xi32>
      %lt3A_255 = arith.cmpi slt, %xor3A_242, %lt3A_254 : vector<16xi32>
      %add3A_256 = arith.constant 16 : i32
      %add3A_257 = vector.broadcast %add3A_256 : i32 to vector<16xi32>
      %add3A_258 = arith.addi %xor3A_242, %add3A_257 : vector<16xi32>
      %select_n3A_259 = arith.select %lt3A_255, %add3A_258, %xor3A_242 : vector<16xi1>, vector<16xi32>
      %broadcast_in_dim3A_260 = vector.shape_cast %select_n3A_259 : vector<16xi32> to vector<16x1xi32>
      %gather3A_261 = vector.shape_cast %broadcast_in_dim3A_260 : vector<16x1xi32> to vector<16xi32>
      %gather3A_262 = tpu.dynamic_gather %select_n3A_239[%gather3A_261] in [0] : vector<16xi32>, vector<16xi32> -> vector<16xi32>
      %gt3A_263 = arith.cmpf ogt, %gather3A_252, %select_n3A_238 : vector<16xf32>
      %eq3A_264 = arith.cmpf oeq, %gather3A_252, %select_n3A_238 : vector<16xf32>
      %lt3A_265 = arith.cmpi slt, %gather3A_262, %select_n3A_239 : vector<16xi32>
      %and3A_266 = arith.andi %eq3A_264, %lt3A_265 : vector<16xi1>
      %or3A_267 = arith.ori %gt3A_263, %and3A_266 : vector<16xi1>
      %select_n3A_268 = arith.select %or3A_267, %gather3A_252, %select_n3A_238 : vector<16xi1>, vector<16xf32>
      %select_n3A_269 = arith.select %or3A_267, %gather3A_262, %select_n3A_239 : vector<16xi1>, vector<16xi32>
      %eq3A_270 = arith.constant 1 : i32
      %eq3A_271 = vector.broadcast %eq3A_270 : i32 to vector<16xi32>
      %eq3A_272 = arith.cmpi eq, %iota3A, %eq3A_271 : vector<16xi32>
      %select_n3A_273 = arith.select %eq3A_272, %select_n3A_268, %select_n3A_135 : vector<16xi1>, vector<16xf32>
      %eq3A_274 = arith.constant 1 : i32
      %eq3A_275 = vector.broadcast %eq3A_274 : i32 to vector<16xi32>
      %eq3A_276 = arith.cmpi eq, %iota3A, %eq3A_275 : vector<16xi32>
      %select_n3A_277 = arith.select %eq3A_276, %select_n3A_269, %select_n3A_139 : vector<16xi1>, vector<16xi32>
      %broadcast_in_dim3A_278 = arith.constant -1.000000e+00 : f32
      %broadcast_in_dim3A_279 = vector.broadcast %broadcast_in_dim3A_278 : f32 to vector<16xf32>
      %broadcast_in_dim3A_280 = arith.constant 1073741824 : i32
      %broadcast_in_dim3A_281 = vector.broadcast %broadcast_in_dim3A_280 : i32 to vector<16xi32>
      %scan3A_282 = arith.constant 0 : i32
      %scan3A_283 = arith.constant 64 : i32
      %scan3A_284 = arith.addi %scan3A_282, %scan3A_283 : i32
      %scan3A_285 = arith.constant 1 : i32
      %scan3A_286:2 = scf.for %scan3A_2673 = %scan3A_282 to %scan3A_284 step %scan3A_285 iter_args(%scan3A_2674 = %broadcast_in_dim3A_279, %scan3A_2675 = %broadcast_in_dim3A_281) -> (vector<16xf32>, vector<16xi32>)  : i32 {
        %mul3A_2676 = arith.constant 16 : i32
        %mul3A_2677 = arith.muli %scan3A_2673, %mul3A_2676 : i32
        %get3A = arith.index_cast %mul3A_2677 : i32 to index
        %get3A_2678 = tpu.vector_load %arg6[%get3A] {strides = array<i32>} : memref<1024xf32, #tpu.memory_space<vmem>>, vector<16xf32>,
        %get3A_2679 = vector.shape_cast %get3A_2678 : vector<16xf32> to vector<16xf32>
        %mul3A_2680 = arith.constant 16 : i32
        %mul3A_2681 = arith.muli %scan3A_2673, %mul3A_2680 : i32
        %add3A_2682 = vector.broadcast %mul3A_2681 : i32 to vector<16xi32>
        %add3A_2683 = arith.addi %add3A_2682, %iota3A : vector<16xi32>
        %lt3A_2684 = arith.cmpf olt, %get3A_2679, %select_n3A_268 : vector<16xf32>
        %eq3A_2685 = arith.cmpf oeq, %get3A_2679, %select_n3A_268 : vector<16xf32>
        %gt3A_2686 = arith.cmpi sgt, %add3A_2683, %select_n3A_269 : vector<16xi32>
        %and3A_2687 = arith.andi %eq3A_2685, %gt3A_2686 : vector<16xi1>
        %or3A_2688 = arith.ori %lt3A_2684, %and3A_2687 : vector<16xi1>
        %gt3A_2689 = arith.cmpf ogt, %get3A_2679, %scan3A_2674 : vector<16xf32>
        %eq3A_2690 = arith.cmpf oeq, %get3A_2679, %scan3A_2674 : vector<16xf32>
        %lt3A_2691 = arith.cmpi slt, %add3A_2683, %scan3A_2675 : vector<16xi32>
        %and3A_2692 = arith.andi %eq3A_2690, %lt3A_2691 : vector<16xi1>
        %or3A_2693 = arith.ori %gt3A_2689, %and3A_2692 : vector<16xi1>
        %and3A_2694 = arith.andi %or3A_2688, %or3A_2693 : vector<16xi1>
        %select_n3A_2695 = arith.select %and3A_2694, %get3A_2679, %scan3A_2674 : vector<16xi1>, vector<16xf32>
        %select_n3A_2696 = arith.select %and3A_2694, %add3A_2683, %scan3A_2675 : vector<16xi1>, vector<16xi32>
        scf.yield %select_n3A_2695, %select_n3A_2696 : vector<16xf32>, vector<16xi32>
      }
      %scan3A_287 = arith.constant 64 : i32
      %xor3A_288 = arith.constant 8 : i32
      %xor3A_289 = vector.broadcast %xor3A_288 : i32 to vector<16xi32>
      %xor3A_290 = arith.xori %iota3A, %xor3A_289 : vector<16xi32>
      %lt3A_291 = arith.constant 0 : i32
      %lt3A_292 = vector.broadcast %lt3A_291 : i32 to vector<16xi32>
      %lt3A_293 = arith.cmpi slt, %xor3A_290, %lt3A_292 : vector<16xi32>
      %add3A_294 = arith.constant 16 : i32
      %add3A_295 = vector.broadcast %add3A_294 : i32 to vector<16xi32>
      %add3A_296 = arith.addi %xor3A_290, %add3A_295 : vector<16xi32>
      %select_n3A_297 = arith.select %lt3A_293, %add3A_296, %xor3A_290 : vector<16xi1>, vector<16xi32>
      %broadcast_in_dim3A_298 = vector.shape_cast %select_n3A_297 : vector<16xi32> to vector<16x1xi32>
      %gather3A_299 = vector.shape_cast %broadcast_in_dim3A_298 : vector<16x1xi32> to vector<16xi32>
      %gather3A_300 = tpu.dynamic_gather %scan3A_286#0[%gather3A_299] in [0] : vector<16xf32>, vector<16xi32> -> vector<16xf32>
      %lt3A_301 = arith.constant 0 : i32
      %lt3A_302 = vector.broadcast %lt3A_301 : i32 to vector<16xi32>
      %lt3A_303 = arith.cmpi slt, %xor3A_290, %lt3A_302 : vector<16xi32>
      %add3A_304 = arith.constant 16 : i32
      %add3A_305 = vector.broadcast %add3A_304 : i32 to vector<16xi32>
      %add3A_306 = arith.addi %xor3A_290, %add3A_305 : vector<16xi32>
      %select_n3A_307 = arith.select %lt3A_303, %add3A_306, %xor3A_290 : vector<16xi1>, vector<16xi32>
      %broadcast_in_dim3A_308 = vector.shape_cast %select_n3A_307 : vector<16xi32> to vector<16x1xi32>
      %gather3A_309 = vector.shape_cast %broadcast_in_dim3A_308 : vector<16x1xi32> to vector<16xi32>
      %gather3A_310 = tpu.dynamic_gather %scan3A_286#1[%gather3A_309] in [0] : vector<16xi32>, vector<16xi32> -> vector<16xi32>
      %gt3A_311 = arith.cmpf ogt, %gather3A_300, %scan3A_286#0 : vector<16xf32>
      %eq3A_312 = arith.cmpf oeq, %gather3A_300, %scan3A_286#0 : vector<16xf32>
      %lt3A_313 = arith.cmpi slt, %gather3A_310, %scan3A_286#1 : vector<16xi32>
      %and3A_314 = arith.andi %eq3A_312, %lt3A_313 : vector<16xi1>
      %or3A_315 = arith.ori %gt3A_311, %and3A_314 : vector<16xi1>
      %select_n3A_316 = arith.select %or3A_315, %gather3A_300, %scan3A_286#0 : vector<16xi1>, vector<16xf32>
      %select_n3A_317 = arith.select %or3A_315, %gather3A_310, %scan3A_286#1 : vector<16xi1>, vector<16xi32>
      %xor3A_318 = arith.constant 4 : i32
      %xor3A_319 = vector.broadcast %xor3A_318 : i32 to vector<16xi32>
      %xor3A_320 = arith.xori %iota3A, %xor3A_319 : vector<16xi32>
      %lt3A_321 = arith.constant 0 : i32
      %lt3A_322 = vector.broadcast %lt3A_321 : i32 to vector<16xi32>
      %lt3A_323 = arith.cmpi slt, %xor3A_320, %lt3A_322 : vector<16xi32>
      %add3A_324 = arith.constant 16 : i32
      %add3A_325 = vector.broadcast %add3A_324 : i32 to vector<16xi32>
      %add3A_326 = arith.addi %xor3A_320, %add3A_325 : vector<16xi32>
      %select_n3A_327 = arith.select %lt3A_323, %add3A_326, %xor3A_320 : vector<16xi1>, vector<16xi32>
      %broadcast_in_dim3A_328 = vector.shape_cast %select_n3A_327 : vector<16xi32> to vector<16x1xi32>
      %gather3A_329 = vector.shape_cast %broadcast_in_dim3A_328 : vector<16x1xi32> to vector<16xi32>
      %gather3A_330 = tpu.dynamic_gather %select_n3A_316[%gather3A_329] in [0] : vector<16xf32>, vector<16xi32> -> vector<16xf32>
      %lt3A_331 = arith.constant 0 : i32
      %lt3A_332 = vector.broadcast %lt3A_331 : i32 to vector<16xi32>
      %lt3A_333 = arith.cmpi slt, %xor3A_320, %lt3A_332 : vector<16xi32>
      %add3A_334 = arith.constant 16 : i32
      %add3A_335 = vector.broadcast %add3A_334 : i32 to vector<16xi32>
      %add3A_336 = arith.addi %xor3A_320, %add3A_335 : vector<16xi32>
      %select_n3A_337 = arith.select %lt3A_333, %add3A_336, %xor3A_320 : vector<16xi1>, vector<16xi32>
      %broadcast_in_dim3A_338 = vector.shape_cast %select_n3A_337 : vector<16xi32> to vector<16x1xi32>
      %gather3A_339 = vector.shape_cast %broadcast_in_dim3A_338 : vector<16x1xi32> to vector<16xi32>
      %gather3A_340 = tpu.dynamic_gather %select_n3A_317[%gather3A_339] in [0] : vector<16xi32>, vector<16xi32> -> vector<16xi32>
      %gt3A_341 = arith.cmpf ogt, %gather3A_330, %select_n3A_316 : vector<16xf32>
      %eq3A_342 = arith.cmpf oeq, %gather3A_330, %select_n3A_316 : vector<16xf32>
      %lt3A_343 = arith.cmpi slt, %gather3A_340, %select_n3A_317 : vector<16xi32>
      %and3A_344 = arith.andi %eq3A_342, %lt3A_343 : vector<16xi1>
      %or3A_345 = arith.ori %gt3A_341, %and3A_344 : vector<16xi1>
      %select_n3A_346 = arith.select %or3A_345, %gather3A_330, %select_n3A_316 : vector<16xi1>, vector<16xf32>
      %select_n3A_347 = arith.select %or3A_345, %gather3A_340, %select_n3A_317 : vector<16xi1>, vector<16xi32>
      %xor3A_348 = arith.constant 2 : i32
      %xor3A_349 = vector.broadcast %xor3A_348 : i32 to vector<16xi32>
      %xor3A_350 = arith.xori %iota3A, %xor3A_349 : vector<16xi32>
      %lt3A_351 = arith.constant 0 : i32
      %lt3A_352 = vector.broadcast %lt3A_351 : i32 to vector<16xi32>
      %lt3A_353 = arith.cmpi slt, %xor3A_350, %lt3A_352 : vector<16xi32>
      %add3A_354 = arith.constant 16 : i32
      %add3A_355 = vector.broadcast %add3A_354 : i32 to vector<16xi32>
      %add3A_356 = arith.addi %xor3A_350, %add3A_355 : vector<16xi32>
      %select_n3A_357 = arith.select %lt3A_353, %add3A_356, %xor3A_350 : vector<16xi1>, vector<16xi32>
      %broadcast_in_dim3A_358 = vector.shape_cast %select_n3A_357 : vector<16xi32> to vector<16x1xi32>
      %gather3A_359 = vector.shape_cast %broadcast_in_dim3A_358 : vector<16x1xi32> to vector<16xi32>
      %gather3A_360 = tpu.dynamic_gather %select_n3A_346[%gather3A_359] in [0] : vector<16xf32>, vector<16xi32> -> vector<16xf32>
      %lt3A_361 = arith.constant 0 : i32
      %lt3A_362 = vector.broadcast %lt3A_361 : i32 to vector<16xi32>
      %lt3A_363 = arith.cmpi slt, %xor3A_350, %lt3A_362 : vector<16xi32>
      %add3A_364 = arith.constant 16 : i32
      %add3A_365 = vector.broadcast %add3A_364 : i32 to vector<16xi32>
      %add3A_366 = arith.addi %xor3A_350, %add3A_365 : vector<16xi32>
      %select_n3A_367 = arith.select %lt3A_363, %add3A_366, %xor3A_350 : vector<16xi1>, vector<16xi32>
      %broadcast_in_dim3A_368 = vector.shape_cast %select_n3A_367 : vector<16xi32> to vector<16x1xi32>
      %gather3A_369 = vector.shape_cast %broadcast_in_dim3A_368 : vector<16x1xi32> to vector<16xi32>
      %gather3A_370 = tpu.dynamic_gather %select_n3A_347[%gather3A_369] in [0] : vector<16xi32>, vector<16xi32> -> vector<16xi32>
      %gt3A_371 = arith.cmpf ogt, %gather3A_360, %select_n3A_346 : vector<16xf32>
      %eq3A_372 = arith.cmpf oeq, %gather3A_360, %select_n3A_346 : vector<16xf32>
      %lt3A_373 = arith.cmpi slt, %gather3A_370, %select_n3A_347 : vector<16xi32>
      %and3A_374 = arith.andi %eq3A_372, %lt3A_373 : vector<16xi1>
      %or3A_375 = arith.ori %gt3A_371, %and3A_374 : vector<16xi1>
      %select_n3A_376 = arith.select %or3A_375, %gather3A_360, %select_n3A_346 : vector<16xi1>, vector<16xf32>
      %select_n3A_377 = arith.select %or3A_375, %gather3A_370, %select_n3A_347 : vector<16xi1>, vector<16xi32>
      %xor3A_378 = arith.constant 1 : i32
      %xor3A_379 = vector.broadcast %xor3A_378 : i32 to vector<16xi32>
      %xor3A_380 = arith.xori %iota3A, %xor3A_379 : vector<16xi32>
      %lt3A_381 = arith.constant 0 : i32
      %lt3A_382 = vector.broadcast %lt3A_381 : i32 to vector<16xi32>
      %lt3A_383 = arith.cmpi slt, %xor3A_380, %lt3A_382 : vector<16xi32>
      %add3A_384 = arith.constant 16 : i32
      %add3A_385 = vector.broadcast %add3A_384 : i32 to vector<16xi32>
      %add3A_386 = arith.addi %xor3A_380, %add3A_385 : vector<16xi32>
      %select_n3A_387 = arith.select %lt3A_383, %add3A_386, %xor3A_380 : vector<16xi1>, vector<16xi32>
      %broadcast_in_dim3A_388 = vector.shape_cast %select_n3A_387 : vector<16xi32> to vector<16x1xi32>
      %gather3A_389 = vector.shape_cast %broadcast_in_dim3A_388 : vector<16x1xi32> to vector<16xi32>
      %gather3A_390 = tpu.dynamic_gather %select_n3A_376[%gather3A_389] in [0] : vector<16xf32>, vector<16xi32> -> vector<16xf32>
      %lt3A_391 = arith.constant 0 : i32
      %lt3A_392 = vector.broadcast %lt3A_391 : i32 to vector<16xi32>
      %lt3A_393 = arith.cmpi slt, %xor3A_380, %lt3A_392 : vector<16xi32>
      %add3A_394 = arith.constant 16 : i32
      %add3A_395 = vector.broadcast %add3A_394 : i32 to vector<16xi32>
      %add3A_396 = arith.addi %xor3A_380, %add3A_395 : vector<16xi32>
      %select_n3A_397 = arith.select %lt3A_393, %add3A_396, %xor3A_380 : vector<16xi1>, vector<16xi32>
      %broadcast_in_dim3A_398 = vector.shape_cast %select_n3A_397 : vector<16xi32> to vector<16x1xi32>
      %gather3A_399 = vector.shape_cast %broadcast_in_dim3A_398 : vector<16x1xi32> to vector<16xi32>
      %gather3A_400 = tpu.dynamic_gather %select_n3A_377[%gather3A_399] in [0] : vector<16xi32>, vector<16xi32> -> vector<16xi32>
      %gt3A_401 = arith.cmpf ogt, %gather3A_390, %select_n3A_376 : vector<16xf32>
      %eq3A_402 = arith.cmpf oeq, %gather3A_390, %select_n3A_376 : vector<16xf32>
      %lt3A_403 = arith.cmpi slt, %gather3A_400, %select_n3A_377 : vector<16xi32>
      %and3A_404 = arith.andi %eq3A_402, %lt3A_403 : vector<16xi1>
      %or3A_405 = arith.ori %gt3A_401, %and3A_404 : vector<16xi1>
      %select_n3A_406 = arith.select %or3A_405, %gather3A_390, %select_n3A_376 : vector<16xi1>, vector<16xf32>
      %select_n3A_407 = arith.select %or3A_405, %gather3A_400, %select_n3A_377 : vector<16xi1>, vector<16xi32>
      %eq3A_408 = arith.constant 2 : i32
      %eq3A_409 = vector.broadcast %eq3A_408 : i32 to vector<16xi32>
      %eq3A_410 = arith.cmpi eq, %iota3A, %eq3A_409 : vector<16xi32>
      %select_n3A_411 = arith.select %eq3A_410, %select_n3A_406, %select_n3A_273 : vector<16xi1>, vector<16xf32>
      %eq3A_412 = arith.constant 2 : i32
      %eq3A_413 = vector.broadcast %eq3A_412 : i32 to vector<16xi32>
      %eq3A_414 = arith.cmpi eq, %iota3A, %eq3A_413 : vector<16xi32>
      %select_n3A_415 = arith.select %eq3A_414, %select_n3A_407, %select_n3A_277 : vector<16xi1>, vector<16xi32>
      %broadcast_in_dim3A_416 = arith.constant -1.000000e+00 : f32
      %broadcast_in_dim3A_417 = vector.broadcast %broadcast_in_dim3A_416 : f32 to vector<16xf32>
      %broadcast_in_dim3A_418 = arith.constant 1073741824 : i32
      %broadcast_in_dim3A_419 = vector.broadcast %broadcast_in_dim3A_418 : i32 to vector<16xi32>
      %scan3A_420 = arith.constant 0 : i32
      %scan3A_421 = arith.constant 64 : i32
      %scan3A_422 = arith.addi %scan3A_420, %scan3A_421 : i32
      %scan3A_423 = arith.constant 1 : i32
      %scan3A_424:2 = scf.for %scan3A_2673 = %scan3A_420 to %scan3A_422 step %scan3A_423 iter_args(%scan3A_2674 = %broadcast_in_dim3A_417, %scan3A_2675 = %broadcast_in_dim3A_419) -> (vector<16xf32>, vector<16xi32>)  : i32 {
        %mul3A_2676 = arith.constant 16 : i32
        %mul3A_2677 = arith.muli %scan3A_2673, %mul3A_2676 : i32
        %get3A = arith.index_cast %mul3A_2677 : i32 to index
        %get3A_2678 = tpu.vector_load %arg6[%get3A] {strides = array<i32>} : memref<1024xf32, #tpu.memory_space<vmem>>, vector<16xf32>,
        %get3A_2679 = vector.shape_cast %get3A_2678 : vector<16xf32> to vector<16xf32>
        %mul3A_2680 = arith.constant 16 : i32
        %mul3A_2681 = arith.muli %scan3A_2673, %mul3A_2680 : i32
        %add3A_2682 = vector.broadcast %mul3A_2681 : i32 to vector<16xi32>
        %add3A_2683 = arith.addi %add3A_2682, %iota3A : vector<16xi32>
        %lt3A_2684 = arith.cmpf olt, %get3A_2679, %select_n3A_406 : vector<16xf32>
        %eq3A_2685 = arith.cmpf oeq, %get3A_2679, %select_n3A_406 : vector<16xf32>
        %gt3A_2686 = arith.cmpi sgt, %add3A_2683, %select_n3A_407 : vector<16xi32>
        %and3A_2687 = arith.andi %eq3A_2685, %gt3A_2686 : vector<16xi1>
        %or3A_2688 = arith.ori %lt3A_2684, %and3A_2687 : vector<16xi1>
        %gt3A_2689 = arith.cmpf ogt, %get3A_2679, %scan3A_2674 : vector<16xf32>
        %eq3A_2690 = arith.cmpf oeq, %get3A_2679, %scan3A_2674 : vector<16xf32>
        %lt3A_2691 = arith.cmpi slt, %add3A_2683, %scan3A_2675 : vector<16xi32>
        %and3A_2692 = arith.andi %eq3A_2690, %lt3A_2691 : vector<16xi1>
        %or3A_2693 = arith.ori %gt3A_2689, %and3A_2692 : vector<16xi1>
        %and3A_2694 = arith.andi %or3A_2688, %or3A_2693 : vector<16xi1>
        %select_n3A_2695 = arith.select %and3A_2694, %get3A_2679, %scan3A_2674 : vector<16xi1>, vector<16xf32>
        %select_n3A_2696 = arith.select %and3A_2694, %add3A_2683, %scan3A_2675 : vector<16xi1>, vector<16xi32>
        scf.yield %select_n3A_2695, %select_n3A_2696 : vector<16xf32>, vector<16xi32>
      }
      %scan3A_425 = arith.constant 64 : i32
      %xor3A_426 = arith.constant 8 : i32
      %xor3A_427 = vector.broadcast %xor3A_426 : i32 to vector<16xi32>
      %xor3A_428 = arith.xori %iota3A, %xor3A_427 : vector<16xi32>
      %lt3A_429 = arith.constant 0 : i32
      %lt3A_430 = vector.broadcast %lt3A_429 : i32 to vector<16xi32>
      %lt3A_431 = arith.cmpi slt, %xor3A_428, %lt3A_430 : vector<16xi32>
      %add3A_432 = arith.constant 16 : i32
      %add3A_433 = vector.broadcast %add3A_432 : i32 to vector<16xi32>
      %add3A_434 = arith.addi %xor3A_428, %add3A_433 : vector<16xi32>
      %select_n3A_435 = arith.select %lt3A_431, %add3A_434, %xor3A_428 : vector<16xi1>, vector<16xi32>
      %broadcast_in_dim3A_436 = vector.shape_cast %select_n3A_435 : vector<16xi32> to vector<16x1xi32>
      %gather3A_437 = vector.shape_cast %broadcast_in_dim3A_436 : vector<16x1xi32> to vector<16xi32>
      %gather3A_438 = tpu.dynamic_gather %scan3A_424#0[%gather3A_437] in [0] : vector<16xf32>, vector<16xi32> -> vector<16xf32>
      %lt3A_439 = arith.constant 0 : i32
      %lt3A_440 = vector.broadcast %lt3A_439 : i32 to vector<16xi32>
      %lt3A_441 = arith.cmpi slt, %xor3A_428, %lt3A_440 : vector<16xi32>
      %add3A_442 = arith.constant 16 : i32
      %add3A_443 = vector.broadcast %add3A_442 : i32 to vector<16xi32>
      %add3A_444 = arith.addi %xor3A_428, %add3A_443 : vector<16xi32>
      %select_n3A_445 = arith.select %lt3A_441, %add3A_444, %xor3A_428 : vector<16xi1>, vector<16xi32>
      %broadcast_in_dim3A_446 = vector.shape_cast %select_n3A_445 : vector<16xi32> to vector<16x1xi32>
      %gather3A_447 = vector.shape_cast %broadcast_in_dim3A_446 : vector<16x1xi32> to vector<16xi32>
      %gather3A_448 = tpu.dynamic_gather %scan3A_424#1[%gather3A_447] in [0] : vector<16xi32>, vector<16xi32> -> vector<16xi32>
      %gt3A_449 = arith.cmpf ogt, %gather3A_438, %scan3A_424#0 : vector<16xf32>
      %eq3A_450 = arith.cmpf oeq, %gather3A_438, %scan3A_424#0 : vector<16xf32>
      %lt3A_451 = arith.cmpi slt, %gather3A_448, %scan3A_424#1 : vector<16xi32>
      %and3A_452 = arith.andi %eq3A_450, %lt3A_451 : vector<16xi1>
      %or3A_453 = arith.ori %gt3A_449, %and3A_452 : vector<16xi1>
      %select_n3A_454 = arith.select %or3A_453, %gather3A_438, %scan3A_424#0 : vector<16xi1>, vector<16xf32>
      %select_n3A_455 = arith.select %or3A_453, %gather3A_448, %scan3A_424#1 : vector<16xi1>, vector<16xi32>
      %xor3A_456 = arith.constant 4 : i32
      %xor3A_457 = vector.broadcast %xor3A_456 : i32 to vector<16xi32>
      %xor3A_458 = arith.xori %iota3A, %xor3A_457 : vector<16xi32>
      %lt3A_459 = arith.constant 0 : i32
      %lt3A_460 = vector.broadcast %lt3A_459 : i32 to vector<16xi32>
      %lt3A_461 = arith.cmpi slt, %xor3A_458, %lt3A_460 : vector<16xi32>
      %add3A_462 = arith.constant 16 : i32
      %add3A_463 = vector.broadcast %add3A_462 : i32 to vector<16xi32>
      %add3A_464 = arith.addi %xor3A_458, %add3A_463 : vector<16xi32>
      %select_n3A_465 = arith.select %lt3A_461, %add3A_464, %xor3A_458 : vector<16xi1>, vector<16xi32>
      %broadcast_in_dim3A_466 = vector.shape_cast %select_n3A_465 : vector<16xi32> to vector<16x1xi32>
      %gather3A_467 = vector.shape_cast %broadcast_in_dim3A_466 : vector<16x1xi32> to vector<16xi32>
      %gather3A_468 = tpu.dynamic_gather %select_n3A_454[%gather3A_467] in [0] : vector<16xf32>, vector<16xi32> -> vector<16xf32>
      %lt3A_469 = arith.constant 0 : i32
      %lt3A_470 = vector.broadcast %lt3A_469 : i32 to vector<16xi32>
      %lt3A_471 = arith.cmpi slt, %xor3A_458, %lt3A_470 : vector<16xi32>
      %add3A_472 = arith.constant 16 : i32
      %add3A_473 = vector.broadcast %add3A_472 : i32 to vector<16xi32>
      %add3A_474 = arith.addi %xor3A_458, %add3A_473 : vector<16xi32>
      %select_n3A_475 = arith.select %lt3A_471, %add3A_474, %xor3A_458 : vector<16xi1>, vector<16xi32>
      %broadcast_in_dim3A_476 = vector.shape_cast %select_n3A_475 : vector<16xi32> to vector<16x1xi32>
      %gather3A_477 = vector.shape_cast %broadcast_in_dim3A_476 : vector<16x1xi32> to vector<16xi32>
      %gather3A_478 = tpu.dynamic_gather %select_n3A_455[%gather3A_477] in [0] : vector<16xi32>, vector<16xi32> -> vector<16xi32>
      %gt3A_479 = arith.cmpf ogt, %gather3A_468, %select_n3A_454 : vector<16xf32>
      %eq3A_480 = arith.cmpf oeq, %gather3A_468, %select_n3A_454 : vector<16xf32>
      %lt3A_481 = arith.cmpi slt, %gather3A_478, %select_n3A_455 : vector<16xi32>
      %and3A_482 = arith.andi %eq3A_480, %lt3A_481 : vector<16xi1>
      %or3A_483 = arith.ori %gt3A_479, %and3A_482 : vector<16xi1>
      %select_n3A_484 = arith.select %or3A_483, %gather3A_468, %select_n3A_454 : vector<16xi1>, vector<16xf32>
      %select_n3A_485 = arith.select %or3A_483, %gather3A_478, %select_n3A_455 : vector<16xi1>, vector<16xi32>
      %xor3A_486 = arith.constant 2 : i32
      %xor3A_487 = vector.broadcast %xor3A_486 : i32 to vector<16xi32>
      %xor3A_488 = arith.xori %iota3A, %xor3A_487 : vector<16xi32>
      %lt3A_489 = arith.constant 0 : i32
      %lt3A_490 = vector.broadcast %lt3A_489 : i32 to vector<16xi32>
      %lt3A_491 = arith.cmpi slt, %xor3A_488, %lt3A_490 : vector<16xi32>
      %add3A_492 = arith.constant 16 : i32
      %add3A_493 = vector.broadcast %add3A_492 : i32 to vector<16xi32>
      %add3A_494 = arith.addi %xor3A_488, %add3A_493 : vector<16xi32>
      %select_n3A_495 = arith.select %lt3A_491, %add3A_494, %xor3A_488 : vector<16xi1>, vector<16xi32>
      %broadcast_in_dim3A_496 = vector.shape_cast %select_n3A_495 : vector<16xi32> to vector<16x1xi32>
      %gather3A_497 = vector.shape_cast %broadcast_in_dim3A_496 : vector<16x1xi32> to vector<16xi32>
      %gather3A_498 = tpu.dynamic_gather %select_n3A_484[%gather3A_497] in [0] : vector<16xf32>, vector<16xi32> -> vector<16xf32>
      %lt3A_499 = arith.constant 0 : i32
      %lt3A_500 = vector.broadcast %lt3A_499 : i32 to vector<16xi32>
      %lt3A_501 = arith.cmpi slt, %xor3A_488, %lt3A_500 : vector<16xi32>
      %add3A_502 = arith.constant 16 : i32
      %add3A_503 = vector.broadcast %add3A_502 : i32 to vector<16xi32>
      %add3A_504 = arith.addi %xor3A_488, %add3A_503 : vector<16xi32>
      %select_n3A_505 = arith.select %lt3A_501, %add3A_504, %xor3A_488 : vector<16xi1>, vector<16xi32>
      %broadcast_in_dim3A_506 = vector.shape_cast %select_n3A_505 : vector<16xi32> to vector<16x1xi32>
      %gather3A_507 = vector.shape_cast %broadcast_in_dim3A_506 : vector<16x1xi32> to vector<16xi32>
      %gather3A_508 = tpu.dynamic_gather %select_n3A_485[%gather3A_507] in [0] : vector<16xi32>, vector<16xi32> -> vector<16xi32>
      %gt3A_509 = arith.cmpf ogt, %gather3A_498, %select_n3A_484 : vector<16xf32>
      %eq3A_510 = arith.cmpf oeq, %gather3A_498, %select_n3A_484 : vector<16xf32>
      %lt3A_511 = arith.cmpi slt, %gather3A_508, %select_n3A_485 : vector<16xi32>
      %and3A_512 = arith.andi %eq3A_510, %lt3A_511 : vector<16xi1>
      %or3A_513 = arith.ori %gt3A_509, %and3A_512 : vector<16xi1>
      %select_n3A_514 = arith.select %or3A_513, %gather3A_498, %select_n3A_484 : vector<16xi1>, vector<16xf32>
      %select_n3A_515 = arith.select %or3A_513, %gather3A_508, %select_n3A_485 : vector<16xi1>, vector<16xi32>
      %xor3A_516 = arith.constant 1 : i32
      %xor3A_517 = vector.broadcast %xor3A_516 : i32 to vector<16xi32>
      %xor3A_518 = arith.xori %iota3A, %xor3A_517 : vector<16xi32>
      %lt3A_519 = arith.constant 0 : i32
      %lt3A_520 = vector.broadcast %lt3A_519 : i32 to vector<16xi32>
      %lt3A_521 = arith.cmpi slt, %xor3A_518, %lt3A_520 : vector<16xi32>
      %add3A_522 = arith.constant 16 : i32
      %add3A_523 = vector.broadcast %add3A_522 : i32 to vector<16xi32>
      %add3A_524 = arith.addi %xor3A_518, %add3A_523 : vector<16xi32>
      %select_n3A_525 = arith.select %lt3A_521, %add3A_524, %xor3A_518 : vector<16xi1>, vector<16xi32>
      %broadcast_in_dim3A_526 = vector.shape_cast %select_n3A_525 : vector<16xi32> to vector<16x1xi32>
      %gather3A_527 = vector.shape_cast %broadcast_in_dim3A_526 : vector<16x1xi32> to vector<16xi32>
      %gather3A_528 = tpu.dynamic_gather %select_n3A_514[%gather3A_527] in [0] : vector<16xf32>, vector<16xi32> -> vector<16xf32>
      %lt3A_529 = arith.constant 0 : i32
      %lt3A_530 = vector.broadcast %lt3A_529 : i32 to vector<16xi32>
      %lt3A_531 = arith.cmpi slt, %xor3A_518, %lt3A_530 : vector<16xi32>
      %add3A_532 = arith.constant 16 : i32
      %add3A_533 = vector.broadcast %add3A_532 : i32 to vector<16xi32>
      %add3A_534 = arith.addi %xor3A_518, %add3A_533 : vector<16xi32>
      %select_n3A_535 = arith.select %lt3A_531, %add3A_534, %xor3A_518 : vector<16xi1>, vector<16xi32>
      %broadcast_in_dim3A_536 = vector.shape_cast %select_n3A_535 : vector<16xi32> to vector<16x1xi32>
      %gather3A_537 = vector.shape_cast %broadcast_in_dim3A_536 : vector<16x1xi32> to vector<16xi32>
      %gather3A_538 = tpu.dynamic_gather %select_n3A_515[%gather3A_537] in [0] : vector<16xi32>, vector<16xi32> -> vector<16xi32>
      %gt3A_539 = arith.cmpf ogt, %gather3A_528, %select_n3A_514 : vector<16xf32>
      %eq3A_540 = arith.cmpf oeq, %gather3A_528, %select_n3A_514 : vector<16xf32>
      %lt3A_541 = arith.cmpi slt, %gather3A_538, %select_n3A_515 : vector<16xi32>
      %and3A_542 = arith.andi %eq3A_540, %lt3A_541 : vector<16xi1>
      %or3A_543 = arith.ori %gt3A_539, %and3A_542 : vector<16xi1>
      %select_n3A_544 = arith.select %or3A_543, %gather3A_528, %select_n3A_514 : vector<16xi1>, vector<16xf32>
      %select_n3A_545 = arith.select %or3A_543, %gather3A_538, %select_n3A_515 : vector<16xi1>, vector<16xi32>
      %eq3A_546 = arith.constant 3 : i32
      %eq3A_547 = vector.broadcast %eq3A_546 : i32 to vector<16xi32>
      %eq3A_548 = arith.cmpi eq, %iota3A, %eq3A_547 : vector<16xi32>
      %select_n3A_549 = arith.select %eq3A_548, %select_n3A_544, %select_n3A_411 : vector<16xi1>, vector<16xf32>
      %eq3A_550 = arith.constant 3 : i32
      %eq3A_551 = vector.broadcast %eq3A_550 : i32 to vector<16xi32>
      %eq3A_552 = arith.cmpi eq, %iota3A, %eq3A_551 : vector<16xi32>
      %select_n3A_553 = arith.select %eq3A_552, %select_n3A_545, %select_n3A_415 : vector<16xi1>, vector<16xi32>
      %broadcast_in_dim3A_554 = arith.constant -1.000000e+00 : f32
      %broadcast_in_dim3A_555 = vector.broadcast %broadcast_in_dim3A_554 : f32 to vector<16xf32>
      %broadcast_in_dim3A_556 = arith.constant 1073741824 : i32
      %broadcast_in_dim3A_557 = vector.broadcast %broadcast_in_dim3A_556 : i32 to vector<16xi32>
      %scan3A_558 = arith.constant 0 : i32
      %scan3A_559 = arith.constant 64 : i32
      %scan3A_560 = arith.addi %scan3A_558, %scan3A_559 : i32
      %scan3A_561 = arith.constant 1 : i32
      %scan3A_562:2 = scf.for %scan3A_2673 = %scan3A_558 to %scan3A_560 step %scan3A_561 iter_args(%scan3A_2674 = %broadcast_in_dim3A_555, %scan3A_2675 = %broadcast_in_dim3A_557) -> (vector<16xf32>, vector<16xi32>)  : i32 {
        %mul3A_2676 = arith.constant 16 : i32
        %mul3A_2677 = arith.muli %scan3A_2673, %mul3A_2676 : i32
        %get3A = arith.index_cast %mul3A_2677 : i32 to index
        %get3A_2678 = tpu.vector_load %arg6[%get3A] {strides = array<i32>} : memref<1024xf32, #tpu.memory_space<vmem>>, vector<16xf32>,
        %get3A_2679 = vector.shape_cast %get3A_2678 : vector<16xf32> to vector<16xf32>
        %mul3A_2680 = arith.constant 16 : i32
        %mul3A_2681 = arith.muli %scan3A_2673, %mul3A_2680 : i32
        %add3A_2682 = vector.broadcast %mul3A_2681 : i32 to vector<16xi32>
        %add3A_2683 = arith.addi %add3A_2682, %iota3A : vector<16xi32>
        %lt3A_2684 = arith.cmpf olt, %get3A_2679, %select_n3A_544 : vector<16xf32>
        %eq3A_2685 = arith.cmpf oeq, %get3A_2679, %select_n3A_544 : vector<16xf32>
        %gt3A_2686 = arith.cmpi sgt, %add3A_2683, %select_n3A_545 : vector<16xi32>
        %and3A_2687 = arith.andi %eq3A_2685, %gt3A_2686 : vector<16xi1>
        %or3A_2688 = arith.ori %lt3A_2684, %and3A_2687 : vector<16xi1>
        %gt3A_2689 = arith.cmpf ogt, %get3A_2679, %scan3A_2674 : vector<16xf32>
        %eq3A_2690 = arith.cmpf oeq, %get3A_2679, %scan3A_2674 : vector<16xf32>
        %lt3A_2691 = arith.cmpi slt, %add3A_2683, %scan3A_2675 : vector<16xi32>
        %and3A_2692 = arith.andi %eq3A_2690, %lt3A_2691 : vector<16xi1>
        %or3A_2693 = arith.ori %gt3A_2689, %and3A_2692 : vector<16xi1>
        %and3A_2694 = arith.andi %or3A_2688, %or3A_2693 : vector<16xi1>
        %select_n3A_2695 = arith.select %and3A_2694, %get3A_2679, %scan3A_2674 : vector<16xi1>, vector<16xf32>
        %select_n3A_2696 = arith.select %and3A_2694, %add3A_2683, %scan3A_2675 : vector<16xi1>, vector<16xi32>
        scf.yield %select_n3A_2695, %select_n3A_2696 : vector<16xf32>, vector<16xi32>
      }
      %scan3A_563 = arith.constant 64 : i32
      %xor3A_564 = arith.constant 8 : i32
      %xor3A_565 = vector.broadcast %xor3A_564 : i32 to vector<16xi32>
      %xor3A_566 = arith.xori %iota3A, %xor3A_565 : vector<16xi32>
      %lt3A_567 = arith.constant 0 : i32
      %lt3A_568 = vector.broadcast %lt3A_567 : i32 to vector<16xi32>
      %lt3A_569 = arith.cmpi slt, %xor3A_566, %lt3A_568 : vector<16xi32>
      %add3A_570 = arith.constant 16 : i32
      %add3A_571 = vector.broadcast %add3A_570 : i32 to vector<16xi32>
      %add3A_572 = arith.addi %xor3A_566, %add3A_571 : vector<16xi32>
      %select_n3A_573 = arith.select %lt3A_569, %add3A_572, %xor3A_566 : vector<16xi1>, vector<16xi32>
      %broadcast_in_dim3A_574 = vector.shape_cast %select_n3A_573 : vector<16xi32> to vector<16x1xi32>
      %gather3A_575 = vector.shape_cast %broadcast_in_dim3A_574 : vector<16x1xi32> to vector<16xi32>
      %gather3A_576 = tpu.dynamic_gather %scan3A_562#0[%gather3A_575] in [0] : vector<16xf32>, vector<16xi32> -> vector<16xf32>
      %lt3A_577 = arith.constant 0 : i32
      %lt3A_578 = vector.broadcast %lt3A_577 : i32 to vector<16xi32>
      %lt3A_579 = arith.cmpi slt, %xor3A_566, %lt3A_578 : vector<16xi32>
      %add3A_580 = arith.constant 16 : i32
      %add3A_581 = vector.broadcast %add3A_580 : i32 to vector<16xi32>
      %add3A_582 = arith.addi %xor3A_566, %add3A_581 : vector<16xi32>
      %select_n3A_583 = arith.select %lt3A_579, %add3A_582, %xor3A_566 : vector<16xi1>, vector<16xi32>
      %broadcast_in_dim3A_584 = vector.shape_cast %select_n3A_583 : vector<16xi32> to vector<16x1xi32>
      %gather3A_585 = vector.shape_cast %broadcast_in_dim3A_584 : vector<16x1xi32> to vector<16xi32>
      %gather3A_586 = tpu.dynamic_gather %scan3A_562#1[%gather3A_585] in [0] : vector<16xi32>, vector<16xi32> -> vector<16xi32>
      %gt3A_587 = arith.cmpf ogt, %gather3A_576, %scan3A_562#0 : vector<16xf32>
      %eq3A_588 = arith.cmpf oeq, %gather3A_576, %scan3A_562#0 : vector<16xf32>
      %lt3A_589 = arith.cmpi slt, %gather3A_586, %scan3A_562#1 : vector<16xi32>
      %and3A_590 = arith.andi %eq3A_588, %lt3A_589 : vector<16xi1>
      %or3A_591 = arith.ori %gt3A_587, %and3A_590 : vector<16xi1>
      %select_n3A_592 = arith.select %or3A_591, %gather3A_576, %scan3A_562#0 : vector<16xi1>, vector<16xf32>
      %select_n3A_593 = arith.select %or3A_591, %gather3A_586, %scan3A_562#1 : vector<16xi1>, vector<16xi32>
      %xor3A_594 = arith.constant 4 : i32
      %xor3A_595 = vector.broadcast %xor3A_594 : i32 to vector<16xi32>
      %xor3A_596 = arith.xori %iota3A, %xor3A_595 : vector<16xi32>
      %lt3A_597 = arith.constant 0 : i32
      %lt3A_598 = vector.broadcast %lt3A_597 : i32 to vector<16xi32>
      %lt3A_599 = arith.cmpi slt, %xor3A_596, %lt3A_598 : vector<16xi32>
      %add3A_600 = arith.constant 16 : i32
      %add3A_601 = vector.broadcast %add3A_600 : i32 to vector<16xi32>
      %add3A_602 = arith.addi %xor3A_596, %add3A_601 : vector<16xi32>
      %select_n3A_603 = arith.select %lt3A_599, %add3A_602, %xor3A_596 : vector<16xi1>, vector<16xi32>
      %broadcast_in_dim3A_604 = vector.shape_cast %select_n3A_603 : vector<16xi32> to vector<16x1xi32>
      %gather3A_605 = vector.shape_cast %broadcast_in_dim3A_604 : vector<16x1xi32> to vector<16xi32>
      %gather3A_606 = tpu.dynamic_gather %select_n3A_592[%gather3A_605] in [0] : vector<16xf32>, vector<16xi32> -> vector<16xf32>
      %lt3A_607 = arith.constant 0 : i32
      %lt3A_608 = vector.broadcast %lt3A_607 : i32 to vector<16xi32>
      %lt3A_609 = arith.cmpi slt, %xor3A_596, %lt3A_608 : vector<16xi32>
      %add3A_610 = arith.constant 16 : i32
      %add3A_611 = vector.broadcast %add3A_610 : i32 to vector<16xi32>
      %add3A_612 = arith.addi %xor3A_596, %add3A_611 : vector<16xi32>
      %select_n3A_613 = arith.select %lt3A_609, %add3A_612, %xor3A_596 : vector<16xi1>, vector<16xi32>
      %broadcast_in_dim3A_614 = vector.shape_cast %select_n3A_613 : vector<16xi32> to vector<16x1xi32>
      %gather3A_615 = vector.shape_cast %broadcast_in_dim3A_614 : vector<16x1xi32> to vector<16xi32>
      %gather3A_616 = tpu.dynamic_gather %select_n3A_593[%gather3A_615] in [0] : vector<16xi32>, vector<16xi32> -> vector<16xi32>
      %gt3A_617 = arith.cmpf ogt, %gather3A_606, %select_n3A_592 : vector<16xf32>
      %eq3A_618 = arith.cmpf oeq, %gather3A_606, %select_n3A_592 : vector<16xf32>
      %lt3A_619 = arith.cmpi slt, %gather3A_616, %select_n3A_593 : vector<16xi32>
      %and3A_620 = arith.andi %eq3A_618, %lt3A_619 : vector<16xi1>
      %or3A_621 = arith.ori %gt3A_617, %and3A_620 : vector<16xi1>
      %select_n3A_622 = arith.select %or3A_621, %gather3A_606, %select_n3A_592 : vector<16xi1>, vector<16xf32>
      %select_n3A_623 = arith.select %or3A_621, %gather3A_616, %select_n3A_593 : vector<16xi1>, vector<16xi32>
      %xor3A_624 = arith.constant 2 : i32
      %xor3A_625 = vector.broadcast %xor3A_624 : i32 to vector<16xi32>
      %xor3A_626 = arith.xori %iota3A, %xor3A_625 : vector<16xi32>
      %lt3A_627 = arith.constant 0 : i32
      %lt3A_628 = vector.broadcast %lt3A_627 : i32 to vector<16xi32>
      %lt3A_629 = arith.cmpi slt, %xor3A_626, %lt3A_628 : vector<16xi32>
      %add3A_630 = arith.constant 16 : i32
      %add3A_631 = vector.broadcast %add3A_630 : i32 to vector<16xi32>
      %add3A_632 = arith.addi %xor3A_626, %add3A_631 : vector<16xi32>
      %select_n3A_633 = arith.select %lt3A_629, %add3A_632, %xor3A_626 : vector<16xi1>, vector<16xi32>
      %broadcast_in_dim3A_634 = vector.shape_cast %select_n3A_633 : vector<16xi32> to vector<16x1xi32>
      %gather3A_635 = vector.shape_cast %broadcast_in_dim3A_634 : vector<16x1xi32> to vector<16xi32>
      %gather3A_636 = tpu.dynamic_gather %select_n3A_622[%gather3A_635] in [0] : vector<16xf32>, vector<16xi32> -> vector<16xf32>
      %lt3A_637 = arith.constant 0 : i32
      %lt3A_638 = vector.broadcast %lt3A_637 : i32 to vector<16xi32>
      %lt3A_639 = arith.cmpi slt, %xor3A_626, %lt3A_638 : vector<16xi32>
      %add3A_640 = arith.constant 16 : i32
      %add3A_641 = vector.broadcast %add3A_640 : i32 to vector<16xi32>
      %add3A_642 = arith.addi %xor3A_626, %add3A_641 : vector<16xi32>
      %select_n3A_643 = arith.select %lt3A_639, %add3A_642, %xor3A_626 : vector<16xi1>, vector<16xi32>
      %broadcast_in_dim3A_644 = vector.shape_cast %select_n3A_643 : vector<16xi32> to vector<16x1xi32>
      %gather3A_645 = vector.shape_cast %broadcast_in_dim3A_644 : vector<16x1xi32> to vector<16xi32>
      %gather3A_646 = tpu.dynamic_gather %select_n3A_623[%gather3A_645] in [0] : vector<16xi32>, vector<16xi32> -> vector<16xi32>
      %gt3A_647 = arith.cmpf ogt, %gather3A_636, %select_n3A_622 : vector<16xf32>
      %eq3A_648 = arith.cmpf oeq, %gather3A_636, %select_n3A_622 : vector<16xf32>
      %lt3A_649 = arith.cmpi slt, %gather3A_646, %select_n3A_623 : vector<16xi32>
      %and3A_650 = arith.andi %eq3A_648, %lt3A_649 : vector<16xi1>
      %or3A_651 = arith.ori %gt3A_647, %and3A_650 : vector<16xi1>
      %select_n3A_652 = arith.select %or3A_651, %gather3A_636, %select_n3A_622 : vector<16xi1>, vector<16xf32>
      %select_n3A_653 = arith.select %or3A_651, %gather3A_646, %select_n3A_623 : vector<16xi1>, vector<16xi32>
      %xor3A_654 = arith.constant 1 : i32
      %xor3A_655 = vector.broadcast %xor3A_654 : i32 to vector<16xi32>
      %xor3A_656 = arith.xori %iota3A, %xor3A_655 : vector<16xi32>
      %lt3A_657 = arith.constant 0 : i32
      %lt3A_658 = vector.broadcast %lt3A_657 : i32 to vector<16xi32>
      %lt3A_659 = arith.cmpi slt, %xor3A_656, %lt3A_658 : vector<16xi32>
      %add3A_660 = arith.constant 16 : i32
      %add3A_661 = vector.broadcast %add3A_660 : i32 to vector<16xi32>
      %add3A_662 = arith.addi %xor3A_656, %add3A_661 : vector<16xi32>
      %select_n3A_663 = arith.select %lt3A_659, %add3A_662, %xor3A_656 : vector<16xi1>, vector<16xi32>
      %broadcast_in_dim3A_664 = vector.shape_cast %select_n3A_663 : vector<16xi32> to vector<16x1xi32>
      %gather3A_665 = vector.shape_cast %broadcast_in_dim3A_664 : vector<16x1xi32> to vector<16xi32>
      %gather3A_666 = tpu.dynamic_gather %select_n3A_652[%gather3A_665] in [0] : vector<16xf32>, vector<16xi32> -> vector<16xf32>
      %lt3A_667 = arith.constant 0 : i32
      %lt3A_668 = vector.broadcast %lt3A_667 : i32 to vector<16xi32>
      %lt3A_669 = arith.cmpi slt, %xor3A_656, %lt3A_668 : vector<16xi32>
      %add3A_670 = arith.constant 16 : i32
      %add3A_671 = vector.broadcast %add3A_670 : i32 to vector<16xi32>
      %add3A_672 = arith.addi %xor3A_656, %add3A_671 : vector<16xi32>
      %select_n3A_673 = arith.select %lt3A_669, %add3A_672, %xor3A_656 : vector<16xi1>, vector<16xi32>
      %broadcast_in_dim3A_674 = vector.shape_cast %select_n3A_673 : vector<16xi32> to vector<16x1xi32>
      %gather3A_675 = vector.shape_cast %broadcast_in_dim3A_674 : vector<16x1xi32> to vector<16xi32>
      %gather3A_676 = tpu.dynamic_gather %select_n3A_653[%gather3A_675] in [0] : vector<16xi32>, vector<16xi32> -> vector<16xi32>
      %gt3A_677 = arith.cmpf ogt, %gather3A_666, %select_n3A_652 : vector<16xf32>
      %eq3A_678 = arith.cmpf oeq, %gather3A_666, %select_n3A_652 : vector<16xf32>
      %lt3A_679 = arith.cmpi slt, %gather3A_676, %select_n3A_653 : vector<16xi32>
      %and3A_680 = arith.andi %eq3A_678, %lt3A_679 : vector<16xi1>
      %or3A_681 = arith.ori %gt3A_677, %and3A_680 : vector<16xi1>
      %select_n3A_682 = arith.select %or3A_681, %gather3A_666, %select_n3A_652 : vector<16xi1>, vector<16xf32>
      %select_n3A_683 = arith.select %or3A_681, %gather3A_676, %select_n3A_653 : vector<16xi1>, vector<16xi32>
      %eq3A_684 = arith.constant 4 : i32
      %eq3A_685 = vector.broadcast %eq3A_684 : i32 to vector<16xi32>
      %eq3A_686 = arith.cmpi eq, %iota3A, %eq3A_685 : vector<16xi32>
      %select_n3A_687 = arith.select %eq3A_686, %select_n3A_682, %select_n3A_549 : vector<16xi1>, vector<16xf32>
      %eq3A_688 = arith.constant 4 : i32
      %eq3A_689 = vector.broadcast %eq3A_688 : i32 to vector<16xi32>
      %eq3A_690 = arith.cmpi eq, %iota3A, %eq3A_689 : vector<16xi32>
      %select_n3A_691 = arith.select %eq3A_690, %select_n3A_683, %select_n3A_553 : vector<16xi1>, vector<16xi32>
      %broadcast_in_dim3A_692 = arith.constant -1.000000e+00 : f32
      %broadcast_in_dim3A_693 = vector.broadcast %broadcast_in_dim3A_692 : f32 to vector<16xf32>
      %broadcast_in_dim3A_694 = arith.constant 1073741824 : i32
      %broadcast_in_dim3A_695 = vector.broadcast %broadcast_in_dim3A_694 : i32 to vector<16xi32>
      %scan3A_696 = arith.constant 0 : i32
      %scan3A_697 = arith.constant 64 : i32
      %scan3A_698 = arith.addi %scan3A_696, %scan3A_697 : i32
      %scan3A_699 = arith.constant 1 : i32
      %scan3A_700:2 = scf.for %scan3A_2673 = %scan3A_696 to %scan3A_698 step %scan3A_699 iter_args(%scan3A_2674 = %broadcast_in_dim3A_693, %scan3A_2675 = %broadcast_in_dim3A_695) -> (vector<16xf32>, vector<16xi32>)  : i32 {
        %mul3A_2676 = arith.constant 16 : i32
        %mul3A_2677 = arith.muli %scan3A_2673, %mul3A_2676 : i32
        %get3A = arith.index_cast %mul3A_2677 : i32 to index
        %get3A_2678 = tpu.vector_load %arg6[%get3A] {strides = array<i32>} : memref<1024xf32, #tpu.memory_space<vmem>>, vector<16xf32>,
        %get3A_2679 = vector.shape_cast %get3A_2678 : vector<16xf32> to vector<16xf32>
        %mul3A_2680 = arith.constant 16 : i32
        %mul3A_2681 = arith.muli %scan3A_2673, %mul3A_2680 : i32
        %add3A_2682 = vector.broadcast %mul3A_2681 : i32 to vector<16xi32>
        %add3A_2683 = arith.addi %add3A_2682, %iota3A : vector<16xi32>
        %lt3A_2684 = arith.cmpf olt, %get3A_2679, %select_n3A_682 : vector<16xf32>
        %eq3A_2685 = arith.cmpf oeq, %get3A_2679, %select_n3A_682 : vector<16xf32>
        %gt3A_2686 = arith.cmpi sgt, %add3A_2683, %select_n3A_683 : vector<16xi32>
        %and3A_2687 = arith.andi %eq3A_2685, %gt3A_2686 : vector<16xi1>
        %or3A_2688 = arith.ori %lt3A_2684, %and3A_2687 : vector<16xi1>
        %gt3A_2689 = arith.cmpf ogt, %get3A_2679, %scan3A_2674 : vector<16xf32>
        %eq3A_2690 = arith.cmpf oeq, %get3A_2679, %scan3A_2674 : vector<16xf32>
        %lt3A_2691 = arith.cmpi slt, %add3A_2683, %scan3A_2675 : vector<16xi32>
        %and3A_2692 = arith.andi %eq3A_2690, %lt3A_2691 : vector<16xi1>
        %or3A_2693 = arith.ori %gt3A_2689, %and3A_2692 : vector<16xi1>
        %and3A_2694 = arith.andi %or3A_2688, %or3A_2693 : vector<16xi1>
        %select_n3A_2695 = arith.select %and3A_2694, %get3A_2679, %scan3A_2674 : vector<16xi1>, vector<16xf32>
        %select_n3A_2696 = arith.select %and3A_2694, %add3A_2683, %scan3A_2675 : vector<16xi1>, vector<16xi32>
        scf.yield %select_n3A_2695, %select_n3A_2696 : vector<16xf32>, vector<16xi32>
      }
      %scan3A_701 = arith.constant 64 : i32
      %xor3A_702 = arith.constant 8 : i32
      %xor3A_703 = vector.broadcast %xor3A_702 : i32 to vector<16xi32>
      %xor3A_704 = arith.xori %iota3A, %xor3A_703 : vector<16xi32>
      %lt3A_705 = arith.constant 0 : i32
      %lt3A_706 = vector.broadcast %lt3A_705 : i32 to vector<16xi32>
      %lt3A_707 = arith.cmpi slt, %xor3A_704, %lt3A_706 : vector<16xi32>
      %add3A_708 = arith.constant 16 : i32
      %add3A_709 = vector.broadcast %add3A_708 : i32 to vector<16xi32>
      %add3A_710 = arith.addi %xor3A_704, %add3A_709 : vector<16xi32>
      %select_n3A_711 = arith.select %lt3A_707, %add3A_710, %xor3A_704 : vector<16xi1>, vector<16xi32>
      %broadcast_in_dim3A_712 = vector.shape_cast %select_n3A_711 : vector<16xi32> to vector<16x1xi32>
      %gather3A_713 = vector.shape_cast %broadcast_in_dim3A_712 : vector<16x1xi32> to vector<16xi32>
      %gather3A_714 = tpu.dynamic_gather %scan3A_700#0[%gather3A_713] in [0] : vector<16xf32>, vector<16xi32> -> vector<16xf32>
      %lt3A_715 = arith.constant 0 : i32
      %lt3A_716 = vector.broadcast %lt3A_715 : i32 to vector<16xi32>
      %lt3A_717 = arith.cmpi slt, %xor3A_704, %lt3A_716 : vector<16xi32>
      %add3A_718 = arith.constant 16 : i32
      %add3A_719 = vector.broadcast %add3A_718 : i32 to vector<16xi32>
      %add3A_720 = arith.addi %xor3A_704, %add3A_719 : vector<16xi32>
      %select_n3A_721 = arith.select %lt3A_717, %add3A_720, %xor3A_704 : vector<16xi1>, vector<16xi32>
      %broadcast_in_dim3A_722 = vector.shape_cast %select_n3A_721 : vector<16xi32> to vector<16x1xi32>
      %gather3A_723 = vector.shape_cast %broadcast_in_dim3A_722 : vector<16x1xi32> to vector<16xi32>
      %gather3A_724 = tpu.dynamic_gather %scan3A_700#1[%gather3A_723] in [0] : vector<16xi32>, vector<16xi32> -> vector<16xi32>
      %gt3A_725 = arith.cmpf ogt, %gather3A_714, %scan3A_700#0 : vector<16xf32>
      %eq3A_726 = arith.cmpf oeq, %gather3A_714, %scan3A_700#0 : vector<16xf32>
      %lt3A_727 = arith.cmpi slt, %gather3A_724, %scan3A_700#1 : vector<16xi32>
      %and3A_728 = arith.andi %eq3A_726, %lt3A_727 : vector<16xi1>
      %or3A_729 = arith.ori %gt3A_725, %and3A_728 : vector<16xi1>
      %select_n3A_730 = arith.select %or3A_729, %gather3A_714, %scan3A_700#0 : vector<16xi1>, vector<16xf32>
      %select_n3A_731 = arith.select %or3A_729, %gather3A_724, %scan3A_700#1 : vector<16xi1>, vector<16xi32>
      %xor3A_732 = arith.constant 4 : i32
      %xor3A_733 = vector.broadcast %xor3A_732 : i32 to vector<16xi32>
      %xor3A_734 = arith.xori %iota3A, %xor3A_733 : vector<16xi32>
      %lt3A_735 = arith.constant 0 : i32
      %lt3A_736 = vector.broadcast %lt3A_735 : i32 to vector<16xi32>
      %lt3A_737 = arith.cmpi slt, %xor3A_734, %lt3A_736 : vector<16xi32>
      %add3A_738 = arith.constant 16 : i32
      %add3A_739 = vector.broadcast %add3A_738 : i32 to vector<16xi32>
      %add3A_740 = arith.addi %xor3A_734, %add3A_739 : vector<16xi32>
      %select_n3A_741 = arith.select %lt3A_737, %add3A_740, %xor3A_734 : vector<16xi1>, vector<16xi32>
      %broadcast_in_dim3A_742 = vector.shape_cast %select_n3A_741 : vector<16xi32> to vector<16x1xi32>
      %gather3A_743 = vector.shape_cast %broadcast_in_dim3A_742 : vector<16x1xi32> to vector<16xi32>
      %gather3A_744 = tpu.dynamic_gather %select_n3A_730[%gather3A_743] in [0] : vector<16xf32>, vector<16xi32> -> vector<16xf32>
      %lt3A_745 = arith.constant 0 : i32
      %lt3A_746 = vector.broadcast %lt3A_745 : i32 to vector<16xi32>
      %lt3A_747 = arith.cmpi slt, %xor3A_734, %lt3A_746 : vector<16xi32>
      %add3A_748 = arith.constant 16 : i32
      %add3A_749 = vector.broadcast %add3A_748 : i32 to vector<16xi32>
      %add3A_750 = arith.addi %xor3A_734, %add3A_749 : vector<16xi32>
      %select_n3A_751 = arith.select %lt3A_747, %add3A_750, %xor3A_734 : vector<16xi1>, vector<16xi32>
      %broadcast_in_dim3A_752 = vector.shape_cast %select_n3A_751 : vector<16xi32> to vector<16x1xi32>
      %gather3A_753 = vector.shape_cast %broadcast_in_dim3A_752 : vector<16x1xi32> to vector<16xi32>
      %gather3A_754 = tpu.dynamic_gather %select_n3A_731[%gather3A_753] in [0] : vector<16xi32>, vector<16xi32> -> vector<16xi32>
      %gt3A_755 = arith.cmpf ogt, %gather3A_744, %select_n3A_730 : vector<16xf32>
      %eq3A_756 = arith.cmpf oeq, %gather3A_744, %select_n3A_730 : vector<16xf32>
      %lt3A_757 = arith.cmpi slt, %gather3A_754, %select_n3A_731 : vector<16xi32>
      %and3A_758 = arith.andi %eq3A_756, %lt3A_757 : vector<16xi1>
      %or3A_759 = arith.ori %gt3A_755, %and3A_758 : vector<16xi1>
      %select_n3A_760 = arith.select %or3A_759, %gather3A_744, %select_n3A_730 : vector<16xi1>, vector<16xf32>
      %select_n3A_761 = arith.select %or3A_759, %gather3A_754, %select_n3A_731 : vector<16xi1>, vector<16xi32>
      %xor3A_762 = arith.constant 2 : i32
      %xor3A_763 = vector.broadcast %xor3A_762 : i32 to vector<16xi32>
      %xor3A_764 = arith.xori %iota3A, %xor3A_763 : vector<16xi32>
      %lt3A_765 = arith.constant 0 : i32
      %lt3A_766 = vector.broadcast %lt3A_765 : i32 to vector<16xi32>
      %lt3A_767 = arith.cmpi slt, %xor3A_764, %lt3A_766 : vector<16xi32>
      %add3A_768 = arith.constant 16 : i32
      %add3A_769 = vector.broadcast %add3A_768 : i32 to vector<16xi32>
      %add3A_770 = arith.addi %xor3A_764, %add3A_769 : vector<16xi32>
      %select_n3A_771 = arith.select %lt3A_767, %add3A_770, %xor3A_764 : vector<16xi1>, vector<16xi32>
      %broadcast_in_dim3A_772 = vector.shape_cast %select_n3A_771 : vector<16xi32> to vector<16x1xi32>
      %gather3A_773 = vector.shape_cast %broadcast_in_dim3A_772 : vector<16x1xi32> to vector<16xi32>
      %gather3A_774 = tpu.dynamic_gather %select_n3A_760[%gather3A_773] in [0] : vector<16xf32>, vector<16xi32> -> vector<16xf32>
      %lt3A_775 = arith.constant 0 : i32
      %lt3A_776 = vector.broadcast %lt3A_775 : i32 to vector<16xi32>
      %lt3A_777 = arith.cmpi slt, %xor3A_764, %lt3A_776 : vector<16xi32>
      %add3A_778 = arith.constant 16 : i32
      %add3A_779 = vector.broadcast %add3A_778 : i32 to vector<16xi32>
      %add3A_780 = arith.addi %xor3A_764, %add3A_779 : vector<16xi32>
      %select_n3A_781 = arith.select %lt3A_777, %add3A_780, %xor3A_764 : vector<16xi1>, vector<16xi32>
      %broadcast_in_dim3A_782 = vector.shape_cast %select_n3A_781 : vector<16xi32> to vector<16x1xi32>
      %gather3A_783 = vector.shape_cast %broadcast_in_dim3A_782 : vector<16x1xi32> to vector<16xi32>
      %gather3A_784 = tpu.dynamic_gather %select_n3A_761[%gather3A_783] in [0] : vector<16xi32>, vector<16xi32> -> vector<16xi32>
      %gt3A_785 = arith.cmpf ogt, %gather3A_774, %select_n3A_760 : vector<16xf32>
      %eq3A_786 = arith.cmpf oeq, %gather3A_774, %select_n3A_760 : vector<16xf32>
      %lt3A_787 = arith.cmpi slt, %gather3A_784, %select_n3A_761 : vector<16xi32>
      %and3A_788 = arith.andi %eq3A_786, %lt3A_787 : vector<16xi1>
      %or3A_789 = arith.ori %gt3A_785, %and3A_788 : vector<16xi1>
      %select_n3A_790 = arith.select %or3A_789, %gather3A_774, %select_n3A_760 : vector<16xi1>, vector<16xf32>
      %select_n3A_791 = arith.select %or3A_789, %gather3A_784, %select_n3A_761 : vector<16xi1>, vector<16xi32>
      %xor3A_792 = arith.constant 1 : i32
      %xor3A_793 = vector.broadcast %xor3A_792 : i32 to vector<16xi32>
      %xor3A_794 = arith.xori %iota3A, %xor3A_793 : vector<16xi32>
      %lt3A_795 = arith.constant 0 : i32
      %lt3A_796 = vector.broadcast %lt3A_795 : i32 to vector<16xi32>
      %lt3A_797 = arith.cmpi slt, %xor3A_794, %lt3A_796 : vector<16xi32>
      %add3A_798 = arith.constant 16 : i32
      %add3A_799 = vector.broadcast %add3A_798 : i32 to vector<16xi32>
      %add3A_800 = arith.addi %xor3A_794, %add3A_799 : vector<16xi32>
      %select_n3A_801 = arith.select %lt3A_797, %add3A_800, %xor3A_794 : vector<16xi1>, vector<16xi32>
      %broadcast_in_dim3A_802 = vector.shape_cast %select_n3A_801 : vector<16xi32> to vector<16x1xi32>
      %gather3A_803 = vector.shape_cast %broadcast_in_dim3A_802 : vector<16x1xi32> to vector<16xi32>
      %gather3A_804 = tpu.dynamic_gather %select_n3A_790[%gather3A_803] in [0] : vector<16xf32>, vector<16xi32> -> vector<16xf32>
      %lt3A_805 = arith.constant 0 : i32
      %lt3A_806 = vector.broadcast %lt3A_805 : i32 to vector<16xi32>
      %lt3A_807 = arith.cmpi slt, %xor3A_794, %lt3A_806 : vector<16xi32>
      %add3A_808 = arith.constant 16 : i32
      %add3A_809 = vector.broadcast %add3A_808 : i32 to vector<16xi32>
      %add3A_810 = arith.addi %xor3A_794, %add3A_809 : vector<16xi32>
      %select_n3A_811 = arith.select %lt3A_807, %add3A_810, %xor3A_794 : vector<16xi1>, vector<16xi32>
      %broadcast_in_dim3A_812 = vector.shape_cast %select_n3A_811 : vector<16xi32> to vector<16x1xi32>
      %gather3A_813 = vector.shape_cast %broadcast_in_dim3A_812 : vector<16x1xi32> to vector<16xi32>
      %gather3A_814 = tpu.dynamic_gather %select_n3A_791[%gather3A_813] in [0] : vector<16xi32>, vector<16xi32> -> vector<16xi32>
      %gt3A_815 = arith.cmpf ogt, %gather3A_804, %select_n3A_790 : vector<16xf32>
      %eq3A_816 = arith.cmpf oeq, %gather3A_804, %select_n3A_790 : vector<16xf32>
      %lt3A_817 = arith.cmpi slt, %gather3A_814, %select_n3A_791 : vector<16xi32>
      %and3A_818 = arith.andi %eq3A_816, %lt3A_817 : vector<16xi1>
      %or3A_819 = arith.ori %gt3A_815, %and3A_818 : vector<16xi1>
      %select_n3A_820 = arith.select %or3A_819, %gather3A_804, %select_n3A_790 : vector<16xi1>, vector<16xf32>
      %select_n3A_821 = arith.select %or3A_819, %gather3A_814, %select_n3A_791 : vector<16xi1>, vector<16xi32>
      %eq3A_822 = arith.constant 5 : i32
      %eq3A_823 = vector.broadcast %eq3A_822 : i32 to vector<16xi32>
      %eq3A_824 = arith.cmpi eq, %iota3A, %eq3A_823 : vector<16xi32>
      %select_n3A_825 = arith.select %eq3A_824, %select_n3A_820, %select_n3A_687 : vector<16xi1>, vector<16xf32>
      %eq3A_826 = arith.constant 5 : i32
      %eq3A_827 = vector.broadcast %eq3A_826 : i32 to vector<16xi32>
      %eq3A_828 = arith.cmpi eq, %iota3A, %eq3A_827 : vector<16xi32>
      %select_n3A_829 = arith.select %eq3A_828, %select_n3A_821, %select_n3A_691 : vector<16xi1>, vector<16xi32>
      %broadcast_in_dim3A_830 = arith.constant -1.000000e+00 : f32
      %broadcast_in_dim3A_831 = vector.broadcast %broadcast_in_dim3A_830 : f32 to vector<16xf32>
      %broadcast_in_dim3A_832 = arith.constant 1073741824 : i32
      %broadcast_in_dim3A_833 = vector.broadcast %broadcast_in_dim3A_832 : i32 to vector<16xi32>
      %scan3A_834 = arith.constant 0 : i32
      %scan3A_835 = arith.constant 64 : i32
      %scan3A_836 = arith.addi %scan3A_834, %scan3A_835 : i32
      %scan3A_837 = arith.constant 1 : i32
      %scan3A_838:2 = scf.for %scan3A_2673 = %scan3A_834 to %scan3A_836 step %scan3A_837 iter_args(%scan3A_2674 = %broadcast_in_dim3A_831, %scan3A_2675 = %broadcast_in_dim3A_833) -> (vector<16xf32>, vector<16xi32>)  : i32 {
        %mul3A_2676 = arith.constant 16 : i32
        %mul3A_2677 = arith.muli %scan3A_2673, %mul3A_2676 : i32
        %get3A = arith.index_cast %mul3A_2677 : i32 to index
        %get3A_2678 = tpu.vector_load %arg6[%get3A] {strides = array<i32>} : memref<1024xf32, #tpu.memory_space<vmem>>, vector<16xf32>,
        %get3A_2679 = vector.shape_cast %get3A_2678 : vector<16xf32> to vector<16xf32>
        %mul3A_2680 = arith.constant 16 : i32
        %mul3A_2681 = arith.muli %scan3A_2673, %mul3A_2680 : i32
        %add3A_2682 = vector.broadcast %mul3A_2681 : i32 to vector<16xi32>
        %add3A_2683 = arith.addi %add3A_2682, %iota3A : vector<16xi32>
        %lt3A_2684 = arith.cmpf olt, %get3A_2679, %select_n3A_820 : vector<16xf32>
        %eq3A_2685 = arith.cmpf oeq, %get3A_2679, %select_n3A_820 : vector<16xf32>
        %gt3A_2686 = arith.cmpi sgt, %add3A_2683, %select_n3A_821 : vector<16xi32>
        %and3A_2687 = arith.andi %eq3A_2685, %gt3A_2686 : vector<16xi1>
        %or3A_2688 = arith.ori %lt3A_2684, %and3A_2687 : vector<16xi1>
        %gt3A_2689 = arith.cmpf ogt, %get3A_2679, %scan3A_2674 : vector<16xf32>
        %eq3A_2690 = arith.cmpf oeq, %get3A_2679, %scan3A_2674 : vector<16xf32>
        %lt3A_2691 = arith.cmpi slt, %add3A_2683, %scan3A_2675 : vector<16xi32>
        %and3A_2692 = arith.andi %eq3A_2690, %lt3A_2691 : vector<16xi1>
        %or3A_2693 = arith.ori %gt3A_2689, %and3A_2692 : vector<16xi1>
        %and3A_2694 = arith.andi %or3A_2688, %or3A_2693 : vector<16xi1>
        %select_n3A_2695 = arith.select %and3A_2694, %get3A_2679, %scan3A_2674 : vector<16xi1>, vector<16xf32>
        %select_n3A_2696 = arith.select %and3A_2694, %add3A_2683, %scan3A_2675 : vector<16xi1>, vector<16xi32>
        scf.yield %select_n3A_2695, %select_n3A_2696 : vector<16xf32>, vector<16xi32>
      }
      %scan3A_839 = arith.constant 64 : i32
      %xor3A_840 = arith.constant 8 : i32
      %xor3A_841 = vector.broadcast %xor3A_840 : i32 to vector<16xi32>
      %xor3A_842 = arith.xori %iota3A, %xor3A_841 : vector<16xi32>
      %lt3A_843 = arith.constant 0 : i32
      %lt3A_844 = vector.broadcast %lt3A_843 : i32 to vector<16xi32>
      %lt3A_845 = arith.cmpi slt, %xor3A_842, %lt3A_844 : vector<16xi32>
      %add3A_846 = arith.constant 16 : i32
      %add3A_847 = vector.broadcast %add3A_846 : i32 to vector<16xi32>
      %add3A_848 = arith.addi %xor3A_842, %add3A_847 : vector<16xi32>
      %select_n3A_849 = arith.select %lt3A_845, %add3A_848, %xor3A_842 : vector<16xi1>, vector<16xi32>
      %broadcast_in_dim3A_850 = vector.shape_cast %select_n3A_849 : vector<16xi32> to vector<16x1xi32>
      %gather3A_851 = vector.shape_cast %broadcast_in_dim3A_850 : vector<16x1xi32> to vector<16xi32>
      %gather3A_852 = tpu.dynamic_gather %scan3A_838#0[%gather3A_851] in [0] : vector<16xf32>, vector<16xi32> -> vector<16xf32>
      %lt3A_853 = arith.constant 0 : i32
      %lt3A_854 = vector.broadcast %lt3A_853 : i32 to vector<16xi32>
      %lt3A_855 = arith.cmpi slt, %xor3A_842, %lt3A_854 : vector<16xi32>
      %add3A_856 = arith.constant 16 : i32
      %add3A_857 = vector.broadcast %add3A_856 : i32 to vector<16xi32>
      %add3A_858 = arith.addi %xor3A_842, %add3A_857 : vector<16xi32>
      %select_n3A_859 = arith.select %lt3A_855, %add3A_858, %xor3A_842 : vector<16xi1>, vector<16xi32>
      %broadcast_in_dim3A_860 = vector.shape_cast %select_n3A_859 : vector<16xi32> to vector<16x1xi32>
      %gather3A_861 = vector.shape_cast %broadcast_in_dim3A_860 : vector<16x1xi32> to vector<16xi32>
      %gather3A_862 = tpu.dynamic_gather %scan3A_838#1[%gather3A_861] in [0] : vector<16xi32>, vector<16xi32> -> vector<16xi32>
      %gt3A_863 = arith.cmpf ogt, %gather3A_852, %scan3A_838#0 : vector<16xf32>
      %eq3A_864 = arith.cmpf oeq, %gather3A_852, %scan3A_838#0 : vector<16xf32>
      %lt3A_865 = arith.cmpi slt, %gather3A_862, %scan3A_838#1 : vector<16xi32>
      %and3A_866 = arith.andi %eq3A_864, %lt3A_865 : vector<16xi1>
      %or3A_867 = arith.ori %gt3A_863, %and3A_866 : vector<16xi1>
      %select_n3A_868 = arith.select %or3A_867, %gather3A_852, %scan3A_838#0 : vector<16xi1>, vector<16xf32>
      %select_n3A_869 = arith.select %or3A_867, %gather3A_862, %scan3A_838#1 : vector<16xi1>, vector<16xi32>
      %xor3A_870 = arith.constant 4 : i32
      %xor3A_871 = vector.broadcast %xor3A_870 : i32 to vector<16xi32>
      %xor3A_872 = arith.xori %iota3A, %xor3A_871 : vector<16xi32>
      %lt3A_873 = arith.constant 0 : i32
      %lt3A_874 = vector.broadcast %lt3A_873 : i32 to vector<16xi32>
      %lt3A_875 = arith.cmpi slt, %xor3A_872, %lt3A_874 : vector<16xi32>
      %add3A_876 = arith.constant 16 : i32
      %add3A_877 = vector.broadcast %add3A_876 : i32 to vector<16xi32>
      %add3A_878 = arith.addi %xor3A_872, %add3A_877 : vector<16xi32>
      %select_n3A_879 = arith.select %lt3A_875, %add3A_878, %xor3A_872 : vector<16xi1>, vector<16xi32>
      %broadcast_in_dim3A_880 = vector.shape_cast %select_n3A_879 : vector<16xi32> to vector<16x1xi32>
      %gather3A_881 = vector.shape_cast %broadcast_in_dim3A_880 : vector<16x1xi32> to vector<16xi32>
      %gather3A_882 = tpu.dynamic_gather %select_n3A_868[%gather3A_881] in [0] : vector<16xf32>, vector<16xi32> -> vector<16xf32>
      %lt3A_883 = arith.constant 0 : i32
      %lt3A_884 = vector.broadcast %lt3A_883 : i32 to vector<16xi32>
      %lt3A_885 = arith.cmpi slt, %xor3A_872, %lt3A_884 : vector<16xi32>
      %add3A_886 = arith.constant 16 : i32
      %add3A_887 = vector.broadcast %add3A_886 : i32 to vector<16xi32>
      %add3A_888 = arith.addi %xor3A_872, %add3A_887 : vector<16xi32>
      %select_n3A_889 = arith.select %lt3A_885, %add3A_888, %xor3A_872 : vector<16xi1>, vector<16xi32>
      %broadcast_in_dim3A_890 = vector.shape_cast %select_n3A_889 : vector<16xi32> to vector<16x1xi32>
      %gather3A_891 = vector.shape_cast %broadcast_in_dim3A_890 : vector<16x1xi32> to vector<16xi32>
      %gather3A_892 = tpu.dynamic_gather %select_n3A_869[%gather3A_891] in [0] : vector<16xi32>, vector<16xi32> -> vector<16xi32>
      %gt3A_893 = arith.cmpf ogt, %gather3A_882, %select_n3A_868 : vector<16xf32>
      %eq3A_894 = arith.cmpf oeq, %gather3A_882, %select_n3A_868 : vector<16xf32>
      %lt3A_895 = arith.cmpi slt, %gather3A_892, %select_n3A_869 : vector<16xi32>
      %and3A_896 = arith.andi %eq3A_894, %lt3A_895 : vector<16xi1>
      %or3A_897 = arith.ori %gt3A_893, %and3A_896 : vector<16xi1>
      %select_n3A_898 = arith.select %or3A_897, %gather3A_882, %select_n3A_868 : vector<16xi1>, vector<16xf32>
      %select_n3A_899 = arith.select %or3A_897, %gather3A_892, %select_n3A_869 : vector<16xi1>, vector<16xi32>
      %xor3A_900 = arith.constant 2 : i32
      %xor3A_901 = vector.broadcast %xor3A_900 : i32 to vector<16xi32>
      %xor3A_902 = arith.xori %iota3A, %xor3A_901 : vector<16xi32>
      %lt3A_903 = arith.constant 0 : i32
      %lt3A_904 = vector.broadcast %lt3A_903 : i32 to vector<16xi32>
      %lt3A_905 = arith.cmpi slt, %xor3A_902, %lt3A_904 : vector<16xi32>
      %add3A_906 = arith.constant 16 : i32
      %add3A_907 = vector.broadcast %add3A_906 : i32 to vector<16xi32>
      %add3A_908 = arith.addi %xor3A_902, %add3A_907 : vector<16xi32>
      %select_n3A_909 = arith.select %lt3A_905, %add3A_908, %xor3A_902 : vector<16xi1>, vector<16xi32>
      %broadcast_in_dim3A_910 = vector.shape_cast %select_n3A_909 : vector<16xi32> to vector<16x1xi32>
      %gather3A_911 = vector.shape_cast %broadcast_in_dim3A_910 : vector<16x1xi32> to vector<16xi32>
      %gather3A_912 = tpu.dynamic_gather %select_n3A_898[%gather3A_911] in [0] : vector<16xf32>, vector<16xi32> -> vector<16xf32>
      %lt3A_913 = arith.constant 0 : i32
      %lt3A_914 = vector.broadcast %lt3A_913 : i32 to vector<16xi32>
      %lt3A_915 = arith.cmpi slt, %xor3A_902, %lt3A_914 : vector<16xi32>
      %add3A_916 = arith.constant 16 : i32
      %add3A_917 = vector.broadcast %add3A_916 : i32 to vector<16xi32>
      %add3A_918 = arith.addi %xor3A_902, %add3A_917 : vector<16xi32>
      %select_n3A_919 = arith.select %lt3A_915, %add3A_918, %xor3A_902 : vector<16xi1>, vector<16xi32>
      %broadcast_in_dim3A_920 = vector.shape_cast %select_n3A_919 : vector<16xi32> to vector<16x1xi32>
      %gather3A_921 = vector.shape_cast %broadcast_in_dim3A_920 : vector<16x1xi32> to vector<16xi32>
      %gather3A_922 = tpu.dynamic_gather %select_n3A_899[%gather3A_921] in [0] : vector<16xi32>, vector<16xi32> -> vector<16xi32>
      %gt3A_923 = arith.cmpf ogt, %gather3A_912, %select_n3A_898 : vector<16xf32>
      %eq3A_924 = arith.cmpf oeq, %gather3A_912, %select_n3A_898 : vector<16xf32>
      %lt3A_925 = arith.cmpi slt, %gather3A_922, %select_n3A_899 : vector<16xi32>
      %and3A_926 = arith.andi %eq3A_924, %lt3A_925 : vector<16xi1>
      %or3A_927 = arith.ori %gt3A_923, %and3A_926 : vector<16xi1>
      %select_n3A_928 = arith.select %or3A_927, %gather3A_912, %select_n3A_898 : vector<16xi1>, vector<16xf32>
      %select_n3A_929 = arith.select %or3A_927, %gather3A_922, %select_n3A_899 : vector<16xi1>, vector<16xi32>
      %xor3A_930 = arith.constant 1 : i32
      %xor3A_931 = vector.broadcast %xor3A_930 : i32 to vector<16xi32>
      %xor3A_932 = arith.xori %iota3A, %xor3A_931 : vector<16xi32>
      %lt3A_933 = arith.constant 0 : i32
      %lt3A_934 = vector.broadcast %lt3A_933 : i32 to vector<16xi32>
      %lt3A_935 = arith.cmpi slt, %xor3A_932, %lt3A_934 : vector<16xi32>
      %add3A_936 = arith.constant 16 : i32
      %add3A_937 = vector.broadcast %add3A_936 : i32 to vector<16xi32>
      %add3A_938 = arith.addi %xor3A_932, %add3A_937 : vector<16xi32>
      %select_n3A_939 = arith.select %lt3A_935, %add3A_938, %xor3A_932 : vector<16xi1>, vector<16xi32>
      %broadcast_in_dim3A_940 = vector.shape_cast %select_n3A_939 : vector<16xi32> to vector<16x1xi32>
      %gather3A_941 = vector.shape_cast %broadcast_in_dim3A_940 : vector<16x1xi32> to vector<16xi32>
      %gather3A_942 = tpu.dynamic_gather %select_n3A_928[%gather3A_941] in [0] : vector<16xf32>, vector<16xi32> -> vector<16xf32>
      %lt3A_943 = arith.constant 0 : i32
      %lt3A_944 = vector.broadcast %lt3A_943 : i32 to vector<16xi32>
      %lt3A_945 = arith.cmpi slt, %xor3A_932, %lt3A_944 : vector<16xi32>
      %add3A_946 = arith.constant 16 : i32
      %add3A_947 = vector.broadcast %add3A_946 : i32 to vector<16xi32>
      %add3A_948 = arith.addi %xor3A_932, %add3A_947 : vector<16xi32>
      %select_n3A_949 = arith.select %lt3A_945, %add3A_948, %xor3A_932 : vector<16xi1>, vector<16xi32>
      %broadcast_in_dim3A_950 = vector.shape_cast %select_n3A_949 : vector<16xi32> to vector<16x1xi32>
      %gather3A_951 = vector.shape_cast %broadcast_in_dim3A_950 : vector<16x1xi32> to vector<16xi32>
      %gather3A_952 = tpu.dynamic_gather %select_n3A_929[%gather3A_951] in [0] : vector<16xi32>, vector<16xi32> -> vector<16xi32>
      %gt3A_953 = arith.cmpf ogt, %gather3A_942, %select_n3A_928 : vector<16xf32>
      %eq3A_954 = arith.cmpf oeq, %gather3A_942, %select_n3A_928 : vector<16xf32>
      %lt3A_955 = arith.cmpi slt, %gather3A_952, %select_n3A_929 : vector<16xi32>
      %and3A_956 = arith.andi %eq3A_954, %lt3A_955 : vector<16xi1>
      %or3A_957 = arith.ori %gt3A_953, %and3A_956 : vector<16xi1>
      %select_n3A_958 = arith.select %or3A_957, %gather3A_942, %select_n3A_928 : vector<16xi1>, vector<16xf32>
      %select_n3A_959 = arith.select %or3A_957, %gather3A_952, %select_n3A_929 : vector<16xi1>, vector<16xi32>
      %eq3A_960 = arith.constant 6 : i32
      %eq3A_961 = vector.broadcast %eq3A_960 : i32 to vector<16xi32>
      %eq3A_962 = arith.cmpi eq, %iota3A, %eq3A_961 : vector<16xi32>
      %select_n3A_963 = arith.select %eq3A_962, %select_n3A_958, %select_n3A_825 : vector<16xi1>, vector<16xf32>
      %eq3A_964 = arith.constant 6 : i32
      %eq3A_965 = vector.broadcast %eq3A_964 : i32 to vector<16xi32>
      %eq3A_966 = arith.cmpi eq, %iota3A, %eq3A_965 : vector<16xi32>
      %select_n3A_967 = arith.select %eq3A_966, %select_n3A_959, %select_n3A_829 : vector<16xi1>, vector<16xi32>
      %broadcast_in_dim3A_968 = arith.constant -1.000000e+00 : f32
      %broadcast_in_dim3A_969 = vector.broadcast %broadcast_in_dim3A_968 : f32 to vector<16xf32>
      %broadcast_in_dim3A_970 = arith.constant 1073741824 : i32
      %broadcast_in_dim3A_971 = vector.broadcast %broadcast_in_dim3A_970 : i32 to vector<16xi32>
      %scan3A_972 = arith.constant 0 : i32
      %scan3A_973 = arith.constant 64 : i32
      %scan3A_974 = arith.addi %scan3A_972, %scan3A_973 : i32
      %scan3A_975 = arith.constant 1 : i32
      %scan3A_976:2 = scf.for %scan3A_2673 = %scan3A_972 to %scan3A_974 step %scan3A_975 iter_args(%scan3A_2674 = %broadcast_in_dim3A_969, %scan3A_2675 = %broadcast_in_dim3A_971) -> (vector<16xf32>, vector<16xi32>)  : i32 {
        %mul3A_2676 = arith.constant 16 : i32
        %mul3A_2677 = arith.muli %scan3A_2673, %mul3A_2676 : i32
        %get3A = arith.index_cast %mul3A_2677 : i32 to index
        %get3A_2678 = tpu.vector_load %arg6[%get3A] {strides = array<i32>} : memref<1024xf32, #tpu.memory_space<vmem>>, vector<16xf32>,
        %get3A_2679 = vector.shape_cast %get3A_2678 : vector<16xf32> to vector<16xf32>
        %mul3A_2680 = arith.constant 16 : i32
        %mul3A_2681 = arith.muli %scan3A_2673, %mul3A_2680 : i32
        %add3A_2682 = vector.broadcast %mul3A_2681 : i32 to vector<16xi32>
        %add3A_2683 = arith.addi %add3A_2682, %iota3A : vector<16xi32>
        %lt3A_2684 = arith.cmpf olt, %get3A_2679, %select_n3A_958 : vector<16xf32>
        %eq3A_2685 = arith.cmpf oeq, %get3A_2679, %select_n3A_958 : vector<16xf32>
        %gt3A_2686 = arith.cmpi sgt, %add3A_2683, %select_n3A_959 : vector<16xi32>
        %and3A_2687 = arith.andi %eq3A_2685, %gt3A_2686 : vector<16xi1>
        %or3A_2688 = arith.ori %lt3A_2684, %and3A_2687 : vector<16xi1>
        %gt3A_2689 = arith.cmpf ogt, %get3A_2679, %scan3A_2674 : vector<16xf32>
        %eq3A_2690 = arith.cmpf oeq, %get3A_2679, %scan3A_2674 : vector<16xf32>
        %lt3A_2691 = arith.cmpi slt, %add3A_2683, %scan3A_2675 : vector<16xi32>
        %and3A_2692 = arith.andi %eq3A_2690, %lt3A_2691 : vector<16xi1>
        %or3A_2693 = arith.ori %gt3A_2689, %and3A_2692 : vector<16xi1>
        %and3A_2694 = arith.andi %or3A_2688, %or3A_2693 : vector<16xi1>
        %select_n3A_2695 = arith.select %and3A_2694, %get3A_2679, %scan3A_2674 : vector<16xi1>, vector<16xf32>
        %select_n3A_2696 = arith.select %and3A_2694, %add3A_2683, %scan3A_2675 : vector<16xi1>, vector<16xi32>
        scf.yield %select_n3A_2695, %select_n3A_2696 : vector<16xf32>, vector<16xi32>
      }
      %scan3A_977 = arith.constant 64 : i32
      %xor3A_978 = arith.constant 8 : i32
      %xor3A_979 = vector.broadcast %xor3A_978 : i32 to vector<16xi32>
      %xor3A_980 = arith.xori %iota3A, %xor3A_979 : vector<16xi32>
      %lt3A_981 = arith.constant 0 : i32
      %lt3A_982 = vector.broadcast %lt3A_981 : i32 to vector<16xi32>
      %lt3A_983 = arith.cmpi slt, %xor3A_980, %lt3A_982 : vector<16xi32>
      %add3A_984 = arith.constant 16 : i32
      %add3A_985 = vector.broadcast %add3A_984 : i32 to vector<16xi32>
      %add3A_986 = arith.addi %xor3A_980, %add3A_985 : vector<16xi32>
      %select_n3A_987 = arith.select %lt3A_983, %add3A_986, %xor3A_980 : vector<16xi1>, vector<16xi32>
      %broadcast_in_dim3A_988 = vector.shape_cast %select_n3A_987 : vector<16xi32> to vector<16x1xi32>
      %gather3A_989 = vector.shape_cast %broadcast_in_dim3A_988 : vector<16x1xi32> to vector<16xi32>
      %gather3A_990 = tpu.dynamic_gather %scan3A_976#0[%gather3A_989] in [0] : vector<16xf32>, vector<16xi32> -> vector<16xf32>
      %lt3A_991 = arith.constant 0 : i32
      %lt3A_992 = vector.broadcast %lt3A_991 : i32 to vector<16xi32>
      %lt3A_993 = arith.cmpi slt, %xor3A_980, %lt3A_992 : vector<16xi32>
      %add3A_994 = arith.constant 16 : i32
      %add3A_995 = vector.broadcast %add3A_994 : i32 to vector<16xi32>
      %add3A_996 = arith.addi %xor3A_980, %add3A_995 : vector<16xi32>
      %select_n3A_997 = arith.select %lt3A_993, %add3A_996, %xor3A_980 : vector<16xi1>, vector<16xi32>
      %broadcast_in_dim3A_998 = vector.shape_cast %select_n3A_997 : vector<16xi32> to vector<16x1xi32>
      %gather3A_999 = vector.shape_cast %broadcast_in_dim3A_998 : vector<16x1xi32> to vector<16xi32>
      %gather3A_1000 = tpu.dynamic_gather %scan3A_976#1[%gather3A_999] in [0] : vector<16xi32>, vector<16xi32> -> vector<16xi32>
      %gt3A_1001 = arith.cmpf ogt, %gather3A_990, %scan3A_976#0 : vector<16xf32>
      %eq3A_1002 = arith.cmpf oeq, %gather3A_990, %scan3A_976#0 : vector<16xf32>
      %lt3A_1003 = arith.cmpi slt, %gather3A_1000, %scan3A_976#1 : vector<16xi32>
      %and3A_1004 = arith.andi %eq3A_1002, %lt3A_1003 : vector<16xi1>
      %or3A_1005 = arith.ori %gt3A_1001, %and3A_1004 : vector<16xi1>
      %select_n3A_1006 = arith.select %or3A_1005, %gather3A_990, %scan3A_976#0 : vector<16xi1>, vector<16xf32>
      %select_n3A_1007 = arith.select %or3A_1005, %gather3A_1000, %scan3A_976#1 : vector<16xi1>, vector<16xi32>
      %xor3A_1008 = arith.constant 4 : i32
      %xor3A_1009 = vector.broadcast %xor3A_1008 : i32 to vector<16xi32>
      %xor3A_1010 = arith.xori %iota3A, %xor3A_1009 : vector<16xi32>
      %lt3A_1011 = arith.constant 0 : i32
      %lt3A_1012 = vector.broadcast %lt3A_1011 : i32 to vector<16xi32>
      %lt3A_1013 = arith.cmpi slt, %xor3A_1010, %lt3A_1012 : vector<16xi32>
      %add3A_1014 = arith.constant 16 : i32
      %add3A_1015 = vector.broadcast %add3A_1014 : i32 to vector<16xi32>
      %add3A_1016 = arith.addi %xor3A_1010, %add3A_1015 : vector<16xi32>
      %select_n3A_1017 = arith.select %lt3A_1013, %add3A_1016, %xor3A_1010 : vector<16xi1>, vector<16xi32>
      %broadcast_in_dim3A_1018 = vector.shape_cast %select_n3A_1017 : vector<16xi32> to vector<16x1xi32>
      %gather3A_1019 = vector.shape_cast %broadcast_in_dim3A_1018 : vector<16x1xi32> to vector<16xi32>
      %gather3A_1020 = tpu.dynamic_gather %select_n3A_1006[%gather3A_1019] in [0] : vector<16xf32>, vector<16xi32> -> vector<16xf32>
      %lt3A_1021 = arith.constant 0 : i32
      %lt3A_1022 = vector.broadcast %lt3A_1021 : i32 to vector<16xi32>
      %lt3A_1023 = arith.cmpi slt, %xor3A_1010, %lt3A_1022 : vector<16xi32>
      %add3A_1024 = arith.constant 16 : i32
      %add3A_1025 = vector.broadcast %add3A_1024 : i32 to vector<16xi32>
      %add3A_1026 = arith.addi %xor3A_1010, %add3A_1025 : vector<16xi32>
      %select_n3A_1027 = arith.select %lt3A_1023, %add3A_1026, %xor3A_1010 : vector<16xi1>, vector<16xi32>
      %broadcast_in_dim3A_1028 = vector.shape_cast %select_n3A_1027 : vector<16xi32> to vector<16x1xi32>
      %gather3A_1029 = vector.shape_cast %broadcast_in_dim3A_1028 : vector<16x1xi32> to vector<16xi32>
      %gather3A_1030 = tpu.dynamic_gather %select_n3A_1007[%gather3A_1029] in [0] : vector<16xi32>, vector<16xi32> -> vector<16xi32>
      %gt3A_1031 = arith.cmpf ogt, %gather3A_1020, %select_n3A_1006 : vector<16xf32>
      %eq3A_1032 = arith.cmpf oeq, %gather3A_1020, %select_n3A_1006 : vector<16xf32>
      %lt3A_1033 = arith.cmpi slt, %gather3A_1030, %select_n3A_1007 : vector<16xi32>
      %and3A_1034 = arith.andi %eq3A_1032, %lt3A_1033 : vector<16xi1>
      %or3A_1035 = arith.ori %gt3A_1031, %and3A_1034 : vector<16xi1>
      %select_n3A_1036 = arith.select %or3A_1035, %gather3A_1020, %select_n3A_1006 : vector<16xi1>, vector<16xf32>
      %select_n3A_1037 = arith.select %or3A_1035, %gather3A_1030, %select_n3A_1007 : vector<16xi1>, vector<16xi32>
      %xor3A_1038 = arith.constant 2 : i32
      %xor3A_1039 = vector.broadcast %xor3A_1038 : i32 to vector<16xi32>
      %xor3A_1040 = arith.xori %iota3A, %xor3A_1039 : vector<16xi32>
      %lt3A_1041 = arith.constant 0 : i32
      %lt3A_1042 = vector.broadcast %lt3A_1041 : i32 to vector<16xi32>
      %lt3A_1043 = arith.cmpi slt, %xor3A_1040, %lt3A_1042 : vector<16xi32>
      %add3A_1044 = arith.constant 16 : i32
      %add3A_1045 = vector.broadcast %add3A_1044 : i32 to vector<16xi32>
      %add3A_1046 = arith.addi %xor3A_1040, %add3A_1045 : vector<16xi32>
      %select_n3A_1047 = arith.select %lt3A_1043, %add3A_1046, %xor3A_1040 : vector<16xi1>, vector<16xi32>
      %broadcast_in_dim3A_1048 = vector.shape_cast %select_n3A_1047 : vector<16xi32> to vector<16x1xi32>
      %gather3A_1049 = vector.shape_cast %broadcast_in_dim3A_1048 : vector<16x1xi32> to vector<16xi32>
      %gather3A_1050 = tpu.dynamic_gather %select_n3A_1036[%gather3A_1049] in [0] : vector<16xf32>, vector<16xi32> -> vector<16xf32>
      %lt3A_1051 = arith.constant 0 : i32
      %lt3A_1052 = vector.broadcast %lt3A_1051 : i32 to vector<16xi32>
      %lt3A_1053 = arith.cmpi slt, %xor3A_1040, %lt3A_1052 : vector<16xi32>
      %add3A_1054 = arith.constant 16 : i32
      %add3A_1055 = vector.broadcast %add3A_1054 : i32 to vector<16xi32>
      %add3A_1056 = arith.addi %xor3A_1040, %add3A_1055 : vector<16xi32>
      %select_n3A_1057 = arith.select %lt3A_1053, %add3A_1056, %xor3A_1040 : vector<16xi1>, vector<16xi32>
      %broadcast_in_dim3A_1058 = vector.shape_cast %select_n3A_1057 : vector<16xi32> to vector<16x1xi32>
      %gather3A_1059 = vector.shape_cast %broadcast_in_dim3A_1058 : vector<16x1xi32> to vector<16xi32>
      %gather3A_1060 = tpu.dynamic_gather %select_n3A_1037[%gather3A_1059] in [0] : vector<16xi32>, vector<16xi32> -> vector<16xi32>
      %gt3A_1061 = arith.cmpf ogt, %gather3A_1050, %select_n3A_1036 : vector<16xf32>
      %eq3A_1062 = arith.cmpf oeq, %gather3A_1050, %select_n3A_1036 : vector<16xf32>
      %lt3A_1063 = arith.cmpi slt, %gather3A_1060, %select_n3A_1037 : vector<16xi32>
      %and3A_1064 = arith.andi %eq3A_1062, %lt3A_1063 : vector<16xi1>
      %or3A_1065 = arith.ori %gt3A_1061, %and3A_1064 : vector<16xi1>
      %select_n3A_1066 = arith.select %or3A_1065, %gather3A_1050, %select_n3A_1036 : vector<16xi1>, vector<16xf32>
      %select_n3A_1067 = arith.select %or3A_1065, %gather3A_1060, %select_n3A_1037 : vector<16xi1>, vector<16xi32>
      %xor3A_1068 = arith.constant 1 : i32
      %xor3A_1069 = vector.broadcast %xor3A_1068 : i32 to vector<16xi32>
      %xor3A_1070 = arith.xori %iota3A, %xor3A_1069 : vector<16xi32>
      %lt3A_1071 = arith.constant 0 : i32
      %lt3A_1072 = vector.broadcast %lt3A_1071 : i32 to vector<16xi32>
      %lt3A_1073 = arith.cmpi slt, %xor3A_1070, %lt3A_1072 : vector<16xi32>
      %add3A_1074 = arith.constant 16 : i32
      %add3A_1075 = vector.broadcast %add3A_1074 : i32 to vector<16xi32>
      %add3A_1076 = arith.addi %xor3A_1070, %add3A_1075 : vector<16xi32>
      %select_n3A_1077 = arith.select %lt3A_1073, %add3A_1076, %xor3A_1070 : vector<16xi1>, vector<16xi32>
      %broadcast_in_dim3A_1078 = vector.shape_cast %select_n3A_1077 : vector<16xi32> to vector<16x1xi32>
      %gather3A_1079 = vector.shape_cast %broadcast_in_dim3A_1078 : vector<16x1xi32> to vector<16xi32>
      %gather3A_1080 = tpu.dynamic_gather %select_n3A_1066[%gather3A_1079] in [0] : vector<16xf32>, vector<16xi32> -> vector<16xf32>
      %lt3A_1081 = arith.constant 0 : i32
      %lt3A_1082 = vector.broadcast %lt3A_1081 : i32 to vector<16xi32>
      %lt3A_1083 = arith.cmpi slt, %xor3A_1070, %lt3A_1082 : vector<16xi32>
      %add3A_1084 = arith.constant 16 : i32
      %add3A_1085 = vector.broadcast %add3A_1084 : i32 to vector<16xi32>
      %add3A_1086 = arith.addi %xor3A_1070, %add3A_1085 : vector<16xi32>
      %select_n3A_1087 = arith.select %lt3A_1083, %add3A_1086, %xor3A_1070 : vector<16xi1>, vector<16xi32>
      %broadcast_in_dim3A_1088 = vector.shape_cast %select_n3A_1087 : vector<16xi32> to vector<16x1xi32>
      %gather3A_1089 = vector.shape_cast %broadcast_in_dim3A_1088 : vector<16x1xi32> to vector<16xi32>
      %gather3A_1090 = tpu.dynamic_gather %select_n3A_1067[%gather3A_1089] in [0] : vector<16xi32>, vector<16xi32> -> vector<16xi32>
      %gt3A_1091 = arith.cmpf ogt, %gather3A_1080, %select_n3A_1066 : vector<16xf32>
      %eq3A_1092 = arith.cmpf oeq, %gather3A_1080, %select_n3A_1066 : vector<16xf32>
      %lt3A_1093 = arith.cmpi slt, %gather3A_1090, %select_n3A_1067 : vector<16xi32>
      %and3A_1094 = arith.andi %eq3A_1092, %lt3A_1093 : vector<16xi1>
      %or3A_1095 = arith.ori %gt3A_1091, %and3A_1094 : vector<16xi1>
      %select_n3A_1096 = arith.select %or3A_1095, %gather3A_1080, %select_n3A_1066 : vector<16xi1>, vector<16xf32>
      %select_n3A_1097 = arith.select %or3A_1095, %gather3A_1090, %select_n3A_1067 : vector<16xi1>, vector<16xi32>
      %eq3A_1098 = arith.constant 7 : i32
      %eq3A_1099 = vector.broadcast %eq3A_1098 : i32 to vector<16xi32>
      %eq3A_1100 = arith.cmpi eq, %iota3A, %eq3A_1099 : vector<16xi32>
      %select_n3A_1101 = arith.select %eq3A_1100, %select_n3A_1096, %select_n3A_963 : vector<16xi1>, vector<16xf32>
      %eq3A_1102 = arith.constant 7 : i32
      %eq3A_1103 = vector.broadcast %eq3A_1102 : i32 to vector<16xi32>
      %eq3A_1104 = arith.cmpi eq, %iota3A, %eq3A_1103 : vector<16xi32>
      %select_n3A_1105 = arith.select %eq3A_1104, %select_n3A_1097, %select_n3A_967 : vector<16xi1>, vector<16xi32>
      %broadcast_in_dim3A_1106 = arith.constant -1.000000e+00 : f32
      %broadcast_in_dim3A_1107 = vector.broadcast %broadcast_in_dim3A_1106 : f32 to vector<16xf32>
      %broadcast_in_dim3A_1108 = arith.constant 1073741824 : i32
      %broadcast_in_dim3A_1109 = vector.broadcast %broadcast_in_dim3A_1108 : i32 to vector<16xi32>
      %scan3A_1110 = arith.constant 0 : i32
      %scan3A_1111 = arith.constant 64 : i32
      %scan3A_1112 = arith.addi %scan3A_1110, %scan3A_1111 : i32
      %scan3A_1113 = arith.constant 1 : i32
      %scan3A_1114:2 = scf.for %scan3A_2673 = %scan3A_1110 to %scan3A_1112 step %scan3A_1113 iter_args(%scan3A_2674 = %broadcast_in_dim3A_1107, %scan3A_2675 = %broadcast_in_dim3A_1109) -> (vector<16xf32>, vector<16xi32>)  : i32 {
        %mul3A_2676 = arith.constant 16 : i32
        %mul3A_2677 = arith.muli %scan3A_2673, %mul3A_2676 : i32
        %get3A = arith.index_cast %mul3A_2677 : i32 to index
        %get3A_2678 = tpu.vector_load %arg6[%get3A] {strides = array<i32>} : memref<1024xf32, #tpu.memory_space<vmem>>, vector<16xf32>,
        %get3A_2679 = vector.shape_cast %get3A_2678 : vector<16xf32> to vector<16xf32>
        %mul3A_2680 = arith.constant 16 : i32
        %mul3A_2681 = arith.muli %scan3A_2673, %mul3A_2680 : i32
        %add3A_2682 = vector.broadcast %mul3A_2681 : i32 to vector<16xi32>
        %add3A_2683 = arith.addi %add3A_2682, %iota3A : vector<16xi32>
        %lt3A_2684 = arith.cmpf olt, %get3A_2679, %select_n3A_1096 : vector<16xf32>
        %eq3A_2685 = arith.cmpf oeq, %get3A_2679, %select_n3A_1096 : vector<16xf32>
        %gt3A_2686 = arith.cmpi sgt, %add3A_2683, %select_n3A_1097 : vector<16xi32>
        %and3A_2687 = arith.andi %eq3A_2685, %gt3A_2686 : vector<16xi1>
        %or3A_2688 = arith.ori %lt3A_2684, %and3A_2687 : vector<16xi1>
        %gt3A_2689 = arith.cmpf ogt, %get3A_2679, %scan3A_2674 : vector<16xf32>
        %eq3A_2690 = arith.cmpf oeq, %get3A_2679, %scan3A_2674 : vector<16xf32>
        %lt3A_2691 = arith.cmpi slt, %add3A_2683, %scan3A_2675 : vector<16xi32>
        %and3A_2692 = arith.andi %eq3A_2690, %lt3A_2691 : vector<16xi1>
        %or3A_2693 = arith.ori %gt3A_2689, %and3A_2692 : vector<16xi1>
        %and3A_2694 = arith.andi %or3A_2688, %or3A_2693 : vector<16xi1>
        %select_n3A_2695 = arith.select %and3A_2694, %get3A_2679, %scan3A_2674 : vector<16xi1>, vector<16xf32>
        %select_n3A_2696 = arith.select %and3A_2694, %add3A_2683, %scan3A_2675 : vector<16xi1>, vector<16xi32>
        scf.yield %select_n3A_2695, %select_n3A_2696 : vector<16xf32>, vector<16xi32>
      }
      %scan3A_1115 = arith.constant 64 : i32
      %xor3A_1116 = arith.constant 8 : i32
      %xor3A_1117 = vector.broadcast %xor3A_1116 : i32 to vector<16xi32>
      %xor3A_1118 = arith.xori %iota3A, %xor3A_1117 : vector<16xi32>
      %lt3A_1119 = arith.constant 0 : i32
      %lt3A_1120 = vector.broadcast %lt3A_1119 : i32 to vector<16xi32>
      %lt3A_1121 = arith.cmpi slt, %xor3A_1118, %lt3A_1120 : vector<16xi32>
      %add3A_1122 = arith.constant 16 : i32
      %add3A_1123 = vector.broadcast %add3A_1122 : i32 to vector<16xi32>
      %add3A_1124 = arith.addi %xor3A_1118, %add3A_1123 : vector<16xi32>
      %select_n3A_1125 = arith.select %lt3A_1121, %add3A_1124, %xor3A_1118 : vector<16xi1>, vector<16xi32>
      %broadcast_in_dim3A_1126 = vector.shape_cast %select_n3A_1125 : vector<16xi32> to vector<16x1xi32>
      %gather3A_1127 = vector.shape_cast %broadcast_in_dim3A_1126 : vector<16x1xi32> to vector<16xi32>
      %gather3A_1128 = tpu.dynamic_gather %scan3A_1114#0[%gather3A_1127] in [0] : vector<16xf32>, vector<16xi32> -> vector<16xf32>
      %lt3A_1129 = arith.constant 0 : i32
      %lt3A_1130 = vector.broadcast %lt3A_1129 : i32 to vector<16xi32>
      %lt3A_1131 = arith.cmpi slt, %xor3A_1118, %lt3A_1130 : vector<16xi32>
      %add3A_1132 = arith.constant 16 : i32
      %add3A_1133 = vector.broadcast %add3A_1132 : i32 to vector<16xi32>
      %add3A_1134 = arith.addi %xor3A_1118, %add3A_1133 : vector<16xi32>
      %select_n3A_1135 = arith.select %lt3A_1131, %add3A_1134, %xor3A_1118 : vector<16xi1>, vector<16xi32>
      %broadcast_in_dim3A_1136 = vector.shape_cast %select_n3A_1135 : vector<16xi32> to vector<16x1xi32>
      %gather3A_1137 = vector.shape_cast %broadcast_in_dim3A_1136 : vector<16x1xi32> to vector<16xi32>
      %gather3A_1138 = tpu.dynamic_gather %scan3A_1114#1[%gather3A_1137] in [0] : vector<16xi32>, vector<16xi32> -> vector<16xi32>
      %gt3A_1139 = arith.cmpf ogt, %gather3A_1128, %scan3A_1114#0 : vector<16xf32>
      %eq3A_1140 = arith.cmpf oeq, %gather3A_1128, %scan3A_1114#0 : vector<16xf32>
      %lt3A_1141 = arith.cmpi slt, %gather3A_1138, %scan3A_1114#1 : vector<16xi32>
      %and3A_1142 = arith.andi %eq3A_1140, %lt3A_1141 : vector<16xi1>
      %or3A_1143 = arith.ori %gt3A_1139, %and3A_1142 : vector<16xi1>
      %select_n3A_1144 = arith.select %or3A_1143, %gather3A_1128, %scan3A_1114#0 : vector<16xi1>, vector<16xf32>
      %select_n3A_1145 = arith.select %or3A_1143, %gather3A_1138, %scan3A_1114#1 : vector<16xi1>, vector<16xi32>
      %xor3A_1146 = arith.constant 4 : i32
      %xor3A_1147 = vector.broadcast %xor3A_1146 : i32 to vector<16xi32>
      %xor3A_1148 = arith.xori %iota3A, %xor3A_1147 : vector<16xi32>
      %lt3A_1149 = arith.constant 0 : i32
      %lt3A_1150 = vector.broadcast %lt3A_1149 : i32 to vector<16xi32>
      %lt3A_1151 = arith.cmpi slt, %xor3A_1148, %lt3A_1150 : vector<16xi32>
      %add3A_1152 = arith.constant 16 : i32
      %add3A_1153 = vector.broadcast %add3A_1152 : i32 to vector<16xi32>
      %add3A_1154 = arith.addi %xor3A_1148, %add3A_1153 : vector<16xi32>
      %select_n3A_1155 = arith.select %lt3A_1151, %add3A_1154, %xor3A_1148 : vector<16xi1>, vector<16xi32>
      %broadcast_in_dim3A_1156 = vector.shape_cast %select_n3A_1155 : vector<16xi32> to vector<16x1xi32>
      %gather3A_1157 = vector.shape_cast %broadcast_in_dim3A_1156 : vector<16x1xi32> to vector<16xi32>
      %gather3A_1158 = tpu.dynamic_gather %select_n3A_1144[%gather3A_1157] in [0] : vector<16xf32>, vector<16xi32> -> vector<16xf32>
      %lt3A_1159 = arith.constant 0 : i32
      %lt3A_1160 = vector.broadcast %lt3A_1159 : i32 to vector<16xi32>
      %lt3A_1161 = arith.cmpi slt, %xor3A_1148, %lt3A_1160 : vector<16xi32>
      %add3A_1162 = arith.constant 16 : i32
      %add3A_1163 = vector.broadcast %add3A_1162 : i32 to vector<16xi32>
      %add3A_1164 = arith.addi %xor3A_1148, %add3A_1163 : vector<16xi32>
      %select_n3A_1165 = arith.select %lt3A_1161, %add3A_1164, %xor3A_1148 : vector<16xi1>, vector<16xi32>
      %broadcast_in_dim3A_1166 = vector.shape_cast %select_n3A_1165 : vector<16xi32> to vector<16x1xi32>
      %gather3A_1167 = vector.shape_cast %broadcast_in_dim3A_1166 : vector<16x1xi32> to vector<16xi32>
      %gather3A_1168 = tpu.dynamic_gather %select_n3A_1145[%gather3A_1167] in [0] : vector<16xi32>, vector<16xi32> -> vector<16xi32>
      %gt3A_1169 = arith.cmpf ogt, %gather3A_1158, %select_n3A_1144 : vector<16xf32>
      %eq3A_1170 = arith.cmpf oeq, %gather3A_1158, %select_n3A_1144 : vector<16xf32>
      %lt3A_1171 = arith.cmpi slt, %gather3A_1168, %select_n3A_1145 : vector<16xi32>
      %and3A_1172 = arith.andi %eq3A_1170, %lt3A_1171 : vector<16xi1>
      %or3A_1173 = arith.ori %gt3A_1169, %and3A_1172 : vector<16xi1>
      %select_n3A_1174 = arith.select %or3A_1173, %gather3A_1158, %select_n3A_1144 : vector<16xi1>, vector<16xf32>
      %select_n3A_1175 = arith.select %or3A_1173, %gather3A_1168, %select_n3A_1145 : vector<16xi1>, vector<16xi32>
      %xor3A_1176 = arith.constant 2 : i32
      %xor3A_1177 = vector.broadcast %xor3A_1176 : i32 to vector<16xi32>
      %xor3A_1178 = arith.xori %iota3A, %xor3A_1177 : vector<16xi32>
      %lt3A_1179 = arith.constant 0 : i32
      %lt3A_1180 = vector.broadcast %lt3A_1179 : i32 to vector<16xi32>
      %lt3A_1181 = arith.cmpi slt, %xor3A_1178, %lt3A_1180 : vector<16xi32>
      %add3A_1182 = arith.constant 16 : i32
      %add3A_1183 = vector.broadcast %add3A_1182 : i32 to vector<16xi32>
      %add3A_1184 = arith.addi %xor3A_1178, %add3A_1183 : vector<16xi32>
      %select_n3A_1185 = arith.select %lt3A_1181, %add3A_1184, %xor3A_1178 : vector<16xi1>, vector<16xi32>
      %broadcast_in_dim3A_1186 = vector.shape_cast %select_n3A_1185 : vector<16xi32> to vector<16x1xi32>
      %gather3A_1187 = vector.shape_cast %broadcast_in_dim3A_1186 : vector<16x1xi32> to vector<16xi32>
      %gather3A_1188 = tpu.dynamic_gather %select_n3A_1174[%gather3A_1187] in [0] : vector<16xf32>, vector<16xi32> -> vector<16xf32>
      %lt3A_1189 = arith.constant 0 : i32
      %lt3A_1190 = vector.broadcast %lt3A_1189 : i32 to vector<16xi32>
      %lt3A_1191 = arith.cmpi slt, %xor3A_1178, %lt3A_1190 : vector<16xi32>
      %add3A_1192 = arith.constant 16 : i32
      %add3A_1193 = vector.broadcast %add3A_1192 : i32 to vector<16xi32>
      %add3A_1194 = arith.addi %xor3A_1178, %add3A_1193 : vector<16xi32>
      %select_n3A_1195 = arith.select %lt3A_1191, %add3A_1194, %xor3A_1178 : vector<16xi1>, vector<16xi32>
      %broadcast_in_dim3A_1196 = vector.shape_cast %select_n3A_1195 : vector<16xi32> to vector<16x1xi32>
      %gather3A_1197 = vector.shape_cast %broadcast_in_dim3A_1196 : vector<16x1xi32> to vector<16xi32>
      %gather3A_1198 = tpu.dynamic_gather %select_n3A_1175[%gather3A_1197] in [0] : vector<16xi32>, vector<16xi32> -> vector<16xi32>
      %gt3A_1199 = arith.cmpf ogt, %gather3A_1188, %select_n3A_1174 : vector<16xf32>
      %eq3A_1200 = arith.cmpf oeq, %gather3A_1188, %select_n3A_1174 : vector<16xf32>
      %lt3A_1201 = arith.cmpi slt, %gather3A_1198, %select_n3A_1175 : vector<16xi32>
      %and3A_1202 = arith.andi %eq3A_1200, %lt3A_1201 : vector<16xi1>
      %or3A_1203 = arith.ori %gt3A_1199, %and3A_1202 : vector<16xi1>
      %select_n3A_1204 = arith.select %or3A_1203, %gather3A_1188, %select_n3A_1174 : vector<16xi1>, vector<16xf32>
      %select_n3A_1205 = arith.select %or3A_1203, %gather3A_1198, %select_n3A_1175 : vector<16xi1>, vector<16xi32>
      %xor3A_1206 = arith.constant 1 : i32
      %xor3A_1207 = vector.broadcast %xor3A_1206 : i32 to vector<16xi32>
      %xor3A_1208 = arith.xori %iota3A, %xor3A_1207 : vector<16xi32>
      %lt3A_1209 = arith.constant 0 : i32
      %lt3A_1210 = vector.broadcast %lt3A_1209 : i32 to vector<16xi32>
      %lt3A_1211 = arith.cmpi slt, %xor3A_1208, %lt3A_1210 : vector<16xi32>
      %add3A_1212 = arith.constant 16 : i32
      %add3A_1213 = vector.broadcast %add3A_1212 : i32 to vector<16xi32>
      %add3A_1214 = arith.addi %xor3A_1208, %add3A_1213 : vector<16xi32>
      %select_n3A_1215 = arith.select %lt3A_1211, %add3A_1214, %xor3A_1208 : vector<16xi1>, vector<16xi32>
      %broadcast_in_dim3A_1216 = vector.shape_cast %select_n3A_1215 : vector<16xi32> to vector<16x1xi32>
      %gather3A_1217 = vector.shape_cast %broadcast_in_dim3A_1216 : vector<16x1xi32> to vector<16xi32>
      %gather3A_1218 = tpu.dynamic_gather %select_n3A_1204[%gather3A_1217] in [0] : vector<16xf32>, vector<16xi32> -> vector<16xf32>
      %lt3A_1219 = arith.constant 0 : i32
      %lt3A_1220 = vector.broadcast %lt3A_1219 : i32 to vector<16xi32>
      %lt3A_1221 = arith.cmpi slt, %xor3A_1208, %lt3A_1220 : vector<16xi32>
      %add3A_1222 = arith.constant 16 : i32
      %add3A_1223 = vector.broadcast %add3A_1222 : i32 to vector<16xi32>
      %add3A_1224 = arith.addi %xor3A_1208, %add3A_1223 : vector<16xi32>
      %select_n3A_1225 = arith.select %lt3A_1221, %add3A_1224, %xor3A_1208 : vector<16xi1>, vector<16xi32>
      %broadcast_in_dim3A_1226 = vector.shape_cast %select_n3A_1225 : vector<16xi32> to vector<16x1xi32>
      %gather3A_1227 = vector.shape_cast %broadcast_in_dim3A_1226 : vector<16x1xi32> to vector<16xi32>
      %gather3A_1228 = tpu.dynamic_gather %select_n3A_1205[%gather3A_1227] in [0] : vector<16xi32>, vector<16xi32> -> vector<16xi32>
      %gt3A_1229 = arith.cmpf ogt, %gather3A_1218, %select_n3A_1204 : vector<16xf32>
      %eq3A_1230 = arith.cmpf oeq, %gather3A_1218, %select_n3A_1204 : vector<16xf32>
      %lt3A_1231 = arith.cmpi slt, %gather3A_1228, %select_n3A_1205 : vector<16xi32>
      %and3A_1232 = arith.andi %eq3A_1230, %lt3A_1231 : vector<16xi1>
      %or3A_1233 = arith.ori %gt3A_1229, %and3A_1232 : vector<16xi1>
      %select_n3A_1234 = arith.select %or3A_1233, %gather3A_1218, %select_n3A_1204 : vector<16xi1>, vector<16xf32>
      %select_n3A_1235 = arith.select %or3A_1233, %gather3A_1228, %select_n3A_1205 : vector<16xi1>, vector<16xi32>
      %eq3A_1236 = arith.constant 8 : i32
      %eq3A_1237 = vector.broadcast %eq3A_1236 : i32 to vector<16xi32>
      %eq3A_1238 = arith.cmpi eq, %iota3A, %eq3A_1237 : vector<16xi32>
      %select_n3A_1239 = arith.select %eq3A_1238, %select_n3A_1234, %select_n3A_1101 : vector<16xi1>, vector<16xf32>
      %eq3A_1240 = arith.constant 8 : i32
      %eq3A_1241 = vector.broadcast %eq3A_1240 : i32 to vector<16xi32>
      %eq3A_1242 = arith.cmpi eq, %iota3A, %eq3A_1241 : vector<16xi32>
      %select_n3A_1243 = arith.select %eq3A_1242, %select_n3A_1235, %select_n3A_1105 : vector<16xi1>, vector<16xi32>
      %broadcast_in_dim3A_1244 = arith.constant -1.000000e+00 : f32
      %broadcast_in_dim3A_1245 = vector.broadcast %broadcast_in_dim3A_1244 : f32 to vector<16xf32>
      %broadcast_in_dim3A_1246 = arith.constant 1073741824 : i32
      %broadcast_in_dim3A_1247 = vector.broadcast %broadcast_in_dim3A_1246 : i32 to vector<16xi32>
      %scan3A_1248 = arith.constant 0 : i32
      %scan3A_1249 = arith.constant 64 : i32
      %scan3A_1250 = arith.addi %scan3A_1248, %scan3A_1249 : i32
      %scan3A_1251 = arith.constant 1 : i32
      %scan3A_1252:2 = scf.for %scan3A_2673 = %scan3A_1248 to %scan3A_1250 step %scan3A_1251 iter_args(%scan3A_2674 = %broadcast_in_dim3A_1245, %scan3A_2675 = %broadcast_in_dim3A_1247) -> (vector<16xf32>, vector<16xi32>)  : i32 {
        %mul3A_2676 = arith.constant 16 : i32
        %mul3A_2677 = arith.muli %scan3A_2673, %mul3A_2676 : i32
        %get3A = arith.index_cast %mul3A_2677 : i32 to index
        %get3A_2678 = tpu.vector_load %arg6[%get3A] {strides = array<i32>} : memref<1024xf32, #tpu.memory_space<vmem>>, vector<16xf32>,
        %get3A_2679 = vector.shape_cast %get3A_2678 : vector<16xf32> to vector<16xf32>
        %mul3A_2680 = arith.constant 16 : i32
        %mul3A_2681 = arith.muli %scan3A_2673, %mul3A_2680 : i32
        %add3A_2682 = vector.broadcast %mul3A_2681 : i32 to vector<16xi32>
        %add3A_2683 = arith.addi %add3A_2682, %iota3A : vector<16xi32>
        %lt3A_2684 = arith.cmpf olt, %get3A_2679, %select_n3A_1234 : vector<16xf32>
        %eq3A_2685 = arith.cmpf oeq, %get3A_2679, %select_n3A_1234 : vector<16xf32>
        %gt3A_2686 = arith.cmpi sgt, %add3A_2683, %select_n3A_1235 : vector<16xi32>
        %and3A_2687 = arith.andi %eq3A_2685, %gt3A_2686 : vector<16xi1>
        %or3A_2688 = arith.ori %lt3A_2684, %and3A_2687 : vector<16xi1>
        %gt3A_2689 = arith.cmpf ogt, %get3A_2679, %scan3A_2674 : vector<16xf32>
        %eq3A_2690 = arith.cmpf oeq, %get3A_2679, %scan3A_2674 : vector<16xf32>
        %lt3A_2691 = arith.cmpi slt, %add3A_2683, %scan3A_2675 : vector<16xi32>
        %and3A_2692 = arith.andi %eq3A_2690, %lt3A_2691 : vector<16xi1>
        %or3A_2693 = arith.ori %gt3A_2689, %and3A_2692 : vector<16xi1>
        %and3A_2694 = arith.andi %or3A_2688, %or3A_2693 : vector<16xi1>
        %select_n3A_2695 = arith.select %and3A_2694, %get3A_2679, %scan3A_2674 : vector<16xi1>, vector<16xf32>
        %select_n3A_2696 = arith.select %and3A_2694, %add3A_2683, %scan3A_2675 : vector<16xi1>, vector<16xi32>
        scf.yield %select_n3A_2695, %select_n3A_2696 : vector<16xf32>, vector<16xi32>
      }
      %scan3A_1253 = arith.constant 64 : i32
      %xor3A_1254 = arith.constant 8 : i32
      %xor3A_1255 = vector.broadcast %xor3A_1254 : i32 to vector<16xi32>
      %xor3A_1256 = arith.xori %iota3A, %xor3A_1255 : vector<16xi32>
      %lt3A_1257 = arith.constant 0 : i32
      %lt3A_1258 = vector.broadcast %lt3A_1257 : i32 to vector<16xi32>
      %lt3A_1259 = arith.cmpi slt, %xor3A_1256, %lt3A_1258 : vector<16xi32>
      %add3A_1260 = arith.constant 16 : i32
      %add3A_1261 = vector.broadcast %add3A_1260 : i32 to vector<16xi32>
      %add3A_1262 = arith.addi %xor3A_1256, %add3A_1261 : vector<16xi32>
      %select_n3A_1263 = arith.select %lt3A_1259, %add3A_1262, %xor3A_1256 : vector<16xi1>, vector<16xi32>
      %broadcast_in_dim3A_1264 = vector.shape_cast %select_n3A_1263 : vector<16xi32> to vector<16x1xi32>
      %gather3A_1265 = vector.shape_cast %broadcast_in_dim3A_1264 : vector<16x1xi32> to vector<16xi32>
      %gather3A_1266 = tpu.dynamic_gather %scan3A_1252#0[%gather3A_1265] in [0] : vector<16xf32>, vector<16xi32> -> vector<16xf32>
      %lt3A_1267 = arith.constant 0 : i32
      %lt3A_1268 = vector.broadcast %lt3A_1267 : i32 to vector<16xi32>
      %lt3A_1269 = arith.cmpi slt, %xor3A_1256, %lt3A_1268 : vector<16xi32>
      %add3A_1270 = arith.constant 16 : i32
      %add3A_1271 = vector.broadcast %add3A_1270 : i32 to vector<16xi32>
      %add3A_1272 = arith.addi %xor3A_1256, %add3A_1271 : vector<16xi32>
      %select_n3A_1273 = arith.select %lt3A_1269, %add3A_1272, %xor3A_1256 : vector<16xi1>, vector<16xi32>
      %broadcast_in_dim3A_1274 = vector.shape_cast %select_n3A_1273 : vector<16xi32> to vector<16x1xi32>
      %gather3A_1275 = vector.shape_cast %broadcast_in_dim3A_1274 : vector<16x1xi32> to vector<16xi32>
      %gather3A_1276 = tpu.dynamic_gather %scan3A_1252#1[%gather3A_1275] in [0] : vector<16xi32>, vector<16xi32> -> vector<16xi32>
      %gt3A_1277 = arith.cmpf ogt, %gather3A_1266, %scan3A_1252#0 : vector<16xf32>
      %eq3A_1278 = arith.cmpf oeq, %gather3A_1266, %scan3A_1252#0 : vector<16xf32>
      %lt3A_1279 = arith.cmpi slt, %gather3A_1276, %scan3A_1252#1 : vector<16xi32>
      %and3A_1280 = arith.andi %eq3A_1278, %lt3A_1279 : vector<16xi1>
      %or3A_1281 = arith.ori %gt3A_1277, %and3A_1280 : vector<16xi1>
      %select_n3A_1282 = arith.select %or3A_1281, %gather3A_1266, %scan3A_1252#0 : vector<16xi1>, vector<16xf32>
      %select_n3A_1283 = arith.select %or3A_1281, %gather3A_1276, %scan3A_1252#1 : vector<16xi1>, vector<16xi32>
      %xor3A_1284 = arith.constant 4 : i32
      %xor3A_1285 = vector.broadcast %xor3A_1284 : i32 to vector<16xi32>
      %xor3A_1286 = arith.xori %iota3A, %xor3A_1285 : vector<16xi32>
      %lt3A_1287 = arith.constant 0 : i32
      %lt3A_1288 = vector.broadcast %lt3A_1287 : i32 to vector<16xi32>
      %lt3A_1289 = arith.cmpi slt, %xor3A_1286, %lt3A_1288 : vector<16xi32>
      %add3A_1290 = arith.constant 16 : i32
      %add3A_1291 = vector.broadcast %add3A_1290 : i32 to vector<16xi32>
      %add3A_1292 = arith.addi %xor3A_1286, %add3A_1291 : vector<16xi32>
      %select_n3A_1293 = arith.select %lt3A_1289, %add3A_1292, %xor3A_1286 : vector<16xi1>, vector<16xi32>
      %broadcast_in_dim3A_1294 = vector.shape_cast %select_n3A_1293 : vector<16xi32> to vector<16x1xi32>
      %gather3A_1295 = vector.shape_cast %broadcast_in_dim3A_1294 : vector<16x1xi32> to vector<16xi32>
      %gather3A_1296 = tpu.dynamic_gather %select_n3A_1282[%gather3A_1295] in [0] : vector<16xf32>, vector<16xi32> -> vector<16xf32>
      %lt3A_1297 = arith.constant 0 : i32
      %lt3A_1298 = vector.broadcast %lt3A_1297 : i32 to vector<16xi32>
      %lt3A_1299 = arith.cmpi slt, %xor3A_1286, %lt3A_1298 : vector<16xi32>
      %add3A_1300 = arith.constant 16 : i32
      %add3A_1301 = vector.broadcast %add3A_1300 : i32 to vector<16xi32>
      %add3A_1302 = arith.addi %xor3A_1286, %add3A_1301 : vector<16xi32>
      %select_n3A_1303 = arith.select %lt3A_1299, %add3A_1302, %xor3A_1286 : vector<16xi1>, vector<16xi32>
      %broadcast_in_dim3A_1304 = vector.shape_cast %select_n3A_1303 : vector<16xi32> to vector<16x1xi32>
      %gather3A_1305 = vector.shape_cast %broadcast_in_dim3A_1304 : vector<16x1xi32> to vector<16xi32>
      %gather3A_1306 = tpu.dynamic_gather %select_n3A_1283[%gather3A_1305] in [0] : vector<16xi32>, vector<16xi32> -> vector<16xi32>
      %gt3A_1307 = arith.cmpf ogt, %gather3A_1296, %select_n3A_1282 : vector<16xf32>
      %eq3A_1308 = arith.cmpf oeq, %gather3A_1296, %select_n3A_1282 : vector<16xf32>
      %lt3A_1309 = arith.cmpi slt, %gather3A_1306, %select_n3A_1283 : vector<16xi32>
      %and3A_1310 = arith.andi %eq3A_1308, %lt3A_1309 : vector<16xi1>
      %or3A_1311 = arith.ori %gt3A_1307, %and3A_1310 : vector<16xi1>
      %select_n3A_1312 = arith.select %or3A_1311, %gather3A_1296, %select_n3A_1282 : vector<16xi1>, vector<16xf32>
      %select_n3A_1313 = arith.select %or3A_1311, %gather3A_1306, %select_n3A_1283 : vector<16xi1>, vector<16xi32>
      %xor3A_1314 = arith.constant 2 : i32
      %xor3A_1315 = vector.broadcast %xor3A_1314 : i32 to vector<16xi32>
      %xor3A_1316 = arith.xori %iota3A, %xor3A_1315 : vector<16xi32>
      %lt3A_1317 = arith.constant 0 : i32
      %lt3A_1318 = vector.broadcast %lt3A_1317 : i32 to vector<16xi32>
      %lt3A_1319 = arith.cmpi slt, %xor3A_1316, %lt3A_1318 : vector<16xi32>
      %add3A_1320 = arith.constant 16 : i32
      %add3A_1321 = vector.broadcast %add3A_1320 : i32 to vector<16xi32>
      %add3A_1322 = arith.addi %xor3A_1316, %add3A_1321 : vector<16xi32>
      %select_n3A_1323 = arith.select %lt3A_1319, %add3A_1322, %xor3A_1316 : vector<16xi1>, vector<16xi32>
      %broadcast_in_dim3A_1324 = vector.shape_cast %select_n3A_1323 : vector<16xi32> to vector<16x1xi32>
      %gather3A_1325 = vector.shape_cast %broadcast_in_dim3A_1324 : vector<16x1xi32> to vector<16xi32>
      %gather3A_1326 = tpu.dynamic_gather %select_n3A_1312[%gather3A_1325] in [0] : vector<16xf32>, vector<16xi32> -> vector<16xf32>
      %lt3A_1327 = arith.constant 0 : i32
      %lt3A_1328 = vector.broadcast %lt3A_1327 : i32 to vector<16xi32>
      %lt3A_1329 = arith.cmpi slt, %xor3A_1316, %lt3A_1328 : vector<16xi32>
      %add3A_1330 = arith.constant 16 : i32
      %add3A_1331 = vector.broadcast %add3A_1330 : i32 to vector<16xi32>
      %add3A_1332 = arith.addi %xor3A_1316, %add3A_1331 : vector<16xi32>
      %select_n3A_1333 = arith.select %lt3A_1329, %add3A_1332, %xor3A_1316 : vector<16xi1>, vector<16xi32>
      %broadcast_in_dim3A_1334 = vector.shape_cast %select_n3A_1333 : vector<16xi32> to vector<16x1xi32>
      %gather3A_1335 = vector.shape_cast %broadcast_in_dim3A_1334 : vector<16x1xi32> to vector<16xi32>
      %gather3A_1336 = tpu.dynamic_gather %select_n3A_1313[%gather3A_1335] in [0] : vector<16xi32>, vector<16xi32> -> vector<16xi32>
      %gt3A_1337 = arith.cmpf ogt, %gather3A_1326, %select_n3A_1312 : vector<16xf32>
      %eq3A_1338 = arith.cmpf oeq, %gather3A_1326, %select_n3A_1312 : vector<16xf32>
      %lt3A_1339 = arith.cmpi slt, %gather3A_1336, %select_n3A_1313 : vector<16xi32>
      %and3A_1340 = arith.andi %eq3A_1338, %lt3A_1339 : vector<16xi1>
      %or3A_1341 = arith.ori %gt3A_1337, %and3A_1340 : vector<16xi1>
      %select_n3A_1342 = arith.select %or3A_1341, %gather3A_1326, %select_n3A_1312 : vector<16xi1>, vector<16xf32>
      %select_n3A_1343 = arith.select %or3A_1341, %gather3A_1336, %select_n3A_1313 : vector<16xi1>, vector<16xi32>
      %xor3A_1344 = arith.constant 1 : i32
      %xor3A_1345 = vector.broadcast %xor3A_1344 : i32 to vector<16xi32>
      %xor3A_1346 = arith.xori %iota3A, %xor3A_1345 : vector<16xi32>
      %lt3A_1347 = arith.constant 0 : i32
      %lt3A_1348 = vector.broadcast %lt3A_1347 : i32 to vector<16xi32>
      %lt3A_1349 = arith.cmpi slt, %xor3A_1346, %lt3A_1348 : vector<16xi32>
      %add3A_1350 = arith.constant 16 : i32
      %add3A_1351 = vector.broadcast %add3A_1350 : i32 to vector<16xi32>
      %add3A_1352 = arith.addi %xor3A_1346, %add3A_1351 : vector<16xi32>
      %select_n3A_1353 = arith.select %lt3A_1349, %add3A_1352, %xor3A_1346 : vector<16xi1>, vector<16xi32>
      %broadcast_in_dim3A_1354 = vector.shape_cast %select_n3A_1353 : vector<16xi32> to vector<16x1xi32>
      %gather3A_1355 = vector.shape_cast %broadcast_in_dim3A_1354 : vector<16x1xi32> to vector<16xi32>
      %gather3A_1356 = tpu.dynamic_gather %select_n3A_1342[%gather3A_1355] in [0] : vector<16xf32>, vector<16xi32> -> vector<16xf32>
      %lt3A_1357 = arith.constant 0 : i32
      %lt3A_1358 = vector.broadcast %lt3A_1357 : i32 to vector<16xi32>
      %lt3A_1359 = arith.cmpi slt, %xor3A_1346, %lt3A_1358 : vector<16xi32>
      %add3A_1360 = arith.constant 16 : i32
      %add3A_1361 = vector.broadcast %add3A_1360 : i32 to vector<16xi32>
      %add3A_1362 = arith.addi %xor3A_1346, %add3A_1361 : vector<16xi32>
      %select_n3A_1363 = arith.select %lt3A_1359, %add3A_1362, %xor3A_1346 : vector<16xi1>, vector<16xi32>
      %broadcast_in_dim3A_1364 = vector.shape_cast %select_n3A_1363 : vector<16xi32> to vector<16x1xi32>
      %gather3A_1365 = vector.shape_cast %broadcast_in_dim3A_1364 : vector<16x1xi32> to vector<16xi32>
      %gather3A_1366 = tpu.dynamic_gather %select_n3A_1343[%gather3A_1365] in [0] : vector<16xi32>, vector<16xi32> -> vector<16xi32>
      %gt3A_1367 = arith.cmpf ogt, %gather3A_1356, %select_n3A_1342 : vector<16xf32>
      %eq3A_1368 = arith.cmpf oeq, %gather3A_1356, %select_n3A_1342 : vector<16xf32>
      %lt3A_1369 = arith.cmpi slt, %gather3A_1366, %select_n3A_1343 : vector<16xi32>
      %and3A_1370 = arith.andi %eq3A_1368, %lt3A_1369 : vector<16xi1>
      %or3A_1371 = arith.ori %gt3A_1367, %and3A_1370 : vector<16xi1>
      %select_n3A_1372 = arith.select %or3A_1371, %gather3A_1356, %select_n3A_1342 : vector<16xi1>, vector<16xf32>
      %select_n3A_1373 = arith.select %or3A_1371, %gather3A_1366, %select_n3A_1343 : vector<16xi1>, vector<16xi32>
      %eq3A_1374 = arith.constant 9 : i32
      %eq3A_1375 = vector.broadcast %eq3A_1374 : i32 to vector<16xi32>
      %eq3A_1376 = arith.cmpi eq, %iota3A, %eq3A_1375 : vector<16xi32>
      %select_n3A_1377 = arith.select %eq3A_1376, %select_n3A_1372, %select_n3A_1239 : vector<16xi1>, vector<16xf32>
      %eq3A_1378 = arith.constant 9 : i32
      %eq3A_1379 = vector.broadcast %eq3A_1378 : i32 to vector<16xi32>
      %eq3A_1380 = arith.cmpi eq, %iota3A, %eq3A_1379 : vector<16xi32>
      %select_n3A_1381 = arith.select %eq3A_1380, %select_n3A_1373, %select_n3A_1243 : vector<16xi1>, vector<16xi32>
      %broadcast_in_dim3A_1382 = arith.constant -1.000000e+00 : f32
      %broadcast_in_dim3A_1383 = vector.broadcast %broadcast_in_dim3A_1382 : f32 to vector<16xf32>
      %broadcast_in_dim3A_1384 = arith.constant 1073741824 : i32
      %broadcast_in_dim3A_1385 = vector.broadcast %broadcast_in_dim3A_1384 : i32 to vector<16xi32>
      %scan3A_1386 = arith.constant 0 : i32
      %scan3A_1387 = arith.constant 64 : i32
      %scan3A_1388 = arith.addi %scan3A_1386, %scan3A_1387 : i32
      %scan3A_1389 = arith.constant 1 : i32
      %scan3A_1390:2 = scf.for %scan3A_2673 = %scan3A_1386 to %scan3A_1388 step %scan3A_1389 iter_args(%scan3A_2674 = %broadcast_in_dim3A_1383, %scan3A_2675 = %broadcast_in_dim3A_1385) -> (vector<16xf32>, vector<16xi32>)  : i32 {
        %mul3A_2676 = arith.constant 16 : i32
        %mul3A_2677 = arith.muli %scan3A_2673, %mul3A_2676 : i32
        %get3A = arith.index_cast %mul3A_2677 : i32 to index
        %get3A_2678 = tpu.vector_load %arg6[%get3A] {strides = array<i32>} : memref<1024xf32, #tpu.memory_space<vmem>>, vector<16xf32>,
        %get3A_2679 = vector.shape_cast %get3A_2678 : vector<16xf32> to vector<16xf32>
        %mul3A_2680 = arith.constant 16 : i32
        %mul3A_2681 = arith.muli %scan3A_2673, %mul3A_2680 : i32
        %add3A_2682 = vector.broadcast %mul3A_2681 : i32 to vector<16xi32>
        %add3A_2683 = arith.addi %add3A_2682, %iota3A : vector<16xi32>
        %lt3A_2684 = arith.cmpf olt, %get3A_2679, %select_n3A_1372 : vector<16xf32>
        %eq3A_2685 = arith.cmpf oeq, %get3A_2679, %select_n3A_1372 : vector<16xf32>
        %gt3A_2686 = arith.cmpi sgt, %add3A_2683, %select_n3A_1373 : vector<16xi32>
        %and3A_2687 = arith.andi %eq3A_2685, %gt3A_2686 : vector<16xi1>
        %or3A_2688 = arith.ori %lt3A_2684, %and3A_2687 : vector<16xi1>
        %gt3A_2689 = arith.cmpf ogt, %get3A_2679, %scan3A_2674 : vector<16xf32>
        %eq3A_2690 = arith.cmpf oeq, %get3A_2679, %scan3A_2674 : vector<16xf32>
        %lt3A_2691 = arith.cmpi slt, %add3A_2683, %scan3A_2675 : vector<16xi32>
        %and3A_2692 = arith.andi %eq3A_2690, %lt3A_2691 : vector<16xi1>
        %or3A_2693 = arith.ori %gt3A_2689, %and3A_2692 : vector<16xi1>
        %and3A_2694 = arith.andi %or3A_2688, %or3A_2693 : vector<16xi1>
        %select_n3A_2695 = arith.select %and3A_2694, %get3A_2679, %scan3A_2674 : vector<16xi1>, vector<16xf32>
        %select_n3A_2696 = arith.select %and3A_2694, %add3A_2683, %scan3A_2675 : vector<16xi1>, vector<16xi32>
        scf.yield %select_n3A_2695, %select_n3A_2696 : vector<16xf32>, vector<16xi32>
      }
      %scan3A_1391 = arith.constant 64 : i32
      %xor3A_1392 = arith.constant 8 : i32
      %xor3A_1393 = vector.broadcast %xor3A_1392 : i32 to vector<16xi32>
      %xor3A_1394 = arith.xori %iota3A, %xor3A_1393 : vector<16xi32>
      %lt3A_1395 = arith.constant 0 : i32
      %lt3A_1396 = vector.broadcast %lt3A_1395 : i32 to vector<16xi32>
      %lt3A_1397 = arith.cmpi slt, %xor3A_1394, %lt3A_1396 : vector<16xi32>
      %add3A_1398 = arith.constant 16 : i32
      %add3A_1399 = vector.broadcast %add3A_1398 : i32 to vector<16xi32>
      %add3A_1400 = arith.addi %xor3A_1394, %add3A_1399 : vector<16xi32>
      %select_n3A_1401 = arith.select %lt3A_1397, %add3A_1400, %xor3A_1394 : vector<16xi1>, vector<16xi32>
      %broadcast_in_dim3A_1402 = vector.shape_cast %select_n3A_1401 : vector<16xi32> to vector<16x1xi32>
      %gather3A_1403 = vector.shape_cast %broadcast_in_dim3A_1402 : vector<16x1xi32> to vector<16xi32>
      %gather3A_1404 = tpu.dynamic_gather %scan3A_1390#0[%gather3A_1403] in [0] : vector<16xf32>, vector<16xi32> -> vector<16xf32>
      %lt3A_1405 = arith.constant 0 : i32
      %lt3A_1406 = vector.broadcast %lt3A_1405 : i32 to vector<16xi32>
      %lt3A_1407 = arith.cmpi slt, %xor3A_1394, %lt3A_1406 : vector<16xi32>
      %add3A_1408 = arith.constant 16 : i32
      %add3A_1409 = vector.broadcast %add3A_1408 : i32 to vector<16xi32>
      %add3A_1410 = arith.addi %xor3A_1394, %add3A_1409 : vector<16xi32>
      %select_n3A_1411 = arith.select %lt3A_1407, %add3A_1410, %xor3A_1394 : vector<16xi1>, vector<16xi32>
      %broadcast_in_dim3A_1412 = vector.shape_cast %select_n3A_1411 : vector<16xi32> to vector<16x1xi32>
      %gather3A_1413 = vector.shape_cast %broadcast_in_dim3A_1412 : vector<16x1xi32> to vector<16xi32>
      %gather3A_1414 = tpu.dynamic_gather %scan3A_1390#1[%gather3A_1413] in [0] : vector<16xi32>, vector<16xi32> -> vector<16xi32>
      %gt3A_1415 = arith.cmpf ogt, %gather3A_1404, %scan3A_1390#0 : vector<16xf32>
      %eq3A_1416 = arith.cmpf oeq, %gather3A_1404, %scan3A_1390#0 : vector<16xf32>
      %lt3A_1417 = arith.cmpi slt, %gather3A_1414, %scan3A_1390#1 : vector<16xi32>
      %and3A_1418 = arith.andi %eq3A_1416, %lt3A_1417 : vector<16xi1>
      %or3A_1419 = arith.ori %gt3A_1415, %and3A_1418 : vector<16xi1>
      %select_n3A_1420 = arith.select %or3A_1419, %gather3A_1404, %scan3A_1390#0 : vector<16xi1>, vector<16xf32>
      %select_n3A_1421 = arith.select %or3A_1419, %gather3A_1414, %scan3A_1390#1 : vector<16xi1>, vector<16xi32>
      %xor3A_1422 = arith.constant 4 : i32
      %xor3A_1423 = vector.broadcast %xor3A_1422 : i32 to vector<16xi32>
      %xor3A_1424 = arith.xori %iota3A, %xor3A_1423 : vector<16xi32>
      %lt3A_1425 = arith.constant 0 : i32
      %lt3A_1426 = vector.broadcast %lt3A_1425 : i32 to vector<16xi32>
      %lt3A_1427 = arith.cmpi slt, %xor3A_1424, %lt3A_1426 : vector<16xi32>
      %add3A_1428 = arith.constant 16 : i32
      %add3A_1429 = vector.broadcast %add3A_1428 : i32 to vector<16xi32>
      %add3A_1430 = arith.addi %xor3A_1424, %add3A_1429 : vector<16xi32>
      %select_n3A_1431 = arith.select %lt3A_1427, %add3A_1430, %xor3A_1424 : vector<16xi1>, vector<16xi32>
      %broadcast_in_dim3A_1432 = vector.shape_cast %select_n3A_1431 : vector<16xi32> to vector<16x1xi32>
      %gather3A_1433 = vector.shape_cast %broadcast_in_dim3A_1432 : vector<16x1xi32> to vector<16xi32>
      %gather3A_1434 = tpu.dynamic_gather %select_n3A_1420[%gather3A_1433] in [0] : vector<16xf32>, vector<16xi32> -> vector<16xf32>
      %lt3A_1435 = arith.constant 0 : i32
      %lt3A_1436 = vector.broadcast %lt3A_1435 : i32 to vector<16xi32>
      %lt3A_1437 = arith.cmpi slt, %xor3A_1424, %lt3A_1436 : vector<16xi32>
      %add3A_1438 = arith.constant 16 : i32
      %add3A_1439 = vector.broadcast %add3A_1438 : i32 to vector<16xi32>
      %add3A_1440 = arith.addi %xor3A_1424, %add3A_1439 : vector<16xi32>
      %select_n3A_1441 = arith.select %lt3A_1437, %add3A_1440, %xor3A_1424 : vector<16xi1>, vector<16xi32>
      %broadcast_in_dim3A_1442 = vector.shape_cast %select_n3A_1441 : vector<16xi32> to vector<16x1xi32>
      %gather3A_1443 = vector.shape_cast %broadcast_in_dim3A_1442 : vector<16x1xi32> to vector<16xi32>
      %gather3A_1444 = tpu.dynamic_gather %select_n3A_1421[%gather3A_1443] in [0] : vector<16xi32>, vector<16xi32> -> vector<16xi32>
      %gt3A_1445 = arith.cmpf ogt, %gather3A_1434, %select_n3A_1420 : vector<16xf32>
      %eq3A_1446 = arith.cmpf oeq, %gather3A_1434, %select_n3A_1420 : vector<16xf32>
      %lt3A_1447 = arith.cmpi slt, %gather3A_1444, %select_n3A_1421 : vector<16xi32>
      %and3A_1448 = arith.andi %eq3A_1446, %lt3A_1447 : vector<16xi1>
      %or3A_1449 = arith.ori %gt3A_1445, %and3A_1448 : vector<16xi1>
      %select_n3A_1450 = arith.select %or3A_1449, %gather3A_1434, %select_n3A_1420 : vector<16xi1>, vector<16xf32>
      %select_n3A_1451 = arith.select %or3A_1449, %gather3A_1444, %select_n3A_1421 : vector<16xi1>, vector<16xi32>
      %xor3A_1452 = arith.constant 2 : i32
      %xor3A_1453 = vector.broadcast %xor3A_1452 : i32 to vector<16xi32>
      %xor3A_1454 = arith.xori %iota3A, %xor3A_1453 : vector<16xi32>
      %lt3A_1455 = arith.constant 0 : i32
      %lt3A_1456 = vector.broadcast %lt3A_1455 : i32 to vector<16xi32>
      %lt3A_1457 = arith.cmpi slt, %xor3A_1454, %lt3A_1456 : vector<16xi32>
      %add3A_1458 = arith.constant 16 : i32
      %add3A_1459 = vector.broadcast %add3A_1458 : i32 to vector<16xi32>
      %add3A_1460 = arith.addi %xor3A_1454, %add3A_1459 : vector<16xi32>
      %select_n3A_1461 = arith.select %lt3A_1457, %add3A_1460, %xor3A_1454 : vector<16xi1>, vector<16xi32>
      %broadcast_in_dim3A_1462 = vector.shape_cast %select_n3A_1461 : vector<16xi32> to vector<16x1xi32>
      %gather3A_1463 = vector.shape_cast %broadcast_in_dim3A_1462 : vector<16x1xi32> to vector<16xi32>
      %gather3A_1464 = tpu.dynamic_gather %select_n3A_1450[%gather3A_1463] in [0] : vector<16xf32>, vector<16xi32> -> vector<16xf32>
      %lt3A_1465 = arith.constant 0 : i32
      %lt3A_1466 = vector.broadcast %lt3A_1465 : i32 to vector<16xi32>
      %lt3A_1467 = arith.cmpi slt, %xor3A_1454, %lt3A_1466 : vector<16xi32>
      %add3A_1468 = arith.constant 16 : i32
      %add3A_1469 = vector.broadcast %add3A_1468 : i32 to vector<16xi32>
      %add3A_1470 = arith.addi %xor3A_1454, %add3A_1469 : vector<16xi32>
      %select_n3A_1471 = arith.select %lt3A_1467, %add3A_1470, %xor3A_1454 : vector<16xi1>, vector<16xi32>
      %broadcast_in_dim3A_1472 = vector.shape_cast %select_n3A_1471 : vector<16xi32> to vector<16x1xi32>
      %gather3A_1473 = vector.shape_cast %broadcast_in_dim3A_1472 : vector<16x1xi32> to vector<16xi32>
      %gather3A_1474 = tpu.dynamic_gather %select_n3A_1451[%gather3A_1473] in [0] : vector<16xi32>, vector<16xi32> -> vector<16xi32>
      %gt3A_1475 = arith.cmpf ogt, %gather3A_1464, %select_n3A_1450 : vector<16xf32>
      %eq3A_1476 = arith.cmpf oeq, %gather3A_1464, %select_n3A_1450 : vector<16xf32>
      %lt3A_1477 = arith.cmpi slt, %gather3A_1474, %select_n3A_1451 : vector<16xi32>
      %and3A_1478 = arith.andi %eq3A_1476, %lt3A_1477 : vector<16xi1>
      %or3A_1479 = arith.ori %gt3A_1475, %and3A_1478 : vector<16xi1>
      %select_n3A_1480 = arith.select %or3A_1479, %gather3A_1464, %select_n3A_1450 : vector<16xi1>, vector<16xf32>
      %select_n3A_1481 = arith.select %or3A_1479, %gather3A_1474, %select_n3A_1451 : vector<16xi1>, vector<16xi32>
      %xor3A_1482 = arith.constant 1 : i32
      %xor3A_1483 = vector.broadcast %xor3A_1482 : i32 to vector<16xi32>
      %xor3A_1484 = arith.xori %iota3A, %xor3A_1483 : vector<16xi32>
      %lt3A_1485 = arith.constant 0 : i32
      %lt3A_1486 = vector.broadcast %lt3A_1485 : i32 to vector<16xi32>
      %lt3A_1487 = arith.cmpi slt, %xor3A_1484, %lt3A_1486 : vector<16xi32>
      %add3A_1488 = arith.constant 16 : i32
      %add3A_1489 = vector.broadcast %add3A_1488 : i32 to vector<16xi32>
      %add3A_1490 = arith.addi %xor3A_1484, %add3A_1489 : vector<16xi32>
      %select_n3A_1491 = arith.select %lt3A_1487, %add3A_1490, %xor3A_1484 : vector<16xi1>, vector<16xi32>
      %broadcast_in_dim3A_1492 = vector.shape_cast %select_n3A_1491 : vector<16xi32> to vector<16x1xi32>
      %gather3A_1493 = vector.shape_cast %broadcast_in_dim3A_1492 : vector<16x1xi32> to vector<16xi32>
      %gather3A_1494 = tpu.dynamic_gather %select_n3A_1480[%gather3A_1493] in [0] : vector<16xf32>, vector<16xi32> -> vector<16xf32>
      %lt3A_1495 = arith.constant 0 : i32
      %lt3A_1496 = vector.broadcast %lt3A_1495 : i32 to vector<16xi32>
      %lt3A_1497 = arith.cmpi slt, %xor3A_1484, %lt3A_1496 : vector<16xi32>
      %add3A_1498 = arith.constant 16 : i32
      %add3A_1499 = vector.broadcast %add3A_1498 : i32 to vector<16xi32>
      %add3A_1500 = arith.addi %xor3A_1484, %add3A_1499 : vector<16xi32>
      %select_n3A_1501 = arith.select %lt3A_1497, %add3A_1500, %xor3A_1484 : vector<16xi1>, vector<16xi32>
      %broadcast_in_dim3A_1502 = vector.shape_cast %select_n3A_1501 : vector<16xi32> to vector<16x1xi32>
      %gather3A_1503 = vector.shape_cast %broadcast_in_dim3A_1502 : vector<16x1xi32> to vector<16xi32>
      %gather3A_1504 = tpu.dynamic_gather %select_n3A_1481[%gather3A_1503] in [0] : vector<16xi32>, vector<16xi32> -> vector<16xi32>
      %gt3A_1505 = arith.cmpf ogt, %gather3A_1494, %select_n3A_1480 : vector<16xf32>
      %eq3A_1506 = arith.cmpf oeq, %gather3A_1494, %select_n3A_1480 : vector<16xf32>
      %lt3A_1507 = arith.cmpi slt, %gather3A_1504, %select_n3A_1481 : vector<16xi32>
      %and3A_1508 = arith.andi %eq3A_1506, %lt3A_1507 : vector<16xi1>
      %or3A_1509 = arith.ori %gt3A_1505, %and3A_1508 : vector<16xi1>
      %select_n3A_1510 = arith.select %or3A_1509, %gather3A_1494, %select_n3A_1480 : vector<16xi1>, vector<16xf32>
      %select_n3A_1511 = arith.select %or3A_1509, %gather3A_1504, %select_n3A_1481 : vector<16xi1>, vector<16xi32>
      %eq3A_1512 = arith.constant 10 : i32
      %eq3A_1513 = vector.broadcast %eq3A_1512 : i32 to vector<16xi32>
      %eq3A_1514 = arith.cmpi eq, %iota3A, %eq3A_1513 : vector<16xi32>
      %select_n3A_1515 = arith.select %eq3A_1514, %select_n3A_1510, %select_n3A_1377 : vector<16xi1>, vector<16xf32>
      %eq3A_1516 = arith.constant 10 : i32
      %eq3A_1517 = vector.broadcast %eq3A_1516 : i32 to vector<16xi32>
      %eq3A_1518 = arith.cmpi eq, %iota3A, %eq3A_1517 : vector<16xi32>
      %select_n3A_1519 = arith.select %eq3A_1518, %select_n3A_1511, %select_n3A_1381 : vector<16xi1>, vector<16xi32>
      %broadcast_in_dim3A_1520 = arith.constant -1.000000e+00 : f32
      %broadcast_in_dim3A_1521 = vector.broadcast %broadcast_in_dim3A_1520 : f32 to vector<16xf32>
      %broadcast_in_dim3A_1522 = arith.constant 1073741824 : i32
      %broadcast_in_dim3A_1523 = vector.broadcast %broadcast_in_dim3A_1522 : i32 to vector<16xi32>
      %scan3A_1524 = arith.constant 0 : i32
      %scan3A_1525 = arith.constant 64 : i32
      %scan3A_1526 = arith.addi %scan3A_1524, %scan3A_1525 : i32
      %scan3A_1527 = arith.constant 1 : i32
      %scan3A_1528:2 = scf.for %scan3A_2673 = %scan3A_1524 to %scan3A_1526 step %scan3A_1527 iter_args(%scan3A_2674 = %broadcast_in_dim3A_1521, %scan3A_2675 = %broadcast_in_dim3A_1523) -> (vector<16xf32>, vector<16xi32>)  : i32 {
        %mul3A_2676 = arith.constant 16 : i32
        %mul3A_2677 = arith.muli %scan3A_2673, %mul3A_2676 : i32
        %get3A = arith.index_cast %mul3A_2677 : i32 to index
        %get3A_2678 = tpu.vector_load %arg6[%get3A] {strides = array<i32>} : memref<1024xf32, #tpu.memory_space<vmem>>, vector<16xf32>,
        %get3A_2679 = vector.shape_cast %get3A_2678 : vector<16xf32> to vector<16xf32>
        %mul3A_2680 = arith.constant 16 : i32
        %mul3A_2681 = arith.muli %scan3A_2673, %mul3A_2680 : i32
        %add3A_2682 = vector.broadcast %mul3A_2681 : i32 to vector<16xi32>
        %add3A_2683 = arith.addi %add3A_2682, %iota3A : vector<16xi32>
        %lt3A_2684 = arith.cmpf olt, %get3A_2679, %select_n3A_1510 : vector<16xf32>
        %eq3A_2685 = arith.cmpf oeq, %get3A_2679, %select_n3A_1510 : vector<16xf32>
        %gt3A_2686 = arith.cmpi sgt, %add3A_2683, %select_n3A_1511 : vector<16xi32>
        %and3A_2687 = arith.andi %eq3A_2685, %gt3A_2686 : vector<16xi1>
        %or3A_2688 = arith.ori %lt3A_2684, %and3A_2687 : vector<16xi1>
        %gt3A_2689 = arith.cmpf ogt, %get3A_2679, %scan3A_2674 : vector<16xf32>
        %eq3A_2690 = arith.cmpf oeq, %get3A_2679, %scan3A_2674 : vector<16xf32>
        %lt3A_2691 = arith.cmpi slt, %add3A_2683, %scan3A_2675 : vector<16xi32>
        %and3A_2692 = arith.andi %eq3A_2690, %lt3A_2691 : vector<16xi1>
        %or3A_2693 = arith.ori %gt3A_2689, %and3A_2692 : vector<16xi1>
        %and3A_2694 = arith.andi %or3A_2688, %or3A_2693 : vector<16xi1>
        %select_n3A_2695 = arith.select %and3A_2694, %get3A_2679, %scan3A_2674 : vector<16xi1>, vector<16xf32>
        %select_n3A_2696 = arith.select %and3A_2694, %add3A_2683, %scan3A_2675 : vector<16xi1>, vector<16xi32>
        scf.yield %select_n3A_2695, %select_n3A_2696 : vector<16xf32>, vector<16xi32>
      }
      %scan3A_1529 = arith.constant 64 : i32
      %xor3A_1530 = arith.constant 8 : i32
      %xor3A_1531 = vector.broadcast %xor3A_1530 : i32 to vector<16xi32>
      %xor3A_1532 = arith.xori %iota3A, %xor3A_1531 : vector<16xi32>
      %lt3A_1533 = arith.constant 0 : i32
      %lt3A_1534 = vector.broadcast %lt3A_1533 : i32 to vector<16xi32>
      %lt3A_1535 = arith.cmpi slt, %xor3A_1532, %lt3A_1534 : vector<16xi32>
      %add3A_1536 = arith.constant 16 : i32
      %add3A_1537 = vector.broadcast %add3A_1536 : i32 to vector<16xi32>
      %add3A_1538 = arith.addi %xor3A_1532, %add3A_1537 : vector<16xi32>
      %select_n3A_1539 = arith.select %lt3A_1535, %add3A_1538, %xor3A_1532 : vector<16xi1>, vector<16xi32>
      %broadcast_in_dim3A_1540 = vector.shape_cast %select_n3A_1539 : vector<16xi32> to vector<16x1xi32>
      %gather3A_1541 = vector.shape_cast %broadcast_in_dim3A_1540 : vector<16x1xi32> to vector<16xi32>
      %gather3A_1542 = tpu.dynamic_gather %scan3A_1528#0[%gather3A_1541] in [0] : vector<16xf32>, vector<16xi32> -> vector<16xf32>
      %lt3A_1543 = arith.constant 0 : i32
      %lt3A_1544 = vector.broadcast %lt3A_1543 : i32 to vector<16xi32>
      %lt3A_1545 = arith.cmpi slt, %xor3A_1532, %lt3A_1544 : vector<16xi32>
      %add3A_1546 = arith.constant 16 : i32
      %add3A_1547 = vector.broadcast %add3A_1546 : i32 to vector<16xi32>
      %add3A_1548 = arith.addi %xor3A_1532, %add3A_1547 : vector<16xi32>
      %select_n3A_1549 = arith.select %lt3A_1545, %add3A_1548, %xor3A_1532 : vector<16xi1>, vector<16xi32>
      %broadcast_in_dim3A_1550 = vector.shape_cast %select_n3A_1549 : vector<16xi32> to vector<16x1xi32>
      %gather3A_1551 = vector.shape_cast %broadcast_in_dim3A_1550 : vector<16x1xi32> to vector<16xi32>
      %gather3A_1552 = tpu.dynamic_gather %scan3A_1528#1[%gather3A_1551] in [0] : vector<16xi32>, vector<16xi32> -> vector<16xi32>
      %gt3A_1553 = arith.cmpf ogt, %gather3A_1542, %scan3A_1528#0 : vector<16xf32>
      %eq3A_1554 = arith.cmpf oeq, %gather3A_1542, %scan3A_1528#0 : vector<16xf32>
      %lt3A_1555 = arith.cmpi slt, %gather3A_1552, %scan3A_1528#1 : vector<16xi32>
      %and3A_1556 = arith.andi %eq3A_1554, %lt3A_1555 : vector<16xi1>
      %or3A_1557 = arith.ori %gt3A_1553, %and3A_1556 : vector<16xi1>
      %select_n3A_1558 = arith.select %or3A_1557, %gather3A_1542, %scan3A_1528#0 : vector<16xi1>, vector<16xf32>
      %select_n3A_1559 = arith.select %or3A_1557, %gather3A_1552, %scan3A_1528#1 : vector<16xi1>, vector<16xi32>
      %xor3A_1560 = arith.constant 4 : i32
      %xor3A_1561 = vector.broadcast %xor3A_1560 : i32 to vector<16xi32>
      %xor3A_1562 = arith.xori %iota3A, %xor3A_1561 : vector<16xi32>
      %lt3A_1563 = arith.constant 0 : i32
      %lt3A_1564 = vector.broadcast %lt3A_1563 : i32 to vector<16xi32>
      %lt3A_1565 = arith.cmpi slt, %xor3A_1562, %lt3A_1564 : vector<16xi32>
      %add3A_1566 = arith.constant 16 : i32
      %add3A_1567 = vector.broadcast %add3A_1566 : i32 to vector<16xi32>
      %add3A_1568 = arith.addi %xor3A_1562, %add3A_1567 : vector<16xi32>
      %select_n3A_1569 = arith.select %lt3A_1565, %add3A_1568, %xor3A_1562 : vector<16xi1>, vector<16xi32>
      %broadcast_in_dim3A_1570 = vector.shape_cast %select_n3A_1569 : vector<16xi32> to vector<16x1xi32>
      %gather3A_1571 = vector.shape_cast %broadcast_in_dim3A_1570 : vector<16x1xi32> to vector<16xi32>
      %gather3A_1572 = tpu.dynamic_gather %select_n3A_1558[%gather3A_1571] in [0] : vector<16xf32>, vector<16xi32> -> vector<16xf32>
      %lt3A_1573 = arith.constant 0 : i32
      %lt3A_1574 = vector.broadcast %lt3A_1573 : i32 to vector<16xi32>
      %lt3A_1575 = arith.cmpi slt, %xor3A_1562, %lt3A_1574 : vector<16xi32>
      %add3A_1576 = arith.constant 16 : i32
      %add3A_1577 = vector.broadcast %add3A_1576 : i32 to vector<16xi32>
      %add3A_1578 = arith.addi %xor3A_1562, %add3A_1577 : vector<16xi32>
      %select_n3A_1579 = arith.select %lt3A_1575, %add3A_1578, %xor3A_1562 : vector<16xi1>, vector<16xi32>
      %broadcast_in_dim3A_1580 = vector.shape_cast %select_n3A_1579 : vector<16xi32> to vector<16x1xi32>
      %gather3A_1581 = vector.shape_cast %broadcast_in_dim3A_1580 : vector<16x1xi32> to vector<16xi32>
      %gather3A_1582 = tpu.dynamic_gather %select_n3A_1559[%gather3A_1581] in [0] : vector<16xi32>, vector<16xi32> -> vector<16xi32>
      %gt3A_1583 = arith.cmpf ogt, %gather3A_1572, %select_n3A_1558 : vector<16xf32>
      %eq3A_1584 = arith.cmpf oeq, %gather3A_1572, %select_n3A_1558 : vector<16xf32>
      %lt3A_1585 = arith.cmpi slt, %gather3A_1582, %select_n3A_1559 : vector<16xi32>
      %and3A_1586 = arith.andi %eq3A_1584, %lt3A_1585 : vector<16xi1>
      %or3A_1587 = arith.ori %gt3A_1583, %and3A_1586 : vector<16xi1>
      %select_n3A_1588 = arith.select %or3A_1587, %gather3A_1572, %select_n3A_1558 : vector<16xi1>, vector<16xf32>
      %select_n3A_1589 = arith.select %or3A_1587, %gather3A_1582, %select_n3A_1559 : vector<16xi1>, vector<16xi32>
      %xor3A_1590 = arith.constant 2 : i32
      %xor3A_1591 = vector.broadcast %xor3A_1590 : i32 to vector<16xi32>
      %xor3A_1592 = arith.xori %iota3A, %xor3A_1591 : vector<16xi32>
      %lt3A_1593 = arith.constant 0 : i32
      %lt3A_1594 = vector.broadcast %lt3A_1593 : i32 to vector<16xi32>
      %lt3A_1595 = arith.cmpi slt, %xor3A_1592, %lt3A_1594 : vector<16xi32>
      %add3A_1596 = arith.constant 16 : i32
      %add3A_1597 = vector.broadcast %add3A_1596 : i32 to vector<16xi32>
      %add3A_1598 = arith.addi %xor3A_1592, %add3A_1597 : vector<16xi32>
      %select_n3A_1599 = arith.select %lt3A_1595, %add3A_1598, %xor3A_1592 : vector<16xi1>, vector<16xi32>
      %broadcast_in_dim3A_1600 = vector.shape_cast %select_n3A_1599 : vector<16xi32> to vector<16x1xi32>
      %gather3A_1601 = vector.shape_cast %broadcast_in_dim3A_1600 : vector<16x1xi32> to vector<16xi32>
      %gather3A_1602 = tpu.dynamic_gather %select_n3A_1588[%gather3A_1601] in [0] : vector<16xf32>, vector<16xi32> -> vector<16xf32>
      %lt3A_1603 = arith.constant 0 : i32
      %lt3A_1604 = vector.broadcast %lt3A_1603 : i32 to vector<16xi32>
      %lt3A_1605 = arith.cmpi slt, %xor3A_1592, %lt3A_1604 : vector<16xi32>
      %add3A_1606 = arith.constant 16 : i32
      %add3A_1607 = vector.broadcast %add3A_1606 : i32 to vector<16xi32>
      %add3A_1608 = arith.addi %xor3A_1592, %add3A_1607 : vector<16xi32>
      %select_n3A_1609 = arith.select %lt3A_1605, %add3A_1608, %xor3A_1592 : vector<16xi1>, vector<16xi32>
      %broadcast_in_dim3A_1610 = vector.shape_cast %select_n3A_1609 : vector<16xi32> to vector<16x1xi32>
      %gather3A_1611 = vector.shape_cast %broadcast_in_dim3A_1610 : vector<16x1xi32> to vector<16xi32>
      %gather3A_1612 = tpu.dynamic_gather %select_n3A_1589[%gather3A_1611] in [0] : vector<16xi32>, vector<16xi32> -> vector<16xi32>
      %gt3A_1613 = arith.cmpf ogt, %gather3A_1602, %select_n3A_1588 : vector<16xf32>
      %eq3A_1614 = arith.cmpf oeq, %gather3A_1602, %select_n3A_1588 : vector<16xf32>
      %lt3A_1615 = arith.cmpi slt, %gather3A_1612, %select_n3A_1589 : vector<16xi32>
      %and3A_1616 = arith.andi %eq3A_1614, %lt3A_1615 : vector<16xi1>
      %or3A_1617 = arith.ori %gt3A_1613, %and3A_1616 : vector<16xi1>
      %select_n3A_1618 = arith.select %or3A_1617, %gather3A_1602, %select_n3A_1588 : vector<16xi1>, vector<16xf32>
      %select_n3A_1619 = arith.select %or3A_1617, %gather3A_1612, %select_n3A_1589 : vector<16xi1>, vector<16xi32>
      %xor3A_1620 = arith.constant 1 : i32
      %xor3A_1621 = vector.broadcast %xor3A_1620 : i32 to vector<16xi32>
      %xor3A_1622 = arith.xori %iota3A, %xor3A_1621 : vector<16xi32>
      %lt3A_1623 = arith.constant 0 : i32
      %lt3A_1624 = vector.broadcast %lt3A_1623 : i32 to vector<16xi32>
      %lt3A_1625 = arith.cmpi slt, %xor3A_1622, %lt3A_1624 : vector<16xi32>
      %add3A_1626 = arith.constant 16 : i32
      %add3A_1627 = vector.broadcast %add3A_1626 : i32 to vector<16xi32>
      %add3A_1628 = arith.addi %xor3A_1622, %add3A_1627 : vector<16xi32>
      %select_n3A_1629 = arith.select %lt3A_1625, %add3A_1628, %xor3A_1622 : vector<16xi1>, vector<16xi32>
      %broadcast_in_dim3A_1630 = vector.shape_cast %select_n3A_1629 : vector<16xi32> to vector<16x1xi32>
      %gather3A_1631 = vector.shape_cast %broadcast_in_dim3A_1630 : vector<16x1xi32> to vector<16xi32>
      %gather3A_1632 = tpu.dynamic_gather %select_n3A_1618[%gather3A_1631] in [0] : vector<16xf32>, vector<16xi32> -> vector<16xf32>
      %lt3A_1633 = arith.constant 0 : i32
      %lt3A_1634 = vector.broadcast %lt3A_1633 : i32 to vector<16xi32>
      %lt3A_1635 = arith.cmpi slt, %xor3A_1622, %lt3A_1634 : vector<16xi32>
      %add3A_1636 = arith.constant 16 : i32
      %add3A_1637 = vector.broadcast %add3A_1636 : i32 to vector<16xi32>
      %add3A_1638 = arith.addi %xor3A_1622, %add3A_1637 : vector<16xi32>
      %select_n3A_1639 = arith.select %lt3A_1635, %add3A_1638, %xor3A_1622 : vector<16xi1>, vector<16xi32>
      %broadcast_in_dim3A_1640 = vector.shape_cast %select_n3A_1639 : vector<16xi32> to vector<16x1xi32>
      %gather3A_1641 = vector.shape_cast %broadcast_in_dim3A_1640 : vector<16x1xi32> to vector<16xi32>
      %gather3A_1642 = tpu.dynamic_gather %select_n3A_1619[%gather3A_1641] in [0] : vector<16xi32>, vector<16xi32> -> vector<16xi32>
      %gt3A_1643 = arith.cmpf ogt, %gather3A_1632, %select_n3A_1618 : vector<16xf32>
      %eq3A_1644 = arith.cmpf oeq, %gather3A_1632, %select_n3A_1618 : vector<16xf32>
      %lt3A_1645 = arith.cmpi slt, %gather3A_1642, %select_n3A_1619 : vector<16xi32>
      %and3A_1646 = arith.andi %eq3A_1644, %lt3A_1645 : vector<16xi1>
      %or3A_1647 = arith.ori %gt3A_1643, %and3A_1646 : vector<16xi1>
      %select_n3A_1648 = arith.select %or3A_1647, %gather3A_1632, %select_n3A_1618 : vector<16xi1>, vector<16xf32>
      %select_n3A_1649 = arith.select %or3A_1647, %gather3A_1642, %select_n3A_1619 : vector<16xi1>, vector<16xi32>
      %eq3A_1650 = arith.constant 11 : i32
      %eq3A_1651 = vector.broadcast %eq3A_1650 : i32 to vector<16xi32>
      %eq3A_1652 = arith.cmpi eq, %iota3A, %eq3A_1651 : vector<16xi32>
      %select_n3A_1653 = arith.select %eq3A_1652, %select_n3A_1648, %select_n3A_1515 : vector<16xi1>, vector<16xf32>
      %eq3A_1654 = arith.constant 11 : i32
      %eq3A_1655 = vector.broadcast %eq3A_1654 : i32 to vector<16xi32>
      %eq3A_1656 = arith.cmpi eq, %iota3A, %eq3A_1655 : vector<16xi32>
      %select_n3A_1657 = arith.select %eq3A_1656, %select_n3A_1649, %select_n3A_1519 : vector<16xi1>, vector<16xi32>
      %broadcast_in_dim3A_1658 = arith.constant -1.000000e+00 : f32
      %broadcast_in_dim3A_1659 = vector.broadcast %broadcast_in_dim3A_1658 : f32 to vector<16xf32>
      %broadcast_in_dim3A_1660 = arith.constant 1073741824 : i32
      %broadcast_in_dim3A_1661 = vector.broadcast %broadcast_in_dim3A_1660 : i32 to vector<16xi32>
      %scan3A_1662 = arith.constant 0 : i32
      %scan3A_1663 = arith.constant 64 : i32
      %scan3A_1664 = arith.addi %scan3A_1662, %scan3A_1663 : i32
      %scan3A_1665 = arith.constant 1 : i32
      %scan3A_1666:2 = scf.for %scan3A_2673 = %scan3A_1662 to %scan3A_1664 step %scan3A_1665 iter_args(%scan3A_2674 = %broadcast_in_dim3A_1659, %scan3A_2675 = %broadcast_in_dim3A_1661) -> (vector<16xf32>, vector<16xi32>)  : i32 {
        %mul3A_2676 = arith.constant 16 : i32
        %mul3A_2677 = arith.muli %scan3A_2673, %mul3A_2676 : i32
        %get3A = arith.index_cast %mul3A_2677 : i32 to index
        %get3A_2678 = tpu.vector_load %arg6[%get3A] {strides = array<i32>} : memref<1024xf32, #tpu.memory_space<vmem>>, vector<16xf32>,
        %get3A_2679 = vector.shape_cast %get3A_2678 : vector<16xf32> to vector<16xf32>
        %mul3A_2680 = arith.constant 16 : i32
        %mul3A_2681 = arith.muli %scan3A_2673, %mul3A_2680 : i32
        %add3A_2682 = vector.broadcast %mul3A_2681 : i32 to vector<16xi32>
        %add3A_2683 = arith.addi %add3A_2682, %iota3A : vector<16xi32>
        %lt3A_2684 = arith.cmpf olt, %get3A_2679, %select_n3A_1648 : vector<16xf32>
        %eq3A_2685 = arith.cmpf oeq, %get3A_2679, %select_n3A_1648 : vector<16xf32>
        %gt3A_2686 = arith.cmpi sgt, %add3A_2683, %select_n3A_1649 : vector<16xi32>
        %and3A_2687 = arith.andi %eq3A_2685, %gt3A_2686 : vector<16xi1>
        %or3A_2688 = arith.ori %lt3A_2684, %and3A_2687 : vector<16xi1>
        %gt3A_2689 = arith.cmpf ogt, %get3A_2679, %scan3A_2674 : vector<16xf32>
        %eq3A_2690 = arith.cmpf oeq, %get3A_2679, %scan3A_2674 : vector<16xf32>
        %lt3A_2691 = arith.cmpi slt, %add3A_2683, %scan3A_2675 : vector<16xi32>
        %and3A_2692 = arith.andi %eq3A_2690, %lt3A_2691 : vector<16xi1>
        %or3A_2693 = arith.ori %gt3A_2689, %and3A_2692 : vector<16xi1>
        %and3A_2694 = arith.andi %or3A_2688, %or3A_2693 : vector<16xi1>
        %select_n3A_2695 = arith.select %and3A_2694, %get3A_2679, %scan3A_2674 : vector<16xi1>, vector<16xf32>
        %select_n3A_2696 = arith.select %and3A_2694, %add3A_2683, %scan3A_2675 : vector<16xi1>, vector<16xi32>
        scf.yield %select_n3A_2695, %select_n3A_2696 : vector<16xf32>, vector<16xi32>
      }
      %scan3A_1667 = arith.constant 64 : i32
      %xor3A_1668 = arith.constant 8 : i32
      %xor3A_1669 = vector.broadcast %xor3A_1668 : i32 to vector<16xi32>
      %xor3A_1670 = arith.xori %iota3A, %xor3A_1669 : vector<16xi32>
      %lt3A_1671 = arith.constant 0 : i32
      %lt3A_1672 = vector.broadcast %lt3A_1671 : i32 to vector<16xi32>
      %lt3A_1673 = arith.cmpi slt, %xor3A_1670, %lt3A_1672 : vector<16xi32>
      %add3A_1674 = arith.constant 16 : i32
      %add3A_1675 = vector.broadcast %add3A_1674 : i32 to vector<16xi32>
      %add3A_1676 = arith.addi %xor3A_1670, %add3A_1675 : vector<16xi32>
      %select_n3A_1677 = arith.select %lt3A_1673, %add3A_1676, %xor3A_1670 : vector<16xi1>, vector<16xi32>
      %broadcast_in_dim3A_1678 = vector.shape_cast %select_n3A_1677 : vector<16xi32> to vector<16x1xi32>
      %gather3A_1679 = vector.shape_cast %broadcast_in_dim3A_1678 : vector<16x1xi32> to vector<16xi32>
      %gather3A_1680 = tpu.dynamic_gather %scan3A_1666#0[%gather3A_1679] in [0] : vector<16xf32>, vector<16xi32> -> vector<16xf32>
      %lt3A_1681 = arith.constant 0 : i32
      %lt3A_1682 = vector.broadcast %lt3A_1681 : i32 to vector<16xi32>
      %lt3A_1683 = arith.cmpi slt, %xor3A_1670, %lt3A_1682 : vector<16xi32>
      %add3A_1684 = arith.constant 16 : i32
      %add3A_1685 = vector.broadcast %add3A_1684 : i32 to vector<16xi32>
      %add3A_1686 = arith.addi %xor3A_1670, %add3A_1685 : vector<16xi32>
      %select_n3A_1687 = arith.select %lt3A_1683, %add3A_1686, %xor3A_1670 : vector<16xi1>, vector<16xi32>
      %broadcast_in_dim3A_1688 = vector.shape_cast %select_n3A_1687 : vector<16xi32> to vector<16x1xi32>
      %gather3A_1689 = vector.shape_cast %broadcast_in_dim3A_1688 : vector<16x1xi32> to vector<16xi32>
      %gather3A_1690 = tpu.dynamic_gather %scan3A_1666#1[%gather3A_1689] in [0] : vector<16xi32>, vector<16xi32> -> vector<16xi32>
      %gt3A_1691 = arith.cmpf ogt, %gather3A_1680, %scan3A_1666#0 : vector<16xf32>
      %eq3A_1692 = arith.cmpf oeq, %gather3A_1680, %scan3A_1666#0 : vector<16xf32>
      %lt3A_1693 = arith.cmpi slt, %gather3A_1690, %scan3A_1666#1 : vector<16xi32>
      %and3A_1694 = arith.andi %eq3A_1692, %lt3A_1693 : vector<16xi1>
      %or3A_1695 = arith.ori %gt3A_1691, %and3A_1694 : vector<16xi1>
      %select_n3A_1696 = arith.select %or3A_1695, %gather3A_1680, %scan3A_1666#0 : vector<16xi1>, vector<16xf32>
      %select_n3A_1697 = arith.select %or3A_1695, %gather3A_1690, %scan3A_1666#1 : vector<16xi1>, vector<16xi32>
      %xor3A_1698 = arith.constant 4 : i32
      %xor3A_1699 = vector.broadcast %xor3A_1698 : i32 to vector<16xi32>
      %xor3A_1700 = arith.xori %iota3A, %xor3A_1699 : vector<16xi32>
      %lt3A_1701 = arith.constant 0 : i32
      %lt3A_1702 = vector.broadcast %lt3A_1701 : i32 to vector<16xi32>
      %lt3A_1703 = arith.cmpi slt, %xor3A_1700, %lt3A_1702 : vector<16xi32>
      %add3A_1704 = arith.constant 16 : i32
      %add3A_1705 = vector.broadcast %add3A_1704 : i32 to vector<16xi32>
      %add3A_1706 = arith.addi %xor3A_1700, %add3A_1705 : vector<16xi32>
      %select_n3A_1707 = arith.select %lt3A_1703, %add3A_1706, %xor3A_1700 : vector<16xi1>, vector<16xi32>
      %broadcast_in_dim3A_1708 = vector.shape_cast %select_n3A_1707 : vector<16xi32> to vector<16x1xi32>
      %gather3A_1709 = vector.shape_cast %broadcast_in_dim3A_1708 : vector<16x1xi32> to vector<16xi32>
      %gather3A_1710 = tpu.dynamic_gather %select_n3A_1696[%gather3A_1709] in [0] : vector<16xf32>, vector<16xi32> -> vector<16xf32>
      %lt3A_1711 = arith.constant 0 : i32
      %lt3A_1712 = vector.broadcast %lt3A_1711 : i32 to vector<16xi32>
      %lt3A_1713 = arith.cmpi slt, %xor3A_1700, %lt3A_1712 : vector<16xi32>
      %add3A_1714 = arith.constant 16 : i32
      %add3A_1715 = vector.broadcast %add3A_1714 : i32 to vector<16xi32>
      %add3A_1716 = arith.addi %xor3A_1700, %add3A_1715 : vector<16xi32>
      %select_n3A_1717 = arith.select %lt3A_1713, %add3A_1716, %xor3A_1700 : vector<16xi1>, vector<16xi32>
      %broadcast_in_dim3A_1718 = vector.shape_cast %select_n3A_1717 : vector<16xi32> to vector<16x1xi32>
      %gather3A_1719 = vector.shape_cast %broadcast_in_dim3A_1718 : vector<16x1xi32> to vector<16xi32>
      %gather3A_1720 = tpu.dynamic_gather %select_n3A_1697[%gather3A_1719] in [0] : vector<16xi32>, vector<16xi32> -> vector<16xi32>
      %gt3A_1721 = arith.cmpf ogt, %gather3A_1710, %select_n3A_1696 : vector<16xf32>
      %eq3A_1722 = arith.cmpf oeq, %gather3A_1710, %select_n3A_1696 : vector<16xf32>
      %lt3A_1723 = arith.cmpi slt, %gather3A_1720, %select_n3A_1697 : vector<16xi32>
      %and3A_1724 = arith.andi %eq3A_1722, %lt3A_1723 : vector<16xi1>
      %or3A_1725 = arith.ori %gt3A_1721, %and3A_1724 : vector<16xi1>
      %select_n3A_1726 = arith.select %or3A_1725, %gather3A_1710, %select_n3A_1696 : vector<16xi1>, vector<16xf32>
      %select_n3A_1727 = arith.select %or3A_1725, %gather3A_1720, %select_n3A_1697 : vector<16xi1>, vector<16xi32>
      %xor3A_1728 = arith.constant 2 : i32
      %xor3A_1729 = vector.broadcast %xor3A_1728 : i32 to vector<16xi32>
      %xor3A_1730 = arith.xori %iota3A, %xor3A_1729 : vector<16xi32>
      %lt3A_1731 = arith.constant 0 : i32
      %lt3A_1732 = vector.broadcast %lt3A_1731 : i32 to vector<16xi32>
      %lt3A_1733 = arith.cmpi slt, %xor3A_1730, %lt3A_1732 : vector<16xi32>
      %add3A_1734 = arith.constant 16 : i32
      %add3A_1735 = vector.broadcast %add3A_1734 : i32 to vector<16xi32>
      %add3A_1736 = arith.addi %xor3A_1730, %add3A_1735 : vector<16xi32>
      %select_n3A_1737 = arith.select %lt3A_1733, %add3A_1736, %xor3A_1730 : vector<16xi1>, vector<16xi32>
      %broadcast_in_dim3A_1738 = vector.shape_cast %select_n3A_1737 : vector<16xi32> to vector<16x1xi32>
      %gather3A_1739 = vector.shape_cast %broadcast_in_dim3A_1738 : vector<16x1xi32> to vector<16xi32>
      %gather3A_1740 = tpu.dynamic_gather %select_n3A_1726[%gather3A_1739] in [0] : vector<16xf32>, vector<16xi32> -> vector<16xf32>
      %lt3A_1741 = arith.constant 0 : i32
      %lt3A_1742 = vector.broadcast %lt3A_1741 : i32 to vector<16xi32>
      %lt3A_1743 = arith.cmpi slt, %xor3A_1730, %lt3A_1742 : vector<16xi32>
      %add3A_1744 = arith.constant 16 : i32
      %add3A_1745 = vector.broadcast %add3A_1744 : i32 to vector<16xi32>
      %add3A_1746 = arith.addi %xor3A_1730, %add3A_1745 : vector<16xi32>
      %select_n3A_1747 = arith.select %lt3A_1743, %add3A_1746, %xor3A_1730 : vector<16xi1>, vector<16xi32>
      %broadcast_in_dim3A_1748 = vector.shape_cast %select_n3A_1747 : vector<16xi32> to vector<16x1xi32>
      %gather3A_1749 = vector.shape_cast %broadcast_in_dim3A_1748 : vector<16x1xi32> to vector<16xi32>
      %gather3A_1750 = tpu.dynamic_gather %select_n3A_1727[%gather3A_1749] in [0] : vector<16xi32>, vector<16xi32> -> vector<16xi32>
      %gt3A_1751 = arith.cmpf ogt, %gather3A_1740, %select_n3A_1726 : vector<16xf32>
      %eq3A_1752 = arith.cmpf oeq, %gather3A_1740, %select_n3A_1726 : vector<16xf32>
      %lt3A_1753 = arith.cmpi slt, %gather3A_1750, %select_n3A_1727 : vector<16xi32>
      %and3A_1754 = arith.andi %eq3A_1752, %lt3A_1753 : vector<16xi1>
      %or3A_1755 = arith.ori %gt3A_1751, %and3A_1754 : vector<16xi1>
      %select_n3A_1756 = arith.select %or3A_1755, %gather3A_1740, %select_n3A_1726 : vector<16xi1>, vector<16xf32>
      %select_n3A_1757 = arith.select %or3A_1755, %gather3A_1750, %select_n3A_1727 : vector<16xi1>, vector<16xi32>
      %xor3A_1758 = arith.constant 1 : i32
      %xor3A_1759 = vector.broadcast %xor3A_1758 : i32 to vector<16xi32>
      %xor3A_1760 = arith.xori %iota3A, %xor3A_1759 : vector<16xi32>
      %lt3A_1761 = arith.constant 0 : i32
      %lt3A_1762 = vector.broadcast %lt3A_1761 : i32 to vector<16xi32>
      %lt3A_1763 = arith.cmpi slt, %xor3A_1760, %lt3A_1762 : vector<16xi32>
      %add3A_1764 = arith.constant 16 : i32
      %add3A_1765 = vector.broadcast %add3A_1764 : i32 to vector<16xi32>
      %add3A_1766 = arith.addi %xor3A_1760, %add3A_1765 : vector<16xi32>
      %select_n3A_1767 = arith.select %lt3A_1763, %add3A_1766, %xor3A_1760 : vector<16xi1>, vector<16xi32>
      %broadcast_in_dim3A_1768 = vector.shape_cast %select_n3A_1767 : vector<16xi32> to vector<16x1xi32>
      %gather3A_1769 = vector.shape_cast %broadcast_in_dim3A_1768 : vector<16x1xi32> to vector<16xi32>
      %gather3A_1770 = tpu.dynamic_gather %select_n3A_1756[%gather3A_1769] in [0] : vector<16xf32>, vector<16xi32> -> vector<16xf32>
      %lt3A_1771 = arith.constant 0 : i32
      %lt3A_1772 = vector.broadcast %lt3A_1771 : i32 to vector<16xi32>
      %lt3A_1773 = arith.cmpi slt, %xor3A_1760, %lt3A_1772 : vector<16xi32>
      %add3A_1774 = arith.constant 16 : i32
      %add3A_1775 = vector.broadcast %add3A_1774 : i32 to vector<16xi32>
      %add3A_1776 = arith.addi %xor3A_1760, %add3A_1775 : vector<16xi32>
      %select_n3A_1777 = arith.select %lt3A_1773, %add3A_1776, %xor3A_1760 : vector<16xi1>, vector<16xi32>
      %broadcast_in_dim3A_1778 = vector.shape_cast %select_n3A_1777 : vector<16xi32> to vector<16x1xi32>
      %gather3A_1779 = vector.shape_cast %broadcast_in_dim3A_1778 : vector<16x1xi32> to vector<16xi32>
      %gather3A_1780 = tpu.dynamic_gather %select_n3A_1757[%gather3A_1779] in [0] : vector<16xi32>, vector<16xi32> -> vector<16xi32>
      %gt3A_1781 = arith.cmpf ogt, %gather3A_1770, %select_n3A_1756 : vector<16xf32>
      %eq3A_1782 = arith.cmpf oeq, %gather3A_1770, %select_n3A_1756 : vector<16xf32>
      %lt3A_1783 = arith.cmpi slt, %gather3A_1780, %select_n3A_1757 : vector<16xi32>
      %and3A_1784 = arith.andi %eq3A_1782, %lt3A_1783 : vector<16xi1>
      %or3A_1785 = arith.ori %gt3A_1781, %and3A_1784 : vector<16xi1>
      %select_n3A_1786 = arith.select %or3A_1785, %gather3A_1770, %select_n3A_1756 : vector<16xi1>, vector<16xf32>
      %select_n3A_1787 = arith.select %or3A_1785, %gather3A_1780, %select_n3A_1757 : vector<16xi1>, vector<16xi32>
      %eq3A_1788 = arith.constant 12 : i32
      %eq3A_1789 = vector.broadcast %eq3A_1788 : i32 to vector<16xi32>
      %eq3A_1790 = arith.cmpi eq, %iota3A, %eq3A_1789 : vector<16xi32>
      %select_n3A_1791 = arith.select %eq3A_1790, %select_n3A_1786, %select_n3A_1653 : vector<16xi1>, vector<16xf32>
      %eq3A_1792 = arith.constant 12 : i32
      %eq3A_1793 = vector.broadcast %eq3A_1792 : i32 to vector<16xi32>
      %eq3A_1794 = arith.cmpi eq, %iota3A, %eq3A_1793 : vector<16xi32>
      %select_n3A_1795 = arith.select %eq3A_1794, %select_n3A_1787, %select_n3A_1657 : vector<16xi1>, vector<16xi32>
      %broadcast_in_dim3A_1796 = arith.constant -1.000000e+00 : f32
      %broadcast_in_dim3A_1797 = vector.broadcast %broadcast_in_dim3A_1796 : f32 to vector<16xf32>
      %broadcast_in_dim3A_1798 = arith.constant 1073741824 : i32
      %broadcast_in_dim3A_1799 = vector.broadcast %broadcast_in_dim3A_1798 : i32 to vector<16xi32>
      %scan3A_1800 = arith.constant 0 : i32
      %scan3A_1801 = arith.constant 64 : i32
      %scan3A_1802 = arith.addi %scan3A_1800, %scan3A_1801 : i32
      %scan3A_1803 = arith.constant 1 : i32
      %scan3A_1804:2 = scf.for %scan3A_2673 = %scan3A_1800 to %scan3A_1802 step %scan3A_1803 iter_args(%scan3A_2674 = %broadcast_in_dim3A_1797, %scan3A_2675 = %broadcast_in_dim3A_1799) -> (vector<16xf32>, vector<16xi32>)  : i32 {
        %mul3A_2676 = arith.constant 16 : i32
        %mul3A_2677 = arith.muli %scan3A_2673, %mul3A_2676 : i32
        %get3A = arith.index_cast %mul3A_2677 : i32 to index
        %get3A_2678 = tpu.vector_load %arg6[%get3A] {strides = array<i32>} : memref<1024xf32, #tpu.memory_space<vmem>>, vector<16xf32>,
        %get3A_2679 = vector.shape_cast %get3A_2678 : vector<16xf32> to vector<16xf32>
        %mul3A_2680 = arith.constant 16 : i32
        %mul3A_2681 = arith.muli %scan3A_2673, %mul3A_2680 : i32
        %add3A_2682 = vector.broadcast %mul3A_2681 : i32 to vector<16xi32>
        %add3A_2683 = arith.addi %add3A_2682, %iota3A : vector<16xi32>
        %lt3A_2684 = arith.cmpf olt, %get3A_2679, %select_n3A_1786 : vector<16xf32>
        %eq3A_2685 = arith.cmpf oeq, %get3A_2679, %select_n3A_1786 : vector<16xf32>
        %gt3A_2686 = arith.cmpi sgt, %add3A_2683, %select_n3A_1787 : vector<16xi32>
        %and3A_2687 = arith.andi %eq3A_2685, %gt3A_2686 : vector<16xi1>
        %or3A_2688 = arith.ori %lt3A_2684, %and3A_2687 : vector<16xi1>
        %gt3A_2689 = arith.cmpf ogt, %get3A_2679, %scan3A_2674 : vector<16xf32>
        %eq3A_2690 = arith.cmpf oeq, %get3A_2679, %scan3A_2674 : vector<16xf32>
        %lt3A_2691 = arith.cmpi slt, %add3A_2683, %scan3A_2675 : vector<16xi32>
        %and3A_2692 = arith.andi %eq3A_2690, %lt3A_2691 : vector<16xi1>
        %or3A_2693 = arith.ori %gt3A_2689, %and3A_2692 : vector<16xi1>
        %and3A_2694 = arith.andi %or3A_2688, %or3A_2693 : vector<16xi1>
        %select_n3A_2695 = arith.select %and3A_2694, %get3A_2679, %scan3A_2674 : vector<16xi1>, vector<16xf32>
        %select_n3A_2696 = arith.select %and3A_2694, %add3A_2683, %scan3A_2675 : vector<16xi1>, vector<16xi32>
        scf.yield %select_n3A_2695, %select_n3A_2696 : vector<16xf32>, vector<16xi32>
      }
      %scan3A_1805 = arith.constant 64 : i32
      %xor3A_1806 = arith.constant 8 : i32
      %xor3A_1807 = vector.broadcast %xor3A_1806 : i32 to vector<16xi32>
      %xor3A_1808 = arith.xori %iota3A, %xor3A_1807 : vector<16xi32>
      %lt3A_1809 = arith.constant 0 : i32
      %lt3A_1810 = vector.broadcast %lt3A_1809 : i32 to vector<16xi32>
      %lt3A_1811 = arith.cmpi slt, %xor3A_1808, %lt3A_1810 : vector<16xi32>
      %add3A_1812 = arith.constant 16 : i32
      %add3A_1813 = vector.broadcast %add3A_1812 : i32 to vector<16xi32>
      %add3A_1814 = arith.addi %xor3A_1808, %add3A_1813 : vector<16xi32>
      %select_n3A_1815 = arith.select %lt3A_1811, %add3A_1814, %xor3A_1808 : vector<16xi1>, vector<16xi32>
      %broadcast_in_dim3A_1816 = vector.shape_cast %select_n3A_1815 : vector<16xi32> to vector<16x1xi32>
      %gather3A_1817 = vector.shape_cast %broadcast_in_dim3A_1816 : vector<16x1xi32> to vector<16xi32>
      %gather3A_1818 = tpu.dynamic_gather %scan3A_1804#0[%gather3A_1817] in [0] : vector<16xf32>, vector<16xi32> -> vector<16xf32>
      %lt3A_1819 = arith.constant 0 : i32
      %lt3A_1820 = vector.broadcast %lt3A_1819 : i32 to vector<16xi32>
      %lt3A_1821 = arith.cmpi slt, %xor3A_1808, %lt3A_1820 : vector<16xi32>
      %add3A_1822 = arith.constant 16 : i32
      %add3A_1823 = vector.broadcast %add3A_1822 : i32 to vector<16xi32>
      %add3A_1824 = arith.addi %xor3A_1808, %add3A_1823 : vector<16xi32>
      %select_n3A_1825 = arith.select %lt3A_1821, %add3A_1824, %xor3A_1808 : vector<16xi1>, vector<16xi32>
      %broadcast_in_dim3A_1826 = vector.shape_cast %select_n3A_1825 : vector<16xi32> to vector<16x1xi32>
      %gather3A_1827 = vector.shape_cast %broadcast_in_dim3A_1826 : vector<16x1xi32> to vector<16xi32>
      %gather3A_1828 = tpu.dynamic_gather %scan3A_1804#1[%gather3A_1827] in [0] : vector<16xi32>, vector<16xi32> -> vector<16xi32>
      %gt3A_1829 = arith.cmpf ogt, %gather3A_1818, %scan3A_1804#0 : vector<16xf32>
      %eq3A_1830 = arith.cmpf oeq, %gather3A_1818, %scan3A_1804#0 : vector<16xf32>
      %lt3A_1831 = arith.cmpi slt, %gather3A_1828, %scan3A_1804#1 : vector<16xi32>
      %and3A_1832 = arith.andi %eq3A_1830, %lt3A_1831 : vector<16xi1>
      %or3A_1833 = arith.ori %gt3A_1829, %and3A_1832 : vector<16xi1>
      %select_n3A_1834 = arith.select %or3A_1833, %gather3A_1818, %scan3A_1804#0 : vector<16xi1>, vector<16xf32>
      %select_n3A_1835 = arith.select %or3A_1833, %gather3A_1828, %scan3A_1804#1 : vector<16xi1>, vector<16xi32>
      %xor3A_1836 = arith.constant 4 : i32
      %xor3A_1837 = vector.broadcast %xor3A_1836 : i32 to vector<16xi32>
      %xor3A_1838 = arith.xori %iota3A, %xor3A_1837 : vector<16xi32>
      %lt3A_1839 = arith.constant 0 : i32
      %lt3A_1840 = vector.broadcast %lt3A_1839 : i32 to vector<16xi32>
      %lt3A_1841 = arith.cmpi slt, %xor3A_1838, %lt3A_1840 : vector<16xi32>
      %add3A_1842 = arith.constant 16 : i32
      %add3A_1843 = vector.broadcast %add3A_1842 : i32 to vector<16xi32>
      %add3A_1844 = arith.addi %xor3A_1838, %add3A_1843 : vector<16xi32>
      %select_n3A_1845 = arith.select %lt3A_1841, %add3A_1844, %xor3A_1838 : vector<16xi1>, vector<16xi32>
      %broadcast_in_dim3A_1846 = vector.shape_cast %select_n3A_1845 : vector<16xi32> to vector<16x1xi32>
      %gather3A_1847 = vector.shape_cast %broadcast_in_dim3A_1846 : vector<16x1xi32> to vector<16xi32>
      %gather3A_1848 = tpu.dynamic_gather %select_n3A_1834[%gather3A_1847] in [0] : vector<16xf32>, vector<16xi32> -> vector<16xf32>
      %lt3A_1849 = arith.constant 0 : i32
      %lt3A_1850 = vector.broadcast %lt3A_1849 : i32 to vector<16xi32>
      %lt3A_1851 = arith.cmpi slt, %xor3A_1838, %lt3A_1850 : vector<16xi32>
      %add3A_1852 = arith.constant 16 : i32
      %add3A_1853 = vector.broadcast %add3A_1852 : i32 to vector<16xi32>
      %add3A_1854 = arith.addi %xor3A_1838, %add3A_1853 : vector<16xi32>
      %select_n3A_1855 = arith.select %lt3A_1851, %add3A_1854, %xor3A_1838 : vector<16xi1>, vector<16xi32>
      %broadcast_in_dim3A_1856 = vector.shape_cast %select_n3A_1855 : vector<16xi32> to vector<16x1xi32>
      %gather3A_1857 = vector.shape_cast %broadcast_in_dim3A_1856 : vector<16x1xi32> to vector<16xi32>
      %gather3A_1858 = tpu.dynamic_gather %select_n3A_1835[%gather3A_1857] in [0] : vector<16xi32>, vector<16xi32> -> vector<16xi32>
      %gt3A_1859 = arith.cmpf ogt, %gather3A_1848, %select_n3A_1834 : vector<16xf32>
      %eq3A_1860 = arith.cmpf oeq, %gather3A_1848, %select_n3A_1834 : vector<16xf32>
      %lt3A_1861 = arith.cmpi slt, %gather3A_1858, %select_n3A_1835 : vector<16xi32>
      %and3A_1862 = arith.andi %eq3A_1860, %lt3A_1861 : vector<16xi1>
      %or3A_1863 = arith.ori %gt3A_1859, %and3A_1862 : vector<16xi1>
      %select_n3A_1864 = arith.select %or3A_1863, %gather3A_1848, %select_n3A_1834 : vector<16xi1>, vector<16xf32>
      %select_n3A_1865 = arith.select %or3A_1863, %gather3A_1858, %select_n3A_1835 : vector<16xi1>, vector<16xi32>
      %xor3A_1866 = arith.constant 2 : i32
      %xor3A_1867 = vector.broadcast %xor3A_1866 : i32 to vector<16xi32>
      %xor3A_1868 = arith.xori %iota3A, %xor3A_1867 : vector<16xi32>
      %lt3A_1869 = arith.constant 0 : i32
      %lt3A_1870 = vector.broadcast %lt3A_1869 : i32 to vector<16xi32>
      %lt3A_1871 = arith.cmpi slt, %xor3A_1868, %lt3A_1870 : vector<16xi32>
      %add3A_1872 = arith.constant 16 : i32
      %add3A_1873 = vector.broadcast %add3A_1872 : i32 to vector<16xi32>
      %add3A_1874 = arith.addi %xor3A_1868, %add3A_1873 : vector<16xi32>
      %select_n3A_1875 = arith.select %lt3A_1871, %add3A_1874, %xor3A_1868 : vector<16xi1>, vector<16xi32>
      %broadcast_in_dim3A_1876 = vector.shape_cast %select_n3A_1875 : vector<16xi32> to vector<16x1xi32>
      %gather3A_1877 = vector.shape_cast %broadcast_in_dim3A_1876 : vector<16x1xi32> to vector<16xi32>
      %gather3A_1878 = tpu.dynamic_gather %select_n3A_1864[%gather3A_1877] in [0] : vector<16xf32>, vector<16xi32> -> vector<16xf32>
      %lt3A_1879 = arith.constant 0 : i32
      %lt3A_1880 = vector.broadcast %lt3A_1879 : i32 to vector<16xi32>
      %lt3A_1881 = arith.cmpi slt, %xor3A_1868, %lt3A_1880 : vector<16xi32>
      %add3A_1882 = arith.constant 16 : i32
      %add3A_1883 = vector.broadcast %add3A_1882 : i32 to vector<16xi32>
      %add3A_1884 = arith.addi %xor3A_1868, %add3A_1883 : vector<16xi32>
      %select_n3A_1885 = arith.select %lt3A_1881, %add3A_1884, %xor3A_1868 : vector<16xi1>, vector<16xi32>
      %broadcast_in_dim3A_1886 = vector.shape_cast %select_n3A_1885 : vector<16xi32> to vector<16x1xi32>
      %gather3A_1887 = vector.shape_cast %broadcast_in_dim3A_1886 : vector<16x1xi32> to vector<16xi32>
      %gather3A_1888 = tpu.dynamic_gather %select_n3A_1865[%gather3A_1887] in [0] : vector<16xi32>, vector<16xi32> -> vector<16xi32>
      %gt3A_1889 = arith.cmpf ogt, %gather3A_1878, %select_n3A_1864 : vector<16xf32>
      %eq3A_1890 = arith.cmpf oeq, %gather3A_1878, %select_n3A_1864 : vector<16xf32>
      %lt3A_1891 = arith.cmpi slt, %gather3A_1888, %select_n3A_1865 : vector<16xi32>
      %and3A_1892 = arith.andi %eq3A_1890, %lt3A_1891 : vector<16xi1>
      %or3A_1893 = arith.ori %gt3A_1889, %and3A_1892 : vector<16xi1>
      %select_n3A_1894 = arith.select %or3A_1893, %gather3A_1878, %select_n3A_1864 : vector<16xi1>, vector<16xf32>
      %select_n3A_1895 = arith.select %or3A_1893, %gather3A_1888, %select_n3A_1865 : vector<16xi1>, vector<16xi32>
      %xor3A_1896 = arith.constant 1 : i32
      %xor3A_1897 = vector.broadcast %xor3A_1896 : i32 to vector<16xi32>
      %xor3A_1898 = arith.xori %iota3A, %xor3A_1897 : vector<16xi32>
      %lt3A_1899 = arith.constant 0 : i32
      %lt3A_1900 = vector.broadcast %lt3A_1899 : i32 to vector<16xi32>
      %lt3A_1901 = arith.cmpi slt, %xor3A_1898, %lt3A_1900 : vector<16xi32>
      %add3A_1902 = arith.constant 16 : i32
      %add3A_1903 = vector.broadcast %add3A_1902 : i32 to vector<16xi32>
      %add3A_1904 = arith.addi %xor3A_1898, %add3A_1903 : vector<16xi32>
      %select_n3A_1905 = arith.select %lt3A_1901, %add3A_1904, %xor3A_1898 : vector<16xi1>, vector<16xi32>
      %broadcast_in_dim3A_1906 = vector.shape_cast %select_n3A_1905 : vector<16xi32> to vector<16x1xi32>
      %gather3A_1907 = vector.shape_cast %broadcast_in_dim3A_1906 : vector<16x1xi32> to vector<16xi32>
      %gather3A_1908 = tpu.dynamic_gather %select_n3A_1894[%gather3A_1907] in [0] : vector<16xf32>, vector<16xi32> -> vector<16xf32>
      %lt3A_1909 = arith.constant 0 : i32
      %lt3A_1910 = vector.broadcast %lt3A_1909 : i32 to vector<16xi32>
      %lt3A_1911 = arith.cmpi slt, %xor3A_1898, %lt3A_1910 : vector<16xi32>
      %add3A_1912 = arith.constant 16 : i32
      %add3A_1913 = vector.broadcast %add3A_1912 : i32 to vector<16xi32>
      %add3A_1914 = arith.addi %xor3A_1898, %add3A_1913 : vector<16xi32>
      %select_n3A_1915 = arith.select %lt3A_1911, %add3A_1914, %xor3A_1898 : vector<16xi1>, vector<16xi32>
      %broadcast_in_dim3A_1916 = vector.shape_cast %select_n3A_1915 : vector<16xi32> to vector<16x1xi32>
      %gather3A_1917 = vector.shape_cast %broadcast_in_dim3A_1916 : vector<16x1xi32> to vector<16xi32>
      %gather3A_1918 = tpu.dynamic_gather %select_n3A_1895[%gather3A_1917] in [0] : vector<16xi32>, vector<16xi32> -> vector<16xi32>
      %gt3A_1919 = arith.cmpf ogt, %gather3A_1908, %select_n3A_1894 : vector<16xf32>
      %eq3A_1920 = arith.cmpf oeq, %gather3A_1908, %select_n3A_1894 : vector<16xf32>
      %lt3A_1921 = arith.cmpi slt, %gather3A_1918, %select_n3A_1895 : vector<16xi32>
      %and3A_1922 = arith.andi %eq3A_1920, %lt3A_1921 : vector<16xi1>
      %or3A_1923 = arith.ori %gt3A_1919, %and3A_1922 : vector<16xi1>
      %select_n3A_1924 = arith.select %or3A_1923, %gather3A_1908, %select_n3A_1894 : vector<16xi1>, vector<16xf32>
      %select_n3A_1925 = arith.select %or3A_1923, %gather3A_1918, %select_n3A_1895 : vector<16xi1>, vector<16xi32>
      %eq3A_1926 = arith.constant 13 : i32
      %eq3A_1927 = vector.broadcast %eq3A_1926 : i32 to vector<16xi32>
      %eq3A_1928 = arith.cmpi eq, %iota3A, %eq3A_1927 : vector<16xi32>
      %select_n3A_1929 = arith.select %eq3A_1928, %select_n3A_1924, %select_n3A_1791 : vector<16xi1>, vector<16xf32>
      %eq3A_1930 = arith.constant 13 : i32
      %eq3A_1931 = vector.broadcast %eq3A_1930 : i32 to vector<16xi32>
      %eq3A_1932 = arith.cmpi eq, %iota3A, %eq3A_1931 : vector<16xi32>
      %select_n3A_1933 = arith.select %eq3A_1932, %select_n3A_1925, %select_n3A_1795 : vector<16xi1>, vector<16xi32>
      %broadcast_in_dim3A_1934 = arith.constant -1.000000e+00 : f32
      %broadcast_in_dim3A_1935 = vector.broadcast %broadcast_in_dim3A_1934 : f32 to vector<16xf32>
      %broadcast_in_dim3A_1936 = arith.constant 1073741824 : i32
      %broadcast_in_dim3A_1937 = vector.broadcast %broadcast_in_dim3A_1936 : i32 to vector<16xi32>
      %scan3A_1938 = arith.constant 0 : i32
      %scan3A_1939 = arith.constant 64 : i32
      %scan3A_1940 = arith.addi %scan3A_1938, %scan3A_1939 : i32
      %scan3A_1941 = arith.constant 1 : i32
      %scan3A_1942:2 = scf.for %scan3A_2673 = %scan3A_1938 to %scan3A_1940 step %scan3A_1941 iter_args(%scan3A_2674 = %broadcast_in_dim3A_1935, %scan3A_2675 = %broadcast_in_dim3A_1937) -> (vector<16xf32>, vector<16xi32>)  : i32 {
        %mul3A_2676 = arith.constant 16 : i32
        %mul3A_2677 = arith.muli %scan3A_2673, %mul3A_2676 : i32
        %get3A = arith.index_cast %mul3A_2677 : i32 to index
        %get3A_2678 = tpu.vector_load %arg6[%get3A] {strides = array<i32>} : memref<1024xf32, #tpu.memory_space<vmem>>, vector<16xf32>,
        %get3A_2679 = vector.shape_cast %get3A_2678 : vector<16xf32> to vector<16xf32>
        %mul3A_2680 = arith.constant 16 : i32
        %mul3A_2681 = arith.muli %scan3A_2673, %mul3A_2680 : i32
        %add3A_2682 = vector.broadcast %mul3A_2681 : i32 to vector<16xi32>
        %add3A_2683 = arith.addi %add3A_2682, %iota3A : vector<16xi32>
        %lt3A_2684 = arith.cmpf olt, %get3A_2679, %select_n3A_1924 : vector<16xf32>
        %eq3A_2685 = arith.cmpf oeq, %get3A_2679, %select_n3A_1924 : vector<16xf32>
        %gt3A_2686 = arith.cmpi sgt, %add3A_2683, %select_n3A_1925 : vector<16xi32>
        %and3A_2687 = arith.andi %eq3A_2685, %gt3A_2686 : vector<16xi1>
        %or3A_2688 = arith.ori %lt3A_2684, %and3A_2687 : vector<16xi1>
        %gt3A_2689 = arith.cmpf ogt, %get3A_2679, %scan3A_2674 : vector<16xf32>
        %eq3A_2690 = arith.cmpf oeq, %get3A_2679, %scan3A_2674 : vector<16xf32>
        %lt3A_2691 = arith.cmpi slt, %add3A_2683, %scan3A_2675 : vector<16xi32>
        %and3A_2692 = arith.andi %eq3A_2690, %lt3A_2691 : vector<16xi1>
        %or3A_2693 = arith.ori %gt3A_2689, %and3A_2692 : vector<16xi1>
        %and3A_2694 = arith.andi %or3A_2688, %or3A_2693 : vector<16xi1>
        %select_n3A_2695 = arith.select %and3A_2694, %get3A_2679, %scan3A_2674 : vector<16xi1>, vector<16xf32>
        %select_n3A_2696 = arith.select %and3A_2694, %add3A_2683, %scan3A_2675 : vector<16xi1>, vector<16xi32>
        scf.yield %select_n3A_2695, %select_n3A_2696 : vector<16xf32>, vector<16xi32>
      }
      %scan3A_1943 = arith.constant 64 : i32
      %xor3A_1944 = arith.constant 8 : i32
      %xor3A_1945 = vector.broadcast %xor3A_1944 : i32 to vector<16xi32>
      %xor3A_1946 = arith.xori %iota3A, %xor3A_1945 : vector<16xi32>
      %lt3A_1947 = arith.constant 0 : i32
      %lt3A_1948 = vector.broadcast %lt3A_1947 : i32 to vector<16xi32>
      %lt3A_1949 = arith.cmpi slt, %xor3A_1946, %lt3A_1948 : vector<16xi32>
      %add3A_1950 = arith.constant 16 : i32
      %add3A_1951 = vector.broadcast %add3A_1950 : i32 to vector<16xi32>
      %add3A_1952 = arith.addi %xor3A_1946, %add3A_1951 : vector<16xi32>
      %select_n3A_1953 = arith.select %lt3A_1949, %add3A_1952, %xor3A_1946 : vector<16xi1>, vector<16xi32>
      %broadcast_in_dim3A_1954 = vector.shape_cast %select_n3A_1953 : vector<16xi32> to vector<16x1xi32>
      %gather3A_1955 = vector.shape_cast %broadcast_in_dim3A_1954 : vector<16x1xi32> to vector<16xi32>
      %gather3A_1956 = tpu.dynamic_gather %scan3A_1942#0[%gather3A_1955] in [0] : vector<16xf32>, vector<16xi32> -> vector<16xf32>
      %lt3A_1957 = arith.constant 0 : i32
      %lt3A_1958 = vector.broadcast %lt3A_1957 : i32 to vector<16xi32>
      %lt3A_1959 = arith.cmpi slt, %xor3A_1946, %lt3A_1958 : vector<16xi32>
      %add3A_1960 = arith.constant 16 : i32
      %add3A_1961 = vector.broadcast %add3A_1960 : i32 to vector<16xi32>
      %add3A_1962 = arith.addi %xor3A_1946, %add3A_1961 : vector<16xi32>
      %select_n3A_1963 = arith.select %lt3A_1959, %add3A_1962, %xor3A_1946 : vector<16xi1>, vector<16xi32>
      %broadcast_in_dim3A_1964 = vector.shape_cast %select_n3A_1963 : vector<16xi32> to vector<16x1xi32>
      %gather3A_1965 = vector.shape_cast %broadcast_in_dim3A_1964 : vector<16x1xi32> to vector<16xi32>
      %gather3A_1966 = tpu.dynamic_gather %scan3A_1942#1[%gather3A_1965] in [0] : vector<16xi32>, vector<16xi32> -> vector<16xi32>
      %gt3A_1967 = arith.cmpf ogt, %gather3A_1956, %scan3A_1942#0 : vector<16xf32>
      %eq3A_1968 = arith.cmpf oeq, %gather3A_1956, %scan3A_1942#0 : vector<16xf32>
      %lt3A_1969 = arith.cmpi slt, %gather3A_1966, %scan3A_1942#1 : vector<16xi32>
      %and3A_1970 = arith.andi %eq3A_1968, %lt3A_1969 : vector<16xi1>
      %or3A_1971 = arith.ori %gt3A_1967, %and3A_1970 : vector<16xi1>
      %select_n3A_1972 = arith.select %or3A_1971, %gather3A_1956, %scan3A_1942#0 : vector<16xi1>, vector<16xf32>
      %select_n3A_1973 = arith.select %or3A_1971, %gather3A_1966, %scan3A_1942#1 : vector<16xi1>, vector<16xi32>
      %xor3A_1974 = arith.constant 4 : i32
      %xor3A_1975 = vector.broadcast %xor3A_1974 : i32 to vector<16xi32>
      %xor3A_1976 = arith.xori %iota3A, %xor3A_1975 : vector<16xi32>
      %lt3A_1977 = arith.constant 0 : i32
      %lt3A_1978 = vector.broadcast %lt3A_1977 : i32 to vector<16xi32>
      %lt3A_1979 = arith.cmpi slt, %xor3A_1976, %lt3A_1978 : vector<16xi32>
      %add3A_1980 = arith.constant 16 : i32
      %add3A_1981 = vector.broadcast %add3A_1980 : i32 to vector<16xi32>
      %add3A_1982 = arith.addi %xor3A_1976, %add3A_1981 : vector<16xi32>
      %select_n3A_1983 = arith.select %lt3A_1979, %add3A_1982, %xor3A_1976 : vector<16xi1>, vector<16xi32>
      %broadcast_in_dim3A_1984 = vector.shape_cast %select_n3A_1983 : vector<16xi32> to vector<16x1xi32>
      %gather3A_1985 = vector.shape_cast %broadcast_in_dim3A_1984 : vector<16x1xi32> to vector<16xi32>
      %gather3A_1986 = tpu.dynamic_gather %select_n3A_1972[%gather3A_1985] in [0] : vector<16xf32>, vector<16xi32> -> vector<16xf32>
      %lt3A_1987 = arith.constant 0 : i32
      %lt3A_1988 = vector.broadcast %lt3A_1987 : i32 to vector<16xi32>
      %lt3A_1989 = arith.cmpi slt, %xor3A_1976, %lt3A_1988 : vector<16xi32>
      %add3A_1990 = arith.constant 16 : i32
      %add3A_1991 = vector.broadcast %add3A_1990 : i32 to vector<16xi32>
      %add3A_1992 = arith.addi %xor3A_1976, %add3A_1991 : vector<16xi32>
      %select_n3A_1993 = arith.select %lt3A_1989, %add3A_1992, %xor3A_1976 : vector<16xi1>, vector<16xi32>
      %broadcast_in_dim3A_1994 = vector.shape_cast %select_n3A_1993 : vector<16xi32> to vector<16x1xi32>
      %gather3A_1995 = vector.shape_cast %broadcast_in_dim3A_1994 : vector<16x1xi32> to vector<16xi32>
      %gather3A_1996 = tpu.dynamic_gather %select_n3A_1973[%gather3A_1995] in [0] : vector<16xi32>, vector<16xi32> -> vector<16xi32>
      %gt3A_1997 = arith.cmpf ogt, %gather3A_1986, %select_n3A_1972 : vector<16xf32>
      %eq3A_1998 = arith.cmpf oeq, %gather3A_1986, %select_n3A_1972 : vector<16xf32>
      %lt3A_1999 = arith.cmpi slt, %gather3A_1996, %select_n3A_1973 : vector<16xi32>
      %and3A_2000 = arith.andi %eq3A_1998, %lt3A_1999 : vector<16xi1>
      %or3A_2001 = arith.ori %gt3A_1997, %and3A_2000 : vector<16xi1>
      %select_n3A_2002 = arith.select %or3A_2001, %gather3A_1986, %select_n3A_1972 : vector<16xi1>, vector<16xf32>
      %select_n3A_2003 = arith.select %or3A_2001, %gather3A_1996, %select_n3A_1973 : vector<16xi1>, vector<16xi32>
      %xor3A_2004 = arith.constant 2 : i32
      %xor3A_2005 = vector.broadcast %xor3A_2004 : i32 to vector<16xi32>
      %xor3A_2006 = arith.xori %iota3A, %xor3A_2005 : vector<16xi32>
      %lt3A_2007 = arith.constant 0 : i32
      %lt3A_2008 = vector.broadcast %lt3A_2007 : i32 to vector<16xi32>
      %lt3A_2009 = arith.cmpi slt, %xor3A_2006, %lt3A_2008 : vector<16xi32>
      %add3A_2010 = arith.constant 16 : i32
      %add3A_2011 = vector.broadcast %add3A_2010 : i32 to vector<16xi32>
      %add3A_2012 = arith.addi %xor3A_2006, %add3A_2011 : vector<16xi32>
      %select_n3A_2013 = arith.select %lt3A_2009, %add3A_2012, %xor3A_2006 : vector<16xi1>, vector<16xi32>
      %broadcast_in_dim3A_2014 = vector.shape_cast %select_n3A_2013 : vector<16xi32> to vector<16x1xi32>
      %gather3A_2015 = vector.shape_cast %broadcast_in_dim3A_2014 : vector<16x1xi32> to vector<16xi32>
      %gather3A_2016 = tpu.dynamic_gather %select_n3A_2002[%gather3A_2015] in [0] : vector<16xf32>, vector<16xi32> -> vector<16xf32>
      %lt3A_2017 = arith.constant 0 : i32
      %lt3A_2018 = vector.broadcast %lt3A_2017 : i32 to vector<16xi32>
      %lt3A_2019 = arith.cmpi slt, %xor3A_2006, %lt3A_2018 : vector<16xi32>
      %add3A_2020 = arith.constant 16 : i32
      %add3A_2021 = vector.broadcast %add3A_2020 : i32 to vector<16xi32>
      %add3A_2022 = arith.addi %xor3A_2006, %add3A_2021 : vector<16xi32>
      %select_n3A_2023 = arith.select %lt3A_2019, %add3A_2022, %xor3A_2006 : vector<16xi1>, vector<16xi32>
      %broadcast_in_dim3A_2024 = vector.shape_cast %select_n3A_2023 : vector<16xi32> to vector<16x1xi32>
      %gather3A_2025 = vector.shape_cast %broadcast_in_dim3A_2024 : vector<16x1xi32> to vector<16xi32>
      %gather3A_2026 = tpu.dynamic_gather %select_n3A_2003[%gather3A_2025] in [0] : vector<16xi32>, vector<16xi32> -> vector<16xi32>
      %gt3A_2027 = arith.cmpf ogt, %gather3A_2016, %select_n3A_2002 : vector<16xf32>
      %eq3A_2028 = arith.cmpf oeq, %gather3A_2016, %select_n3A_2002 : vector<16xf32>
      %lt3A_2029 = arith.cmpi slt, %gather3A_2026, %select_n3A_2003 : vector<16xi32>
      %and3A_2030 = arith.andi %eq3A_2028, %lt3A_2029 : vector<16xi1>
      %or3A_2031 = arith.ori %gt3A_2027, %and3A_2030 : vector<16xi1>
      %select_n3A_2032 = arith.select %or3A_2031, %gather3A_2016, %select_n3A_2002 : vector<16xi1>, vector<16xf32>
      %select_n3A_2033 = arith.select %or3A_2031, %gather3A_2026, %select_n3A_2003 : vector<16xi1>, vector<16xi32>
      %xor3A_2034 = arith.constant 1 : i32
      %xor3A_2035 = vector.broadcast %xor3A_2034 : i32 to vector<16xi32>
      %xor3A_2036 = arith.xori %iota3A, %xor3A_2035 : vector<16xi32>
      %lt3A_2037 = arith.constant 0 : i32
      %lt3A_2038 = vector.broadcast %lt3A_2037 : i32 to vector<16xi32>
      %lt3A_2039 = arith.cmpi slt, %xor3A_2036, %lt3A_2038 : vector<16xi32>
      %add3A_2040 = arith.constant 16 : i32
      %add3A_2041 = vector.broadcast %add3A_2040 : i32 to vector<16xi32>
      %add3A_2042 = arith.addi %xor3A_2036, %add3A_2041 : vector<16xi32>
      %select_n3A_2043 = arith.select %lt3A_2039, %add3A_2042, %xor3A_2036 : vector<16xi1>, vector<16xi32>
      %broadcast_in_dim3A_2044 = vector.shape_cast %select_n3A_2043 : vector<16xi32> to vector<16x1xi32>
      %gather3A_2045 = vector.shape_cast %broadcast_in_dim3A_2044 : vector<16x1xi32> to vector<16xi32>
      %gather3A_2046 = tpu.dynamic_gather %select_n3A_2032[%gather3A_2045] in [0] : vector<16xf32>, vector<16xi32> -> vector<16xf32>
      %lt3A_2047 = arith.constant 0 : i32
      %lt3A_2048 = vector.broadcast %lt3A_2047 : i32 to vector<16xi32>
      %lt3A_2049 = arith.cmpi slt, %xor3A_2036, %lt3A_2048 : vector<16xi32>
      %add3A_2050 = arith.constant 16 : i32
      %add3A_2051 = vector.broadcast %add3A_2050 : i32 to vector<16xi32>
      %add3A_2052 = arith.addi %xor3A_2036, %add3A_2051 : vector<16xi32>
      %select_n3A_2053 = arith.select %lt3A_2049, %add3A_2052, %xor3A_2036 : vector<16xi1>, vector<16xi32>
      %broadcast_in_dim3A_2054 = vector.shape_cast %select_n3A_2053 : vector<16xi32> to vector<16x1xi32>
      %gather3A_2055 = vector.shape_cast %broadcast_in_dim3A_2054 : vector<16x1xi32> to vector<16xi32>
      %gather3A_2056 = tpu.dynamic_gather %select_n3A_2033[%gather3A_2055] in [0] : vector<16xi32>, vector<16xi32> -> vector<16xi32>
      %gt3A_2057 = arith.cmpf ogt, %gather3A_2046, %select_n3A_2032 : vector<16xf32>
      %eq3A_2058 = arith.cmpf oeq, %gather3A_2046, %select_n3A_2032 : vector<16xf32>
      %lt3A_2059 = arith.cmpi slt, %gather3A_2056, %select_n3A_2033 : vector<16xi32>
      %and3A_2060 = arith.andi %eq3A_2058, %lt3A_2059 : vector<16xi1>
      %or3A_2061 = arith.ori %gt3A_2057, %and3A_2060 : vector<16xi1>
      %select_n3A_2062 = arith.select %or3A_2061, %gather3A_2046, %select_n3A_2032 : vector<16xi1>, vector<16xf32>
      %select_n3A_2063 = arith.select %or3A_2061, %gather3A_2056, %select_n3A_2033 : vector<16xi1>, vector<16xi32>
      %eq3A_2064 = arith.constant 14 : i32
      %eq3A_2065 = vector.broadcast %eq3A_2064 : i32 to vector<16xi32>
      %eq3A_2066 = arith.cmpi eq, %iota3A, %eq3A_2065 : vector<16xi32>
      %select_n3A_2067 = arith.select %eq3A_2066, %select_n3A_2062, %select_n3A_1929 : vector<16xi1>, vector<16xf32>
      %eq3A_2068 = arith.constant 14 : i32
      %eq3A_2069 = vector.broadcast %eq3A_2068 : i32 to vector<16xi32>
      %eq3A_2070 = arith.cmpi eq, %iota3A, %eq3A_2069 : vector<16xi32>
      %select_n3A_2071 = arith.select %eq3A_2070, %select_n3A_2063, %select_n3A_1933 : vector<16xi1>, vector<16xi32>
      %broadcast_in_dim3A_2072 = arith.constant -1.000000e+00 : f32
      %broadcast_in_dim3A_2073 = vector.broadcast %broadcast_in_dim3A_2072 : f32 to vector<16xf32>
      %broadcast_in_dim3A_2074 = arith.constant 1073741824 : i32
      %broadcast_in_dim3A_2075 = vector.broadcast %broadcast_in_dim3A_2074 : i32 to vector<16xi32>
      %scan3A_2076 = arith.constant 0 : i32
      %scan3A_2077 = arith.constant 64 : i32
      %scan3A_2078 = arith.addi %scan3A_2076, %scan3A_2077 : i32
      %scan3A_2079 = arith.constant 1 : i32
      %scan3A_2080:2 = scf.for %scan3A_2673 = %scan3A_2076 to %scan3A_2078 step %scan3A_2079 iter_args(%scan3A_2674 = %broadcast_in_dim3A_2073, %scan3A_2675 = %broadcast_in_dim3A_2075) -> (vector<16xf32>, vector<16xi32>)  : i32 {
        %mul3A_2676 = arith.constant 16 : i32
        %mul3A_2677 = arith.muli %scan3A_2673, %mul3A_2676 : i32
        %get3A = arith.index_cast %mul3A_2677 : i32 to index
        %get3A_2678 = tpu.vector_load %arg6[%get3A] {strides = array<i32>} : memref<1024xf32, #tpu.memory_space<vmem>>, vector<16xf32>,
        %get3A_2679 = vector.shape_cast %get3A_2678 : vector<16xf32> to vector<16xf32>
        %mul3A_2680 = arith.constant 16 : i32
        %mul3A_2681 = arith.muli %scan3A_2673, %mul3A_2680 : i32
        %add3A_2682 = vector.broadcast %mul3A_2681 : i32 to vector<16xi32>
        %add3A_2683 = arith.addi %add3A_2682, %iota3A : vector<16xi32>
        %lt3A_2684 = arith.cmpf olt, %get3A_2679, %select_n3A_2062 : vector<16xf32>
        %eq3A_2685 = arith.cmpf oeq, %get3A_2679, %select_n3A_2062 : vector<16xf32>
        %gt3A_2686 = arith.cmpi sgt, %add3A_2683, %select_n3A_2063 : vector<16xi32>
        %and3A_2687 = arith.andi %eq3A_2685, %gt3A_2686 : vector<16xi1>
        %or3A_2688 = arith.ori %lt3A_2684, %and3A_2687 : vector<16xi1>
        %gt3A_2689 = arith.cmpf ogt, %get3A_2679, %scan3A_2674 : vector<16xf32>
        %eq3A_2690 = arith.cmpf oeq, %get3A_2679, %scan3A_2674 : vector<16xf32>
        %lt3A_2691 = arith.cmpi slt, %add3A_2683, %scan3A_2675 : vector<16xi32>
        %and3A_2692 = arith.andi %eq3A_2690, %lt3A_2691 : vector<16xi1>
        %or3A_2693 = arith.ori %gt3A_2689, %and3A_2692 : vector<16xi1>
        %and3A_2694 = arith.andi %or3A_2688, %or3A_2693 : vector<16xi1>
        %select_n3A_2695 = arith.select %and3A_2694, %get3A_2679, %scan3A_2674 : vector<16xi1>, vector<16xf32>
        %select_n3A_2696 = arith.select %and3A_2694, %add3A_2683, %scan3A_2675 : vector<16xi1>, vector<16xi32>
        scf.yield %select_n3A_2695, %select_n3A_2696 : vector<16xf32>, vector<16xi32>
      }
      %scan3A_2081 = arith.constant 64 : i32
      %xor3A_2082 = arith.constant 8 : i32
      %xor3A_2083 = vector.broadcast %xor3A_2082 : i32 to vector<16xi32>
      %xor3A_2084 = arith.xori %iota3A, %xor3A_2083 : vector<16xi32>
      %lt3A_2085 = arith.constant 0 : i32
      %lt3A_2086 = vector.broadcast %lt3A_2085 : i32 to vector<16xi32>
      %lt3A_2087 = arith.cmpi slt, %xor3A_2084, %lt3A_2086 : vector<16xi32>
      %add3A_2088 = arith.constant 16 : i32
      %add3A_2089 = vector.broadcast %add3A_2088 : i32 to vector<16xi32>
      %add3A_2090 = arith.addi %xor3A_2084, %add3A_2089 : vector<16xi32>
      %select_n3A_2091 = arith.select %lt3A_2087, %add3A_2090, %xor3A_2084 : vector<16xi1>, vector<16xi32>
      %broadcast_in_dim3A_2092 = vector.shape_cast %select_n3A_2091 : vector<16xi32> to vector<16x1xi32>
      %gather3A_2093 = vector.shape_cast %broadcast_in_dim3A_2092 : vector<16x1xi32> to vector<16xi32>
      %gather3A_2094 = tpu.dynamic_gather %scan3A_2080#0[%gather3A_2093] in [0] : vector<16xf32>, vector<16xi32> -> vector<16xf32>
      %lt3A_2095 = arith.constant 0 : i32
      %lt3A_2096 = vector.broadcast %lt3A_2095 : i32 to vector<16xi32>
      %lt3A_2097 = arith.cmpi slt, %xor3A_2084, %lt3A_2096 : vector<16xi32>
      %add3A_2098 = arith.constant 16 : i32
      %add3A_2099 = vector.broadcast %add3A_2098 : i32 to vector<16xi32>
      %add3A_2100 = arith.addi %xor3A_2084, %add3A_2099 : vector<16xi32>
      %select_n3A_2101 = arith.select %lt3A_2097, %add3A_2100, %xor3A_2084 : vector<16xi1>, vector<16xi32>
      %broadcast_in_dim3A_2102 = vector.shape_cast %select_n3A_2101 : vector<16xi32> to vector<16x1xi32>
      %gather3A_2103 = vector.shape_cast %broadcast_in_dim3A_2102 : vector<16x1xi32> to vector<16xi32>
      %gather3A_2104 = tpu.dynamic_gather %scan3A_2080#1[%gather3A_2103] in [0] : vector<16xi32>, vector<16xi32> -> vector<16xi32>
      %gt3A_2105 = arith.cmpf ogt, %gather3A_2094, %scan3A_2080#0 : vector<16xf32>
      %eq3A_2106 = arith.cmpf oeq, %gather3A_2094, %scan3A_2080#0 : vector<16xf32>
      %lt3A_2107 = arith.cmpi slt, %gather3A_2104, %scan3A_2080#1 : vector<16xi32>
      %and3A_2108 = arith.andi %eq3A_2106, %lt3A_2107 : vector<16xi1>
      %or3A_2109 = arith.ori %gt3A_2105, %and3A_2108 : vector<16xi1>
      %select_n3A_2110 = arith.select %or3A_2109, %gather3A_2094, %scan3A_2080#0 : vector<16xi1>, vector<16xf32>
      %select_n3A_2111 = arith.select %or3A_2109, %gather3A_2104, %scan3A_2080#1 : vector<16xi1>, vector<16xi32>
      %xor3A_2112 = arith.constant 4 : i32
      %xor3A_2113 = vector.broadcast %xor3A_2112 : i32 to vector<16xi32>
      %xor3A_2114 = arith.xori %iota3A, %xor3A_2113 : vector<16xi32>
      %lt3A_2115 = arith.constant 0 : i32
      %lt3A_2116 = vector.broadcast %lt3A_2115 : i32 to vector<16xi32>
      %lt3A_2117 = arith.cmpi slt, %xor3A_2114, %lt3A_2116 : vector<16xi32>
      %add3A_2118 = arith.constant 16 : i32
      %add3A_2119 = vector.broadcast %add3A_2118 : i32 to vector<16xi32>
      %add3A_2120 = arith.addi %xor3A_2114, %add3A_2119 : vector<16xi32>
      %select_n3A_2121 = arith.select %lt3A_2117, %add3A_2120, %xor3A_2114 : vector<16xi1>, vector<16xi32>
      %broadcast_in_dim3A_2122 = vector.shape_cast %select_n3A_2121 : vector<16xi32> to vector<16x1xi32>
      %gather3A_2123 = vector.shape_cast %broadcast_in_dim3A_2122 : vector<16x1xi32> to vector<16xi32>
      %gather3A_2124 = tpu.dynamic_gather %select_n3A_2110[%gather3A_2123] in [0] : vector<16xf32>, vector<16xi32> -> vector<16xf32>
      %lt3A_2125 = arith.constant 0 : i32
      %lt3A_2126 = vector.broadcast %lt3A_2125 : i32 to vector<16xi32>
      %lt3A_2127 = arith.cmpi slt, %xor3A_2114, %lt3A_2126 : vector<16xi32>
      %add3A_2128 = arith.constant 16 : i32
      %add3A_2129 = vector.broadcast %add3A_2128 : i32 to vector<16xi32>
      %add3A_2130 = arith.addi %xor3A_2114, %add3A_2129 : vector<16xi32>
      %select_n3A_2131 = arith.select %lt3A_2127, %add3A_2130, %xor3A_2114 : vector<16xi1>, vector<16xi32>
      %broadcast_in_dim3A_2132 = vector.shape_cast %select_n3A_2131 : vector<16xi32> to vector<16x1xi32>
      %gather3A_2133 = vector.shape_cast %broadcast_in_dim3A_2132 : vector<16x1xi32> to vector<16xi32>
      %gather3A_2134 = tpu.dynamic_gather %select_n3A_2111[%gather3A_2133] in [0] : vector<16xi32>, vector<16xi32> -> vector<16xi32>
      %gt3A_2135 = arith.cmpf ogt, %gather3A_2124, %select_n3A_2110 : vector<16xf32>
      %eq3A_2136 = arith.cmpf oeq, %gather3A_2124, %select_n3A_2110 : vector<16xf32>
      %lt3A_2137 = arith.cmpi slt, %gather3A_2134, %select_n3A_2111 : vector<16xi32>
      %and3A_2138 = arith.andi %eq3A_2136, %lt3A_2137 : vector<16xi1>
      %or3A_2139 = arith.ori %gt3A_2135, %and3A_2138 : vector<16xi1>
      %select_n3A_2140 = arith.select %or3A_2139, %gather3A_2124, %select_n3A_2110 : vector<16xi1>, vector<16xf32>
      %select_n3A_2141 = arith.select %or3A_2139, %gather3A_2134, %select_n3A_2111 : vector<16xi1>, vector<16xi32>
      %xor3A_2142 = arith.constant 2 : i32
      %xor3A_2143 = vector.broadcast %xor3A_2142 : i32 to vector<16xi32>
      %xor3A_2144 = arith.xori %iota3A, %xor3A_2143 : vector<16xi32>
      %lt3A_2145 = arith.constant 0 : i32
      %lt3A_2146 = vector.broadcast %lt3A_2145 : i32 to vector<16xi32>
      %lt3A_2147 = arith.cmpi slt, %xor3A_2144, %lt3A_2146 : vector<16xi32>
      %add3A_2148 = arith.constant 16 : i32
      %add3A_2149 = vector.broadcast %add3A_2148 : i32 to vector<16xi32>
      %add3A_2150 = arith.addi %xor3A_2144, %add3A_2149 : vector<16xi32>
      %select_n3A_2151 = arith.select %lt3A_2147, %add3A_2150, %xor3A_2144 : vector<16xi1>, vector<16xi32>
      %broadcast_in_dim3A_2152 = vector.shape_cast %select_n3A_2151 : vector<16xi32> to vector<16x1xi32>
      %gather3A_2153 = vector.shape_cast %broadcast_in_dim3A_2152 : vector<16x1xi32> to vector<16xi32>
      %gather3A_2154 = tpu.dynamic_gather %select_n3A_2140[%gather3A_2153] in [0] : vector<16xf32>, vector<16xi32> -> vector<16xf32>
      %lt3A_2155 = arith.constant 0 : i32
      %lt3A_2156 = vector.broadcast %lt3A_2155 : i32 to vector<16xi32>
      %lt3A_2157 = arith.cmpi slt, %xor3A_2144, %lt3A_2156 : vector<16xi32>
      %add3A_2158 = arith.constant 16 : i32
      %add3A_2159 = vector.broadcast %add3A_2158 : i32 to vector<16xi32>
      %add3A_2160 = arith.addi %xor3A_2144, %add3A_2159 : vector<16xi32>
      %select_n3A_2161 = arith.select %lt3A_2157, %add3A_2160, %xor3A_2144 : vector<16xi1>, vector<16xi32>
      %broadcast_in_dim3A_2162 = vector.shape_cast %select_n3A_2161 : vector<16xi32> to vector<16x1xi32>
      %gather3A_2163 = vector.shape_cast %broadcast_in_dim3A_2162 : vector<16x1xi32> to vector<16xi32>
      %gather3A_2164 = tpu.dynamic_gather %select_n3A_2141[%gather3A_2163] in [0] : vector<16xi32>, vector<16xi32> -> vector<16xi32>
      %gt3A_2165 = arith.cmpf ogt, %gather3A_2154, %select_n3A_2140 : vector<16xf32>
      %eq3A_2166 = arith.cmpf oeq, %gather3A_2154, %select_n3A_2140 : vector<16xf32>
      %lt3A_2167 = arith.cmpi slt, %gather3A_2164, %select_n3A_2141 : vector<16xi32>
      %and3A_2168 = arith.andi %eq3A_2166, %lt3A_2167 : vector<16xi1>
      %or3A_2169 = arith.ori %gt3A_2165, %and3A_2168 : vector<16xi1>
      %select_n3A_2170 = arith.select %or3A_2169, %gather3A_2154, %select_n3A_2140 : vector<16xi1>, vector<16xf32>
      %select_n3A_2171 = arith.select %or3A_2169, %gather3A_2164, %select_n3A_2141 : vector<16xi1>, vector<16xi32>
      %xor3A_2172 = arith.constant 1 : i32
      %xor3A_2173 = vector.broadcast %xor3A_2172 : i32 to vector<16xi32>
      %xor3A_2174 = arith.xori %iota3A, %xor3A_2173 : vector<16xi32>
      %lt3A_2175 = arith.constant 0 : i32
      %lt3A_2176 = vector.broadcast %lt3A_2175 : i32 to vector<16xi32>
      %lt3A_2177 = arith.cmpi slt, %xor3A_2174, %lt3A_2176 : vector<16xi32>
      %add3A_2178 = arith.constant 16 : i32
      %add3A_2179 = vector.broadcast %add3A_2178 : i32 to vector<16xi32>
      %add3A_2180 = arith.addi %xor3A_2174, %add3A_2179 : vector<16xi32>
      %select_n3A_2181 = arith.select %lt3A_2177, %add3A_2180, %xor3A_2174 : vector<16xi1>, vector<16xi32>
      %broadcast_in_dim3A_2182 = vector.shape_cast %select_n3A_2181 : vector<16xi32> to vector<16x1xi32>
      %gather3A_2183 = vector.shape_cast %broadcast_in_dim3A_2182 : vector<16x1xi32> to vector<16xi32>
      %gather3A_2184 = tpu.dynamic_gather %select_n3A_2170[%gather3A_2183] in [0] : vector<16xf32>, vector<16xi32> -> vector<16xf32>
      %lt3A_2185 = arith.constant 0 : i32
      %lt3A_2186 = vector.broadcast %lt3A_2185 : i32 to vector<16xi32>
      %lt3A_2187 = arith.cmpi slt, %xor3A_2174, %lt3A_2186 : vector<16xi32>
      %add3A_2188 = arith.constant 16 : i32
      %add3A_2189 = vector.broadcast %add3A_2188 : i32 to vector<16xi32>
      %add3A_2190 = arith.addi %xor3A_2174, %add3A_2189 : vector<16xi32>
      %select_n3A_2191 = arith.select %lt3A_2187, %add3A_2190, %xor3A_2174 : vector<16xi1>, vector<16xi32>
      %broadcast_in_dim3A_2192 = vector.shape_cast %select_n3A_2191 : vector<16xi32> to vector<16x1xi32>
      %gather3A_2193 = vector.shape_cast %broadcast_in_dim3A_2192 : vector<16x1xi32> to vector<16xi32>
      %gather3A_2194 = tpu.dynamic_gather %select_n3A_2171[%gather3A_2193] in [0] : vector<16xi32>, vector<16xi32> -> vector<16xi32>
      %gt3A_2195 = arith.cmpf ogt, %gather3A_2184, %select_n3A_2170 : vector<16xf32>
      %eq3A_2196 = arith.cmpf oeq, %gather3A_2184, %select_n3A_2170 : vector<16xf32>
      %lt3A_2197 = arith.cmpi slt, %gather3A_2194, %select_n3A_2171 : vector<16xi32>
      %and3A_2198 = arith.andi %eq3A_2196, %lt3A_2197 : vector<16xi1>
      %or3A_2199 = arith.ori %gt3A_2195, %and3A_2198 : vector<16xi1>
      %select_n3A_2200 = arith.select %or3A_2199, %gather3A_2184, %select_n3A_2170 : vector<16xi1>, vector<16xf32>
      %select_n3A_2201 = arith.select %or3A_2199, %gather3A_2194, %select_n3A_2171 : vector<16xi1>, vector<16xi32>
      %eq3A_2202 = arith.constant 15 : i32
      %eq3A_2203 = vector.broadcast %eq3A_2202 : i32 to vector<16xi32>
      %eq3A_2204 = arith.cmpi eq, %iota3A, %eq3A_2203 : vector<16xi32>
      %select_n3A_2205 = arith.select %eq3A_2204, %select_n3A_2200, %select_n3A_2067 : vector<16xi1>, vector<16xf32>
      %eq3A_2206 = arith.constant 15 : i32
      %eq3A_2207 = vector.broadcast %eq3A_2206 : i32 to vector<16xi32>
      %eq3A_2208 = arith.cmpi eq, %iota3A, %eq3A_2207 : vector<16xi32>
      %select_n3A_2209 = arith.select %eq3A_2208, %select_n3A_2201, %select_n3A_2071 : vector<16xi1>, vector<16xi32>
      %mul3A_2210 = arith.constant 1024 : i32
      %mul3A_2211 = arith.muli %add3A, %mul3A_2210 : i32
      %add3A_2212 = vector.broadcast %mul3A_2211 : i32 to vector<16xi32>
      %add3A_2213 = arith.addi %select_n3A_2209, %add3A_2212 : vector<16xi32>
      %swap3A = arith.constant 0 : index
      %swap3A_2214 = tpu.vector_load %arg7[%swap3A] {strides = array<i32>} : memref<16xi32, #tpu.memory_space<vmem>>, vector<16xi32>,
      %swap3A_2215 = vector.shape_cast %swap3A_2214 : vector<16xi32> to vector<16xi32>
      %swap3A_2216 = vector.shape_cast %add3A_2213 : vector<16xi32> to vector<16xi32>
      tpu.vector_store %arg7[%swap3A], %swap3A_2216 {strides = array<i32>} : memref<16xi32, #tpu.memory_space<vmem>>, vector<16xi32>,
      %dma_start3A = arith.constant 0 : i32
      %dma_start3A_2217 = arith.constant 0 : i32
      %dma_start3A_2218 = tpu.memref_slice %arg3[%dma_start3A, %dma_start3A_2217] : memref<8192x32xf32, #tpu.memory_space<hbm>> -> memref<8192x32xf32, #tpu.memory_space<hbm>>
      tpu.enqueue_indirect_dma source(%dma_start3A_2218 : memref<8192x32xf32, #tpu.memory_space<hbm>>) target(%arg8 : memref<16x32xf32, #tpu.memory_space<vmem>>) offsets(%arg7 : memref<16xi32, #tpu.memory_space<vmem>>) semaphore(%arg10 : memref<!tpu.dma_semaphore, #tpu.memory_space<semaphore_mem>>)
      %dma_wait3A = arith.constant 0 : i32
      %dma_wait3A_2219 = arith.constant 0 : i32
      %dma_wait3A_2220 = tpu.memref_slice %arg3[%dma_wait3A, %dma_wait3A_2219] : memref<8192x32xf32, #tpu.memory_space<hbm>> -> memref<8192x32xf32, #tpu.memory_space<hbm>>
      tpu.wait_indirect_dma semaphore(%arg10 : memref<!tpu.dma_semaphore, #tpu.memory_space<semaphore_mem>>) src(%dma_wait3A_2220 : memref<8192x32xf32, #tpu.memory_space<hbm>>) dst(%arg8 : memref<16x32xf32, #tpu.memory_space<vmem>>)
      %mul3A_2221 = arith.constant 16 : i32
      %mul3A_2222 = arith.muli %add3A, %mul3A_2221 : i32
      "tpu.region"() ({
        %run_scoped3A = tpu.sem_alloc : memref<!tpu.dma_semaphore, #tpu.memory_space<semaphore_mem>>
        %dma_start3A_2673 = arith.constant 0 : i32
        %dma_start3A_2674 = tpu.memref_slice %arg4[%mul3A_2222, %dma_start3A_2673] : memref<128x32xf32, #tpu.memory_space<hbm>> -> memref<16x32xf32, #tpu.memory_space<hbm>>
        %dma_start3A_2675 = arith.constant 0 : i32
        %dma_start3A_2676 = tpu.memref_slice %arg4[%mul3A_2222, %dma_start3A_2675] : memref<128x32xf32, #tpu.memory_space<hbm>> -> memref<16x32xf32, #tpu.memory_space<hbm>>
        tpu.enqueue_dma source(%arg8 : memref<16x32xf32, #tpu.memory_space<vmem>>) target(%dma_start3A_2676 : memref<16x32xf32, #tpu.memory_space<hbm>>) target_semaphore(%run_scoped3A : memref<!tpu.dma_semaphore, #tpu.memory_space<semaphore_mem>>)
        %dma_wait3A_2677 = arith.constant 0 : i32
        %dma_wait3A_2678 = tpu.memref_slice %arg4[%mul3A_2222, %dma_wait3A_2677] : memref<128x32xf32, #tpu.memory_space<hbm>> -> memref<16x32xf32, #tpu.memory_space<hbm>>
        %dma_wait3A_2679 = arith.constant 0 : i32
        %dma_wait3A_2680 = tpu.memref_slice %arg4[%mul3A_2222, %dma_wait3A_2679] : memref<128x32xf32, #tpu.memory_space<hbm>> -> memref<16x32xf32, #tpu.memory_space<hbm>>
        tpu.wait_dma2 semaphore(%run_scoped3A : memref<!tpu.dma_semaphore, #tpu.memory_space<semaphore_mem>>) src(%arg8 : memref<16x32xf32, #tpu.memory_space<vmem>>) dst(%dma_wait3A_2680 : memref<16x32xf32, #tpu.memory_space<hbm>>)
        tpu.yield
      }) : () -> ()
      %broadcast_in_dim3A_2223 = arith.constant 0 : i32
      %broadcast_in_dim3A_2224 = vector.broadcast %broadcast_in_dim3A_2223 : i32 to vector<16xi32>
      %lt3A_2225 = arith.constant 0 : i32
      %lt3A_2226 = vector.broadcast %lt3A_2225 : i32 to vector<16xi32>
      %lt3A_2227 = arith.cmpi slt, %broadcast_in_dim3A_2224, %lt3A_2226 : vector<16xi32>
      %add3A_2228 = arith.constant 16 : i32
      %add3A_2229 = vector.broadcast %add3A_2228 : i32 to vector<16xi32>
      %add3A_2230 = arith.addi %broadcast_in_dim3A_2224, %add3A_2229 : vector<16xi32>
      %select_n3A_2231 = arith.select %lt3A_2227, %add3A_2230, %broadcast_in_dim3A_2224 : vector<16xi1>, vector<16xi32>
      %broadcast_in_dim3A_2232 = vector.shape_cast %select_n3A_2231 : vector<16xi32> to vector<16x1xi32>
      %gather3A_2233 = vector.shape_cast %broadcast_in_dim3A_2232 : vector<16x1xi32> to vector<16xi32>
      %gather3A_2234 = tpu.dynamic_gather %select_n3A_2209[%gather3A_2233] in [0] : vector<16xi32>, vector<16xi32> -> vector<16xi32>
      %lt3A_2235 = arith.constant 0 : i32
      %lt3A_2236 = vector.broadcast %lt3A_2235 : i32 to vector<16xi32>
      %lt3A_2237 = arith.cmpi slt, %broadcast_in_dim3A_2224, %lt3A_2236 : vector<16xi32>
      %add3A_2238 = arith.constant 16 : i32
      %add3A_2239 = vector.broadcast %add3A_2238 : i32 to vector<16xi32>
      %add3A_2240 = arith.addi %broadcast_in_dim3A_2224, %add3A_2239 : vector<16xi32>
      %select_n3A_2241 = arith.select %lt3A_2237, %add3A_2240, %broadcast_in_dim3A_2224 : vector<16xi1>, vector<16xi32>
      %broadcast_in_dim3A_2242 = vector.shape_cast %select_n3A_2241 : vector<16xi32> to vector<16x1xi32>
      %gather3A_2243 = vector.shape_cast %broadcast_in_dim3A_2242 : vector<16x1xi32> to vector<16xi32>
      %gather3A_2244 = tpu.dynamic_gather %select_n3A_2205[%gather3A_2243] in [0] : vector<16xf32>, vector<16xi32> -> vector<16xf32>
      %scan3A_2245 = arith.constant 0 : i32
      %scan3A_2246 = arith.constant 0 : i32
      %scan3A_2247 = arith.constant 64 : i32
      %scan3A_2248 = arith.addi %scan3A_2246, %scan3A_2247 : i32
      %scan3A_2249 = arith.constant 1 : i32
      scf.for %scan3A_2673 = %scan3A_2246 to %scan3A_2248 step %scan3A_2249  : i32 {
        %mul3A_2674 = arith.constant 16 : i32
        %mul3A_2675 = arith.muli %scan3A_2673, %mul3A_2674 : i32
        %add3A_2676 = vector.broadcast %mul3A_2675 : i32 to vector<16xi32>
        %add3A_2677 = arith.addi %add3A_2676, %iota3A : vector<16xi32>
        %eq3A_2678 = arith.cmpi eq, %add3A_2677, %gather3A_2234 : vector<16xi32>
        %jit3A = arith.constant 0.000000e+00 : f32
        %broadcast_in_dim3A_2679 = vector.broadcast %jit3A : f32 to vector<16xf32>
        %select_n3A_2680 = arith.select %eq3A_2678, %gather3A_2244, %broadcast_in_dim3A_2679 : vector<16xi1>, vector<16xf32>
        %mul3A_2681 = arith.constant 16 : i32
        %mul3A_2682 = arith.muli %scan3A_2673, %mul3A_2681 : i32
        %swap3A_2683 = arith.constant 0 : i32
        %swap3A_2684 = arith.index_cast %swap3A_2683 : i32 to index
        %swap3A_2685 = arith.index_cast %mul3A_2682 : i32 to index
        %swap3A_2686 = tpu.vector_load %arg9[%swap3A_2684, %swap3A_2685] {strides = array<i32>} : memref<16x1024xf32, #tpu.memory_space<vmem>>, vector<1x16xf32>,
        %swap3A_2687 = vector.shape_cast %swap3A_2686 : vector<1x16xf32> to vector<16xf32>
        %swap3A_2688 = vector.shape_cast %select_n3A_2680 : vector<16xf32> to vector<1x16xf32>
        tpu.vector_store %arg9[%swap3A_2684, %swap3A_2685], %swap3A_2688 {strides = array<i32>} : memref<16x1024xf32, #tpu.memory_space<vmem>>, vector<1x16xf32>,
      }
      %scan3A_2250 = arith.constant 64 : i32
      %broadcast_in_dim3A_2251 = arith.constant 1 : i32
      %broadcast_in_dim3A_2252 = vector.broadcast %broadcast_in_dim3A_2251 : i32 to vector<16xi32>
      %lt3A_2253 = arith.constant 0 : i32
      %lt3A_2254 = vector.broadcast %lt3A_2253 : i32 to vector<16xi32>
      %lt3A_2255 = arith.cmpi slt, %broadcast_in_dim3A_2252, %lt3A_2254 : vector<16xi32>
      %add3A_2256 = arith.constant 16 : i32
      %add3A_2257 = vector.broadcast %add3A_2256 : i32 to vector<16xi32>
      %add3A_2258 = arith.addi %broadcast_in_dim3A_2252, %add3A_2257 : vector<16xi32>
      %select_n3A_2259 = arith.select %lt3A_2255, %add3A_2258, %broadcast_in_dim3A_2252 : vector<16xi1>, vector<16xi32>
      %broadcast_in_dim3A_2260 = vector.shape_cast %select_n3A_2259 : vector<16xi32> to vector<16x1xi32>
      %gather3A_2261 = vector.shape_cast %broadcast_in_dim3A_2260 : vector<16x1xi32> to vector<16xi32>
      %gather3A_2262 = tpu.dynamic_gather %select_n3A_2209[%gather3A_2261] in [0] : vector<16xi32>, vector<16xi32> -> vector<16xi32>
      %lt3A_2263 = arith.constant 0 : i32
      %lt3A_2264 = vector.broadcast %lt3A_2263 : i32 to vector<16xi32>
      %lt3A_2265 = arith.cmpi slt, %broadcast_in_dim3A_2252, %lt3A_2264 : vector<16xi32>
      %add3A_2266 = arith.constant 16 : i32
      %add3A_2267 = vector.broadcast %add3A_2266 : i32 to vector<16xi32>
      %add3A_2268 = arith.addi %broadcast_in_dim3A_2252, %add3A_2267 : vector<16xi32>
      %select_n3A_2269 = arith.select %lt3A_2265, %add3A_2268, %broadcast_in_dim3A_2252 : vector<16xi1>, vector<16xi32>
      %broadcast_in_dim3A_2270 = vector.shape_cast %select_n3A_2269 : vector<16xi32> to vector<16x1xi32>
      %gather3A_2271 = vector.shape_cast %broadcast_in_dim3A_2270 : vector<16x1xi32> to vector<16xi32>
      %gather3A_2272 = tpu.dynamic_gather %select_n3A_2205[%gather3A_2271] in [0] : vector<16xf32>, vector<16xi32> -> vector<16xf32>
      %scan3A_2273 = arith.constant 0 : i32
      %scan3A_2274 = arith.constant 0 : i32
      %scan3A_2275 = arith.constant 64 : i32
      %scan3A_2276 = arith.addi %scan3A_2274, %scan3A_2275 : i32
      %scan3A_2277 = arith.constant 1 : i32
      scf.for %scan3A_2673 = %scan3A_2274 to %scan3A_2276 step %scan3A_2277  : i32 {
        %mul3A_2674 = arith.constant 16 : i32
        %mul3A_2675 = arith.muli %scan3A_2673, %mul3A_2674 : i32
        %add3A_2676 = vector.broadcast %mul3A_2675 : i32 to vector<16xi32>
        %add3A_2677 = arith.addi %add3A_2676, %iota3A : vector<16xi32>
        %eq3A_2678 = arith.cmpi eq, %add3A_2677, %gather3A_2262 : vector<16xi32>
        %jit3A = arith.constant 0.000000e+00 : f32
        %broadcast_in_dim3A_2679 = vector.broadcast %jit3A : f32 to vector<16xf32>
        %select_n3A_2680 = arith.select %eq3A_2678, %gather3A_2272, %broadcast_in_dim3A_2679 : vector<16xi1>, vector<16xf32>
        %mul3A_2681 = arith.constant 16 : i32
        %mul3A_2682 = arith.muli %scan3A_2673, %mul3A_2681 : i32
        %swap3A_2683 = arith.constant 1 : i32
        %swap3A_2684 = arith.index_cast %swap3A_2683 : i32 to index
        %swap3A_2685 = arith.index_cast %mul3A_2682 : i32 to index
        %swap3A_2686 = tpu.vector_load %arg9[%swap3A_2684, %swap3A_2685] {strides = array<i32>} : memref<16x1024xf32, #tpu.memory_space<vmem>>, vector<1x16xf32>,
        %swap3A_2687 = vector.shape_cast %swap3A_2686 : vector<1x16xf32> to vector<16xf32>
        %swap3A_2688 = vector.shape_cast %select_n3A_2680 : vector<16xf32> to vector<1x16xf32>
        tpu.vector_store %arg9[%swap3A_2684, %swap3A_2685], %swap3A_2688 {strides = array<i32>} : memref<16x1024xf32, #tpu.memory_space<vmem>>, vector<1x16xf32>,
      }
      %scan3A_2278 = arith.constant 64 : i32
      %broadcast_in_dim3A_2279 = arith.constant 2 : i32
      %broadcast_in_dim3A_2280 = vector.broadcast %broadcast_in_dim3A_2279 : i32 to vector<16xi32>
      %lt3A_2281 = arith.constant 0 : i32
      %lt3A_2282 = vector.broadcast %lt3A_2281 : i32 to vector<16xi32>
      %lt3A_2283 = arith.cmpi slt, %broadcast_in_dim3A_2280, %lt3A_2282 : vector<16xi32>
      %add3A_2284 = arith.constant 16 : i32
      %add3A_2285 = vector.broadcast %add3A_2284 : i32 to vector<16xi32>
      %add3A_2286 = arith.addi %broadcast_in_dim3A_2280, %add3A_2285 : vector<16xi32>
      %select_n3A_2287 = arith.select %lt3A_2283, %add3A_2286, %broadcast_in_dim3A_2280 : vector<16xi1>, vector<16xi32>
      %broadcast_in_dim3A_2288 = vector.shape_cast %select_n3A_2287 : vector<16xi32> to vector<16x1xi32>
      %gather3A_2289 = vector.shape_cast %broadcast_in_dim3A_2288 : vector<16x1xi32> to vector<16xi32>
      %gather3A_2290 = tpu.dynamic_gather %select_n3A_2209[%gather3A_2289] in [0] : vector<16xi32>, vector<16xi32> -> vector<16xi32>
      %lt3A_2291 = arith.constant 0 : i32
      %lt3A_2292 = vector.broadcast %lt3A_2291 : i32 to vector<16xi32>
      %lt3A_2293 = arith.cmpi slt, %broadcast_in_dim3A_2280, %lt3A_2292 : vector<16xi32>
      %add3A_2294 = arith.constant 16 : i32
      %add3A_2295 = vector.broadcast %add3A_2294 : i32 to vector<16xi32>
      %add3A_2296 = arith.addi %broadcast_in_dim3A_2280, %add3A_2295 : vector<16xi32>
      %select_n3A_2297 = arith.select %lt3A_2293, %add3A_2296, %broadcast_in_dim3A_2280 : vector<16xi1>, vector<16xi32>
      %broadcast_in_dim3A_2298 = vector.shape_cast %select_n3A_2297 : vector<16xi32> to vector<16x1xi32>
      %gather3A_2299 = vector.shape_cast %broadcast_in_dim3A_2298 : vector<16x1xi32> to vector<16xi32>
      %gather3A_2300 = tpu.dynamic_gather %select_n3A_2205[%gather3A_2299] in [0] : vector<16xf32>, vector<16xi32> -> vector<16xf32>
      %scan3A_2301 = arith.constant 0 : i32
      %scan3A_2302 = arith.constant 0 : i32
      %scan3A_2303 = arith.constant 64 : i32
      %scan3A_2304 = arith.addi %scan3A_2302, %scan3A_2303 : i32
      %scan3A_2305 = arith.constant 1 : i32
      scf.for %scan3A_2673 = %scan3A_2302 to %scan3A_2304 step %scan3A_2305  : i32 {
        %mul3A_2674 = arith.constant 16 : i32
        %mul3A_2675 = arith.muli %scan3A_2673, %mul3A_2674 : i32
        %add3A_2676 = vector.broadcast %mul3A_2675 : i32 to vector<16xi32>
        %add3A_2677 = arith.addi %add3A_2676, %iota3A : vector<16xi32>
        %eq3A_2678 = arith.cmpi eq, %add3A_2677, %gather3A_2290 : vector<16xi32>
        %jit3A = arith.constant 0.000000e+00 : f32
        %broadcast_in_dim3A_2679 = vector.broadcast %jit3A : f32 to vector<16xf32>
        %select_n3A_2680 = arith.select %eq3A_2678, %gather3A_2300, %broadcast_in_dim3A_2679 : vector<16xi1>, vector<16xf32>
        %mul3A_2681 = arith.constant 16 : i32
        %mul3A_2682 = arith.muli %scan3A_2673, %mul3A_2681 : i32
        %swap3A_2683 = arith.constant 2 : i32
        %swap3A_2684 = arith.index_cast %swap3A_2683 : i32 to index
        %swap3A_2685 = arith.index_cast %mul3A_2682 : i32 to index
        %swap3A_2686 = tpu.vector_load %arg9[%swap3A_2684, %swap3A_2685] {strides = array<i32>} : memref<16x1024xf32, #tpu.memory_space<vmem>>, vector<1x16xf32>,
        %swap3A_2687 = vector.shape_cast %swap3A_2686 : vector<1x16xf32> to vector<16xf32>
        %swap3A_2688 = vector.shape_cast %select_n3A_2680 : vector<16xf32> to vector<1x16xf32>
        tpu.vector_store %arg9[%swap3A_2684, %swap3A_2685], %swap3A_2688 {strides = array<i32>} : memref<16x1024xf32, #tpu.memory_space<vmem>>, vector<1x16xf32>,
      }
      %scan3A_2306 = arith.constant 64 : i32
      %broadcast_in_dim3A_2307 = arith.constant 3 : i32
      %broadcast_in_dim3A_2308 = vector.broadcast %broadcast_in_dim3A_2307 : i32 to vector<16xi32>
      %lt3A_2309 = arith.constant 0 : i32
      %lt3A_2310 = vector.broadcast %lt3A_2309 : i32 to vector<16xi32>
      %lt3A_2311 = arith.cmpi slt, %broadcast_in_dim3A_2308, %lt3A_2310 : vector<16xi32>
      %add3A_2312 = arith.constant 16 : i32
      %add3A_2313 = vector.broadcast %add3A_2312 : i32 to vector<16xi32>
      %add3A_2314 = arith.addi %broadcast_in_dim3A_2308, %add3A_2313 : vector<16xi32>
      %select_n3A_2315 = arith.select %lt3A_2311, %add3A_2314, %broadcast_in_dim3A_2308 : vector<16xi1>, vector<16xi32>
      %broadcast_in_dim3A_2316 = vector.shape_cast %select_n3A_2315 : vector<16xi32> to vector<16x1xi32>
      %gather3A_2317 = vector.shape_cast %broadcast_in_dim3A_2316 : vector<16x1xi32> to vector<16xi32>
      %gather3A_2318 = tpu.dynamic_gather %select_n3A_2209[%gather3A_2317] in [0] : vector<16xi32>, vector<16xi32> -> vector<16xi32>
      %lt3A_2319 = arith.constant 0 : i32
      %lt3A_2320 = vector.broadcast %lt3A_2319 : i32 to vector<16xi32>
      %lt3A_2321 = arith.cmpi slt, %broadcast_in_dim3A_2308, %lt3A_2320 : vector<16xi32>
      %add3A_2322 = arith.constant 16 : i32
      %add3A_2323 = vector.broadcast %add3A_2322 : i32 to vector<16xi32>
      %add3A_2324 = arith.addi %broadcast_in_dim3A_2308, %add3A_2323 : vector<16xi32>
      %select_n3A_2325 = arith.select %lt3A_2321, %add3A_2324, %broadcast_in_dim3A_2308 : vector<16xi1>, vector<16xi32>
      %broadcast_in_dim3A_2326 = vector.shape_cast %select_n3A_2325 : vector<16xi32> to vector<16x1xi32>
      %gather3A_2327 = vector.shape_cast %broadcast_in_dim3A_2326 : vector<16x1xi32> to vector<16xi32>
      %gather3A_2328 = tpu.dynamic_gather %select_n3A_2205[%gather3A_2327] in [0] : vector<16xf32>, vector<16xi32> -> vector<16xf32>
      %scan3A_2329 = arith.constant 0 : i32
      %scan3A_2330 = arith.constant 0 : i32
      %scan3A_2331 = arith.constant 64 : i32
      %scan3A_2332 = arith.addi %scan3A_2330, %scan3A_2331 : i32
      %scan3A_2333 = arith.constant 1 : i32
      scf.for %scan3A_2673 = %scan3A_2330 to %scan3A_2332 step %scan3A_2333  : i32 {
        %mul3A_2674 = arith.constant 16 : i32
        %mul3A_2675 = arith.muli %scan3A_2673, %mul3A_2674 : i32
        %add3A_2676 = vector.broadcast %mul3A_2675 : i32 to vector<16xi32>
        %add3A_2677 = arith.addi %add3A_2676, %iota3A : vector<16xi32>
        %eq3A_2678 = arith.cmpi eq, %add3A_2677, %gather3A_2318 : vector<16xi32>
        %jit3A = arith.constant 0.000000e+00 : f32
        %broadcast_in_dim3A_2679 = vector.broadcast %jit3A : f32 to vector<16xf32>
        %select_n3A_2680 = arith.select %eq3A_2678, %gather3A_2328, %broadcast_in_dim3A_2679 : vector<16xi1>, vector<16xf32>
        %mul3A_2681 = arith.constant 16 : i32
        %mul3A_2682 = arith.muli %scan3A_2673, %mul3A_2681 : i32
        %swap3A_2683 = arith.constant 3 : i32
        %swap3A_2684 = arith.index_cast %swap3A_2683 : i32 to index
        %swap3A_2685 = arith.index_cast %mul3A_2682 : i32 to index
        %swap3A_2686 = tpu.vector_load %arg9[%swap3A_2684, %swap3A_2685] {strides = array<i32>} : memref<16x1024xf32, #tpu.memory_space<vmem>>, vector<1x16xf32>,
        %swap3A_2687 = vector.shape_cast %swap3A_2686 : vector<1x16xf32> to vector<16xf32>
        %swap3A_2688 = vector.shape_cast %select_n3A_2680 : vector<16xf32> to vector<1x16xf32>
        tpu.vector_store %arg9[%swap3A_2684, %swap3A_2685], %swap3A_2688 {strides = array<i32>} : memref<16x1024xf32, #tpu.memory_space<vmem>>, vector<1x16xf32>,
      }
      %scan3A_2334 = arith.constant 64 : i32
      %broadcast_in_dim3A_2335 = arith.constant 4 : i32
      %broadcast_in_dim3A_2336 = vector.broadcast %broadcast_in_dim3A_2335 : i32 to vector<16xi32>
      %lt3A_2337 = arith.constant 0 : i32
      %lt3A_2338 = vector.broadcast %lt3A_2337 : i32 to vector<16xi32>
      %lt3A_2339 = arith.cmpi slt, %broadcast_in_dim3A_2336, %lt3A_2338 : vector<16xi32>
      %add3A_2340 = arith.constant 16 : i32
      %add3A_2341 = vector.broadcast %add3A_2340 : i32 to vector<16xi32>
      %add3A_2342 = arith.addi %broadcast_in_dim3A_2336, %add3A_2341 : vector<16xi32>
      %select_n3A_2343 = arith.select %lt3A_2339, %add3A_2342, %broadcast_in_dim3A_2336 : vector<16xi1>, vector<16xi32>
      %broadcast_in_dim3A_2344 = vector.shape_cast %select_n3A_2343 : vector<16xi32> to vector<16x1xi32>
      %gather3A_2345 = vector.shape_cast %broadcast_in_dim3A_2344 : vector<16x1xi32> to vector<16xi32>
      %gather3A_2346 = tpu.dynamic_gather %select_n3A_2209[%gather3A_2345] in [0] : vector<16xi32>, vector<16xi32> -> vector<16xi32>
      %lt3A_2347 = arith.constant 0 : i32
      %lt3A_2348 = vector.broadcast %lt3A_2347 : i32 to vector<16xi32>
      %lt3A_2349 = arith.cmpi slt, %broadcast_in_dim3A_2336, %lt3A_2348 : vector<16xi32>
      %add3A_2350 = arith.constant 16 : i32
      %add3A_2351 = vector.broadcast %add3A_2350 : i32 to vector<16xi32>
      %add3A_2352 = arith.addi %broadcast_in_dim3A_2336, %add3A_2351 : vector<16xi32>
      %select_n3A_2353 = arith.select %lt3A_2349, %add3A_2352, %broadcast_in_dim3A_2336 : vector<16xi1>, vector<16xi32>
      %broadcast_in_dim3A_2354 = vector.shape_cast %select_n3A_2353 : vector<16xi32> to vector<16x1xi32>
      %gather3A_2355 = vector.shape_cast %broadcast_in_dim3A_2354 : vector<16x1xi32> to vector<16xi32>
      %gather3A_2356 = tpu.dynamic_gather %select_n3A_2205[%gather3A_2355] in [0] : vector<16xf32>, vector<16xi32> -> vector<16xf32>
      %scan3A_2357 = arith.constant 0 : i32
      %scan3A_2358 = arith.constant 0 : i32
      %scan3A_2359 = arith.constant 64 : i32
      %scan3A_2360 = arith.addi %scan3A_2358, %scan3A_2359 : i32
      %scan3A_2361 = arith.constant 1 : i32
      scf.for %scan3A_2673 = %scan3A_2358 to %scan3A_2360 step %scan3A_2361  : i32 {
        %mul3A_2674 = arith.constant 16 : i32
        %mul3A_2675 = arith.muli %scan3A_2673, %mul3A_2674 : i32
        %add3A_2676 = vector.broadcast %mul3A_2675 : i32 to vector<16xi32>
        %add3A_2677 = arith.addi %add3A_2676, %iota3A : vector<16xi32>
        %eq3A_2678 = arith.cmpi eq, %add3A_2677, %gather3A_2346 : vector<16xi32>
        %jit3A = arith.constant 0.000000e+00 : f32
        %broadcast_in_dim3A_2679 = vector.broadcast %jit3A : f32 to vector<16xf32>
        %select_n3A_2680 = arith.select %eq3A_2678, %gather3A_2356, %broadcast_in_dim3A_2679 : vector<16xi1>, vector<16xf32>
        %mul3A_2681 = arith.constant 16 : i32
        %mul3A_2682 = arith.muli %scan3A_2673, %mul3A_2681 : i32
        %swap3A_2683 = arith.constant 4 : i32
        %swap3A_2684 = arith.index_cast %swap3A_2683 : i32 to index
        %swap3A_2685 = arith.index_cast %mul3A_2682 : i32 to index
        %swap3A_2686 = tpu.vector_load %arg9[%swap3A_2684, %swap3A_2685] {strides = array<i32>} : memref<16x1024xf32, #tpu.memory_space<vmem>>, vector<1x16xf32>,
        %swap3A_2687 = vector.shape_cast %swap3A_2686 : vector<1x16xf32> to vector<16xf32>
        %swap3A_2688 = vector.shape_cast %select_n3A_2680 : vector<16xf32> to vector<1x16xf32>
        tpu.vector_store %arg9[%swap3A_2684, %swap3A_2685], %swap3A_2688 {strides = array<i32>} : memref<16x1024xf32, #tpu.memory_space<vmem>>, vector<1x16xf32>,
      }
      %scan3A_2362 = arith.constant 64 : i32
      %broadcast_in_dim3A_2363 = arith.constant 5 : i32
      %broadcast_in_dim3A_2364 = vector.broadcast %broadcast_in_dim3A_2363 : i32 to vector<16xi32>
      %lt3A_2365 = arith.constant 0 : i32
      %lt3A_2366 = vector.broadcast %lt3A_2365 : i32 to vector<16xi32>
      %lt3A_2367 = arith.cmpi slt, %broadcast_in_dim3A_2364, %lt3A_2366 : vector<16xi32>
      %add3A_2368 = arith.constant 16 : i32
      %add3A_2369 = vector.broadcast %add3A_2368 : i32 to vector<16xi32>
      %add3A_2370 = arith.addi %broadcast_in_dim3A_2364, %add3A_2369 : vector<16xi32>
      %select_n3A_2371 = arith.select %lt3A_2367, %add3A_2370, %broadcast_in_dim3A_2364 : vector<16xi1>, vector<16xi32>
      %broadcast_in_dim3A_2372 = vector.shape_cast %select_n3A_2371 : vector<16xi32> to vector<16x1xi32>
      %gather3A_2373 = vector.shape_cast %broadcast_in_dim3A_2372 : vector<16x1xi32> to vector<16xi32>
      %gather3A_2374 = tpu.dynamic_gather %select_n3A_2209[%gather3A_2373] in [0] : vector<16xi32>, vector<16xi32> -> vector<16xi32>
      %lt3A_2375 = arith.constant 0 : i32
      %lt3A_2376 = vector.broadcast %lt3A_2375 : i32 to vector<16xi32>
      %lt3A_2377 = arith.cmpi slt, %broadcast_in_dim3A_2364, %lt3A_2376 : vector<16xi32>
      %add3A_2378 = arith.constant 16 : i32
      %add3A_2379 = vector.broadcast %add3A_2378 : i32 to vector<16xi32>
      %add3A_2380 = arith.addi %broadcast_in_dim3A_2364, %add3A_2379 : vector<16xi32>
      %select_n3A_2381 = arith.select %lt3A_2377, %add3A_2380, %broadcast_in_dim3A_2364 : vector<16xi1>, vector<16xi32>
      %broadcast_in_dim3A_2382 = vector.shape_cast %select_n3A_2381 : vector<16xi32> to vector<16x1xi32>
      %gather3A_2383 = vector.shape_cast %broadcast_in_dim3A_2382 : vector<16x1xi32> to vector<16xi32>
      %gather3A_2384 = tpu.dynamic_gather %select_n3A_2205[%gather3A_2383] in [0] : vector<16xf32>, vector<16xi32> -> vector<16xf32>
      %scan3A_2385 = arith.constant 0 : i32
      %scan3A_2386 = arith.constant 0 : i32
      %scan3A_2387 = arith.constant 64 : i32
      %scan3A_2388 = arith.addi %scan3A_2386, %scan3A_2387 : i32
      %scan3A_2389 = arith.constant 1 : i32
      scf.for %scan3A_2673 = %scan3A_2386 to %scan3A_2388 step %scan3A_2389  : i32 {
        %mul3A_2674 = arith.constant 16 : i32
        %mul3A_2675 = arith.muli %scan3A_2673, %mul3A_2674 : i32
        %add3A_2676 = vector.broadcast %mul3A_2675 : i32 to vector<16xi32>
        %add3A_2677 = arith.addi %add3A_2676, %iota3A : vector<16xi32>
        %eq3A_2678 = arith.cmpi eq, %add3A_2677, %gather3A_2374 : vector<16xi32>
        %jit3A = arith.constant 0.000000e+00 : f32
        %broadcast_in_dim3A_2679 = vector.broadcast %jit3A : f32 to vector<16xf32>
        %select_n3A_2680 = arith.select %eq3A_2678, %gather3A_2384, %broadcast_in_dim3A_2679 : vector<16xi1>, vector<16xf32>
        %mul3A_2681 = arith.constant 16 : i32
        %mul3A_2682 = arith.muli %scan3A_2673, %mul3A_2681 : i32
        %swap3A_2683 = arith.constant 5 : i32
        %swap3A_2684 = arith.index_cast %swap3A_2683 : i32 to index
        %swap3A_2685 = arith.index_cast %mul3A_2682 : i32 to index
        %swap3A_2686 = tpu.vector_load %arg9[%swap3A_2684, %swap3A_2685] {strides = array<i32>} : memref<16x1024xf32, #tpu.memory_space<vmem>>, vector<1x16xf32>,
        %swap3A_2687 = vector.shape_cast %swap3A_2686 : vector<1x16xf32> to vector<16xf32>
        %swap3A_2688 = vector.shape_cast %select_n3A_2680 : vector<16xf32> to vector<1x16xf32>
        tpu.vector_store %arg9[%swap3A_2684, %swap3A_2685], %swap3A_2688 {strides = array<i32>} : memref<16x1024xf32, #tpu.memory_space<vmem>>, vector<1x16xf32>,
      }
      %scan3A_2390 = arith.constant 64 : i32
      %broadcast_in_dim3A_2391 = arith.constant 6 : i32
      %broadcast_in_dim3A_2392 = vector.broadcast %broadcast_in_dim3A_2391 : i32 to vector<16xi32>
      %lt3A_2393 = arith.constant 0 : i32
      %lt3A_2394 = vector.broadcast %lt3A_2393 : i32 to vector<16xi32>
      %lt3A_2395 = arith.cmpi slt, %broadcast_in_dim3A_2392, %lt3A_2394 : vector<16xi32>
      %add3A_2396 = arith.constant 16 : i32
      %add3A_2397 = vector.broadcast %add3A_2396 : i32 to vector<16xi32>
      %add3A_2398 = arith.addi %broadcast_in_dim3A_2392, %add3A_2397 : vector<16xi32>
      %select_n3A_2399 = arith.select %lt3A_2395, %add3A_2398, %broadcast_in_dim3A_2392 : vector<16xi1>, vector<16xi32>
      %broadcast_in_dim3A_2400 = vector.shape_cast %select_n3A_2399 : vector<16xi32> to vector<16x1xi32>
      %gather3A_2401 = vector.shape_cast %broadcast_in_dim3A_2400 : vector<16x1xi32> to vector<16xi32>
      %gather3A_2402 = tpu.dynamic_gather %select_n3A_2209[%gather3A_2401] in [0] : vector<16xi32>, vector<16xi32> -> vector<16xi32>
      %lt3A_2403 = arith.constant 0 : i32
      %lt3A_2404 = vector.broadcast %lt3A_2403 : i32 to vector<16xi32>
      %lt3A_2405 = arith.cmpi slt, %broadcast_in_dim3A_2392, %lt3A_2404 : vector<16xi32>
      %add3A_2406 = arith.constant 16 : i32
      %add3A_2407 = vector.broadcast %add3A_2406 : i32 to vector<16xi32>
      %add3A_2408 = arith.addi %broadcast_in_dim3A_2392, %add3A_2407 : vector<16xi32>
      %select_n3A_2409 = arith.select %lt3A_2405, %add3A_2408, %broadcast_in_dim3A_2392 : vector<16xi1>, vector<16xi32>
      %broadcast_in_dim3A_2410 = vector.shape_cast %select_n3A_2409 : vector<16xi32> to vector<16x1xi32>
      %gather3A_2411 = vector.shape_cast %broadcast_in_dim3A_2410 : vector<16x1xi32> to vector<16xi32>
      %gather3A_2412 = tpu.dynamic_gather %select_n3A_2205[%gather3A_2411] in [0] : vector<16xf32>, vector<16xi32> -> vector<16xf32>
      %scan3A_2413 = arith.constant 0 : i32
      %scan3A_2414 = arith.constant 0 : i32
      %scan3A_2415 = arith.constant 64 : i32
      %scan3A_2416 = arith.addi %scan3A_2414, %scan3A_2415 : i32
      %scan3A_2417 = arith.constant 1 : i32
      scf.for %scan3A_2673 = %scan3A_2414 to %scan3A_2416 step %scan3A_2417  : i32 {
        %mul3A_2674 = arith.constant 16 : i32
        %mul3A_2675 = arith.muli %scan3A_2673, %mul3A_2674 : i32
        %add3A_2676 = vector.broadcast %mul3A_2675 : i32 to vector<16xi32>
        %add3A_2677 = arith.addi %add3A_2676, %iota3A : vector<16xi32>
        %eq3A_2678 = arith.cmpi eq, %add3A_2677, %gather3A_2402 : vector<16xi32>
        %jit3A = arith.constant 0.000000e+00 : f32
        %broadcast_in_dim3A_2679 = vector.broadcast %jit3A : f32 to vector<16xf32>
        %select_n3A_2680 = arith.select %eq3A_2678, %gather3A_2412, %broadcast_in_dim3A_2679 : vector<16xi1>, vector<16xf32>
        %mul3A_2681 = arith.constant 16 : i32
        %mul3A_2682 = arith.muli %scan3A_2673, %mul3A_2681 : i32
        %swap3A_2683 = arith.constant 6 : i32
        %swap3A_2684 = arith.index_cast %swap3A_2683 : i32 to index
        %swap3A_2685 = arith.index_cast %mul3A_2682 : i32 to index
        %swap3A_2686 = tpu.vector_load %arg9[%swap3A_2684, %swap3A_2685] {strides = array<i32>} : memref<16x1024xf32, #tpu.memory_space<vmem>>, vector<1x16xf32>,
        %swap3A_2687 = vector.shape_cast %swap3A_2686 : vector<1x16xf32> to vector<16xf32>
        %swap3A_2688 = vector.shape_cast %select_n3A_2680 : vector<16xf32> to vector<1x16xf32>
        tpu.vector_store %arg9[%swap3A_2684, %swap3A_2685], %swap3A_2688 {strides = array<i32>} : memref<16x1024xf32, #tpu.memory_space<vmem>>, vector<1x16xf32>,
      }
      %scan3A_2418 = arith.constant 64 : i32
      %broadcast_in_dim3A_2419 = arith.constant 7 : i32
      %broadcast_in_dim3A_2420 = vector.broadcast %broadcast_in_dim3A_2419 : i32 to vector<16xi32>
      %lt3A_2421 = arith.constant 0 : i32
      %lt3A_2422 = vector.broadcast %lt3A_2421 : i32 to vector<16xi32>
      %lt3A_2423 = arith.cmpi slt, %broadcast_in_dim3A_2420, %lt3A_2422 : vector<16xi32>
      %add3A_2424 = arith.constant 16 : i32
      %add3A_2425 = vector.broadcast %add3A_2424 : i32 to vector<16xi32>
      %add3A_2426 = arith.addi %broadcast_in_dim3A_2420, %add3A_2425 : vector<16xi32>
      %select_n3A_2427 = arith.select %lt3A_2423, %add3A_2426, %broadcast_in_dim3A_2420 : vector<16xi1>, vector<16xi32>
      %broadcast_in_dim3A_2428 = vector.shape_cast %select_n3A_2427 : vector<16xi32> to vector<16x1xi32>
      %gather3A_2429 = vector.shape_cast %broadcast_in_dim3A_2428 : vector<16x1xi32> to vector<16xi32>
      %gather3A_2430 = tpu.dynamic_gather %select_n3A_2209[%gather3A_2429] in [0] : vector<16xi32>, vector<16xi32> -> vector<16xi32>
      %lt3A_2431 = arith.constant 0 : i32
      %lt3A_2432 = vector.broadcast %lt3A_2431 : i32 to vector<16xi32>
      %lt3A_2433 = arith.cmpi slt, %broadcast_in_dim3A_2420, %lt3A_2432 : vector<16xi32>
      %add3A_2434 = arith.constant 16 : i32
      %add3A_2435 = vector.broadcast %add3A_2434 : i32 to vector<16xi32>
      %add3A_2436 = arith.addi %broadcast_in_dim3A_2420, %add3A_2435 : vector<16xi32>
      %select_n3A_2437 = arith.select %lt3A_2433, %add3A_2436, %broadcast_in_dim3A_2420 : vector<16xi1>, vector<16xi32>
      %broadcast_in_dim3A_2438 = vector.shape_cast %select_n3A_2437 : vector<16xi32> to vector<16x1xi32>
      %gather3A_2439 = vector.shape_cast %broadcast_in_dim3A_2438 : vector<16x1xi32> to vector<16xi32>
      %gather3A_2440 = tpu.dynamic_gather %select_n3A_2205[%gather3A_2439] in [0] : vector<16xf32>, vector<16xi32> -> vector<16xf32>
      %scan3A_2441 = arith.constant 0 : i32
      %scan3A_2442 = arith.constant 0 : i32
      %scan3A_2443 = arith.constant 64 : i32
      %scan3A_2444 = arith.addi %scan3A_2442, %scan3A_2443 : i32
      %scan3A_2445 = arith.constant 1 : i32
      scf.for %scan3A_2673 = %scan3A_2442 to %scan3A_2444 step %scan3A_2445  : i32 {
        %mul3A_2674 = arith.constant 16 : i32
        %mul3A_2675 = arith.muli %scan3A_2673, %mul3A_2674 : i32
        %add3A_2676 = vector.broadcast %mul3A_2675 : i32 to vector<16xi32>
        %add3A_2677 = arith.addi %add3A_2676, %iota3A : vector<16xi32>
        %eq3A_2678 = arith.cmpi eq, %add3A_2677, %gather3A_2430 : vector<16xi32>
        %jit3A = arith.constant 0.000000e+00 : f32
        %broadcast_in_dim3A_2679 = vector.broadcast %jit3A : f32 to vector<16xf32>
        %select_n3A_2680 = arith.select %eq3A_2678, %gather3A_2440, %broadcast_in_dim3A_2679 : vector<16xi1>, vector<16xf32>
        %mul3A_2681 = arith.constant 16 : i32
        %mul3A_2682 = arith.muli %scan3A_2673, %mul3A_2681 : i32
        %swap3A_2683 = arith.constant 7 : i32
        %swap3A_2684 = arith.index_cast %swap3A_2683 : i32 to index
        %swap3A_2685 = arith.index_cast %mul3A_2682 : i32 to index
        %swap3A_2686 = tpu.vector_load %arg9[%swap3A_2684, %swap3A_2685] {strides = array<i32>} : memref<16x1024xf32, #tpu.memory_space<vmem>>, vector<1x16xf32>,
        %swap3A_2687 = vector.shape_cast %swap3A_2686 : vector<1x16xf32> to vector<16xf32>
        %swap3A_2688 = vector.shape_cast %select_n3A_2680 : vector<16xf32> to vector<1x16xf32>
        tpu.vector_store %arg9[%swap3A_2684, %swap3A_2685], %swap3A_2688 {strides = array<i32>} : memref<16x1024xf32, #tpu.memory_space<vmem>>, vector<1x16xf32>,
      }
      %scan3A_2446 = arith.constant 64 : i32
      %broadcast_in_dim3A_2447 = arith.constant 8 : i32
      %broadcast_in_dim3A_2448 = vector.broadcast %broadcast_in_dim3A_2447 : i32 to vector<16xi32>
      %lt3A_2449 = arith.constant 0 : i32
      %lt3A_2450 = vector.broadcast %lt3A_2449 : i32 to vector<16xi32>
      %lt3A_2451 = arith.cmpi slt, %broadcast_in_dim3A_2448, %lt3A_2450 : vector<16xi32>
      %add3A_2452 = arith.constant 16 : i32
      %add3A_2453 = vector.broadcast %add3A_2452 : i32 to vector<16xi32>
      %add3A_2454 = arith.addi %broadcast_in_dim3A_2448, %add3A_2453 : vector<16xi32>
      %select_n3A_2455 = arith.select %lt3A_2451, %add3A_2454, %broadcast_in_dim3A_2448 : vector<16xi1>, vector<16xi32>
      %broadcast_in_dim3A_2456 = vector.shape_cast %select_n3A_2455 : vector<16xi32> to vector<16x1xi32>
      %gather3A_2457 = vector.shape_cast %broadcast_in_dim3A_2456 : vector<16x1xi32> to vector<16xi32>
      %gather3A_2458 = tpu.dynamic_gather %select_n3A_2209[%gather3A_2457] in [0] : vector<16xi32>, vector<16xi32> -> vector<16xi32>
      %lt3A_2459 = arith.constant 0 : i32
      %lt3A_2460 = vector.broadcast %lt3A_2459 : i32 to vector<16xi32>
      %lt3A_2461 = arith.cmpi slt, %broadcast_in_dim3A_2448, %lt3A_2460 : vector<16xi32>
      %add3A_2462 = arith.constant 16 : i32
      %add3A_2463 = vector.broadcast %add3A_2462 : i32 to vector<16xi32>
      %add3A_2464 = arith.addi %broadcast_in_dim3A_2448, %add3A_2463 : vector<16xi32>
      %select_n3A_2465 = arith.select %lt3A_2461, %add3A_2464, %broadcast_in_dim3A_2448 : vector<16xi1>, vector<16xi32>
      %broadcast_in_dim3A_2466 = vector.shape_cast %select_n3A_2465 : vector<16xi32> to vector<16x1xi32>
      %gather3A_2467 = vector.shape_cast %broadcast_in_dim3A_2466 : vector<16x1xi32> to vector<16xi32>
      %gather3A_2468 = tpu.dynamic_gather %select_n3A_2205[%gather3A_2467] in [0] : vector<16xf32>, vector<16xi32> -> vector<16xf32>
      %scan3A_2469 = arith.constant 0 : i32
      %scan3A_2470 = arith.constant 0 : i32
      %scan3A_2471 = arith.constant 64 : i32
      %scan3A_2472 = arith.addi %scan3A_2470, %scan3A_2471 : i32
      %scan3A_2473 = arith.constant 1 : i32
      scf.for %scan3A_2673 = %scan3A_2470 to %scan3A_2472 step %scan3A_2473  : i32 {
        %mul3A_2674 = arith.constant 16 : i32
        %mul3A_2675 = arith.muli %scan3A_2673, %mul3A_2674 : i32
        %add3A_2676 = vector.broadcast %mul3A_2675 : i32 to vector<16xi32>
        %add3A_2677 = arith.addi %add3A_2676, %iota3A : vector<16xi32>
        %eq3A_2678 = arith.cmpi eq, %add3A_2677, %gather3A_2458 : vector<16xi32>
        %jit3A = arith.constant 0.000000e+00 : f32
        %broadcast_in_dim3A_2679 = vector.broadcast %jit3A : f32 to vector<16xf32>
        %select_n3A_2680 = arith.select %eq3A_2678, %gather3A_2468, %broadcast_in_dim3A_2679 : vector<16xi1>, vector<16xf32>
        %mul3A_2681 = arith.constant 16 : i32
        %mul3A_2682 = arith.muli %scan3A_2673, %mul3A_2681 : i32
        %swap3A_2683 = arith.constant 8 : i32
        %swap3A_2684 = arith.index_cast %swap3A_2683 : i32 to index
        %swap3A_2685 = arith.index_cast %mul3A_2682 : i32 to index
        %swap3A_2686 = tpu.vector_load %arg9[%swap3A_2684, %swap3A_2685] {strides = array<i32>} : memref<16x1024xf32, #tpu.memory_space<vmem>>, vector<1x16xf32>,
        %swap3A_2687 = vector.shape_cast %swap3A_2686 : vector<1x16xf32> to vector<16xf32>
        %swap3A_2688 = vector.shape_cast %select_n3A_2680 : vector<16xf32> to vector<1x16xf32>
        tpu.vector_store %arg9[%swap3A_2684, %swap3A_2685], %swap3A_2688 {strides = array<i32>} : memref<16x1024xf32, #tpu.memory_space<vmem>>, vector<1x16xf32>,
      }
      %scan3A_2474 = arith.constant 64 : i32
      %broadcast_in_dim3A_2475 = arith.constant 9 : i32
      %broadcast_in_dim3A_2476 = vector.broadcast %broadcast_in_dim3A_2475 : i32 to vector<16xi32>
      %lt3A_2477 = arith.constant 0 : i32
      %lt3A_2478 = vector.broadcast %lt3A_2477 : i32 to vector<16xi32>
      %lt3A_2479 = arith.cmpi slt, %broadcast_in_dim3A_2476, %lt3A_2478 : vector<16xi32>
      %add3A_2480 = arith.constant 16 : i32
      %add3A_2481 = vector.broadcast %add3A_2480 : i32 to vector<16xi32>
      %add3A_2482 = arith.addi %broadcast_in_dim3A_2476, %add3A_2481 : vector<16xi32>
      %select_n3A_2483 = arith.select %lt3A_2479, %add3A_2482, %broadcast_in_dim3A_2476 : vector<16xi1>, vector<16xi32>
      %broadcast_in_dim3A_2484 = vector.shape_cast %select_n3A_2483 : vector<16xi32> to vector<16x1xi32>
      %gather3A_2485 = vector.shape_cast %broadcast_in_dim3A_2484 : vector<16x1xi32> to vector<16xi32>
      %gather3A_2486 = tpu.dynamic_gather %select_n3A_2209[%gather3A_2485] in [0] : vector<16xi32>, vector<16xi32> -> vector<16xi32>
      %lt3A_2487 = arith.constant 0 : i32
      %lt3A_2488 = vector.broadcast %lt3A_2487 : i32 to vector<16xi32>
      %lt3A_2489 = arith.cmpi slt, %broadcast_in_dim3A_2476, %lt3A_2488 : vector<16xi32>
      %add3A_2490 = arith.constant 16 : i32
      %add3A_2491 = vector.broadcast %add3A_2490 : i32 to vector<16xi32>
      %add3A_2492 = arith.addi %broadcast_in_dim3A_2476, %add3A_2491 : vector<16xi32>
      %select_n3A_2493 = arith.select %lt3A_2489, %add3A_2492, %broadcast_in_dim3A_2476 : vector<16xi1>, vector<16xi32>
      %broadcast_in_dim3A_2494 = vector.shape_cast %select_n3A_2493 : vector<16xi32> to vector<16x1xi32>
      %gather3A_2495 = vector.shape_cast %broadcast_in_dim3A_2494 : vector<16x1xi32> to vector<16xi32>
      %gather3A_2496 = tpu.dynamic_gather %select_n3A_2205[%gather3A_2495] in [0] : vector<16xf32>, vector<16xi32> -> vector<16xf32>
      %scan3A_2497 = arith.constant 0 : i32
      %scan3A_2498 = arith.constant 0 : i32
      %scan3A_2499 = arith.constant 64 : i32
      %scan3A_2500 = arith.addi %scan3A_2498, %scan3A_2499 : i32
      %scan3A_2501 = arith.constant 1 : i32
      scf.for %scan3A_2673 = %scan3A_2498 to %scan3A_2500 step %scan3A_2501  : i32 {
        %mul3A_2674 = arith.constant 16 : i32
        %mul3A_2675 = arith.muli %scan3A_2673, %mul3A_2674 : i32
        %add3A_2676 = vector.broadcast %mul3A_2675 : i32 to vector<16xi32>
        %add3A_2677 = arith.addi %add3A_2676, %iota3A : vector<16xi32>
        %eq3A_2678 = arith.cmpi eq, %add3A_2677, %gather3A_2486 : vector<16xi32>
        %jit3A = arith.constant 0.000000e+00 : f32
        %broadcast_in_dim3A_2679 = vector.broadcast %jit3A : f32 to vector<16xf32>
        %select_n3A_2680 = arith.select %eq3A_2678, %gather3A_2496, %broadcast_in_dim3A_2679 : vector<16xi1>, vector<16xf32>
        %mul3A_2681 = arith.constant 16 : i32
        %mul3A_2682 = arith.muli %scan3A_2673, %mul3A_2681 : i32
        %swap3A_2683 = arith.constant 9 : i32
        %swap3A_2684 = arith.index_cast %swap3A_2683 : i32 to index
        %swap3A_2685 = arith.index_cast %mul3A_2682 : i32 to index
        %swap3A_2686 = tpu.vector_load %arg9[%swap3A_2684, %swap3A_2685] {strides = array<i32>} : memref<16x1024xf32, #tpu.memory_space<vmem>>, vector<1x16xf32>,
        %swap3A_2687 = vector.shape_cast %swap3A_2686 : vector<1x16xf32> to vector<16xf32>
        %swap3A_2688 = vector.shape_cast %select_n3A_2680 : vector<16xf32> to vector<1x16xf32>
        tpu.vector_store %arg9[%swap3A_2684, %swap3A_2685], %swap3A_2688 {strides = array<i32>} : memref<16x1024xf32, #tpu.memory_space<vmem>>, vector<1x16xf32>,
      }
      %scan3A_2502 = arith.constant 64 : i32
      %broadcast_in_dim3A_2503 = arith.constant 10 : i32
      %broadcast_in_dim3A_2504 = vector.broadcast %broadcast_in_dim3A_2503 : i32 to vector<16xi32>
      %lt3A_2505 = arith.constant 0 : i32
      %lt3A_2506 = vector.broadcast %lt3A_2505 : i32 to vector<16xi32>
      %lt3A_2507 = arith.cmpi slt, %broadcast_in_dim3A_2504, %lt3A_2506 : vector<16xi32>
      %add3A_2508 = arith.constant 16 : i32
      %add3A_2509 = vector.broadcast %add3A_2508 : i32 to vector<16xi32>
      %add3A_2510 = arith.addi %broadcast_in_dim3A_2504, %add3A_2509 : vector<16xi32>
      %select_n3A_2511 = arith.select %lt3A_2507, %add3A_2510, %broadcast_in_dim3A_2504 : vector<16xi1>, vector<16xi32>
      %broadcast_in_dim3A_2512 = vector.shape_cast %select_n3A_2511 : vector<16xi32> to vector<16x1xi32>
      %gather3A_2513 = vector.shape_cast %broadcast_in_dim3A_2512 : vector<16x1xi32> to vector<16xi32>
      %gather3A_2514 = tpu.dynamic_gather %select_n3A_2209[%gather3A_2513] in [0] : vector<16xi32>, vector<16xi32> -> vector<16xi32>
      %lt3A_2515 = arith.constant 0 : i32
      %lt3A_2516 = vector.broadcast %lt3A_2515 : i32 to vector<16xi32>
      %lt3A_2517 = arith.cmpi slt, %broadcast_in_dim3A_2504, %lt3A_2516 : vector<16xi32>
      %add3A_2518 = arith.constant 16 : i32
      %add3A_2519 = vector.broadcast %add3A_2518 : i32 to vector<16xi32>
      %add3A_2520 = arith.addi %broadcast_in_dim3A_2504, %add3A_2519 : vector<16xi32>
      %select_n3A_2521 = arith.select %lt3A_2517, %add3A_2520, %broadcast_in_dim3A_2504 : vector<16xi1>, vector<16xi32>
      %broadcast_in_dim3A_2522 = vector.shape_cast %select_n3A_2521 : vector<16xi32> to vector<16x1xi32>
      %gather3A_2523 = vector.shape_cast %broadcast_in_dim3A_2522 : vector<16x1xi32> to vector<16xi32>
      %gather3A_2524 = tpu.dynamic_gather %select_n3A_2205[%gather3A_2523] in [0] : vector<16xf32>, vector<16xi32> -> vector<16xf32>
      %scan3A_2525 = arith.constant 0 : i32
      %scan3A_2526 = arith.constant 0 : i32
      %scan3A_2527 = arith.constant 64 : i32
      %scan3A_2528 = arith.addi %scan3A_2526, %scan3A_2527 : i32
      %scan3A_2529 = arith.constant 1 : i32
      scf.for %scan3A_2673 = %scan3A_2526 to %scan3A_2528 step %scan3A_2529  : i32 {
        %mul3A_2674 = arith.constant 16 : i32
        %mul3A_2675 = arith.muli %scan3A_2673, %mul3A_2674 : i32
        %add3A_2676 = vector.broadcast %mul3A_2675 : i32 to vector<16xi32>
        %add3A_2677 = arith.addi %add3A_2676, %iota3A : vector<16xi32>
        %eq3A_2678 = arith.cmpi eq, %add3A_2677, %gather3A_2514 : vector<16xi32>
        %jit3A = arith.constant 0.000000e+00 : f32
        %broadcast_in_dim3A_2679 = vector.broadcast %jit3A : f32 to vector<16xf32>
        %select_n3A_2680 = arith.select %eq3A_2678, %gather3A_2524, %broadcast_in_dim3A_2679 : vector<16xi1>, vector<16xf32>
        %mul3A_2681 = arith.constant 16 : i32
        %mul3A_2682 = arith.muli %scan3A_2673, %mul3A_2681 : i32
        %swap3A_2683 = arith.constant 10 : i32
        %swap3A_2684 = arith.index_cast %swap3A_2683 : i32 to index
        %swap3A_2685 = arith.index_cast %mul3A_2682 : i32 to index
        %swap3A_2686 = tpu.vector_load %arg9[%swap3A_2684, %swap3A_2685] {strides = array<i32>} : memref<16x1024xf32, #tpu.memory_space<vmem>>, vector<1x16xf32>,
        %swap3A_2687 = vector.shape_cast %swap3A_2686 : vector<1x16xf32> to vector<16xf32>
        %swap3A_2688 = vector.shape_cast %select_n3A_2680 : vector<16xf32> to vector<1x16xf32>
        tpu.vector_store %arg9[%swap3A_2684, %swap3A_2685], %swap3A_2688 {strides = array<i32>} : memref<16x1024xf32, #tpu.memory_space<vmem>>, vector<1x16xf32>,
      }
      %scan3A_2530 = arith.constant 64 : i32
      %broadcast_in_dim3A_2531 = arith.constant 11 : i32
      %broadcast_in_dim3A_2532 = vector.broadcast %broadcast_in_dim3A_2531 : i32 to vector<16xi32>
      %lt3A_2533 = arith.constant 0 : i32
      %lt3A_2534 = vector.broadcast %lt3A_2533 : i32 to vector<16xi32>
      %lt3A_2535 = arith.cmpi slt, %broadcast_in_dim3A_2532, %lt3A_2534 : vector<16xi32>
      %add3A_2536 = arith.constant 16 : i32
      %add3A_2537 = vector.broadcast %add3A_2536 : i32 to vector<16xi32>
      %add3A_2538 = arith.addi %broadcast_in_dim3A_2532, %add3A_2537 : vector<16xi32>
      %select_n3A_2539 = arith.select %lt3A_2535, %add3A_2538, %broadcast_in_dim3A_2532 : vector<16xi1>, vector<16xi32>
      %broadcast_in_dim3A_2540 = vector.shape_cast %select_n3A_2539 : vector<16xi32> to vector<16x1xi32>
      %gather3A_2541 = vector.shape_cast %broadcast_in_dim3A_2540 : vector<16x1xi32> to vector<16xi32>
      %gather3A_2542 = tpu.dynamic_gather %select_n3A_2209[%gather3A_2541] in [0] : vector<16xi32>, vector<16xi32> -> vector<16xi32>
      %lt3A_2543 = arith.constant 0 : i32
      %lt3A_2544 = vector.broadcast %lt3A_2543 : i32 to vector<16xi32>
      %lt3A_2545 = arith.cmpi slt, %broadcast_in_dim3A_2532, %lt3A_2544 : vector<16xi32>
      %add3A_2546 = arith.constant 16 : i32
      %add3A_2547 = vector.broadcast %add3A_2546 : i32 to vector<16xi32>
      %add3A_2548 = arith.addi %broadcast_in_dim3A_2532, %add3A_2547 : vector<16xi32>
      %select_n3A_2549 = arith.select %lt3A_2545, %add3A_2548, %broadcast_in_dim3A_2532 : vector<16xi1>, vector<16xi32>
      %broadcast_in_dim3A_2550 = vector.shape_cast %select_n3A_2549 : vector<16xi32> to vector<16x1xi32>
      %gather3A_2551 = vector.shape_cast %broadcast_in_dim3A_2550 : vector<16x1xi32> to vector<16xi32>
      %gather3A_2552 = tpu.dynamic_gather %select_n3A_2205[%gather3A_2551] in [0] : vector<16xf32>, vector<16xi32> -> vector<16xf32>
      %scan3A_2553 = arith.constant 0 : i32
      %scan3A_2554 = arith.constant 0 : i32
      %scan3A_2555 = arith.constant 64 : i32
      %scan3A_2556 = arith.addi %scan3A_2554, %scan3A_2555 : i32
      %scan3A_2557 = arith.constant 1 : i32
      scf.for %scan3A_2673 = %scan3A_2554 to %scan3A_2556 step %scan3A_2557  : i32 {
        %mul3A_2674 = arith.constant 16 : i32
        %mul3A_2675 = arith.muli %scan3A_2673, %mul3A_2674 : i32
        %add3A_2676 = vector.broadcast %mul3A_2675 : i32 to vector<16xi32>
        %add3A_2677 = arith.addi %add3A_2676, %iota3A : vector<16xi32>
        %eq3A_2678 = arith.cmpi eq, %add3A_2677, %gather3A_2542 : vector<16xi32>
        %jit3A = arith.constant 0.000000e+00 : f32
        %broadcast_in_dim3A_2679 = vector.broadcast %jit3A : f32 to vector<16xf32>
        %select_n3A_2680 = arith.select %eq3A_2678, %gather3A_2552, %broadcast_in_dim3A_2679 : vector<16xi1>, vector<16xf32>
        %mul3A_2681 = arith.constant 16 : i32
        %mul3A_2682 = arith.muli %scan3A_2673, %mul3A_2681 : i32
        %swap3A_2683 = arith.constant 11 : i32
        %swap3A_2684 = arith.index_cast %swap3A_2683 : i32 to index
        %swap3A_2685 = arith.index_cast %mul3A_2682 : i32 to index
        %swap3A_2686 = tpu.vector_load %arg9[%swap3A_2684, %swap3A_2685] {strides = array<i32>} : memref<16x1024xf32, #tpu.memory_space<vmem>>, vector<1x16xf32>,
        %swap3A_2687 = vector.shape_cast %swap3A_2686 : vector<1x16xf32> to vector<16xf32>
        %swap3A_2688 = vector.shape_cast %select_n3A_2680 : vector<16xf32> to vector<1x16xf32>
        tpu.vector_store %arg9[%swap3A_2684, %swap3A_2685], %swap3A_2688 {strides = array<i32>} : memref<16x1024xf32, #tpu.memory_space<vmem>>, vector<1x16xf32>,
      }
      %scan3A_2558 = arith.constant 64 : i32
      %broadcast_in_dim3A_2559 = arith.constant 12 : i32
      %broadcast_in_dim3A_2560 = vector.broadcast %broadcast_in_dim3A_2559 : i32 to vector<16xi32>
      %lt3A_2561 = arith.constant 0 : i32
      %lt3A_2562 = vector.broadcast %lt3A_2561 : i32 to vector<16xi32>
      %lt3A_2563 = arith.cmpi slt, %broadcast_in_dim3A_2560, %lt3A_2562 : vector<16xi32>
      %add3A_2564 = arith.constant 16 : i32
      %add3A_2565 = vector.broadcast %add3A_2564 : i32 to vector<16xi32>
      %add3A_2566 = arith.addi %broadcast_in_dim3A_2560, %add3A_2565 : vector<16xi32>
      %select_n3A_2567 = arith.select %lt3A_2563, %add3A_2566, %broadcast_in_dim3A_2560 : vector<16xi1>, vector<16xi32>
      %broadcast_in_dim3A_2568 = vector.shape_cast %select_n3A_2567 : vector<16xi32> to vector<16x1xi32>
      %gather3A_2569 = vector.shape_cast %broadcast_in_dim3A_2568 : vector<16x1xi32> to vector<16xi32>
      %gather3A_2570 = tpu.dynamic_gather %select_n3A_2209[%gather3A_2569] in [0] : vector<16xi32>, vector<16xi32> -> vector<16xi32>
      %lt3A_2571 = arith.constant 0 : i32
      %lt3A_2572 = vector.broadcast %lt3A_2571 : i32 to vector<16xi32>
      %lt3A_2573 = arith.cmpi slt, %broadcast_in_dim3A_2560, %lt3A_2572 : vector<16xi32>
      %add3A_2574 = arith.constant 16 : i32
      %add3A_2575 = vector.broadcast %add3A_2574 : i32 to vector<16xi32>
      %add3A_2576 = arith.addi %broadcast_in_dim3A_2560, %add3A_2575 : vector<16xi32>
      %select_n3A_2577 = arith.select %lt3A_2573, %add3A_2576, %broadcast_in_dim3A_2560 : vector<16xi1>, vector<16xi32>
      %broadcast_in_dim3A_2578 = vector.shape_cast %select_n3A_2577 : vector<16xi32> to vector<16x1xi32>
      %gather3A_2579 = vector.shape_cast %broadcast_in_dim3A_2578 : vector<16x1xi32> to vector<16xi32>
      %gather3A_2580 = tpu.dynamic_gather %select_n3A_2205[%gather3A_2579] in [0] : vector<16xf32>, vector<16xi32> -> vector<16xf32>
      %scan3A_2581 = arith.constant 0 : i32
      %scan3A_2582 = arith.constant 0 : i32
      %scan3A_2583 = arith.constant 64 : i32
      %scan3A_2584 = arith.addi %scan3A_2582, %scan3A_2583 : i32
      %scan3A_2585 = arith.constant 1 : i32
      scf.for %scan3A_2673 = %scan3A_2582 to %scan3A_2584 step %scan3A_2585  : i32 {
        %mul3A_2674 = arith.constant 16 : i32
        %mul3A_2675 = arith.muli %scan3A_2673, %mul3A_2674 : i32
        %add3A_2676 = vector.broadcast %mul3A_2675 : i32 to vector<16xi32>
        %add3A_2677 = arith.addi %add3A_2676, %iota3A : vector<16xi32>
        %eq3A_2678 = arith.cmpi eq, %add3A_2677, %gather3A_2570 : vector<16xi32>
        %jit3A = arith.constant 0.000000e+00 : f32
        %broadcast_in_dim3A_2679 = vector.broadcast %jit3A : f32 to vector<16xf32>
        %select_n3A_2680 = arith.select %eq3A_2678, %gather3A_2580, %broadcast_in_dim3A_2679 : vector<16xi1>, vector<16xf32>
        %mul3A_2681 = arith.constant 16 : i32
        %mul3A_2682 = arith.muli %scan3A_2673, %mul3A_2681 : i32
        %swap3A_2683 = arith.constant 12 : i32
        %swap3A_2684 = arith.index_cast %swap3A_2683 : i32 to index
        %swap3A_2685 = arith.index_cast %mul3A_2682 : i32 to index
        %swap3A_2686 = tpu.vector_load %arg9[%swap3A_2684, %swap3A_2685] {strides = array<i32>} : memref<16x1024xf32, #tpu.memory_space<vmem>>, vector<1x16xf32>,
        %swap3A_2687 = vector.shape_cast %swap3A_2686 : vector<1x16xf32> to vector<16xf32>
        %swap3A_2688 = vector.shape_cast %select_n3A_2680 : vector<16xf32> to vector<1x16xf32>
        tpu.vector_store %arg9[%swap3A_2684, %swap3A_2685], %swap3A_2688 {strides = array<i32>} : memref<16x1024xf32, #tpu.memory_space<vmem>>, vector<1x16xf32>,
      }
      %scan3A_2586 = arith.constant 64 : i32
      %broadcast_in_dim3A_2587 = arith.constant 13 : i32
      %broadcast_in_dim3A_2588 = vector.broadcast %broadcast_in_dim3A_2587 : i32 to vector<16xi32>
      %lt3A_2589 = arith.constant 0 : i32
      %lt3A_2590 = vector.broadcast %lt3A_2589 : i32 to vector<16xi32>
      %lt3A_2591 = arith.cmpi slt, %broadcast_in_dim3A_2588, %lt3A_2590 : vector<16xi32>
      %add3A_2592 = arith.constant 16 : i32
      %add3A_2593 = vector.broadcast %add3A_2592 : i32 to vector<16xi32>
      %add3A_2594 = arith.addi %broadcast_in_dim3A_2588, %add3A_2593 : vector<16xi32>
      %select_n3A_2595 = arith.select %lt3A_2591, %add3A_2594, %broadcast_in_dim3A_2588 : vector<16xi1>, vector<16xi32>
      %broadcast_in_dim3A_2596 = vector.shape_cast %select_n3A_2595 : vector<16xi32> to vector<16x1xi32>
      %gather3A_2597 = vector.shape_cast %broadcast_in_dim3A_2596 : vector<16x1xi32> to vector<16xi32>
      %gather3A_2598 = tpu.dynamic_gather %select_n3A_2209[%gather3A_2597] in [0] : vector<16xi32>, vector<16xi32> -> vector<16xi32>
      %lt3A_2599 = arith.constant 0 : i32
      %lt3A_2600 = vector.broadcast %lt3A_2599 : i32 to vector<16xi32>
      %lt3A_2601 = arith.cmpi slt, %broadcast_in_dim3A_2588, %lt3A_2600 : vector<16xi32>
      %add3A_2602 = arith.constant 16 : i32
      %add3A_2603 = vector.broadcast %add3A_2602 : i32 to vector<16xi32>
      %add3A_2604 = arith.addi %broadcast_in_dim3A_2588, %add3A_2603 : vector<16xi32>
      %select_n3A_2605 = arith.select %lt3A_2601, %add3A_2604, %broadcast_in_dim3A_2588 : vector<16xi1>, vector<16xi32>
      %broadcast_in_dim3A_2606 = vector.shape_cast %select_n3A_2605 : vector<16xi32> to vector<16x1xi32>
      %gather3A_2607 = vector.shape_cast %broadcast_in_dim3A_2606 : vector<16x1xi32> to vector<16xi32>
      %gather3A_2608 = tpu.dynamic_gather %select_n3A_2205[%gather3A_2607] in [0] : vector<16xf32>, vector<16xi32> -> vector<16xf32>
      %scan3A_2609 = arith.constant 0 : i32
      %scan3A_2610 = arith.constant 0 : i32
      %scan3A_2611 = arith.constant 64 : i32
      %scan3A_2612 = arith.addi %scan3A_2610, %scan3A_2611 : i32
      %scan3A_2613 = arith.constant 1 : i32
      scf.for %scan3A_2673 = %scan3A_2610 to %scan3A_2612 step %scan3A_2613  : i32 {
        %mul3A_2674 = arith.constant 16 : i32
        %mul3A_2675 = arith.muli %scan3A_2673, %mul3A_2674 : i32
        %add3A_2676 = vector.broadcast %mul3A_2675 : i32 to vector<16xi32>
        %add3A_2677 = arith.addi %add3A_2676, %iota3A : vector<16xi32>
        %eq3A_2678 = arith.cmpi eq, %add3A_2677, %gather3A_2598 : vector<16xi32>
        %jit3A = arith.constant 0.000000e+00 : f32
        %broadcast_in_dim3A_2679 = vector.broadcast %jit3A : f32 to vector<16xf32>
        %select_n3A_2680 = arith.select %eq3A_2678, %gather3A_2608, %broadcast_in_dim3A_2679 : vector<16xi1>, vector<16xf32>
        %mul3A_2681 = arith.constant 16 : i32
        %mul3A_2682 = arith.muli %scan3A_2673, %mul3A_2681 : i32
        %swap3A_2683 = arith.constant 13 : i32
        %swap3A_2684 = arith.index_cast %swap3A_2683 : i32 to index
        %swap3A_2685 = arith.index_cast %mul3A_2682 : i32 to index
        %swap3A_2686 = tpu.vector_load %arg9[%swap3A_2684, %swap3A_2685] {strides = array<i32>} : memref<16x1024xf32, #tpu.memory_space<vmem>>, vector<1x16xf32>,
        %swap3A_2687 = vector.shape_cast %swap3A_2686 : vector<1x16xf32> to vector<16xf32>
        %swap3A_2688 = vector.shape_cast %select_n3A_2680 : vector<16xf32> to vector<1x16xf32>
        tpu.vector_store %arg9[%swap3A_2684, %swap3A_2685], %swap3A_2688 {strides = array<i32>} : memref<16x1024xf32, #tpu.memory_space<vmem>>, vector<1x16xf32>,
      }
      %scan3A_2614 = arith.constant 64 : i32
      %broadcast_in_dim3A_2615 = arith.constant 14 : i32
      %broadcast_in_dim3A_2616 = vector.broadcast %broadcast_in_dim3A_2615 : i32 to vector<16xi32>
      %lt3A_2617 = arith.constant 0 : i32
      %lt3A_2618 = vector.broadcast %lt3A_2617 : i32 to vector<16xi32>
      %lt3A_2619 = arith.cmpi slt, %broadcast_in_dim3A_2616, %lt3A_2618 : vector<16xi32>
      %add3A_2620 = arith.constant 16 : i32
      %add3A_2621 = vector.broadcast %add3A_2620 : i32 to vector<16xi32>
      %add3A_2622 = arith.addi %broadcast_in_dim3A_2616, %add3A_2621 : vector<16xi32>
      %select_n3A_2623 = arith.select %lt3A_2619, %add3A_2622, %broadcast_in_dim3A_2616 : vector<16xi1>, vector<16xi32>
      %broadcast_in_dim3A_2624 = vector.shape_cast %select_n3A_2623 : vector<16xi32> to vector<16x1xi32>
      %gather3A_2625 = vector.shape_cast %broadcast_in_dim3A_2624 : vector<16x1xi32> to vector<16xi32>
      %gather3A_2626 = tpu.dynamic_gather %select_n3A_2209[%gather3A_2625] in [0] : vector<16xi32>, vector<16xi32> -> vector<16xi32>
      %lt3A_2627 = arith.constant 0 : i32
      %lt3A_2628 = vector.broadcast %lt3A_2627 : i32 to vector<16xi32>
      %lt3A_2629 = arith.cmpi slt, %broadcast_in_dim3A_2616, %lt3A_2628 : vector<16xi32>
      %add3A_2630 = arith.constant 16 : i32
      %add3A_2631 = vector.broadcast %add3A_2630 : i32 to vector<16xi32>
      %add3A_2632 = arith.addi %broadcast_in_dim3A_2616, %add3A_2631 : vector<16xi32>
      %select_n3A_2633 = arith.select %lt3A_2629, %add3A_2632, %broadcast_in_dim3A_2616 : vector<16xi1>, vector<16xi32>
      %broadcast_in_dim3A_2634 = vector.shape_cast %select_n3A_2633 : vector<16xi32> to vector<16x1xi32>
      %gather3A_2635 = vector.shape_cast %broadcast_in_dim3A_2634 : vector<16x1xi32> to vector<16xi32>
      %gather3A_2636 = tpu.dynamic_gather %select_n3A_2205[%gather3A_2635] in [0] : vector<16xf32>, vector<16xi32> -> vector<16xf32>
      %scan3A_2637 = arith.constant 0 : i32
      %scan3A_2638 = arith.constant 0 : i32
      %scan3A_2639 = arith.constant 64 : i32
      %scan3A_2640 = arith.addi %scan3A_2638, %scan3A_2639 : i32
      %scan3A_2641 = arith.constant 1 : i32
      scf.for %scan3A_2673 = %scan3A_2638 to %scan3A_2640 step %scan3A_2641  : i32 {
        %mul3A_2674 = arith.constant 16 : i32
        %mul3A_2675 = arith.muli %scan3A_2673, %mul3A_2674 : i32
        %add3A_2676 = vector.broadcast %mul3A_2675 : i32 to vector<16xi32>
        %add3A_2677 = arith.addi %add3A_2676, %iota3A : vector<16xi32>
        %eq3A_2678 = arith.cmpi eq, %add3A_2677, %gather3A_2626 : vector<16xi32>
        %jit3A = arith.constant 0.000000e+00 : f32
        %broadcast_in_dim3A_2679 = vector.broadcast %jit3A : f32 to vector<16xf32>
        %select_n3A_2680 = arith.select %eq3A_2678, %gather3A_2636, %broadcast_in_dim3A_2679 : vector<16xi1>, vector<16xf32>
        %mul3A_2681 = arith.constant 16 : i32
        %mul3A_2682 = arith.muli %scan3A_2673, %mul3A_2681 : i32
        %swap3A_2683 = arith.constant 14 : i32
        %swap3A_2684 = arith.index_cast %swap3A_2683 : i32 to index
        %swap3A_2685 = arith.index_cast %mul3A_2682 : i32 to index
        %swap3A_2686 = tpu.vector_load %arg9[%swap3A_2684, %swap3A_2685] {strides = array<i32>} : memref<16x1024xf32, #tpu.memory_space<vmem>>, vector<1x16xf32>,
        %swap3A_2687 = vector.shape_cast %swap3A_2686 : vector<1x16xf32> to vector<16xf32>
        %swap3A_2688 = vector.shape_cast %select_n3A_2680 : vector<16xf32> to vector<1x16xf32>
        tpu.vector_store %arg9[%swap3A_2684, %swap3A_2685], %swap3A_2688 {strides = array<i32>} : memref<16x1024xf32, #tpu.memory_space<vmem>>, vector<1x16xf32>,
      }
      %scan3A_2642 = arith.constant 64 : i32
      %broadcast_in_dim3A_2643 = arith.constant 15 : i32
      %broadcast_in_dim3A_2644 = vector.broadcast %broadcast_in_dim3A_2643 : i32 to vector<16xi32>
      %lt3A_2645 = arith.constant 0 : i32
      %lt3A_2646 = vector.broadcast %lt3A_2645 : i32 to vector<16xi32>
      %lt3A_2647 = arith.cmpi slt, %broadcast_in_dim3A_2644, %lt3A_2646 : vector<16xi32>
      %add3A_2648 = arith.constant 16 : i32
      %add3A_2649 = vector.broadcast %add3A_2648 : i32 to vector<16xi32>
      %add3A_2650 = arith.addi %broadcast_in_dim3A_2644, %add3A_2649 : vector<16xi32>
      %select_n3A_2651 = arith.select %lt3A_2647, %add3A_2650, %broadcast_in_dim3A_2644 : vector<16xi1>, vector<16xi32>
      %broadcast_in_dim3A_2652 = vector.shape_cast %select_n3A_2651 : vector<16xi32> to vector<16x1xi32>
      %gather3A_2653 = vector.shape_cast %broadcast_in_dim3A_2652 : vector<16x1xi32> to vector<16xi32>
      %gather3A_2654 = tpu.dynamic_gather %select_n3A_2209[%gather3A_2653] in [0] : vector<16xi32>, vector<16xi32> -> vector<16xi32>
      %lt3A_2655 = arith.constant 0 : i32
      %lt3A_2656 = vector.broadcast %lt3A_2655 : i32 to vector<16xi32>
      %lt3A_2657 = arith.cmpi slt, %broadcast_in_dim3A_2644, %lt3A_2656 : vector<16xi32>
      %add3A_2658 = arith.constant 16 : i32
      %add3A_2659 = vector.broadcast %add3A_2658 : i32 to vector<16xi32>
      %add3A_2660 = arith.addi %broadcast_in_dim3A_2644, %add3A_2659 : vector<16xi32>
      %select_n3A_2661 = arith.select %lt3A_2657, %add3A_2660, %broadcast_in_dim3A_2644 : vector<16xi1>, vector<16xi32>
      %broadcast_in_dim3A_2662 = vector.shape_cast %select_n3A_2661 : vector<16xi32> to vector<16x1xi32>
      %gather3A_2663 = vector.shape_cast %broadcast_in_dim3A_2662 : vector<16x1xi32> to vector<16xi32>
      %gather3A_2664 = tpu.dynamic_gather %select_n3A_2205[%gather3A_2663] in [0] : vector<16xf32>, vector<16xi32> -> vector<16xf32>
      %scan3A_2665 = arith.constant 0 : i32
      %scan3A_2666 = arith.constant 0 : i32
      %scan3A_2667 = arith.constant 64 : i32
      %scan3A_2668 = arith.addi %scan3A_2666, %scan3A_2667 : i32
      %scan3A_2669 = arith.constant 1 : i32
      scf.for %scan3A_2673 = %scan3A_2666 to %scan3A_2668 step %scan3A_2669  : i32 {
        %mul3A_2674 = arith.constant 16 : i32
        %mul3A_2675 = arith.muli %scan3A_2673, %mul3A_2674 : i32
        %add3A_2676 = vector.broadcast %mul3A_2675 : i32 to vector<16xi32>
        %add3A_2677 = arith.addi %add3A_2676, %iota3A : vector<16xi32>
        %eq3A_2678 = arith.cmpi eq, %add3A_2677, %gather3A_2654 : vector<16xi32>
        %jit3A = arith.constant 0.000000e+00 : f32
        %broadcast_in_dim3A_2679 = vector.broadcast %jit3A : f32 to vector<16xf32>
        %select_n3A_2680 = arith.select %eq3A_2678, %gather3A_2664, %broadcast_in_dim3A_2679 : vector<16xi1>, vector<16xf32>
        %mul3A_2681 = arith.constant 16 : i32
        %mul3A_2682 = arith.muli %scan3A_2673, %mul3A_2681 : i32
        %swap3A_2683 = arith.constant 15 : i32
        %swap3A_2684 = arith.index_cast %swap3A_2683 : i32 to index
        %swap3A_2685 = arith.index_cast %mul3A_2682 : i32 to index
        %swap3A_2686 = tpu.vector_load %arg9[%swap3A_2684, %swap3A_2685] {strides = array<i32>} : memref<16x1024xf32, #tpu.memory_space<vmem>>, vector<1x16xf32>,
        %swap3A_2687 = vector.shape_cast %swap3A_2686 : vector<1x16xf32> to vector<16xf32>
        %swap3A_2688 = vector.shape_cast %select_n3A_2680 : vector<16xf32> to vector<1x16xf32>
        tpu.vector_store %arg9[%swap3A_2684, %swap3A_2685], %swap3A_2688 {strides = array<i32>} : memref<16x1024xf32, #tpu.memory_space<vmem>>, vector<1x16xf32>,
      }
      %scan3A_2670 = arith.constant 64 : i32
      %mul3A_2671 = arith.constant 16 : i32
      %mul3A_2672 = arith.muli %add3A, %mul3A_2671 : i32
      "tpu.region"() ({
        %run_scoped3A = tpu.sem_alloc : memref<!tpu.dma_semaphore, #tpu.memory_space<semaphore_mem>>
        %dma_start3A_2673 = arith.constant 0 : i32
        %dma_start3A_2674 = tpu.memref_slice %arg5[%mul3A_2672, %dma_start3A_2673] : memref<128x1024xf32, #tpu.memory_space<hbm>> -> memref<16x1024xf32, #tpu.memory_space<hbm>>
        %dma_start3A_2675 = arith.constant 0 : i32
        %dma_start3A_2676 = tpu.memref_slice %arg5[%mul3A_2672, %dma_start3A_2675] : memref<128x1024xf32, #tpu.memory_space<hbm>> -> memref<16x1024xf32, #tpu.memory_space<hbm>>
        tpu.enqueue_dma source(%arg9 : memref<16x1024xf32, #tpu.memory_space<vmem>>) target(%dma_start3A_2676 : memref<16x1024xf32, #tpu.memory_space<hbm>>) target_semaphore(%run_scoped3A : memref<!tpu.dma_semaphore, #tpu.memory_space<semaphore_mem>>)
        %dma_wait3A_2677 = arith.constant 0 : i32
        %dma_wait3A_2678 = tpu.memref_slice %arg5[%mul3A_2672, %dma_wait3A_2677] : memref<128x1024xf32, #tpu.memory_space<hbm>> -> memref<16x1024xf32, #tpu.memory_space<hbm>>
        %dma_wait3A_2679 = arith.constant 0 : i32
        %dma_wait3A_2680 = tpu.memref_slice %arg5[%mul3A_2672, %dma_wait3A_2679] : memref<128x1024xf32, #tpu.memory_space<hbm>> -> memref<16x1024xf32, #tpu.memory_space<hbm>>
        tpu.wait_dma2 semaphore(%run_scoped3A : memref<!tpu.dma_semaphore, #tpu.memory_space<semaphore_mem>>) src(%arg9 : memref<16x1024xf32, #tpu.memory_space<vmem>>) dst(%dma_wait3A_2680 : memref<16x1024xf32, #tpu.memory_space<hbm>>)
        tpu.yield
      }) : () -> ()
    } else {
    }
    return
  }
}

module attributes {stable_mosaic.version = 14 : i64} {
  func.func @_tc_encoder_body(%arg0: i32, %arg1: memref<1x1024x1024xf32, #tpu.memory_space<vmem>>, %arg2: memref<1024x256xbf16, #tpu.memory_space<vmem>>, %arg3: memref<1024x256xf32, #tpu.memory_space<vmem>>, %arg4: memref<8x2x256x512xbf16, #tpu.memory_space<vmem>>, %arg5: memref<256x32xbf16, #tpu.memory_space<vmem>>, %arg6: memref<1x256xbf16, #tpu.memory_space<vmem>>, %arg7: memref<1x1024x1xf32, #tpu.memory_space<vmem>>, %arg8: memref<1x1024x32xf32, #tpu.memory_space<vmem>>, %arg9: memref<1152x256xf32, #tpu.memory_space<vmem>>) attributes {dimension_semantics = [#tpu.dimension_semantics<arbitrary>], iteration_bounds = array<i64: 8>, scalar_prefetch = 0 : i64, scratch_operands = 1 : i64, tpu.core_type = #tpu.core_type<tc>, window_params = [{transform_indices = @transform_0, window_bounds = array<i64: 1, 1024, 1024>}, {pipeline_mode = #tpu.pipeline_mode<synchronous>, transform_indices = @transform_1, window_bounds = array<i64: 1024, 256>}, {pipeline_mode = #tpu.pipeline_mode<synchronous>, transform_indices = @transform_2, window_bounds = array<i64: 1024, 256>}, {pipeline_mode = #tpu.pipeline_mode<synchronous>, transform_indices = @transform_3, window_bounds = array<i64: 8, 2, 256, 512>}, {pipeline_mode = #tpu.pipeline_mode<synchronous>, transform_indices = @transform_4, window_bounds = array<i64: 256, 32>}, {pipeline_mode = #tpu.pipeline_mode<synchronous>, transform_indices = @transform_5, window_bounds = array<i64: 1, 256>}, {transform_indices = @transform_6, window_bounds = array<i64: 1, 1024, 1>}, {transform_indices = @transform_7, window_bounds = array<i64: 1, 1024, 32>}]} {
    %broadcast_in_dim3A = arith.constant 0.000000e+00 : f32
    %broadcast_in_dim3A_0 = vector.broadcast %broadcast_in_dim3A : f32 to vector<128x256xf32>
    %get3A = arith.constant 0 : index
    %get3A_1 = arith.constant 0 : index
    %get3A_2 = arith.constant 0 : index
    %get3A_3 = vector.load %arg1[%get3A, %get3A_1, %get3A_2] : memref<1x1024x1024xf32, #tpu.memory_space<vmem>>, vector<1x1024x1024xf32>
    %get3A_4 = vector.shape_cast %get3A_3 : vector<1x1024x1024xf32> to vector<1024x1024xf32>
    %convert_element_type3A = arith.truncf %get3A_4 : vector<1024x1024xf32> to vector<1024x1024xbf16>
    %get3A_5 = arith.constant 0 : index
    %get3A_6 = arith.constant 0 : index
    %get3A_7 = vector.load %arg2[%get3A_5, %get3A_6] : memref<1024x256xbf16, #tpu.memory_space<vmem>>, vector<1024x256xbf16>
    %dot_general3A = arith.constant dense<0.000000e+00> : vector<1024x256xf32>
    %dot_general3A_8 = tpu.matmul %convert_element_type3A, %get3A_7, %dot_general3A {dimension_numbers = #tpu.dot_dimension_numbers<[0], [0], [1], [1], [0, 1, 1, 1], [], []>, transpose_lhs_hint = false} : vector<1024x1024xbf16>, vector<1024x256xbf16>, vector<1024x256xf32> -> vector<1024x256xf32>
    %get3A_9 = arith.constant 0 : index
    %get3A_10 = arith.constant 0 : index
    %get3A_11 = vector.load %arg3[%get3A_9, %get3A_10] : memref<1024x256xf32, #tpu.memory_space<vmem>>, vector<1024x256xf32>
    %add3A = arith.addf %dot_general3A_8, %get3A_11 : vector<1024x256xf32>
    %swap3A = arith.constant 0 : index
    %swap3A_12 = arith.constant 0 : index
    %swap3A_13 = vector.load %arg9[%swap3A, %swap3A_12] : memref<1152x256xf32, #tpu.memory_space<vmem>>, vector<1024x256xf32>
    tpu.vector_store %arg9[%swap3A, %swap3A_12], %add3A {strides = array<i32>} : memref<1152x256xf32, #tpu.memory_space<vmem>>, vector<1024x256xf32>,
    %swap3A_14 = arith.constant 1024 : index
    %swap3A_15 = arith.constant 0 : index
    %swap3A_16 = vector.load %arg9[%swap3A_14, %swap3A_15] : memref<1152x256xf32, #tpu.memory_space<vmem>>, vector<128x256xf32>
    tpu.vector_store %arg9[%swap3A_14, %swap3A_15], %broadcast_in_dim3A_0 {strides = array<i32>} : memref<1152x256xf32, #tpu.memory_space<vmem>>, vector<128x256xf32>,
    %broadcast_in_dim3A_17 = arith.constant 0.000000e+00 : bf16
    %broadcast_in_dim3A_18 = vector.broadcast %broadcast_in_dim3A_17 : bf16 to vector<128x256xbf16>
    %get3A_19 = arith.constant 0 : index
    %get3A_20 = arith.constant 0 : index
    %get3A_21 = vector.load %arg9[%get3A_19, %get3A_20] : memref<1152x256xf32, #tpu.memory_space<vmem>>, vector<1152x256xf32>
    %convert_element_type3A_22 = arith.truncf %get3A_21 : vector<1152x256xf32> to vector<1152x256xbf16>
    %get3A_23 = arith.constant 1 : index
    %get3A_24 = arith.constant 0 : index
    %get3A_25 = vector.load %arg9[%get3A_23, %get3A_24] : memref<1152x256xf32, #tpu.memory_space<vmem>>, vector<1024x256xf32>
    %convert_element_type3A_26 = arith.truncf %get3A_25 : vector<1024x256xf32> to vector<1024x256xbf16>
    %concatenate3A = tpu.concatenate %convert_element_type3A_26, %broadcast_in_dim3A_18 in 0 : vector<1024x256xbf16>, vector<128x256xbf16> -> vector<1152x256xbf16>
    %get3A_27 = arith.constant 0 : index
    %get3A_28 = arith.constant 0 : index
    %get3A_29 = arith.constant 0 : index
    %get3A_30 = arith.constant 0 : index
    %get3A_31 = vector.load %arg4[%get3A_27, %get3A_28, %get3A_29, %get3A_30] : memref<8x2x256x512xbf16, #tpu.memory_space<vmem>>, vector<1x1x256x512xbf16>
    %get3A_32 = vector.shape_cast %get3A_31 : vector<1x1x256x512xbf16> to vector<256x512xbf16>
    %dot_general3A_33 = arith.constant dense<0.000000e+00> : vector<1152x512xf32>
    %dot_general3A_34 = tpu.matmul %convert_element_type3A_22, %get3A_32, %dot_general3A_33 {dimension_numbers = #tpu.dot_dimension_numbers<[1], [0], [0], [1], [0, 0, 1, 1], [], []>, transpose_lhs_hint = false} : vector<1152x256xbf16>, vector<256x512xbf16>, vector<1152x512xf32> -> vector<1152x512xf32>
    %get3A_35 = arith.constant 0 : index
    %get3A_36 = arith.constant 1 : index
    %get3A_37 = arith.constant 0 : index
    %get3A_38 = arith.constant 0 : index
    %get3A_39 = vector.load %arg4[%get3A_35, %get3A_36, %get3A_37, %get3A_38] : memref<8x2x256x512xbf16, #tpu.memory_space<vmem>>, vector<1x1x256x512xbf16>
    %get3A_40 = vector.shape_cast %get3A_39 : vector<1x1x256x512xbf16> to vector<256x512xbf16>
    %dot_general3A_41 = arith.constant dense<0.000000e+00> : vector<1152x512xf32>
    %dot_general3A_42 = tpu.matmul %concatenate3A, %get3A_40, %dot_general3A_41 {dimension_numbers = #tpu.dot_dimension_numbers<[1], [0], [0], [1], [0, 0, 1, 1], [], []>, transpose_lhs_hint = false} : vector<1152x256xbf16>, vector<256x512xbf16>, vector<1152x512xf32> -> vector<1152x512xf32>
    %add3A_43 = arith.addf %dot_general3A_34, %dot_general3A_42 : vector<1152x512xf32>
    %slice3A = vector.extract_strided_slice %add3A_43 {offsets = [0, 0], sizes = [1152, 256], strides = [1, 1]} : vector<1152x512xf32> to vector<1152x256xf32>
    %slice3A_44 = vector.extract_strided_slice %add3A_43 {offsets = [0, 256], sizes = [1152, 256], strides = [1, 1]} : vector<1152x512xf32> to vector<1152x256xf32>
    %tanh3A = math.tanh %slice3A : vector<1152x256xf32>
    %mul3A = arith.constant 5.000000e-01 : f32
    %mul3A_45 = vector.broadcast %mul3A : f32 to vector<1152x256xf32>
    %mul3A_46 = arith.mulf %mul3A_45, %slice3A_44 : vector<1152x256xf32>
    %tanh3A_47 = math.tanh %mul3A_46 : vector<1152x256xf32>
    %mul3A_48 = arith.constant 5.000000e-01 : f32
    %mul3A_49 = vector.broadcast %mul3A_48 : f32 to vector<1152x256xf32>
    %mul3A_50 = arith.mulf %mul3A_49, %tanh3A_47 : vector<1152x256xf32>
    %add3A_51 = arith.constant 5.000000e-01 : f32
    %add3A_52 = vector.broadcast %add3A_51 : f32 to vector<1152x256xf32>
    %add3A_53 = arith.addf %mul3A_50, %add3A_52 : vector<1152x256xf32>
    %mul3A_54 = arith.mulf %tanh3A, %add3A_53 : vector<1152x256xf32>
    %get3A_55 = arith.constant 0 : index
    %get3A_56 = arith.constant 0 : index
    %get3A_57 = vector.load %arg9[%get3A_55, %get3A_56] : memref<1152x256xf32, #tpu.memory_space<vmem>>, vector<1152x256xf32>
    %add3A_58 = arith.addf %mul3A_54, %get3A_57 : vector<1152x256xf32>
    %swap3A_59 = arith.constant 0 : index
    %swap3A_60 = arith.constant 0 : index
    %swap3A_61 = vector.load %arg9[%swap3A_59, %swap3A_60] : memref<1152x256xf32, #tpu.memory_space<vmem>>, vector<1152x256xf32>
    tpu.vector_store %arg9[%swap3A_59, %swap3A_60], %add3A_58 {strides = array<i32>} : memref<1152x256xf32, #tpu.memory_space<vmem>>, vector<1152x256xf32>,
    %get3A_62 = arith.constant 0 : index
    %get3A_63 = arith.constant 0 : index
    %get3A_64 = vector.load %arg9[%get3A_62, %get3A_63] : memref<1152x256xf32, #tpu.memory_space<vmem>>, vector<1152x256xf32>
    %convert_element_type3A_65 = arith.truncf %get3A_64 : vector<1152x256xf32> to vector<1152x256xbf16>
    %get3A_66 = arith.constant 2 : index
    %get3A_67 = arith.constant 0 : index
    %get3A_68 = vector.load %arg9[%get3A_66, %get3A_67] : memref<1152x256xf32, #tpu.memory_space<vmem>>, vector<1024x256xf32>
    %convert_element_type3A_69 = arith.truncf %get3A_68 : vector<1024x256xf32> to vector<1024x256xbf16>
    %concatenate3A_70 = tpu.concatenate %convert_element_type3A_69, %broadcast_in_dim3A_18 in 0 : vector<1024x256xbf16>, vector<128x256xbf16> -> vector<1152x256xbf16>
    %get3A_71 = arith.constant 1 : index
    %get3A_72 = arith.constant 0 : index
    %get3A_73 = arith.constant 0 : index
    %get3A_74 = arith.constant 0 : index
    %get3A_75 = vector.load %arg4[%get3A_71, %get3A_72, %get3A_73, %get3A_74] : memref<8x2x256x512xbf16, #tpu.memory_space<vmem>>, vector<1x1x256x512xbf16>
    %get3A_76 = vector.shape_cast %get3A_75 : vector<1x1x256x512xbf16> to vector<256x512xbf16>
    %dot_general3A_77 = arith.constant dense<0.000000e+00> : vector<1152x512xf32>
    %dot_general3A_78 = tpu.matmul %convert_element_type3A_65, %get3A_76, %dot_general3A_77 {dimension_numbers = #tpu.dot_dimension_numbers<[1], [0], [0], [1], [0, 0, 1, 1], [], []>, transpose_lhs_hint = false} : vector<1152x256xbf16>, vector<256x512xbf16>, vector<1152x512xf32> -> vector<1152x512xf32>
    %get3A_79 = arith.constant 1 : index
    %get3A_80 = arith.constant 1 : index
    %get3A_81 = arith.constant 0 : index
    %get3A_82 = arith.constant 0 : index
    %get3A_83 = vector.load %arg4[%get3A_79, %get3A_80, %get3A_81, %get3A_82] : memref<8x2x256x512xbf16, #tpu.memory_space<vmem>>, vector<1x1x256x512xbf16>
    %get3A_84 = vector.shape_cast %get3A_83 : vector<1x1x256x512xbf16> to vector<256x512xbf16>
    %dot_general3A_85 = arith.constant dense<0.000000e+00> : vector<1152x512xf32>
    %dot_general3A_86 = tpu.matmul %concatenate3A_70, %get3A_84, %dot_general3A_85 {dimension_numbers = #tpu.dot_dimension_numbers<[1], [0], [0], [1], [0, 0, 1, 1], [], []>, transpose_lhs_hint = false} : vector<1152x256xbf16>, vector<256x512xbf16>, vector<1152x512xf32> -> vector<1152x512xf32>
    %add3A_87 = arith.addf %dot_general3A_78, %dot_general3A_86 : vector<1152x512xf32>
    %slice3A_88 = vector.extract_strided_slice %add3A_87 {offsets = [0, 0], sizes = [1152, 256], strides = [1, 1]} : vector<1152x512xf32> to vector<1152x256xf32>
    %slice3A_89 = vector.extract_strided_slice %add3A_87 {offsets = [0, 256], sizes = [1152, 256], strides = [1, 1]} : vector<1152x512xf32> to vector<1152x256xf32>
    %tanh3A_90 = math.tanh %slice3A_88 : vector<1152x256xf32>
    %mul3A_91 = arith.constant 5.000000e-01 : f32
    %mul3A_92 = vector.broadcast %mul3A_91 : f32 to vector<1152x256xf32>
    %mul3A_93 = arith.mulf %mul3A_92, %slice3A_89 : vector<1152x256xf32>
    %tanh3A_94 = math.tanh %mul3A_93 : vector<1152x256xf32>
    %mul3A_95 = arith.constant 5.000000e-01 : f32
    %mul3A_96 = vector.broadcast %mul3A_95 : f32 to vector<1152x256xf32>
    %mul3A_97 = arith.mulf %mul3A_96, %tanh3A_94 : vector<1152x256xf32>
    %add3A_98 = arith.constant 5.000000e-01 : f32
    %add3A_99 = vector.broadcast %add3A_98 : f32 to vector<1152x256xf32>
    %add3A_100 = arith.addf %mul3A_97, %add3A_99 : vector<1152x256xf32>
    %mul3A_101 = arith.mulf %tanh3A_90, %add3A_100 : vector<1152x256xf32>
    %get3A_102 = arith.constant 0 : index
    %get3A_103 = arith.constant 0 : index
    %get3A_104 = vector.load %arg9[%get3A_102, %get3A_103] : memref<1152x256xf32, #tpu.memory_space<vmem>>, vector<1152x256xf32>
    %add3A_105 = arith.addf %mul3A_101, %get3A_104 : vector<1152x256xf32>
    %swap3A_106 = arith.constant 0 : index
    %swap3A_107 = arith.constant 0 : index
    %swap3A_108 = vector.load %arg9[%swap3A_106, %swap3A_107] : memref<1152x256xf32, #tpu.memory_space<vmem>>, vector<1152x256xf32>
    tpu.vector_store %arg9[%swap3A_106, %swap3A_107], %add3A_105 {strides = array<i32>} : memref<1152x256xf32, #tpu.memory_space<vmem>>, vector<1152x256xf32>,
    %get3A_109 = arith.constant 0 : index
    %get3A_110 = arith.constant 0 : index
    %get3A_111 = vector.load %arg9[%get3A_109, %get3A_110] : memref<1152x256xf32, #tpu.memory_space<vmem>>, vector<1152x256xf32>
    %convert_element_type3A_112 = arith.truncf %get3A_111 : vector<1152x256xf32> to vector<1152x256xbf16>
    %get3A_113 = arith.constant 4 : index
    %get3A_114 = arith.constant 0 : index
    %get3A_115 = vector.load %arg9[%get3A_113, %get3A_114] : memref<1152x256xf32, #tpu.memory_space<vmem>>, vector<1024x256xf32>
    %convert_element_type3A_116 = arith.truncf %get3A_115 : vector<1024x256xf32> to vector<1024x256xbf16>
    %concatenate3A_117 = tpu.concatenate %convert_element_type3A_116, %broadcast_in_dim3A_18 in 0 : vector<1024x256xbf16>, vector<128x256xbf16> -> vector<1152x256xbf16>
    %get3A_118 = arith.constant 2 : index
    %get3A_119 = arith.constant 0 : index
    %get3A_120 = arith.constant 0 : index
    %get3A_121 = arith.constant 0 : index
    %get3A_122 = vector.load %arg4[%get3A_118, %get3A_119, %get3A_120, %get3A_121] : memref<8x2x256x512xbf16, #tpu.memory_space<vmem>>, vector<1x1x256x512xbf16>
    %get3A_123 = vector.shape_cast %get3A_122 : vector<1x1x256x512xbf16> to vector<256x512xbf16>
    %dot_general3A_124 = arith.constant dense<0.000000e+00> : vector<1152x512xf32>
    %dot_general3A_125 = tpu.matmul %convert_element_type3A_112, %get3A_123, %dot_general3A_124 {dimension_numbers = #tpu.dot_dimension_numbers<[1], [0], [0], [1], [0, 0, 1, 1], [], []>, transpose_lhs_hint = false} : vector<1152x256xbf16>, vector<256x512xbf16>, vector<1152x512xf32> -> vector<1152x512xf32>
    %get3A_126 = arith.constant 2 : index
    %get3A_127 = arith.constant 1 : index
    %get3A_128 = arith.constant 0 : index
    %get3A_129 = arith.constant 0 : index
    %get3A_130 = vector.load %arg4[%get3A_126, %get3A_127, %get3A_128, %get3A_129] : memref<8x2x256x512xbf16, #tpu.memory_space<vmem>>, vector<1x1x256x512xbf16>
    %get3A_131 = vector.shape_cast %get3A_130 : vector<1x1x256x512xbf16> to vector<256x512xbf16>
    %dot_general3A_132 = arith.constant dense<0.000000e+00> : vector<1152x512xf32>
    %dot_general3A_133 = tpu.matmul %concatenate3A_117, %get3A_131, %dot_general3A_132 {dimension_numbers = #tpu.dot_dimension_numbers<[1], [0], [0], [1], [0, 0, 1, 1], [], []>, transpose_lhs_hint = false} : vector<1152x256xbf16>, vector<256x512xbf16>, vector<1152x512xf32> -> vector<1152x512xf32>
    %add3A_134 = arith.addf %dot_general3A_125, %dot_general3A_133 : vector<1152x512xf32>
    %slice3A_135 = vector.extract_strided_slice %add3A_134 {offsets = [0, 0], sizes = [1152, 256], strides = [1, 1]} : vector<1152x512xf32> to vector<1152x256xf32>
    %slice3A_136 = vector.extract_strided_slice %add3A_134 {offsets = [0, 256], sizes = [1152, 256], strides = [1, 1]} : vector<1152x512xf32> to vector<1152x256xf32>
    %tanh3A_137 = math.tanh %slice3A_135 : vector<1152x256xf32>
    %mul3A_138 = arith.constant 5.000000e-01 : f32
    %mul3A_139 = vector.broadcast %mul3A_138 : f32 to vector<1152x256xf32>
    %mul3A_140 = arith.mulf %mul3A_139, %slice3A_136 : vector<1152x256xf32>
    %tanh3A_141 = math.tanh %mul3A_140 : vector<1152x256xf32>
    %mul3A_142 = arith.constant 5.000000e-01 : f32
    %mul3A_143 = vector.broadcast %mul3A_142 : f32 to vector<1152x256xf32>
    %mul3A_144 = arith.mulf %mul3A_143, %tanh3A_141 : vector<1152x256xf32>
    %add3A_145 = arith.constant 5.000000e-01 : f32
    %add3A_146 = vector.broadcast %add3A_145 : f32 to vector<1152x256xf32>
    %add3A_147 = arith.addf %mul3A_144, %add3A_146 : vector<1152x256xf32>
    %mul3A_148 = arith.mulf %tanh3A_137, %add3A_147 : vector<1152x256xf32>
    %get3A_149 = arith.constant 0 : index
    %get3A_150 = arith.constant 0 : index
    %get3A_151 = vector.load %arg9[%get3A_149, %get3A_150] : memref<1152x256xf32, #tpu.memory_space<vmem>>, vector<1152x256xf32>
    %add3A_152 = arith.addf %mul3A_148, %get3A_151 : vector<1152x256xf32>
    %swap3A_153 = arith.constant 0 : index
    %swap3A_154 = arith.constant 0 : index
    %swap3A_155 = vector.load %arg9[%swap3A_153, %swap3A_154] : memref<1152x256xf32, #tpu.memory_space<vmem>>, vector<1152x256xf32>
    tpu.vector_store %arg9[%swap3A_153, %swap3A_154], %add3A_152 {strides = array<i32>} : memref<1152x256xf32, #tpu.memory_space<vmem>>, vector<1152x256xf32>,
    %get3A_156 = arith.constant 0 : index
    %get3A_157 = arith.constant 0 : index
    %get3A_158 = vector.load %arg9[%get3A_156, %get3A_157] : memref<1152x256xf32, #tpu.memory_space<vmem>>, vector<1152x256xf32>
    %convert_element_type3A_159 = arith.truncf %get3A_158 : vector<1152x256xf32> to vector<1152x256xbf16>
    %get3A_160 = arith.constant 8 : index
    %get3A_161 = arith.constant 0 : index
    %get3A_162 = vector.load %arg9[%get3A_160, %get3A_161] : memref<1152x256xf32, #tpu.memory_space<vmem>>, vector<1024x256xf32>
    %convert_element_type3A_163 = arith.truncf %get3A_162 : vector<1024x256xf32> to vector<1024x256xbf16>
    %concatenate3A_164 = tpu.concatenate %convert_element_type3A_163, %broadcast_in_dim3A_18 in 0 : vector<1024x256xbf16>, vector<128x256xbf16> -> vector<1152x256xbf16>
    %get3A_165 = arith.constant 3 : index
    %get3A_166 = arith.constant 0 : index
    %get3A_167 = arith.constant 0 : index
    %get3A_168 = arith.constant 0 : index
    %get3A_169 = vector.load %arg4[%get3A_165, %get3A_166, %get3A_167, %get3A_168] : memref<8x2x256x512xbf16, #tpu.memory_space<vmem>>, vector<1x1x256x512xbf16>
    %get3A_170 = vector.shape_cast %get3A_169 : vector<1x1x256x512xbf16> to vector<256x512xbf16>
    %dot_general3A_171 = arith.constant dense<0.000000e+00> : vector<1152x512xf32>
    %dot_general3A_172 = tpu.matmul %convert_element_type3A_159, %get3A_170, %dot_general3A_171 {dimension_numbers = #tpu.dot_dimension_numbers<[1], [0], [0], [1], [0, 0, 1, 1], [], []>, transpose_lhs_hint = false} : vector<1152x256xbf16>, vector<256x512xbf16>, vector<1152x512xf32> -> vector<1152x512xf32>
    %get3A_173 = arith.constant 3 : index
    %get3A_174 = arith.constant 1 : index
    %get3A_175 = arith.constant 0 : index
    %get3A_176 = arith.constant 0 : index
    %get3A_177 = vector.load %arg4[%get3A_173, %get3A_174, %get3A_175, %get3A_176] : memref<8x2x256x512xbf16, #tpu.memory_space<vmem>>, vector<1x1x256x512xbf16>
    %get3A_178 = vector.shape_cast %get3A_177 : vector<1x1x256x512xbf16> to vector<256x512xbf16>
    %dot_general3A_179 = arith.constant dense<0.000000e+00> : vector<1152x512xf32>
    %dot_general3A_180 = tpu.matmul %concatenate3A_164, %get3A_178, %dot_general3A_179 {dimension_numbers = #tpu.dot_dimension_numbers<[1], [0], [0], [1], [0, 0, 1, 1], [], []>, transpose_lhs_hint = false} : vector<1152x256xbf16>, vector<256x512xbf16>, vector<1152x512xf32> -> vector<1152x512xf32>
    %add3A_181 = arith.addf %dot_general3A_172, %dot_general3A_180 : vector<1152x512xf32>
    %slice3A_182 = vector.extract_strided_slice %add3A_181 {offsets = [0, 0], sizes = [1152, 256], strides = [1, 1]} : vector<1152x512xf32> to vector<1152x256xf32>
    %slice3A_183 = vector.extract_strided_slice %add3A_181 {offsets = [0, 256], sizes = [1152, 256], strides = [1, 1]} : vector<1152x512xf32> to vector<1152x256xf32>
    %tanh3A_184 = math.tanh %slice3A_182 : vector<1152x256xf32>
    %mul3A_185 = arith.constant 5.000000e-01 : f32
    %mul3A_186 = vector.broadcast %mul3A_185 : f32 to vector<1152x256xf32>
    %mul3A_187 = arith.mulf %mul3A_186, %slice3A_183 : vector<1152x256xf32>
    %tanh3A_188 = math.tanh %mul3A_187 : vector<1152x256xf32>
    %mul3A_189 = arith.constant 5.000000e-01 : f32
    %mul3A_190 = vector.broadcast %mul3A_189 : f32 to vector<1152x256xf32>
    %mul3A_191 = arith.mulf %mul3A_190, %tanh3A_188 : vector<1152x256xf32>
    %add3A_192 = arith.constant 5.000000e-01 : f32
    %add3A_193 = vector.broadcast %add3A_192 : f32 to vector<1152x256xf32>
    %add3A_194 = arith.addf %mul3A_191, %add3A_193 : vector<1152x256xf32>
    %mul3A_195 = arith.mulf %tanh3A_184, %add3A_194 : vector<1152x256xf32>
    %get3A_196 = arith.constant 0 : index
    %get3A_197 = arith.constant 0 : index
    %get3A_198 = vector.load %arg9[%get3A_196, %get3A_197] : memref<1152x256xf32, #tpu.memory_space<vmem>>, vector<1152x256xf32>
    %add3A_199 = arith.addf %mul3A_195, %get3A_198 : vector<1152x256xf32>
    %swap3A_200 = arith.constant 0 : index
    %swap3A_201 = arith.constant 0 : index
    %swap3A_202 = vector.load %arg9[%swap3A_200, %swap3A_201] : memref<1152x256xf32, #tpu.memory_space<vmem>>, vector<1152x256xf32>
    tpu.vector_store %arg9[%swap3A_200, %swap3A_201], %add3A_199 {strides = array<i32>} : memref<1152x256xf32, #tpu.memory_space<vmem>>, vector<1152x256xf32>,
    %get3A_203 = arith.constant 0 : index
    %get3A_204 = arith.constant 0 : index
    %get3A_205 = vector.load %arg9[%get3A_203, %get3A_204] : memref<1152x256xf32, #tpu.memory_space<vmem>>, vector<1152x256xf32>
    %convert_element_type3A_206 = arith.truncf %get3A_205 : vector<1152x256xf32> to vector<1152x256xbf16>
    %get3A_207 = arith.constant 16 : index
    %get3A_208 = arith.constant 0 : index
    %get3A_209 = vector.load %arg9[%get3A_207, %get3A_208] : memref<1152x256xf32, #tpu.memory_space<vmem>>, vector<1024x256xf32>
    %convert_element_type3A_210 = arith.truncf %get3A_209 : vector<1024x256xf32> to vector<1024x256xbf16>
    %concatenate3A_211 = tpu.concatenate %convert_element_type3A_210, %broadcast_in_dim3A_18 in 0 : vector<1024x256xbf16>, vector<128x256xbf16> -> vector<1152x256xbf16>
    %get3A_212 = arith.constant 4 : index
    %get3A_213 = arith.constant 0 : index
    %get3A_214 = arith.constant 0 : index
    %get3A_215 = arith.constant 0 : index
    %get3A_216 = vector.load %arg4[%get3A_212, %get3A_213, %get3A_214, %get3A_215] : memref<8x2x256x512xbf16, #tpu.memory_space<vmem>>, vector<1x1x256x512xbf16>
    %get3A_217 = vector.shape_cast %get3A_216 : vector<1x1x256x512xbf16> to vector<256x512xbf16>
    %dot_general3A_218 = arith.constant dense<0.000000e+00> : vector<1152x512xf32>
    %dot_general3A_219 = tpu.matmul %convert_element_type3A_206, %get3A_217, %dot_general3A_218 {dimension_numbers = #tpu.dot_dimension_numbers<[1], [0], [0], [1], [0, 0, 1, 1], [], []>, transpose_lhs_hint = false} : vector<1152x256xbf16>, vector<256x512xbf16>, vector<1152x512xf32> -> vector<1152x512xf32>
    %get3A_220 = arith.constant 4 : index
    %get3A_221 = arith.constant 1 : index
    %get3A_222 = arith.constant 0 : index
    %get3A_223 = arith.constant 0 : index
    %get3A_224 = vector.load %arg4[%get3A_220, %get3A_221, %get3A_222, %get3A_223] : memref<8x2x256x512xbf16, #tpu.memory_space<vmem>>, vector<1x1x256x512xbf16>
    %get3A_225 = vector.shape_cast %get3A_224 : vector<1x1x256x512xbf16> to vector<256x512xbf16>
    %dot_general3A_226 = arith.constant dense<0.000000e+00> : vector<1152x512xf32>
    %dot_general3A_227 = tpu.matmul %concatenate3A_211, %get3A_225, %dot_general3A_226 {dimension_numbers = #tpu.dot_dimension_numbers<[1], [0], [0], [1], [0, 0, 1, 1], [], []>, transpose_lhs_hint = false} : vector<1152x256xbf16>, vector<256x512xbf16>, vector<1152x512xf32> -> vector<1152x512xf32>
    %add3A_228 = arith.addf %dot_general3A_219, %dot_general3A_227 : vector<1152x512xf32>
    %slice3A_229 = vector.extract_strided_slice %add3A_228 {offsets = [0, 0], sizes = [1152, 256], strides = [1, 1]} : vector<1152x512xf32> to vector<1152x256xf32>
    %slice3A_230 = vector.extract_strided_slice %add3A_228 {offsets = [0, 256], sizes = [1152, 256], strides = [1, 1]} : vector<1152x512xf32> to vector<1152x256xf32>
    %tanh3A_231 = math.tanh %slice3A_229 : vector<1152x256xf32>
    %mul3A_232 = arith.constant 5.000000e-01 : f32
    %mul3A_233 = vector.broadcast %mul3A_232 : f32 to vector<1152x256xf32>
    %mul3A_234 = arith.mulf %mul3A_233, %slice3A_230 : vector<1152x256xf32>
    %tanh3A_235 = math.tanh %mul3A_234 : vector<1152x256xf32>
    %mul3A_236 = arith.constant 5.000000e-01 : f32
    %mul3A_237 = vector.broadcast %mul3A_236 : f32 to vector<1152x256xf32>
    %mul3A_238 = arith.mulf %mul3A_237, %tanh3A_235 : vector<1152x256xf32>
    %add3A_239 = arith.constant 5.000000e-01 : f32
    %add3A_240 = vector.broadcast %add3A_239 : f32 to vector<1152x256xf32>
    %add3A_241 = arith.addf %mul3A_238, %add3A_240 : vector<1152x256xf32>
    %mul3A_242 = arith.mulf %tanh3A_231, %add3A_241 : vector<1152x256xf32>
    %get3A_243 = arith.constant 0 : index
    %get3A_244 = arith.constant 0 : index
    %get3A_245 = vector.load %arg9[%get3A_243, %get3A_244] : memref<1152x256xf32, #tpu.memory_space<vmem>>, vector<1152x256xf32>
    %add3A_246 = arith.addf %mul3A_242, %get3A_245 : vector<1152x256xf32>
    %swap3A_247 = arith.constant 0 : index
    %swap3A_248 = arith.constant 0 : index
    %swap3A_249 = vector.load %arg9[%swap3A_247, %swap3A_248] : memref<1152x256xf32, #tpu.memory_space<vmem>>, vector<1152x256xf32>
    tpu.vector_store %arg9[%swap3A_247, %swap3A_248], %add3A_246 {strides = array<i32>} : memref<1152x256xf32, #tpu.memory_space<vmem>>, vector<1152x256xf32>,
    %get3A_250 = arith.constant 0 : index
    %get3A_251 = arith.constant 0 : index
    %get3A_252 = vector.load %arg9[%get3A_250, %get3A_251] : memref<1152x256xf32, #tpu.memory_space<vmem>>, vector<1152x256xf32>
    %convert_element_type3A_253 = arith.truncf %get3A_252 : vector<1152x256xf32> to vector<1152x256xbf16>
    %get3A_254 = arith.constant 32 : index
    %get3A_255 = arith.constant 0 : index
    %get3A_256 = vector.load %arg9[%get3A_254, %get3A_255] : memref<1152x256xf32, #tpu.memory_space<vmem>>, vector<1024x256xf32>
    %convert_element_type3A_257 = arith.truncf %get3A_256 : vector<1024x256xf32> to vector<1024x256xbf16>
    %concatenate3A_258 = tpu.concatenate %convert_element_type3A_257, %broadcast_in_dim3A_18 in 0 : vector<1024x256xbf16>, vector<128x256xbf16> -> vector<1152x256xbf16>
    %get3A_259 = arith.constant 5 : index
    %get3A_260 = arith.constant 0 : index
    %get3A_261 = arith.constant 0 : index
    %get3A_262 = arith.constant 0 : index
    %get3A_263 = vector.load %arg4[%get3A_259, %get3A_260, %get3A_261, %get3A_262] : memref<8x2x256x512xbf16, #tpu.memory_space<vmem>>, vector<1x1x256x512xbf16>
    %get3A_264 = vector.shape_cast %get3A_263 : vector<1x1x256x512xbf16> to vector<256x512xbf16>
    %dot_general3A_265 = arith.constant dense<0.000000e+00> : vector<1152x512xf32>
    %dot_general3A_266 = tpu.matmul %convert_element_type3A_253, %get3A_264, %dot_general3A_265 {dimension_numbers = #tpu.dot_dimension_numbers<[1], [0], [0], [1], [0, 0, 1, 1], [], []>, transpose_lhs_hint = false} : vector<1152x256xbf16>, vector<256x512xbf16>, vector<1152x512xf32> -> vector<1152x512xf32>
    %get3A_267 = arith.constant 5 : index
    %get3A_268 = arith.constant 1 : index
    %get3A_269 = arith.constant 0 : index
    %get3A_270 = arith.constant 0 : index
    %get3A_271 = vector.load %arg4[%get3A_267, %get3A_268, %get3A_269, %get3A_270] : memref<8x2x256x512xbf16, #tpu.memory_space<vmem>>, vector<1x1x256x512xbf16>
    %get3A_272 = vector.shape_cast %get3A_271 : vector<1x1x256x512xbf16> to vector<256x512xbf16>
    %dot_general3A_273 = arith.constant dense<0.000000e+00> : vector<1152x512xf32>
    %dot_general3A_274 = tpu.matmul %concatenate3A_258, %get3A_272, %dot_general3A_273 {dimension_numbers = #tpu.dot_dimension_numbers<[1], [0], [0], [1], [0, 0, 1, 1], [], []>, transpose_lhs_hint = false} : vector<1152x256xbf16>, vector<256x512xbf16>, vector<1152x512xf32> -> vector<1152x512xf32>
    %add3A_275 = arith.addf %dot_general3A_266, %dot_general3A_274 : vector<1152x512xf32>
    %slice3A_276 = vector.extract_strided_slice %add3A_275 {offsets = [0, 0], sizes = [1152, 256], strides = [1, 1]} : vector<1152x512xf32> to vector<1152x256xf32>
    %slice3A_277 = vector.extract_strided_slice %add3A_275 {offsets = [0, 256], sizes = [1152, 256], strides = [1, 1]} : vector<1152x512xf32> to vector<1152x256xf32>
    %tanh3A_278 = math.tanh %slice3A_276 : vector<1152x256xf32>
    %mul3A_279 = arith.constant 5.000000e-01 : f32
    %mul3A_280 = vector.broadcast %mul3A_279 : f32 to vector<1152x256xf32>
    %mul3A_281 = arith.mulf %mul3A_280, %slice3A_277 : vector<1152x256xf32>
    %tanh3A_282 = math.tanh %mul3A_281 : vector<1152x256xf32>
    %mul3A_283 = arith.constant 5.000000e-01 : f32
    %mul3A_284 = vector.broadcast %mul3A_283 : f32 to vector<1152x256xf32>
    %mul3A_285 = arith.mulf %mul3A_284, %tanh3A_282 : vector<1152x256xf32>
    %add3A_286 = arith.constant 5.000000e-01 : f32
    %add3A_287 = vector.broadcast %add3A_286 : f32 to vector<1152x256xf32>
    %add3A_288 = arith.addf %mul3A_285, %add3A_287 : vector<1152x256xf32>
    %mul3A_289 = arith.mulf %tanh3A_278, %add3A_288 : vector<1152x256xf32>
    %get3A_290 = arith.constant 0 : index
    %get3A_291 = arith.constant 0 : index
    %get3A_292 = vector.load %arg9[%get3A_290, %get3A_291] : memref<1152x256xf32, #tpu.memory_space<vmem>>, vector<1152x256xf32>
    %add3A_293 = arith.addf %mul3A_289, %get3A_292 : vector<1152x256xf32>
    %swap3A_294 = arith.constant 0 : index
    %swap3A_295 = arith.constant 0 : index
    %swap3A_296 = vector.load %arg9[%swap3A_294, %swap3A_295] : memref<1152x256xf32, #tpu.memory_space<vmem>>, vector<1152x256xf32>
    tpu.vector_store %arg9[%swap3A_294, %swap3A_295], %add3A_293 {strides = array<i32>} : memref<1152x256xf32, #tpu.memory_space<vmem>>, vector<1152x256xf32>,
    %get3A_297 = arith.constant 0 : index
    %get3A_298 = arith.constant 0 : index
    %get3A_299 = vector.load %arg9[%get3A_297, %get3A_298] : memref<1152x256xf32, #tpu.memory_space<vmem>>, vector<1152x256xf32>
    %convert_element_type3A_300 = arith.truncf %get3A_299 : vector<1152x256xf32> to vector<1152x256xbf16>
    %get3A_301 = arith.constant 64 : index
    %get3A_302 = arith.constant 0 : index
    %get3A_303 = vector.load %arg9[%get3A_301, %get3A_302] : memref<1152x256xf32, #tpu.memory_space<vmem>>, vector<1024x256xf32>
    %convert_element_type3A_304 = arith.truncf %get3A_303 : vector<1024x256xf32> to vector<1024x256xbf16>
    %concatenate3A_305 = tpu.concatenate %convert_element_type3A_304, %broadcast_in_dim3A_18 in 0 : vector<1024x256xbf16>, vector<128x256xbf16> -> vector<1152x256xbf16>
    %get3A_306 = arith.constant 6 : index
    %get3A_307 = arith.constant 0 : index
    %get3A_308 = arith.constant 0 : index
    %get3A_309 = arith.constant 0 : index
    %get3A_310 = vector.load %arg4[%get3A_306, %get3A_307, %get3A_308, %get3A_309] : memref<8x2x256x512xbf16, #tpu.memory_space<vmem>>, vector<1x1x256x512xbf16>
    %get3A_311 = vector.shape_cast %get3A_310 : vector<1x1x256x512xbf16> to vector<256x512xbf16>
    %dot_general3A_312 = arith.constant dense<0.000000e+00> : vector<1152x512xf32>
    %dot_general3A_313 = tpu.matmul %convert_element_type3A_300, %get3A_311, %dot_general3A_312 {dimension_numbers = #tpu.dot_dimension_numbers<[1], [0], [0], [1], [0, 0, 1, 1], [], []>, transpose_lhs_hint = false} : vector<1152x256xbf16>, vector<256x512xbf16>, vector<1152x512xf32> -> vector<1152x512xf32>
    %get3A_314 = arith.constant 6 : index
    %get3A_315 = arith.constant 1 : index
    %get3A_316 = arith.constant 0 : index
    %get3A_317 = arith.constant 0 : index
    %get3A_318 = vector.load %arg4[%get3A_314, %get3A_315, %get3A_316, %get3A_317] : memref<8x2x256x512xbf16, #tpu.memory_space<vmem>>, vector<1x1x256x512xbf16>
    %get3A_319 = vector.shape_cast %get3A_318 : vector<1x1x256x512xbf16> to vector<256x512xbf16>
    %dot_general3A_320 = arith.constant dense<0.000000e+00> : vector<1152x512xf32>
    %dot_general3A_321 = tpu.matmul %concatenate3A_305, %get3A_319, %dot_general3A_320 {dimension_numbers = #tpu.dot_dimension_numbers<[1], [0], [0], [1], [0, 0, 1, 1], [], []>, transpose_lhs_hint = false} : vector<1152x256xbf16>, vector<256x512xbf16>, vector<1152x512xf32> -> vector<1152x512xf32>
    %add3A_322 = arith.addf %dot_general3A_313, %dot_general3A_321 : vector<1152x512xf32>
    %slice3A_323 = vector.extract_strided_slice %add3A_322 {offsets = [0, 0], sizes = [1152, 256], strides = [1, 1]} : vector<1152x512xf32> to vector<1152x256xf32>
    %slice3A_324 = vector.extract_strided_slice %add3A_322 {offsets = [0, 256], sizes = [1152, 256], strides = [1, 1]} : vector<1152x512xf32> to vector<1152x256xf32>
    %tanh3A_325 = math.tanh %slice3A_323 : vector<1152x256xf32>
    %mul3A_326 = arith.constant 5.000000e-01 : f32
    %mul3A_327 = vector.broadcast %mul3A_326 : f32 to vector<1152x256xf32>
    %mul3A_328 = arith.mulf %mul3A_327, %slice3A_324 : vector<1152x256xf32>
    %tanh3A_329 = math.tanh %mul3A_328 : vector<1152x256xf32>
    %mul3A_330 = arith.constant 5.000000e-01 : f32
    %mul3A_331 = vector.broadcast %mul3A_330 : f32 to vector<1152x256xf32>
    %mul3A_332 = arith.mulf %mul3A_331, %tanh3A_329 : vector<1152x256xf32>
    %add3A_333 = arith.constant 5.000000e-01 : f32
    %add3A_334 = vector.broadcast %add3A_333 : f32 to vector<1152x256xf32>
    %add3A_335 = arith.addf %mul3A_332, %add3A_334 : vector<1152x256xf32>
    %mul3A_336 = arith.mulf %tanh3A_325, %add3A_335 : vector<1152x256xf32>
    %get3A_337 = arith.constant 0 : index
    %get3A_338 = arith.constant 0 : index
    %get3A_339 = vector.load %arg9[%get3A_337, %get3A_338] : memref<1152x256xf32, #tpu.memory_space<vmem>>, vector<1152x256xf32>
    %add3A_340 = arith.addf %mul3A_336, %get3A_339 : vector<1152x256xf32>
    %swap3A_341 = arith.constant 0 : index
    %swap3A_342 = arith.constant 0 : index
    %swap3A_343 = vector.load %arg9[%swap3A_341, %swap3A_342] : memref<1152x256xf32, #tpu.memory_space<vmem>>, vector<1152x256xf32>
    tpu.vector_store %arg9[%swap3A_341, %swap3A_342], %add3A_340 {strides = array<i32>} : memref<1152x256xf32, #tpu.memory_space<vmem>>, vector<1152x256xf32>,
    %get3A_344 = arith.constant 0 : index
    %get3A_345 = arith.constant 0 : index
    %get3A_346 = vector.load %arg9[%get3A_344, %get3A_345] : memref<1152x256xf32, #tpu.memory_space<vmem>>, vector<1152x256xf32>
    %convert_element_type3A_347 = arith.truncf %get3A_346 : vector<1152x256xf32> to vector<1152x256xbf16>
    %get3A_348 = arith.constant 1 : index
    %get3A_349 = arith.constant 0 : index
    %get3A_350 = vector.load %arg9[%get3A_348, %get3A_349] : memref<1152x256xf32, #tpu.memory_space<vmem>>, vector<1024x256xf32>
    %convert_element_type3A_351 = arith.truncf %get3A_350 : vector<1024x256xf32> to vector<1024x256xbf16>
    %concatenate3A_352 = tpu.concatenate %convert_element_type3A_351, %broadcast_in_dim3A_18 in 0 : vector<1024x256xbf16>, vector<128x256xbf16> -> vector<1152x256xbf16>
    %get3A_353 = arith.constant 7 : index
    %get3A_354 = arith.constant 0 : index
    %get3A_355 = arith.constant 0 : index
    %get3A_356 = arith.constant 0 : index
    %get3A_357 = vector.load %arg4[%get3A_353, %get3A_354, %get3A_355, %get3A_356] : memref<8x2x256x512xbf16, #tpu.memory_space<vmem>>, vector<1x1x256x512xbf16>
    %get3A_358 = vector.shape_cast %get3A_357 : vector<1x1x256x512xbf16> to vector<256x512xbf16>
    %dot_general3A_359 = arith.constant dense<0.000000e+00> : vector<1152x512xf32>
    %dot_general3A_360 = tpu.matmul %convert_element_type3A_347, %get3A_358, %dot_general3A_359 {dimension_numbers = #tpu.dot_dimension_numbers<[1], [0], [0], [1], [0, 0, 1, 1], [], []>, transpose_lhs_hint = false} : vector<1152x256xbf16>, vector<256x512xbf16>, vector<1152x512xf32> -> vector<1152x512xf32>
    %get3A_361 = arith.constant 7 : index
    %get3A_362 = arith.constant 1 : index
    %get3A_363 = arith.constant 0 : index
    %get3A_364 = arith.constant 0 : index
    %get3A_365 = vector.load %arg4[%get3A_361, %get3A_362, %get3A_363, %get3A_364] : memref<8x2x256x512xbf16, #tpu.memory_space<vmem>>, vector<1x1x256x512xbf16>
    %get3A_366 = vector.shape_cast %get3A_365 : vector<1x1x256x512xbf16> to vector<256x512xbf16>
    %dot_general3A_367 = arith.constant dense<0.000000e+00> : vector<1152x512xf32>
    %dot_general3A_368 = tpu.matmul %concatenate3A_352, %get3A_366, %dot_general3A_367 {dimension_numbers = #tpu.dot_dimension_numbers<[1], [0], [0], [1], [0, 0, 1, 1], [], []>, transpose_lhs_hint = false} : vector<1152x256xbf16>, vector<256x512xbf16>, vector<1152x512xf32> -> vector<1152x512xf32>
    %add3A_369 = arith.addf %dot_general3A_360, %dot_general3A_368 : vector<1152x512xf32>
    %slice3A_370 = vector.extract_strided_slice %add3A_369 {offsets = [0, 0], sizes = [1152, 256], strides = [1, 1]} : vector<1152x512xf32> to vector<1152x256xf32>
    %slice3A_371 = vector.extract_strided_slice %add3A_369 {offsets = [0, 256], sizes = [1152, 256], strides = [1, 1]} : vector<1152x512xf32> to vector<1152x256xf32>
    %tanh3A_372 = math.tanh %slice3A_370 : vector<1152x256xf32>
    %mul3A_373 = arith.constant 5.000000e-01 : f32
    %mul3A_374 = vector.broadcast %mul3A_373 : f32 to vector<1152x256xf32>
    %mul3A_375 = arith.mulf %mul3A_374, %slice3A_371 : vector<1152x256xf32>
    %tanh3A_376 = math.tanh %mul3A_375 : vector<1152x256xf32>
    %mul3A_377 = arith.constant 5.000000e-01 : f32
    %mul3A_378 = vector.broadcast %mul3A_377 : f32 to vector<1152x256xf32>
    %mul3A_379 = arith.mulf %mul3A_378, %tanh3A_376 : vector<1152x256xf32>
    %add3A_380 = arith.constant 5.000000e-01 : f32
    %add3A_381 = vector.broadcast %add3A_380 : f32 to vector<1152x256xf32>
    %add3A_382 = arith.addf %mul3A_379, %add3A_381 : vector<1152x256xf32>
    %mul3A_383 = arith.mulf %tanh3A_372, %add3A_382 : vector<1152x256xf32>
    %get3A_384 = arith.constant 0 : index
    %get3A_385 = arith.constant 0 : index
    %get3A_386 = vector.load %arg9[%get3A_384, %get3A_385] : memref<1152x256xf32, #tpu.memory_space<vmem>>, vector<1152x256xf32>
    %add3A_387 = arith.addf %mul3A_383, %get3A_386 : vector<1152x256xf32>
    %swap3A_388 = arith.constant 0 : index
    %swap3A_389 = arith.constant 0 : index
    %swap3A_390 = vector.load %arg9[%swap3A_388, %swap3A_389] : memref<1152x256xf32, #tpu.memory_space<vmem>>, vector<1152x256xf32>
    tpu.vector_store %arg9[%swap3A_388, %swap3A_389], %add3A_387 {strides = array<i32>} : memref<1152x256xf32, #tpu.memory_space<vmem>>, vector<1152x256xf32>,
    %get3A_391 = arith.constant 0 : index
    %get3A_392 = arith.constant 0 : index
    %get3A_393 = vector.load %arg9[%get3A_391, %get3A_392] : memref<1152x256xf32, #tpu.memory_space<vmem>>, vector<1152x256xf32>
    %convert_element_type3A_394 = arith.truncf %get3A_393 : vector<1152x256xf32> to vector<1152x256xbf16>
    %get3A_395 = arith.constant 0 : index
    %get3A_396 = arith.constant 0 : index
    %get3A_397 = vector.load %arg5[%get3A_395, %get3A_396] : memref<256x32xbf16, #tpu.memory_space<vmem>>, vector<256x32xbf16>
    %dot_general3A_398 = arith.constant dense<0.000000e+00> : vector<1152x32xf32>
    %dot_general3A_399 = tpu.matmul %convert_element_type3A_394, %get3A_397, %dot_general3A_398 {dimension_numbers = #tpu.dot_dimension_numbers<[1], [0], [0], [1], [0, 0, 1, 1], [], []>, transpose_lhs_hint = false} : vector<1152x256xbf16>, vector<256x32xbf16>, vector<1152x32xf32> -> vector<1152x32xf32>
    %get3A_400 = arith.constant 0 : index
    %get3A_401 = arith.constant 0 : index
    %get3A_402 = vector.load %arg6[%get3A_400, %get3A_401] : memref<1x256xbf16, #tpu.memory_space<vmem>>, vector<1x256xbf16>
    %convert_element_type3A_403 = arith.extf %get3A_402 : vector<1x256xbf16> to vector<1x256xf32>
    %convert_element_type3A_404 = arith.extf %convert_element_type3A_394 : vector<1152x256xbf16> to vector<1152x256xf32>
    %mul3A_405 = vector.broadcast %convert_element_type3A_403 : vector<1x256xf32> to vector<1152x256xf32>
    %mul3A_406 = arith.mulf %convert_element_type3A_404, %mul3A_405 : vector<1152x256xf32>
    %reduce_sum3A = arith.constant dense<0.000000e+00> : vector<1152xf32>
    %reduce_sum3A_407 = vector.multi_reduction <add>, %mul3A_406, %reduce_sum3A [1] : vector<1152x256xf32> to vector<1152xf32>
    %broadcast_in_dim3A_408 = vector.shape_cast %reduce_sum3A_407 : vector<1152xf32> to vector<1152x1xf32>
    %slice3A_409 = vector.extract_strided_slice %dot_general3A_399 {offsets = [0, 0], sizes = [1024, 32], strides = [1, 1]} : vector<1152x32xf32> to vector<1024x32xf32>
    %swap3A_410 = arith.constant 0 : index
    %swap3A_411 = arith.constant 0 : index
    %swap3A_412 = arith.constant 0 : index
    %swap3A_413 = vector.load %arg8[%swap3A_410, %swap3A_411, %swap3A_412] : memref<1x1024x32xf32, #tpu.memory_space<vmem>>, vector<1x1024x32xf32>
    %swap3A_414 = vector.shape_cast %swap3A_413 : vector<1x1024x32xf32> to vector<1024x32xf32>
    %swap3A_415 = vector.shape_cast %slice3A_409 : vector<1024x32xf32> to vector<1x1024x32xf32>
    tpu.vector_store %arg8[%swap3A_410, %swap3A_411, %swap3A_412], %swap3A_415 {strides = array<i32>} : memref<1x1024x32xf32, #tpu.memory_space<vmem>>, vector<1x1024x32xf32>,
    %slice3A_416 = vector.extract_strided_slice %broadcast_in_dim3A_408 {offsets = [0, 0], sizes = [1024, 1], strides = [1, 1]} : vector<1152x1xf32> to vector<1024x1xf32>
    %max3A = arith.constant 0.000000e+00 : f32
    %max3A_417 = vector.broadcast %max3A : f32 to vector<1024x1xf32>
    %max3A_418 = arith.maximumf %slice3A_416, %max3A_417 : vector<1024x1xf32>
    %swap3A_419 = arith.constant 0 : index
    %swap3A_420 = arith.constant 0 : index
    %swap3A_421 = arith.constant 0 : index
    %swap3A_422 = vector.load %arg7[%swap3A_419, %swap3A_420, %swap3A_421] : memref<1x1024x1xf32, #tpu.memory_space<vmem>>, vector<1x1024x1xf32>
    %swap3A_423 = vector.shape_cast %swap3A_422 : vector<1x1024x1xf32> to vector<1024x1xf32>
    %swap3A_424 = vector.shape_cast %max3A_418 : vector<1024x1xf32> to vector<1x1024x1xf32>
    tpu.vector_store %arg7[%swap3A_419, %swap3A_420, %swap3A_421], %swap3A_424 {strides = array<i32>} : memref<1x1024x1xf32, #tpu.memory_space<vmem>>, vector<1x1024x1xf32>,
    return
  }
  func.func @transform_0(%arg0: i32) -> (i32, i32, i32) {
    %c0_i32 = arith.constant 0 : i32
    %c0_i32_0 = arith.constant 0 : i32
    %c0_i32_1 = arith.constant 0 : i32
    return %arg0, %c0_i32, %c0_i32_0 : i32, i32, i32
  }
  func.func @transform_1(%arg0: i32) -> (i32, i32) {
    %c0_i32 = arith.constant 0 : i32
    %c0_i32_0 = arith.constant 0 : i32
    %c0_i32_1 = arith.constant 0 : i32
    return %c0_i32, %c0_i32_0 : i32, i32
  }
  func.func @transform_2(%arg0: i32) -> (i32, i32) {
    %c0_i32 = arith.constant 0 : i32
    %c0_i32_0 = arith.constant 0 : i32
    %c0_i32_1 = arith.constant 0 : i32
    return %c0_i32, %c0_i32_0 : i32, i32
  }
  func.func @transform_3(%arg0: i32) -> (i32, i32, i32, i32) {
    %c0_i32 = arith.constant 0 : i32
    %c0_i32_0 = arith.constant 0 : i32
    %c0_i32_1 = arith.constant 0 : i32
    %c0_i32_2 = arith.constant 0 : i32
    %c0_i32_3 = arith.constant 0 : i32
    return %c0_i32, %c0_i32_0, %c0_i32_1, %c0_i32_2 : i32, i32, i32, i32
  }
  func.func @transform_4(%arg0: i32) -> (i32, i32) {
    %c0_i32 = arith.constant 0 : i32
    %c0_i32_0 = arith.constant 0 : i32
    %c0_i32_1 = arith.constant 0 : i32
    return %c0_i32, %c0_i32_0 : i32, i32
  }
  func.func @transform_5(%arg0: i32) -> (i32, i32) {
    %c0_i32 = arith.constant 0 : i32
    %c0_i32_0 = arith.constant 0 : i32
    %c0_i32_1 = arith.constant 0 : i32
    return %c0_i32, %c0_i32_0 : i32, i32
  }
  func.func @transform_6(%arg0: i32) -> (i32, i32, i32) {
    %c0_i32 = arith.constant 0 : i32
    %c0_i32_0 = arith.constant 0 : i32
    %c0_i32_1 = arith.constant 0 : i32
    return %arg0, %c0_i32, %c0_i32_0 : i32, i32, i32
  }
  func.func @transform_7(%arg0: i32) -> (i32, i32, i32) {
    %c0_i32 = arith.constant 0 : i32
    %c0_i32_0 = arith.constant 0 : i32
    %c0_i32_1 = arith.constant 0 : i32
    return %arg0, %c0_i32, %c0_i32_0 : i32, i32, i32
  }
}

</mosaic_0001>

<sc_bundles>
// kernel: kernel.4.cloned.1.call-start
scs
__scs_entry_jumppad:
0x0: {  	(pc) =	sbr.rel $0x88, $3  }
0x1: {  	(tag) =	ssettag $0x0;
	lr =	simm.s32 $0x1  }
0x2: {  	[smem:$0x3F9B] =	sst lr;
	_ =	strace $0xD0000000  }
0x3: {  	_ = 	snop  }
0x4: {  	_ = 	snop  }
0x5: {  	_ = 	snop  }
0x6: {  	_ = 	snop  }
0x7: {  	_ = 	snop  }
__scs_overlays_trampoline_lowered:
0x8: {  	[smem:$0x3FAA] =	sst s0  }
0x9: {  	[smem:$0x3FAB] =	sst s1  }
0xa: {  	[smem:$0x3FAC] =	sst s2  }
0xb: {  	[smem:$0x3FAD] =	sst s3  }
0xc: {  	[smem:$0x3FAE] =	sst s4  }
0xd: {  	[smem:$0x3FAF] =	sst s5  }
0xe: {  	[smem:$0x3FB0] =	sst s6  }
0xf: {  	[smem:$0x3FB1] =	sst s7  }
0x10: {  	[smem:$0x3FB2] =	sst s8  }
0x11: {  	[smem:$0x3FB3] =	sst s9;
	s0 =	simm.s32 @!p0 $0x0  }
0x12: {  	s1 =	sld [smem:$0x3F99];
	s0 =	simm.s32 @p0 $0x1  }
0x13: {  	[smem:$0x3FB4] =	sst s0;
	s0 =	simm.s32 @!p1 $0x0  }
0x14: {  	s2 =	sld [smem:$0x3F98];
	s0 =	simm.s32 @p1 $0x1  }
0x15: {  	[smem:$0x3FB5] =	sst s0;
	s0 =	simm.s32 @!p2 $0x0  }
0x16: {  	s3 =	sld [smem:$0x3FDB];
	s0 =	simm.s32 @p2 $0x1  }
0x17: {  	s4 =	simm.s32 $0x1BF5;
	[smem:$0x3FB7] =	sst s0  }
0x18: {  	s0 =	sld [smem:$0x3F9A];
	_ =	swait.ge [sflag:s4], $0x0  }
0x19: {  	s7 =	sld [smem:$0x3F9B]  }
0x1a: {  	s8 =	sadd.s32 $0xFFFFE003, lr  }
0x1b: {  	s9 =	sadd.s32 $0xFFFFFEF7, lr;
	s5 =	simm.s32 $0xFFFFFFFF;
	p2 =	slt.u32 s8, $0xFFFFF086  }
0x1c: {  	p1 =	slt.u32 s9, $0xF7A;
	s5 =	simm.s32 @!p2 $0x0  }
0x1d: {  	s5 =	simm.s32 @p1 $0x1;
	p0 =	seq.s32 s7, s2  }
0x1e: {  	s7 =	smul.u32 @!p0 $0xF7A, s2;
	p2 =	seq.s32 @!p0 s5, $0x0  }
0x1f: {  	s9 =	smul.u32 $0xF7A, s1;
	s8 =	simm.s32 @!p0 $0x1BF5;
	p2 =	por !p2, p0  }
0x20: {  	[sflag:s8] =	ssyncset.s32 @!p0 $0xFFFFF086;
	s6 =	sadd.s32 @!p0 s3, s7;
	s7 =	simm.s32 @!p0 $0x108  }
0x21: {  	s3 =	sadd.s32 s3, s9;
	s6 =	sadd.s32 @!p0 $0x88, s6;
	s7 =	simm.s32 @p2 $0x1082  }
0x22: {  	[simem:s7], [sflag:s8] =	dma.local @!p0 [hbm:s6], $0xF7A  }
0x23: {  	s9 =	sor.u32 $0xD0000000, s2;
	s6 =	simm.s32 $0x108;
	_ =	swait.ge @!p0 [sflag:s8], $0x0  }
0x24: {  	s3 =	sadd.s32 $0x88, s3;
	s6 =	simm.s32 @!p1 $0x1082;
	[sflag:s4] =	ssyncset.s32 $0xFFFFF086  }
0x25: {  	[simem:s6], [sflag:s4] =	dma.local [hbm:s3], $0xF7A  }
0x26: {  	[smem:$0x3F9B] =	sst s1;
	(tag) =	ssettag s2;
	_ =	strace s9  }
0x27: {  	s1 =	sld [smem:$0x3FAB]  }
0x28: {  	s2 =	sld [smem:$0x3FAC]  }
0x29: {  	s4 =	sld [smem:$0x3FAE]  }
0x2a: {  	p0 =	seq.s32 s5, $0x0;
	s5 =	sld [smem:$0x3FAF]  }
0x2b: {  	s6 =	sld [smem:$0x3FB0]  }
0x2c: {  	s7 =	sld [smem:$0x3FB1]  }
0x2d: {  	s3 =	simm.s32 $0x108;
	s8 =	sld [smem:$0x3FB2]  }
0x2e: {  	s3 =	simm.s32 @!p0 $0x1082;
	s9 =	sld [smem:$0x3FB3]  }
0x2f: {  	lr =	sadd.s32 s0, s3;
	s0 =	sld [smem:$0x3FAA]  }
0x30: {  	s3 =	sld [smem:$0x3FAD]  }
0x31: {  	[smem:$0x3FB6] =	sst s10  }
0x32: {  	s10 =	sld [smem:$0x3FB4];
	_ =	sdelay $0x3  }
0x33: {  	p0 =	seq.s32 s10, $0x1;
	s10 =	sld [smem:$0x3FB6];
	_ =	sdelay $0x3  }
0x34: {  	[smem:$0x3FB6] =	sst s10  }
0x35: {  	s10 =	sld [smem:$0x3FB5];
	_ =	sdelay $0x3  }
0x36: {  	p1 =	seq.s32 s10, $0x1;
	s10 =	sld [smem:$0x3FB6];
	_ =	sdelay $0x3  }
0x37: {  	[smem:$0x3FB6] =	sst s10  }
0x38: {  	s10 =	sld [smem:$0x3FB7]  }
0x39: {  	_ = 	snop;
	(pc) =	sbr.ind lr, $3  }
0x3a: {  	_ = 	snop  }
0x3b: {  	_ = 	snop  }
0x3c: {  	p2 =	seq.s32 s10, $0x1;
	s10 =	sld [smem:$0x3FB6]  }
0x3d: {  	_ =	shalt  }
0x3e: {  	_ =	shalt  }
0x3f: {  	_ =	shalt  }
0x40: {  	_ =	shalt  }
0x41: {  	_ =	shalt  }
0x42: {  	_ =	shalt  }
0x43: {  	_ =	shalt  }
0x44: {  	_ =	shalt  }
0x45: {  	_ =	shalt  }
0x46: {  	_ =	shalt  }
0x47: {  	_ =	shalt  }
0x48: {  	_ =	shalt  }
0x49: {  	_ =	shalt  }
0x4a: {  	_ =	shalt  }
0x4b: {  	_ =	shalt  }
0x4c: {  	_ =	shalt  }
0x4d: {  	_ =	shalt  }
0x4e: {  	_ =	shalt  }
0x4f: {  	_ =	shalt  }
0x50: {  	_ =	shalt  }
0x51: {  	_ =	shalt  }
0x52: {  	_ =	shalt  }
0x53: {  	_ =	shalt  }
0x54: {  	_ =	shalt  }
0x55: {  	_ =	shalt  }
0x56: {  	_ =	shalt  }
0x57: {  	_ =	shalt  }
0x58: {  	_ =	shalt  }
0x59: {  	_ =	shalt  }
0x5a: {  	_ =	shalt  }
0x5b: {  	_ =	shalt  }
0x5c: {  	_ =	shalt  }
0x5d: {  	_ =	shalt  }
0x5e: {  	_ =	shalt  }
0x5f: {  	_ =	shalt  }
0x60: {  	_ =	shalt  }
0x61: {  	_ =	shalt  }
0x62: {  	_ =	shalt  }
0x63: {  	_ =	shalt  }
0x64: {  	_ =	shalt  }
0x65: {  	_ =	shalt  }
0x66: {  	_ =	shalt  }
0x67: {  	_ =	shalt  }
0x68: {  	_ =	shalt  }
0x69: {  	_ =	shalt  }
0x6a: {  	_ =	shalt  }
0x6b: {  	_ =	shalt  }
0x6c: {  	_ =	shalt  }
0x6d: {  	_ =	shalt  }
0x6e: {  	_ =	shalt  }
0x6f: {  	_ =	shalt  }
0x70: {  	_ =	shalt  }
0x71: {  	_ =	shalt  }
0x72: {  	_ =	shalt  }
0x73: {  	_ =	shalt  }
0x74: {  	_ =	shalt  }
0x75: {  	_ =	shalt  }
0x76: {  	_ =	shalt  }
0x77: {  	_ =	shalt  }
0x78: {  	_ =	shalt  }
0x79: {  	_ =	shalt  }
0x7a: {  	_ =	shalt  }
0x7b: {  	_ =	shalt  }
0x7c: {  	_ =	shalt  }
0x7d: {  	_ =	shalt  }
0x7e: {  	_ =	shalt  }
0x7f: {  	_ =	shalt  }
0x80: {  	_ =	shalt  }
0x81: {  	_ =	shalt  }
0x82: {  	_ =	shalt  }
0x83: {  	_ =	shalt  }
0x84: {  	_ =	shalt  }
0x85: {  	_ =	shalt  }
0x86: {  	_ =	shalt  }
0x87: {  	_ =	shalt  }
.Lfunc_end0:
.L_simem_size_0:
called_computation_lowered:
.L_overlay_start_0:
0x88: {  	s2 =	sld [smem:$0x3FD9]  }
0x89: {  	s3 =	sld [smem:$0x3FFE];
	_ =	sdelay $0x1  }
0x8a: {  	s1 =	srdreg.scid  }
0x8b: {  	s0 =	sand.u32 $0x1, s1  }
0x8c: {  	s14 =	sshll.u32 s0, $0xA;
	s2 =	sadd.s32 s3, s2  }
0x8d: {  	s2 =	sadd.s32 s2, s14  }
0x8e: {  	[smem:$0x3FC2] =	sst s2  }
0x8f: {  	_ = 	snop  }
0x90: {  	s2 =	sld [smem:$0x3FD0];
	_ =	sdelay $0x2  }
0x91: {  	s15 =	simm.s32 $0xA;
	s4 =	simm.s32 $0x10  }
0x92: {  	[smem:s4], [sflag:s15] =	dma.local [hbm:s2], $0x1  }
0x93: {  	_ =	swait.eq [sflag:s15], $0x1  }
0x94: {  	[sflag:s15] =	ssyncset.done $0x0  }
0x95: {  	[sflag:s15] =	ssyncadd.s32 $0xFFFFFFFF  }
0x96: {  	s16 =	sld [smem:$0x10];
	(tm) =	ssettm $0x1  }
0x97: {  	s17 =	sld [smem:$0x3FFB];
	_ =	sdelay $0x3  }
0x98: {  	_ =	strace s17  }
0x99: {  	s3 =	sld [smem:$0x3FFC];
	_ =	sdelay $0x3  }
0x9a: {  	_ =	strace s3  }
0x9b: {  	s3 =	sld [smem:$0x3FFD];
	_ =	sdelay $0x3  }
0x9c: {  	_ =	strace s3  }
0x9d: {  	_ =	strace $0x8FFFFFFF  }
0x9e: {  	s18 =	sld [smem:$0x3FDB];
	_ =	sdelay $0x1  }
0x9f: {  	s19 =	simm.s32 $_scs_section_size  }
0xa0: {  	s5 =	simm.s32 $_size__tile_overlayer_lowered;
	s6 =	simm.s32 $_tile_overlayer_lowered  }
0xa1: {  	s22 =	simm.s32 $0x1BFF;
	s21 =	sshll.u32 s6, $0x1;
	s3 =	sadd.s32 s19, s18  }
0xa2: {  	s7 =	simm.s32 $0x0;
	s20 =	sshll.u32 s5, $0x1;
	s5 =	sadd.s32 s21, s3  }
0xa3: {  	[timem:s7], [sflag:s22] =	dma.local [hbm:s5], s20  }
0xa4: {  	_ =	swait.ge [sflag:s22], s20  }
0xa5: {  	s4 =	ssub.s32 $0x0, s20;
	[sflag:s22] =	ssyncset.done $0x0  }
0xa6: {  	[sflag:s22] =	ssyncadd.s32 s4;
	_ =	sdelay $0x1  }
0xa7: {  	s23 =	simm.s32 $0x1B8B  }
0xa8: {  	_ =	swait.ge [sflag:s23], $0x1  }
0xa9: {  	[sflag:s23] =	ssyncset.done $0x0  }
0xaa: {  	s25 =	simm.s32 $0x1B8E;
	s24 =	sld [smem:$0x3FFE];
	[sflag:s23] =	ssyncadd.s32 $0xFFFFFFFF  }
0xab: {  	s26 =	simm.s32 $execute0_lowered;
	[smem:$0x3FD2] =	sst s25  }
0xac: {  	s5 =	sshll.u32 s26, $0x1;
	_ =	strace $0x80000046;
	[dreg:$0x1] =	wrdreg $0xFFFFFFFF  }
0xad: {  	s28 =	simm.s32 $_size_execute0_lowered;
	s3 =	sadd.s32 s3, s5;
	[dreg:$0x0] =	wrdreg $0x0  }
0xae: {  	s5 =	sshll.u32 s28, $0x1;
	[dreg:$0x2] =	wrdreg s3  }
0xaf: {  	[dreg:$0x3] =	wrdreg s5  }
0xb0: {  	[dreg:$0x4] =	wrdreg $0xC0  }
0xb1: {  	_ =	task [dreg:s7], $0x5FFFF  }
0xb2: {  	[dreg:$0x1] =	wrdreg $0xFFFFFFFF  }
0xb3: {  	[dreg:$0x0] =	wrdreg $0x60  }
0xb4: {  	[dreg:$0x2] =	wrdreg s16  }
0xb5: {  	[dreg:$0x3] =	wrdreg s24  }
0xb6: {  	[dreg:$0x4] =	wrdreg $0x9  }
0xb7: {  	_ =	task.clear_ibuf [dreg:s7], $0x5FFFF;
	_ =	strace $0x90000046  }
0xb8: {  	s29 =	simm.s32 $0x9;
	_ =	strace $0x80000048  }
0xb9: {  	_ =	swait.ge [sflag:s29], $0x1  }
0xba: {  	[sflag:s29] =	ssyncadd.s32 $0xFFFFFFFF  }
0xbb: {  	_ =	strace $0x90000048  }
0xbc: {  	_ =	sfence  }
0xbd: {  	s30 =	sld [smem:$0x0];
	_ =	sdelay $0x2  }
0xbe: {  	s31 =	sshll.u32 s1, $0xD;
	s1 =	sshrl.u32 s1, $0x2  }
0xbf: {  	s3 =	sand.u32 $0x4000, s31;
	s1 =	sadd.s32 s1, s30  }
0xc0: {  	s0 =	sor.u32 s3, s0;
	s1 =	sshll.u32 s1, $0x11  }
0xc1: {  	s0 =	sor.u32 s1, s0  }
0xc2: {  	s0 =	sadd.s32 $0x8F2B, s0  }
0xc3: {  	[sflag:s0] =	ssyncadd.remote.s32 $0x1  }
0xc4: {  	_ =	sfence.sel $0xFFFF  }
0xc5: {  	[dreg:$0x0] =	wrdreg $0xFFFFFFFF;
	(pc) =	sbr.abs _section_cstart, $3  }
0xc6: {  	[dreg:$0x1] =	wrdreg $0xFFFFFFFF  }
0xc7: {  	_ =	task.clear_ibuf [dreg:s7], $0x2FFFF;
	_ =	strace $0x9FFFFFFF  }
0xc8: {  	(tm) =	ssettm $0x7FFFFFFF  }
0xc9: {  	_ =	shalt  }
tec
execute0_lowered:
.L_overlay_start_1:
0x0: {  	(tag) =	ssettag $0x1  }
0x1: {  	s1 =	stileid.u32  }
0x2: {  	p0 =	sgt.u32 s1, $0x3  }
.Ltmp0:
0x3: {  	_ = 	snop;
	(pc) =	sbr.rel @p0 .LBB2_67-.Ltmp0, $4  }
0x4: {  	s6 =	rddreg [dreg:$0x0]  }
0x5: {  	s4 =	rddreg [dreg:$0x1];
	s2 =	simm.s32 $0x0  }
0x6: {  	[smem:$0x7FF] =	sst s2  }
0x7: {  	s0 =	rddreg [dreg:$0x2];
	_ =	strace $0x80000047  }
0x8: {  	v0 =	vimm.s32 $0xFEDCBA98;
	v1 =	vimm.s32 $0x76543210;
	v3 =	vimm.s32 $0x32107654  }
0x9: {  	v4 =	vimm.s32 $0xDCFE98BA;
	v5 =	vimm.s32 $0x54761032;
	v6 =	vimm.s32 $0xEFCDAB89  }
0xa: {  	v7 =	vimm.s32 $0x67452301;
	v10 =	vimm.s32 $0x4;
	v11 =	vimm.s32 $0x5  }
0xb: {  	v12 =	vimm.s32 $0x6;
	v13 =	vimm.s32 $0x7;
	v14 =	vimm.s32 $0x8  }
0xc: {  	v15 =	vimm.s32 $0x9;
	v16 =	vimm.s32 $0xA;
	v17 =	vimm.s32 $0xB  }
0xd: {  	v18 =	vimm.s32 $0xC;
	v19 =	vimm.s32 $0xD;
	v20 =	vimm.s32 $0xE  }
0xe: {  	v21 =	vimm.s32 $0xF;
	vm7 =	vmmov $0x1fff;
	v0 =	vunpack.c.l.s4.s8 v0  }
0xf: {  	v1 =	vunpack.c.l.s4.s8 v1;
	v3 =	vunpack.c.l.s4.s8 v3;
	v4 =	vunpack.c.l.s4.s8 v4  }
0x10: {  	s3 =	srdreg.scid;
	v5 =	vunpack.c.l.s4.s8 v5;
	v6 =	vunpack.c.l.s4.s8 v6;
	v7 =	vunpack.c.l.s4.s8 v7  }
0x11: {  	s29 =	sshll.u32 s1, $0x1;
	s11 =	simm.s32 $0x410;
	s5 =	sand.u32 $0x1, s3;
	v2 =	vunpack.c.0.s8.s32 v0;
	v0 =	vimm.s32 $0xBA98FEDC;
	v3 =	vunpack.c.0.s8.s32 v3  }
0x12: {  	s12 =	simm.s32 $0x1;
	s13 =	simm.s32 $0x610;
	s7 =	sor.u32 s5, s29;
	v4 =	vunpack.c.0.s8.s32 v4;
	v5 =	vunpack.c.0.s8.s32 v5;
	v0 =	vunpack.c.l.s4.s8 v0  }
0x13: {  	s14 =	simm.s32 $0x0;
	s10 =	ssub.s32 $0x2, s5;
	s3 =	sshll.u32 s7, $0xA;
	v6 =	vunpack.c.0.s8.s32 v6;
	v7 =	vunpack.c.0.s8.s32 v7;
	v9 =	vunpack.c.0.s8.s32 v1  }
0x14: {  	s8 =	sshll.u32 s7, $0x6;
	v1 =	vlaneseq.u32;
	s9 =	sshll.u32 s7, $0xB;
	s31 =	sshrl.u32 s10, $0x1;
	v2 =	vand.u32 $0xF, v2;
	v8 =	vunpack.c.0.s8.s32 v0  }
0x15: {  	s7 =	sshll.u32 s7, $0x7;
	s8 =	sadd.s32 s8, s4;
	s30 =	sadd.s32 s9, s4;
	v4 =	vcombine.low v5, v4;
	v5 =	vcombine.low v7, v6;
	v6 =	vimm.s32 $0x0  }
0x16: {  	s6 =	sadd.s32 s6, s7;
	s9 =	simm.s32 $0x10;
	v7 =	vimm.s32 $0x1;
	s5 =	sadd.s32 $0x9200, s30;
	v0 =	vmov s3;
	v3 =	vcombine.low v3, v8  }
0x17: {  	s3 =	sadd.s32 $0x1200, s4;
	v2 =	vcombine.low v2, v9;
	s4 =	sadd.s32 $0xD200, s8;
	v9 =	vimm.s32 $0x3;
	s8 =	ssub.s32 s10, s31;
	v4 =	vand.u32 $0xF, v4  }
0x18: {  	s10 =	simm.s32 $0x400;
	v5 =	vand.u32 $0xF, v5;
	s7 =	smax.u32 s8, $0x1;
	s8 =	simm.s32 $0x2;
	v8 =	vimm.s32 $0x2;
	v3 =	vand.u32 $0xF, v3  }
.LBB2_2:
0x19: {  	s15 =	simm.s32 $0x0  }
0x1a: {  	[tilespmem:s15], [sflag:$0x2] =	stream.linear.gather [hbm4b:s6+s15], $0x400, $0x38;
	[tilespmem:$0x4610] =	vst v63  }
0x1b: {  	_ =	swait.ge [sflag:s8], $0x400  }
0x1c: {  	[sflag:s8] =	ssyncset.done $0x0  }
0x1d: {  	[sflag:s8] =	ssyncadd.s32 $0xFFFFFC00  }
0x1e: {  	v25 =	vld [tilespmem:s15+$0x0];
	_ =	sdelay $0x3  }
0x1f: {  	v22 =	vimm.f32 $-1.000000000e+00;
	v23 =	vimm.s32 $0x40000000;
	v24 =	vor.u32 s15, v1  }
0x20: {  	s16 =	simm.s32 $0x10;
	vm1 =	vlt.s32 v24, v23;
	s15 =	simm.s32 $0x10;
	vm0 =	veq.f32 v25, v22  }
.LBB2_3:
0x21: {  	v26 =	vld [tilespmem:s16+$0x0];
	p0 =	sne.s32 s15, $0x3F0;
	vm2 =	vgt.f32 v25, v22;
	vm0 =	vmand vm1, vm0;
	s17 =	smov.u32 s15;
	s15 =	sadd.s32 $0x10, s15  }
.Ltmp1:
0x22: {  	vm0 =	vmor vm2, vm0;
	(pc) =	sbr.rel @p0 .LBB2_3-.Ltmp1, $3  }
0x23: {  	v22 =	vsel vm0, v25, v22;
	v23 =	vsel vm0, v24, v23;
	_ =	sdelay $0x1  }
0x24: {  	v24 =	vor.u32 s17, v1  }
0x25: {  	s16 =	sadd.s32 $0x10, s16;
	vm1 =	vlt.s32 v24, v23;
	vm0 =	veq.f32 v26, v22;
	v25 =	vmov v26  }
0x26: {  	vm2 =	vgt.f32 v25, v22;
	vm0 =	vmand vm1, vm0  }
0x27: {  	vm0 =	vmor vm2, vm0  }
0x28: {  	v22 =	vsel vm0, v25, v22;
	v23 =	vsel vm0, v24, v23  }
0x29: {  	v24 =	vperm.xlane v22, v2;
	v25 =	vperm.xlane v23, v2;
	_ =	sdelay $0x1  }
0x2a: {  	vm0 =	veq.f32 v24, v22;
	vm1 =	vlt.s32 v25, v23  }
0x2b: {  	vm2 =	vgt.f32 v24, v22;
	vm0 =	vmand vm0, vm1  }
0x2c: {  	vm0 =	vmor vm2, vm0  }
0x2d: {  	v22 =	vsel vm0, v24, v22;
	v23 =	vsel vm0, v25, v23  }
0x2e: {  	v24 =	vperm.xlane v22, v3;
	v25 =	vperm.xlane v23, v3;
	_ =	sdelay $0x1  }
0x2f: {  	vm0 =	veq.f32 v24, v22;
	vm1 =	vlt.s32 v25, v23  }
0x30: {  	vm2 =	vgt.f32 v24, v22;
	vm0 =	vmand vm0, vm1  }
0x31: {  	vm0 =	vmor vm2, vm0  }
0x32: {  	v22 =	vsel vm0, v24, v22;
	v23 =	vsel vm0, v25, v23  }
0x33: {  	v24 =	vperm.xlane v22, v4;
	v25 =	vperm.xlane v23, v4;
	_ =	sdelay $0x1  }
0x34: {  	vm0 =	veq.f32 v24, v22;
	vm1 =	vlt.s32 v25, v23  }
0x35: {  	vm2 =	vgt.f32 v24, v22;
	vm0 =	vmand vm0, vm1  }
0x36: {  	vm0 =	vmor vm2, vm0  }
0x37: {  	v22 =	vsel vm0, v24, v22;
	v23 =	vsel vm0, v25, v23  }
0x38: {  	s15 =	simm.s32 $0x0;
	v24 =	vperm.xlane v22, v5;
	v26 =	vperm.xlane v23, v5  }
0x39: {  	v25 =	vld [tilespmem:s15+$0x0]  }
0x3a: {  	vm0 =	veq.f32 v24, v22;
	vm1 =	vlt.s32 v26, v23  }
0x3b: {  	vm2 =	vgt.f32 v24, v22;
	vm0 =	vmand vm0, vm1  }
0x3c: {  	v27 =	vimm.s32 $0x40000000;
	vm0 =	vmor vm2, vm0  }
0x3d: {  	v22 =	vsel vm0, v24, v22;
	v23 =	vsel vm0, v26, v23;
	v26 =	vor.u32 s15, v1  }
0x3e: {  	s16 =	simm.s32 $0x10;
	v24 =	vimm.f32 $-1.000000000e+00;
	s15 =	simm.s32 $0x10;
	vm0 =	vlt.f32 v25, v22;
	vm1 =	vgt.s32 v26, v23  }
.LBB2_5:
0x3f: {  	v28 =	vld [tilespmem:s16+$0x0];
	vm2 =	veq.f32 v25, v22;
	vm3 =	veq.f32 v25, v24;
	vm4 =	vlt.s32 v26, v27;
	s17 =	smov.u32 s15;
	p0 =	sne.s32 s15, $0x3F0  }
.Ltmp2:
0x40: {  	s15 =	sadd.s32 $0x10, s15;
	vm1 =	vmand vm1, vm2;
	vm2 =	vgt.f32 v25, v24;
	vm3 =	vmand vm4, vm3;
	(pc) =	sbr.rel @p0 .LBB2_5-.Ltmp2, $4  }
0x41: {  	vm0 =	vmor vm0, vm1;
	vm1 =	vmor vm2, vm3  }
0x42: {  	vm0 =	vmand vm0, vm1  }
0x43: {  	v24 =	vsel vm0, v25, v24;
	v27 =	vsel vm0, v26, v27;
	v26 =	vor.u32 s17, v1  }
0x44: {  	s16 =	sadd.s32 $0x10, s16;
	vm0 =	vlt.f32 v28, v22;
	vm1 =	vgt.s32 v26, v23;
	v25 =	vmov v28  }
0x45: {  	vm2 =	veq.f32 v25, v22;
	vm3 =	veq.f32 v25, v24;
	vm4 =	vlt.s32 v26, v27  }
0x46: {  	vm1 =	vmand vm1, vm2;
	vm2 =	vgt.f32 v25, v24;
	vm3 =	vmand vm4, vm3  }
0x47: {  	vm0 =	vmor vm0, vm1;
	vm1 =	vmor vm2, vm3  }
0x48: {  	vm0 =	vmand vm0, vm1  }
0x49: {  	v24 =	vsel vm0, v25, v24;
	v25 =	vsel vm0, v26, v27  }
0x4a: {  	v26 =	vperm.xlane v24, v2;
	v27 =	vperm.xlane v25, v2;
	_ =	sdelay $0x1  }
0x4b: {  	vm0 =	veq.f32 v26, v24;
	vm1 =	vlt.s32 v27, v25  }
0x4c: {  	vm2 =	vgt.f32 v26, v24;
	vm0 =	vmand vm0, vm1  }
0x4d: {  	vm0 =	vmor vm2, vm0  }
0x4e: {  	v24 =	vsel vm0, v26, v24;
	v25 =	vsel vm0, v27, v25  }
0x4f: {  	v26 =	vperm.xlane v24, v3;
	v27 =	vperm.xlane v25, v3;
	_ =	sdelay $0x1  }
0x50: {  	vm0 =	veq.f32 v26, v24;
	vm1 =	vlt.s32 v27, v25  }
0x51: {  	vm2 =	vgt.f32 v26, v24;
	vm0 =	vmand vm0, vm1  }
0x52: {  	vm0 =	vmor vm2, vm0  }
0x53: {  	v24 =	vsel vm0, v26, v24;
	v25 =	vsel vm0, v27, v25  }
0x54: {  	v26 =	vperm.xlane v24, v4;
	v27 =	vperm.xlane v25, v4;
	_ =	sdelay $0x1  }
0x55: {  	vm0 =	veq.f32 v26, v24;
	vm1 =	vlt.s32 v27, v25  }
0x56: {  	vm2 =	vgt.f32 v26, v24;
	vm0 =	vmand vm0, vm1  }
0x57: {  	vm0 =	vmor vm2, vm0  }
0x58: {  	v24 =	vsel vm0, v26, v24;
	v25 =	vsel vm0, v27, v25  }
0x59: {  	s15 =	simm.s32 $0x0;
	v26 =	vperm.xlane v24, v5;
	v28 =	vperm.xlane v25, v5  }
0x5a: {  	v27 =	vld [tilespmem:s15+$0x0]  }
0x5b: {  	vm0 =	veq.f32 v26, v24;
	vm1 =	vlt.s32 v28, v25  }
0x5c: {  	vm2 =	vgt.f32 v26, v24;
	vm0 =	vmand vm0, vm1  }
0x5d: {  	v29 =	vimm.s32 $0x40000000;
	vm0 =	vmor vm2, vm0  }
0x5e: {  	v24 =	vsel vm0, v26, v24;
	v25 =	vsel vm0, v28, v25;
	v28 =	vor.u32 s15, v1  }
0x5f: {  	s16 =	simm.s32 $0x10;
	v26 =	vimm.f32 $-1.000000000e+00;
	s15 =	simm.s32 $0x10;
	vm0 =	vlt.f32 v27, v24;
	vm1 =	vgt.s32 v28, v25  }
.LBB2_7:
0x60: {  	v30 =	vld [tilespmem:s16+$0x0];
	vm2 =	veq.f32 v27, v24;
	vm3 =	veq.f32 v27, v26;
	vm4 =	vlt.s32 v28, v29;
	s17 =	smov.u32 s15;
	p0 =	sne.s32 s15, $0x3F0  }
.Ltmp3:
0x61: {  	s15 =	sadd.s32 $0x10, s15;
	vm1 =	vmand vm1, vm2;
	vm2 =	vgt.f32 v27, v26;
	vm3 =	vmand vm4, vm3;
	(pc) =	sbr.rel @p0 .LBB2_7-.Ltmp3, $4  }
0x62: {  	vm0 =	vmor vm0, vm1;
	vm1 =	vmor vm2, vm3  }
0x63: {  	vm0 =	vmand vm0, vm1  }
0x64: {  	v26 =	vsel vm0, v27, v26;
	v29 =	vsel vm0, v28, v29;
	v28 =	vor.u32 s17, v1  }
0x65: {  	s16 =	sadd.s32 $0x10, s16;
	vm0 =	vlt.f32 v30, v24;
	vm1 =	vgt.s32 v28, v25;
	v27 =	vmov v30  }
0x66: {  	vm2 =	veq.f32 v27, v24;
	vm3 =	veq.f32 v27, v26;
	vm4 =	vlt.s32 v28, v29  }
0x67: {  	vm1 =	vmand vm1, vm2;
	vm2 =	vgt.f32 v27, v26;
	vm3 =	vmand vm4, vm3  }
0x68: {  	vm0 =	vmor vm0, vm1;
	vm1 =	vmor vm2, vm3  }
0x69: {  	vm0 =	vmand vm0, vm1  }
0x6a: {  	v26 =	vsel vm0, v27, v26;
	v27 =	vsel vm0, v28, v29  }
0x6b: {  	v28 =	vperm.xlane v26, v2;
	v29 =	vperm.xlane v27, v2;
	_ =	sdelay $0x1  }
0x6c: {  	vm0 =	veq.f32 v28, v26;
	vm1 =	vlt.s32 v29, v27  }
0x6d: {  	vm2 =	vgt.f32 v28, v26;
	vm0 =	vmand vm0, vm1  }
0x6e: {  	vm0 =	vmor vm2, vm0  }
0x6f: {  	v26 =	vsel vm0, v28, v26;
	v27 =	vsel vm0, v29, v27  }
0x70: {  	v28 =	vperm.xlane v26, v3;
	v29 =	vperm.xlane v27, v3;
	_ =	sdelay $0x1  }
0x71: {  	vm0 =	veq.f32 v28, v26;
	vm1 =	vlt.s32 v29, v27  }
0x72: {  	vm2 =	vgt.f32 v28, v26;
	vm0 =	vmand vm0, vm1  }
0x73: {  	vm0 =	vmor vm2, vm0  }
0x74: {  	v26 =	vsel vm0, v28, v26;
	v27 =	vsel vm0, v29, v27  }
0x75: {  	v28 =	vperm.xlane v26, v4;
	v29 =	vperm.xlane v27, v4;
	_ =	sdelay $0x1  }
0x76: {  	vm0 =	veq.f32 v28, v26;
	vm1 =	vlt.s32 v29, v27  }
0x77: {  	vm2 =	vgt.f32 v28, v26;
	vm0 =	vmand vm0, vm1  }
0x78: {  	vm0 =	vmor vm2, vm0  }
0x79: {  	v26 =	vsel vm0, v28, v26;
	v28 =	vsel vm0, v29, v27  }
0x7a: {  	s15 =	simm.s32 $0x0;
	v27 =	vperm.xlane v26, v5;
	v30 =	vperm.xlane v28, v5  }
0x7b: {  	v29 =	vld [tilespmem:s15+$0x0]  }
0x7c: {  	vm0 =	veq.f32 v27, v26;
	vm1 =	vlt.s32 v30, v28  }
0x7d: {  	vm2 =	vgt.f32 v27, v26;
	vm0 =	vmand vm0, vm1  }
0x7e: {  	v31 =	vimm.s32 $0x40000000;
	vm0 =	vmor vm2, vm0  }
0x7f: {  	v27 =	vsel vm0, v27, v26;
	v26 =	vsel vm0, v30, v28;
	v30 =	vor.u32 s15, v1  }
0x80: {  	s16 =	simm.s32 $0x10;
	v28 =	vimm.f32 $-1.000000000e+00;
	s15 =	simm.s32 $0x10;
	vm0 =	vlt.f32 v29, v27;
	vm1 =	vgt.s32 v30, v26  }
.LBB2_9:
0x81: {  	v32 =	vld [tilespmem:s16+$0x0];
	vm2 =	veq.f32 v29, v27;
	vm3 =	veq.f32 v29, v28;
	vm4 =	vlt.s32 v30, v31;
	s17 =	smov.u32 s15;
	p0 =	sne.s32 s15, $0x3F0  }
.Ltmp4:
0x82: {  	s15 =	sadd.s32 $0x10, s15;
	vm1 =	vmand vm1, vm2;
	vm2 =	vgt.f32 v29, v28;
	vm3 =	vmand vm4, vm3;
	(pc) =	sbr.rel @p0 .LBB2_9-.Ltmp4, $4  }
0x83: {  	vm0 =	vmor vm0, vm1;
	vm1 =	vmor vm2, vm3  }
0x84: {  	vm0 =	vmand vm0, vm1  }
0x85: {  	v28 =	vsel vm0, v29, v28;
	v31 =	vsel vm0, v30, v31;
	v30 =	vor.u32 s17, v1  }
0x86: {  	s16 =	sadd.s32 $0x10, s16;
	vm0 =	vlt.f32 v32, v27;
	vm1 =	vgt.s32 v30, v26;
	v29 =	vmov v32  }
0x87: {  	vm2 =	veq.f32 v29, v27;
	vm3 =	veq.f32 v29, v28;
	vm4 =	vlt.s32 v30, v31  }
0x88: {  	vm1 =	vmand vm1, vm2;
	vm2 =	vgt.f32 v29, v28;
	vm3 =	vmand vm4, vm3  }
0x89: {  	vm0 =	vmor vm0, vm1;
	vm1 =	vmor vm2, vm3  }
0x8a: {  	vm0 =	vmand vm0, vm1  }
0x8b: {  	v28 =	vsel vm0, v29, v28;
	v29 =	vsel vm0, v30, v31  }
0x8c: {  	v30 =	vperm.xlane v28, v2;
	v31 =	vperm.xlane v29, v2;
	_ =	sdelay $0x1  }
0x8d: {  	vm0 =	veq.f32 v30, v28;
	vm1 =	vlt.s32 v31, v29  }
0x8e: {  	vm2 =	vgt.f32 v30, v28;
	vm0 =	vmand vm0, vm1  }
0x8f: {  	vm0 =	vmor vm2, vm0  }
0x90: {  	v28 =	vsel vm0, v30, v28;
	v29 =	vsel vm0, v31, v29  }
0x91: {  	v30 =	vperm.xlane v28, v3;
	v31 =	vperm.xlane v29, v3;
	_ =	sdelay $0x1  }
0x92: {  	vm0 =	veq.f32 v30, v28;
	vm1 =	vlt.s32 v31, v29  }
0x93: {  	vm2 =	vgt.f32 v30, v28;
	vm0 =	vmand vm0, vm1  }
0x94: {  	vm0 =	vmor vm2, vm0  }
0x95: {  	v28 =	vsel vm0, v30, v28;
	v29 =	vsel vm0, v31, v29  }
0x96: {  	v30 =	vperm.xlane v28, v4;
	v31 =	vperm.xlane v29, v4;
	_ =	sdelay $0x1  }
0x97: {  	vm0 =	veq.f32 v30, v28;
	vm1 =	vlt.s32 v31, v29  }
0x98: {  	vm2 =	vgt.f32 v30, v28;
	vm0 =	vmand vm0, vm1  }
0x99: {  	vm0 =	vmor vm2, vm0  }
0x9a: {  	v28 =	vsel vm0, v30, v28;
	v30 =	vsel vm0, v31, v29  }
0x9b: {  	s15 =	simm.s32 $0x0;
	v29 =	vperm.xlane v28, v5;
	v32 =	vperm.xlane v30, v5  }
0x9c: {  	v31 =	vld [tilespmem:s15+$0x0]  }
0x9d: {  	vm0 =	veq.f32 v29, v28;
	vm1 =	vlt.s32 v32, v30  }
0x9e: {  	vm2 =	vgt.f32 v29, v28;
	vm0 =	vmand vm0, vm1  }
0x9f: {  	v33 =	vimm.s32 $0x40000000;
	vm0 =	vmor vm2, vm0  }
0xa0: {  	v29 =	vsel vm0, v29, v28;
	v28 =	vsel vm0, v32, v30;
	v32 =	vor.u32 s15, v1  }
0xa1: {  	s16 =	simm.s32 $0x10;
	v30 =	vimm.f32 $-1.000000000e+00;
	s15 =	simm.s32 $0x10;
	vm0 =	vlt.f32 v31, v29;
	vm1 =	vgt.s32 v32, v28  }
.LBB2_11:
0xa2: {  	v34 =	vld [tilespmem:s16+$0x0];
	vm2 =	veq.f32 v31, v29;
	vm3 =	veq.f32 v31, v30;
	vm4 =	vlt.s32 v32, v33;
	s17 =	smov.u32 s15;
	p0 =	sne.s32 s15, $0x3F0  }
.Ltmp5:
0xa3: {  	s15 =	sadd.s32 $0x10, s15;
	vm1 =	vmand vm1, vm2;
	vm2 =	vgt.f32 v31, v30;
	vm3 =	vmand vm4, vm3;
	(pc) =	sbr.rel @p0 .LBB2_11-.Ltmp5, $4  }
0xa4: {  	vm0 =	vmor vm0, vm1;
	vm1 =	vmor vm2, vm3  }
0xa5: {  	vm0 =	vmand vm0, vm1  }
0xa6: {  	v30 =	vsel vm0, v31, v30;
	v33 =	vsel vm0, v32, v33;
	v32 =	vor.u32 s17, v1  }
0xa7: {  	s16 =	sadd.s32 $0x10, s16;
	vm0 =	vlt.f32 v34, v29;
	vm1 =	vgt.s32 v32, v28;
	v31 =	vmov v34  }
0xa8: {  	vm2 =	veq.f32 v31, v29;
	vm3 =	veq.f32 v31, v30;
	vm4 =	vlt.s32 v32, v33  }
0xa9: {  	vm1 =	vmand vm1, vm2;
	vm2 =	vgt.f32 v31, v30;
	vm3 =	vmand vm4, vm3  }
0xaa: {  	vm0 =	vmor vm0, vm1;
	vm1 =	vmor vm2, vm3  }
0xab: {  	vm0 =	vmand vm0, vm1  }
0xac: {  	v30 =	vsel vm0, v31, v30;
	v31 =	vsel vm0, v32, v33  }
0xad: {  	v63 =	vperm.xlane v30, v2;
	v33 =	vperm.xlane v31, v2;
	_ =	sdelay $0x1  }
0xae: {  	vm0 =	veq.f32 v63, v30;
	vm1 =	vlt.s32 v33, v31  }
0xaf: {  	vm2 =	vgt.f32 v63, v30;
	vm0 =	vmand vm0, vm1  }
0xb0: {  	vm0 =	vmor vm2, vm0  }
0xb1: {  	v30 =	vsel vm0, v63, v30;
	v31 =	vsel vm0, v33, v31  }
0xb2: {  	v32 =	vperm.xlane v30, v3;
	v33 =	vperm.xlane v31, v3;
	_ =	sdelay $0x1  }
0xb3: {  	vm0 =	veq.f32 v32, v30;
	vm1 =	vlt.s32 v33, v31  }
0xb4: {  	vm2 =	vgt.f32 v32, v30;
	vm0 =	vmand vm0, vm1  }
0xb5: {  	vm0 =	vmor vm2, vm0  }
0xb6: {  	v30 =	vsel vm0, v32, v30;
	v31 =	vsel vm0, v33, v31  }
0xb7: {  	v32 =	vperm.xlane v30, v4;
	v33 =	vperm.xlane v31, v4;
	_ =	sdelay $0x1  }
0xb8: {  	vm0 =	veq.f32 v32, v30;
	vm1 =	vlt.s32 v33, v31  }
0xb9: {  	vm2 =	vgt.f32 v32, v30;
	vm0 =	vmand vm0, vm1  }
0xba: {  	vm0 =	vmor vm2, vm0  }
0xbb: {  	v30 =	vsel vm0, v32, v30;
	v31 =	vsel vm0, v33, v31  }
0xbc: {  	s15 =	simm.s32 $0x0;
	v32 =	vperm.xlane v30, v5;
	v34 =	vperm.xlane v31, v5  }
0xbd: {  	v33 =	vld [tilespmem:s15+$0x0]  }
0xbe: {  	vm0 =	veq.f32 v32, v30;
	vm1 =	vlt.s32 v34, v31  }
0xbf: {  	vm2 =	vgt.f32 v32, v30;
	vm0 =	vmand vm0, vm1  }
0xc0: {  	v35 =	vimm.s32 $0x40000000;
	vm0 =	vmor vm2, vm0  }
0xc1: {  	v30 =	vsel vm0, v32, v30;
	v31 =	vsel vm0, v34, v31;
	v34 =	vor.u32 s15, v1  }
0xc2: {  	s16 =	simm.s32 $0x10;
	v32 =	vimm.f32 $-1.000000000e+00;
	s15 =	simm.s32 $0x10;
	vm0 =	vlt.f32 v33, v30;
	vm1 =	vgt.s32 v34, v31  }
.LBB2_13:
0xc3: {  	v36 =	vld [tilespmem:s16+$0x0];
	vm2 =	veq.f32 v33, v30;
	vm3 =	veq.f32 v33, v32;
	vm4 =	vlt.s32 v34, v35;
	s17 =	smov.u32 s15;
	p0 =	sne.s32 s15, $0x3F0  }
.Ltmp6:
0xc4: {  	s15 =	sadd.s32 $0x10, s15;
	vm1 =	vmand vm1, vm2;
	vm2 =	vgt.f32 v33, v32;
	vm3 =	vmand vm4, vm3;
	(pc) =	sbr.rel @p0 .LBB2_13-.Ltmp6, $4  }
0xc5: {  	vm0 =	vmor vm0, vm1;
	vm1 =	vmor vm2, vm3  }
0xc6: {  	vm0 =	vmand vm0, vm1  }
0xc7: {  	v32 =	vsel vm0, v33, v32;
	v35 =	vsel vm0, v34, v35;
	v34 =	vor.u32 s17, v1  }
0xc8: {  	s16 =	sadd.s32 $0x10, s16;
	vm0 =	vlt.f32 v36, v30;
	vm1 =	vgt.s32 v34, v31;
	v33 =	vmov v36  }
0xc9: {  	vm2 =	veq.f32 v33, v30;
	vm3 =	veq.f32 v33, v32;
	vm4 =	vlt.s32 v34, v35  }
0xca: {  	vm1 =	vmand vm1, vm2;
	vm2 =	vgt.f32 v33, v32;
	vm3 =	vmand vm4, vm3  }
0xcb: {  	vm0 =	vmor vm0, vm1;
	vm1 =	vmor vm2, vm3  }
0xcc: {  	vm0 =	vmand vm0, vm1  }
0xcd: {  	v59 =	vsel vm0, v33, v32;
	v60 =	vsel vm0, v34, v35  }
0xce: {  	v61 =	vperm.xlane v59, v2;
	v35 =	vperm.xlane v60, v2;
	_ =	sdelay $0x1  }
0xcf: {  	vm0 =	veq.f32 v61, v59;
	vm1 =	vlt.s32 v35, v60  }
0xd0: {  	vm2 =	vgt.f32 v61, v59;
	vm0 =	vmand vm0, vm1  }
0xd1: {  	vm0 =	vmor vm2, vm0  }
0xd2: {  	v32 =	vsel vm0, v61, v59;
	v33 =	vsel vm0, v35, v60  }
0xd3: {  	v34 =	vperm.xlane v32, v3;
	v35 =	vperm.xlane v33, v3;
	_ =	sdelay $0x1  }
0xd4: {  	vm0 =	veq.f32 v34, v32;
	vm1 =	vlt.s32 v35, v33  }
0xd5: {  	vm2 =	vgt.f32 v34, v32;
	vm0 =	vmand vm0, vm1  }
0xd6: {  	vm0 =	vmor vm2, vm0  }
0xd7: {  	v32 =	vsel vm0, v34, v32;
	v33 =	vsel vm0, v35, v33  }
0xd8: {  	v34 =	vperm.xlane v32, v4;
	v35 =	vperm.xlane v33, v4;
	_ =	sdelay $0x1  }
0xd9: {  	vm0 =	veq.f32 v34, v32;
	vm1 =	vlt.s32 v35, v33  }
0xda: {  	vm2 =	vgt.f32 v34, v32;
	vm0 =	vmand vm0, vm1  }
0xdb: {  	vm0 =	vmor vm2, vm0  }
0xdc: {  	v32 =	vsel vm0, v34, v32;
	v62 =	vsel vm0, v35, v33  }
0xdd: {  	s15 =	simm.s32 $0x0;
	v63 =	vperm.xlane v32, v5;
	v36 =	vperm.xlane v62, v5  }
0xde: {  	v35 =	vld [tilespmem:s15+$0x0]  }
0xdf: {  	vm0 =	veq.f32 v63, v32;
	vm1 =	vlt.s32 v36, v62  }
0xe0: {  	vm2 =	vgt.f32 v63, v32;
	vm0 =	vmand vm0, vm1  }
0xe1: {  	v37 =	vimm.s32 $0x40000000;
	vm0 =	vmor vm2, vm0  }
0xe2: {  	v33 =	vsel vm0, v63, v32;
	v32 =	vsel vm0, v36, v62;
	v36 =	vor.u32 s15, v1  }
0xe3: {  	s16 =	simm.s32 $0x10;
	v34 =	vimm.f32 $-1.000000000e+00;
	s15 =	simm.s32 $0x10;
	vm0 =	vlt.f32 v35, v33;
	vm1 =	vgt.s32 v36, v32  }
.LBB2_15:
0xe4: {  	v38 =	vld [tilespmem:s16+$0x0];
	vm2 =	veq.f32 v35, v33;
	vm3 =	veq.f32 v35, v34;
	vm4 =	vlt.s32 v36, v37;
	s17 =	smov.u32 s15;
	p0 =	sne.s32 s15, $0x3F0  }
.Ltmp7:
0xe5: {  	s15 =	sadd.s32 $0x10, s15;
	vm1 =	vmand vm1, vm2;
	vm2 =	vgt.f32 v35, v34;
	vm3 =	vmand vm4, vm3;
	(pc) =	sbr.rel @p0 .LBB2_15-.Ltmp7, $4  }
0xe6: {  	vm0 =	vmor vm0, vm1;
	vm1 =	vmor vm2, vm3  }
0xe7: {  	vm0 =	vmand vm0, vm1  }
0xe8: {  	v34 =	vsel vm0, v35, v34;
	v37 =	vsel vm0, v36, v37;
	v36 =	vor.u32 s17, v1  }
0xe9: {  	s16 =	sadd.s32 $0x10, s16;
	vm0 =	vlt.f32 v38, v33;
	vm1 =	vgt.s32 v36, v32;
	v35 =	vmov v38  }
0xea: {  	vm2 =	veq.f32 v35, v33;
	vm3 =	veq.f32 v35, v34;
	vm4 =	vlt.s32 v36, v37  }
0xeb: {  	vm1 =	vmand vm1, vm2;
	vm2 =	vgt.f32 v35, v34;
	vm3 =	vmand vm4, vm3  }
0xec: {  	vm0 =	vmor vm0, vm1;
	vm1 =	vmor vm2, vm3  }
0xed: {  	vm0 =	vmand vm0, vm1  }
0xee: {  	v61 =	vsel vm0, v35, v34;
	v62 =	vsel vm0, v36, v37  }
0xef: {  	v63 =	vperm.xlane v61, v2;
	v37 =	vperm.xlane v62, v2;
	_ =	sdelay $0x1  }
0xf0: {  	vm0 =	veq.f32 v63, v61;
	vm1 =	vlt.s32 v37, v62  }
0xf1: {  	vm2 =	vgt.f32 v63, v61;
	vm0 =	vmand vm0, vm1  }
0xf2: {  	vm0 =	vmor vm2, vm0  }
0xf3: {  	v34 =	vsel vm0, v63, v61;
	v35 =	vsel vm0, v37, v62  }
0xf4: {  	v36 =	vperm.xlane v34, v3;
	v37 =	vperm.xlane v35, v3;
	_ =	sdelay $0x1  }
0xf5: {  	vm0 =	veq.f32 v36, v34;
	vm1 =	vlt.s32 v37, v35  }
0xf6: {  	vm2 =	vgt.f32 v36, v34;
	vm0 =	vmand vm0, vm1  }
0xf7: {  	vm0 =	vmor vm2, vm0  }
0xf8: {  	v34 =	vsel vm0, v36, v34;
	v35 =	vsel vm0, v37, v35  }
0xf9: {  	v36 =	vperm.xlane v34, v4;
	v37 =	vperm.xlane v35, v4;
	_ =	sdelay $0x1  }
0xfa: {  	vm0 =	veq.f32 v36, v34;
	vm1 =	vlt.s32 v37, v35  }
0xfb: {  	vm2 =	vgt.f32 v36, v34;
	vm0 =	vmand vm0, vm1  }
0xfc: {  	vm0 =	vmor vm2, vm0  }
0xfd: {  	v34 =	vsel vm0, v36, v34;
	v35 =	vsel vm0, v37, v35  }
0xfe: {  	s15 =	simm.s32 $0x0;
	v36 =	vperm.xlane v34, v5;
	v38 =	vperm.xlane v35, v5  }
0xff: {  	v37 =	vld [tilespmem:s15+$0x0]  }
0x100: {  	vm0 =	veq.f32 v36, v34;
	vm1 =	vlt.s32 v38, v35  }
0x101: {  	vm2 =	vgt.f32 v36, v34;
	vm0 =	vmand vm0, vm1  }
0x102: {  	v39 =	vimm.s32 $0x40000000;
	vm0 =	vmor vm2, vm0  }
0x103: {  	v34 =	vsel vm0, v36, v34;
	v35 =	vsel vm0, v38, v35;
	v38 =	vor.u32 s15, v1  }
0x104: {  	s16 =	simm.s32 $0x10;
	v36 =	vimm.f32 $-1.000000000e+00;
	s15 =	simm.s32 $0x10;
	vm0 =	vlt.f32 v37, v34;
	vm1 =	vgt.s32 v38, v35  }
.LBB2_17:
0x105: {  	v40 =	vld [tilespmem:s16+$0x0];
	vm2 =	veq.f32 v37, v34;
	vm3 =	veq.f32 v37, v36;
	vm4 =	vlt.s32 v38, v39;
	s17 =	smov.u32 s15;
	p0 =	sne.s32 s15, $0x3F0  }
.Ltmp8:
0x106: {  	s15 =	sadd.s32 $0x10, s15;
	vm1 =	vmand vm1, vm2;
	vm2 =	vgt.f32 v37, v36;
	vm3 =	vmand vm4, vm3;
	(pc) =	sbr.rel @p0 .LBB2_17-.Ltmp8, $4  }
0x107: {  	vm0 =	vmor vm0, vm1;
	vm1 =	vmor vm2, vm3  }
0x108: {  	vm0 =	vmand vm0, vm1  }
0x109: {  	v36 =	vsel vm0, v37, v36;
	v39 =	vsel vm0, v38, v39;
	v38 =	vor.u32 s17, v1  }
0x10a: {  	s16 =	sadd.s32 $0x10, s16;
	vm0 =	vlt.f32 v40, v34;
	vm1 =	vgt.s32 v38, v35;
	v37 =	vmov v40  }
0x10b: {  	vm2 =	veq.f32 v37, v34;
	vm3 =	veq.f32 v37, v36;
	vm4 =	vlt.s32 v38, v39  }
0x10c: {  	vm1 =	vmand vm1, vm2;
	vm2 =	vgt.f32 v37, v36;
	vm3 =	vmand vm4, vm3  }
0x10d: {  	vm0 =	vmor vm0, vm1;
	vm1 =	vmor vm2, vm3  }
0x10e: {  	vm0 =	vmand vm0, vm1  }
0x10f: {  	v61 =	vsel vm0, v37, v36;
	v62 =	vsel vm0, v38, v39  }
0x110: {  	v63 =	vperm.xlane v61, v2;
	v39 =	vperm.xlane v62, v2;
	_ =	sdelay $0x1  }
0x111: {  	vm0 =	veq.f32 v63, v61;
	vm1 =	vlt.s32 v39, v62  }
0x112: {  	vm2 =	vgt.f32 v63, v61;
	vm0 =	vmand vm0, vm1  }
0x113: {  	vm0 =	vmor vm2, vm0  }
0x114: {  	v36 =	vsel vm0, v63, v61;
	v37 =	vsel vm0, v39, v62  }
0x115: {  	v38 =	vperm.xlane v36, v3;
	v39 =	vperm.xlane v37, v3;
	_ =	sdelay $0x1  }
0x116: {  	vm0 =	veq.f32 v38, v36;
	vm1 =	vlt.s32 v39, v37  }
0x117: {  	vm2 =	vgt.f32 v38, v36;
	vm0 =	vmand vm0, vm1  }
0x118: {  	vm0 =	vmor vm2, vm0  }
0x119: {  	v36 =	vsel vm0, v38, v36;
	v37 =	vsel vm0, v39, v37  }
0x11a: {  	v38 =	vperm.xlane v36, v4;
	v39 =	vperm.xlane v37, v4;
	_ =	sdelay $0x1  }
0x11b: {  	vm0 =	veq.f32 v38, v36;
	vm1 =	vlt.s32 v39, v37  }
0x11c: {  	vm2 =	vgt.f32 v38, v36;
	vm0 =	vmand vm0, vm1  }
0x11d: {  	vm0 =	vmor vm2, vm0  }
0x11e: {  	v36 =	vsel vm0, v38, v36;
	v37 =	vsel vm0, v39, v37  }
0x11f: {  	s15 =	simm.s32 $0x0;
	v38 =	vperm.xlane v36, v5;
	v40 =	vperm.xlane v37, v5  }
0x120: {  	v39 =	vld [tilespmem:s15+$0x0]  }
0x121: {  	vm0 =	veq.f32 v38, v36;
	vm1 =	vlt.s32 v40, v37  }
0x122: {  	vm2 =	vgt.f32 v38, v36;
	vm0 =	vmand vm0, vm1  }
0x123: {  	v41 =	vimm.s32 $0x40000000;
	vm0 =	vmor vm2, vm0  }
0x124: {  	v36 =	vsel vm0, v38, v36;
	v37 =	vsel vm0, v40, v37;
	v40 =	vor.u32 s15, v1  }
0x125: {  	s16 =	simm.s32 $0x10;
	v38 =	vimm.f32 $-1.000000000e+00;
	s15 =	simm.s32 $0x10;
	vm0 =	vlt.f32 v39, v36;
	vm1 =	vgt.s32 v40, v37  }
.LBB2_19:
0x126: {  	v42 =	vld [tilespmem:s16+$0x0];
	vm2 =	veq.f32 v39, v36;
	vm3 =	veq.f32 v39, v38;
	vm4 =	vlt.s32 v40, v41;
	s17 =	smov.u32 s15;
	p0 =	sne.s32 s15, $0x3F0  }
.Ltmp9:
0x127: {  	s15 =	sadd.s32 $0x10, s15;
	vm1 =	vmand vm1, vm2;
	vm2 =	vgt.f32 v39, v38;
	vm3 =	vmand vm4, vm3;
	(pc) =	sbr.rel @p0 .LBB2_19-.Ltmp9, $4  }
0x128: {  	vm0 =	vmor vm0, vm1;
	vm1 =	vmor vm2, vm3  }
0x129: {  	vm0 =	vmand vm0, vm1  }
0x12a: {  	v38 =	vsel vm0, v39, v38;
	v41 =	vsel vm0, v40, v41;
	v40 =	vor.u32 s17, v1  }
0x12b: {  	s16 =	sadd.s32 $0x10, s16;
	vm0 =	vlt.f32 v42, v36;
	vm1 =	vgt.s32 v40, v37;
	v39 =	vmov v42  }
0x12c: {  	vm2 =	veq.f32 v39, v36;
	vm3 =	veq.f32 v39, v38;
	vm4 =	vlt.s32 v40, v41  }
0x12d: {  	vm1 =	vmand vm1, vm2;
	vm2 =	vgt.f32 v39, v38;
	vm3 =	vmand vm4, vm3  }
0x12e: {  	vm0 =	vmor vm0, vm1;
	vm1 =	vmor vm2, vm3  }
0x12f: {  	vm0 =	vmand vm0, vm1  }
0x130: {  	v61 =	vsel vm0, v39, v38;
	v62 =	vsel vm0, v40, v41  }
0x131: {  	v63 =	vperm.xlane v61, v2;
	v41 =	vperm.xlane v62, v2;
	_ =	sdelay $0x1  }
0x132: {  	vm0 =	veq.f32 v63, v61;
	vm1 =	vlt.s32 v41, v62  }
0x133: {  	vm2 =	vgt.f32 v63, v61;
	vm0 =	vmand vm0, vm1  }
0x134: {  	vm0 =	vmor vm2, vm0  }
0x135: {  	v38 =	vsel vm0, v63, v61;
	v39 =	vsel vm0, v41, v62  }
0x136: {  	v40 =	vperm.xlane v38, v3;
	v41 =	vperm.xlane v39, v3;
	_ =	sdelay $0x1  }
0x137: {  	vm0 =	veq.f32 v40, v38;
	vm1 =	vlt.s32 v41, v39  }
0x138: {  	vm2 =	vgt.f32 v40, v38;
	vm0 =	vmand vm0, vm1  }
0x139: {  	vm0 =	vmor vm2, vm0  }
0x13a: {  	v38 =	vsel vm0, v40, v38;
	v39 =	vsel vm0, v41, v39  }
0x13b: {  	v40 =	vperm.xlane v38, v4;
	v41 =	vperm.xlane v39, v4;
	_ =	sdelay $0x1  }
0x13c: {  	vm0 =	veq.f32 v40, v38;
	vm1 =	vlt.s32 v41, v39  }
0x13d: {  	vm2 =	vgt.f32 v40, v38;
	vm0 =	vmand vm0, vm1  }
0x13e: {  	vm0 =	vmor vm2, vm0  }
0x13f: {  	v38 =	vsel vm0, v40, v38;
	v39 =	vsel vm0, v41, v39  }
0x140: {  	s15 =	simm.s32 $0x0;
	v40 =	vperm.xlane v38, v5;
	v42 =	vperm.xlane v39, v5  }
0x141: {  	v41 =	vld [tilespmem:s15+$0x0]  }
0x142: {  	vm0 =	veq.f32 v40, v38;
	vm1 =	vlt.s32 v42, v39  }
0x143: {  	vm2 =	vgt.f32 v40, v38;
	vm0 =	vmand vm0, vm1  }
0x144: {  	v43 =	vimm.s32 $0x40000000;
	vm0 =	vmor vm2, vm0  }
0x145: {  	v38 =	vsel vm0, v40, v38;
	v39 =	vsel vm0, v42, v39;
	v42 =	vor.u32 s15, v1  }
0x146: {  	s16 =	simm.s32 $0x10;
	v40 =	vimm.f32 $-1.000000000e+00;
	s15 =	simm.s32 $0x10;
	vm0 =	vlt.f32 v41, v38;
	vm1 =	vgt.s32 v42, v39  }
.LBB2_21:
0x147: {  	v44 =	vld [tilespmem:s16+$0x0];
	vm2 =	veq.f32 v41, v38;
	vm3 =	veq.f32 v41, v40;
	vm4 =	vlt.s32 v42, v43;
	s17 =	smov.u32 s15;
	p0 =	sne.s32 s15, $0x3F0  }
.Ltmp10:
0x148: {  	s15 =	sadd.s32 $0x10, s15;
	vm1 =	vmand vm1, vm2;
	vm2 =	vgt.f32 v41, v40;
	vm3 =	vmand vm4, vm3;
	(pc) =	sbr.rel @p0 .LBB2_21-.Ltmp10, $4  }
0x149: {  	vm0 =	vmor vm0, vm1;
	vm1 =	vmor vm2, vm3  }
0x14a: {  	vm0 =	vmand vm0, vm1  }
0x14b: {  	v40 =	vsel vm0, v41, v40;
	v43 =	vsel vm0, v42, v43;
	v42 =	vor.u32 s17, v1  }
0x14c: {  	s16 =	sadd.s32 $0x10, s16;
	vm0 =	vlt.f32 v44, v38;
	vm1 =	vgt.s32 v42, v39;
	v41 =	vmov v44  }
0x14d: {  	vm2 =	veq.f32 v41, v38;
	vm3 =	veq.f32 v41, v40;
	vm4 =	vlt.s32 v42, v43  }
0x14e: {  	vm1 =	vmand vm1, vm2;
	vm2 =	vgt.f32 v41, v40;
	vm3 =	vmand vm4, vm3  }
0x14f: {  	vm0 =	vmor vm0, vm1;
	vm1 =	vmor vm2, vm3  }
0x150: {  	vm0 =	vmand vm0, vm1  }
0x151: {  	v61 =	vsel vm0, v41, v40;
	v62 =	vsel vm0, v42, v43  }
0x152: {  	v63 =	vperm.xlane v61, v2;
	v43 =	vperm.xlane v62, v2;
	_ =	sdelay $0x1  }
0x153: {  	vm0 =	veq.f32 v63, v61;
	vm1 =	vlt.s32 v43, v62  }
0x154: {  	vm2 =	vgt.f32 v63, v61;
	vm0 =	vmand vm0, vm1  }
0x155: {  	vm0 =	vmor vm2, vm0  }
0x156: {  	v40 =	vsel vm0, v63, v61;
	v41 =	vsel vm0, v43, v62  }
0x157: {  	v42 =	vperm.xlane v40, v3;
	v43 =	vperm.xlane v41, v3;
	_ =	sdelay $0x1  }
0x158: {  	vm0 =	veq.f32 v42, v40;
	vm1 =	vlt.s32 v43, v41  }
0x159: {  	vm2 =	vgt.f32 v42, v40;
	vm0 =	vmand vm0, vm1  }
0x15a: {  	vm0 =	vmor vm2, vm0  }
0x15b: {  	v40 =	vsel vm0, v42, v40;
	v41 =	vsel vm0, v43, v41  }
0x15c: {  	v42 =	vperm.xlane v40, v4;
	v43 =	vperm.xlane v41, v4;
	_ =	sdelay $0x1  }
0x15d: {  	vm0 =	veq.f32 v42, v40;
	vm1 =	vlt.s32 v43, v41  }
0x15e: {  	vm2 =	vgt.f32 v42, v40;
	vm0 =	vmand vm0, vm1  }
0x15f: {  	vm0 =	vmor vm2, vm0  }
0x160: {  	v40 =	vsel vm0, v42, v40;
	v41 =	vsel vm0, v43, v41  }
0x161: {  	s15 =	simm.s32 $0x0;
	v42 =	vperm.xlane v40, v5;
	v44 =	vperm.xlane v41, v5  }
0x162: {  	v43 =	vld [tilespmem:s15+$0x0]  }
0x163: {  	vm0 =	veq.f32 v42, v40;
	vm1 =	vlt.s32 v44, v41  }
0x164: {  	vm2 =	vgt.f32 v42, v40;
	vm0 =	vmand vm0, vm1  }
0x165: {  	v45 =	vimm.s32 $0x40000000;
	vm0 =	vmor vm2, vm0  }
0x166: {  	v40 =	vsel vm0, v42, v40;
	v41 =	vsel vm0, v44, v41;
	v44 =	vor.u32 s15, v1  }
0x167: {  	s16 =	simm.s32 $0x10;
	v42 =	vimm.f32 $-1.000000000e+00;
	s15 =	simm.s32 $0x10;
	vm0 =	vlt.f32 v43, v40;
	vm1 =	vgt.s32 v44, v41  }
.LBB2_23:
0x168: {  	v46 =	vld [tilespmem:s16+$0x0];
	vm2 =	veq.f32 v43, v40;
	vm3 =	veq.f32 v43, v42;
	vm4 =	vlt.s32 v44, v45;
	s17 =	smov.u32 s15;
	p0 =	sne.s32 s15, $0x3F0  }
.Ltmp11:
0x169: {  	s15 =	sadd.s32 $0x10, s15;
	vm1 =	vmand vm1, vm2;
	vm2 =	vgt.f32 v43, v42;
	vm3 =	vmand vm4, vm3;
	(pc) =	sbr.rel @p0 .LBB2_23-.Ltmp11, $4  }
0x16a: {  	vm0 =	vmor vm0, vm1;
	vm1 =	vmor vm2, vm3  }
0x16b: {  	vm0 =	vmand vm0, vm1  }
0x16c: {  	v42 =	vsel vm0, v43, v42;
	v45 =	vsel vm0, v44, v45;
	v44 =	vor.u32 s17, v1  }
0x16d: {  	s16 =	sadd.s32 $0x10, s16;
	vm0 =	vlt.f32 v46, v40;
	vm1 =	vgt.s32 v44, v41;
	v43 =	vmov v46  }
0x16e: {  	vm2 =	veq.f32 v43, v40;
	vm3 =	veq.f32 v43, v42;
	vm4 =	vlt.s32 v44, v45  }
0x16f: {  	vm1 =	vmand vm1, vm2;
	vm2 =	vgt.f32 v43, v42;
	vm3 =	vmand vm4, vm3  }
0x170: {  	vm0 =	vmor vm0, vm1;
	vm1 =	vmor vm2, vm3  }
0x171: {  	vm0 =	vmand vm0, vm1  }
0x172: {  	v61 =	vsel vm0, v43, v42;
	v62 =	vsel vm0, v44, v45  }
0x173: {  	v63 =	vperm.xlane v61, v2;
	v45 =	vperm.xlane v62, v2;
	_ =	sdelay $0x1  }
0x174: {  	vm0 =	veq.f32 v63, v61;
	vm1 =	vlt.s32 v45, v62  }
0x175: {  	vm2 =	vgt.f32 v63, v61;
	vm0 =	vmand vm0, vm1  }
0x176: {  	vm0 =	vmor vm2, vm0  }
0x177: {  	v42 =	vsel vm0, v63, v61;
	v43 =	vsel vm0, v45, v62  }
0x178: {  	v44 =	vperm.xlane v42, v3;
	v45 =	vperm.xlane v43, v3;
	_ =	sdelay $0x1  }
0x179: {  	vm0 =	veq.f32 v44, v42;
	vm1 =	vlt.s32 v45, v43  }
0x17a: {  	vm2 =	vgt.f32 v44, v42;
	vm0 =	vmand vm0, vm1  }
0x17b: {  	vm0 =	vmor vm2, vm0  }
0x17c: {  	v42 =	vsel vm0, v44, v42;
	v43 =	vsel vm0, v45, v43  }
0x17d: {  	v44 =	vperm.xlane v42, v4;
	v45 =	vperm.xlane v43, v4;
	_ =	sdelay $0x1  }
0x17e: {  	vm0 =	veq.f32 v44, v42;
	vm1 =	vlt.s32 v45, v43  }
0x17f: {  	vm2 =	vgt.f32 v44, v42;
	vm0 =	vmand vm0, vm1  }
0x180: {  	vm0 =	vmor vm2, vm0  }
0x181: {  	v42 =	vsel vm0, v44, v42;
	v43 =	vsel vm0, v45, v43  }
0x182: {  	s15 =	simm.s32 $0x0;
	v44 =	vperm.xlane v42, v5;
	v46 =	vperm.xlane v43, v5  }
0x183: {  	v45 =	vld [tilespmem:s15+$0x0]  }
0x184: {  	vm0 =	veq.f32 v44, v42;
	vm1 =	vlt.s32 v46, v43  }
0x185: {  	vm2 =	vgt.f32 v44, v42;
	vm0 =	vmand vm0, vm1  }
0x186: {  	v47 =	vimm.s32 $0x40000000;
	vm0 =	vmor vm2, vm0  }
0x187: {  	v42 =	vsel vm0, v44, v42;
	v43 =	vsel vm0, v46, v43;
	v46 =	vor.u32 s15, v1  }
0x188: {  	s16 =	simm.s32 $0x10;
	v44 =	vimm.f32 $-1.000000000e+00;
	s15 =	simm.s32 $0x10;
	vm0 =	vlt.f32 v45, v42;
	vm1 =	vgt.s32 v46, v43  }
.LBB2_25:
0x189: {  	v48 =	vld [tilespmem:s16+$0x0];
	vm2 =	veq.f32 v45, v42;
	vm3 =	veq.f32 v45, v44;
	vm4 =	vlt.s32 v46, v47;
	s17 =	smov.u32 s15;
	p0 =	sne.s32 s15, $0x3F0  }
.Ltmp12:
0x18a: {  	s15 =	sadd.s32 $0x10, s15;
	vm1 =	vmand vm1, vm2;
	vm2 =	vgt.f32 v45, v44;
	vm3 =	vmand vm4, vm3;
	(pc) =	sbr.rel @p0 .LBB2_25-.Ltmp12, $4  }
0x18b: {  	vm0 =	vmor vm0, vm1;
	vm1 =	vmor vm2, vm3  }
0x18c: {  	vm0 =	vmand vm0, vm1  }
0x18d: {  	v44 =	vsel vm0, v45, v44;
	v47 =	vsel vm0, v46, v47;
	v46 =	vor.u32 s17, v1  }
0x18e: {  	s16 =	sadd.s32 $0x10, s16;
	vm0 =	vlt.f32 v48, v42;
	vm1 =	vgt.s32 v46, v43;
	v45 =	vmov v48  }
0x18f: {  	vm2 =	veq.f32 v45, v42;
	vm3 =	veq.f32 v45, v44;
	vm4 =	vlt.s32 v46, v47  }
0x190: {  	vm1 =	vmand vm1, vm2;
	vm2 =	vgt.f32 v45, v44;
	vm3 =	vmand vm4, vm3  }
0x191: {  	vm0 =	vmor vm0, vm1;
	vm1 =	vmor vm2, vm3  }
0x192: {  	vm0 =	vmand vm0, vm1  }
0x193: {  	v61 =	vsel vm0, v45, v44;
	v62 =	vsel vm0, v46, v47  }
0x194: {  	v63 =	vperm.xlane v61, v2;
	v47 =	vperm.xlane v62, v2;
	_ =	sdelay $0x1  }
0x195: {  	vm0 =	veq.f32 v63, v61;
	vm1 =	vlt.s32 v47, v62  }
0x196: {  	vm2 =	vgt.f32 v63, v61;
	vm0 =	vmand vm0, vm1  }
0x197: {  	vm0 =	vmor vm2, vm0  }
0x198: {  	v44 =	vsel vm0, v63, v61;
	v45 =	vsel vm0, v47, v62  }
0x199: {  	v46 =	vperm.xlane v44, v3;
	v47 =	vperm.xlane v45, v3;
	_ =	sdelay $0x1  }
0x19a: {  	vm0 =	veq.f32 v46, v44;
	vm1 =	vlt.s32 v47, v45  }
0x19b: {  	vm2 =	vgt.f32 v46, v44;
	vm0 =	vmand vm0, vm1  }
0x19c: {  	vm0 =	vmor vm2, vm0  }
0x19d: {  	v44 =	vsel vm0, v46, v44;
	v45 =	vsel vm0, v47, v45  }
0x19e: {  	v46 =	vperm.xlane v44, v4;
	v47 =	vperm.xlane v45, v4;
	_ =	sdelay $0x1  }
0x19f: {  	vm0 =	veq.f32 v46, v44;
	vm1 =	vlt.s32 v47, v45  }
0x1a0: {  	vm2 =	vgt.f32 v46, v44;
	vm0 =	vmand vm0, vm1  }
0x1a1: {  	vm0 =	vmor vm2, vm0  }
0x1a2: {  	v44 =	vsel vm0, v46, v44;
	v45 =	vsel vm0, v47, v45  }
0x1a3: {  	s15 =	simm.s32 $0x0;
	v46 =	vperm.xlane v44, v5;
	v48 =	vperm.xlane v45, v5  }
0x1a4: {  	v47 =	vld [tilespmem:s15+$0x0]  }
0x1a5: {  	vm0 =	veq.f32 v46, v44;
	vm1 =	vlt.s32 v48, v45  }
0x1a6: {  	vm2 =	vgt.f32 v46, v44;
	vm0 =	vmand vm0, vm1  }
0x1a7: {  	v49 =	vimm.s32 $0x40000000;
	vm0 =	vmor vm2, vm0  }
0x1a8: {  	v44 =	vsel vm0, v46, v44;
	v45 =	vsel vm0, v48, v45;
	v48 =	vor.u32 s15, v1  }
0x1a9: {  	s16 =	simm.s32 $0x10;
	v46 =	vimm.f32 $-1.000000000e+00;
	s15 =	simm.s32 $0x10;
	vm0 =	vlt.f32 v47, v44;
	vm1 =	vgt.s32 v48, v45  }
.LBB2_27:
0x1aa: {  	v50 =	vld [tilespmem:s16+$0x0];
	vm2 =	veq.f32 v47, v44;
	vm3 =	veq.f32 v47, v46;
	vm4 =	vlt.s32 v48, v49;
	s17 =	smov.u32 s15;
	p0 =	sne.s32 s15, $0x3F0  }
.Ltmp13:
0x1ab: {  	s15 =	sadd.s32 $0x10, s15;
	vm1 =	vmand vm1, vm2;
	vm2 =	vgt.f32 v47, v46;
	vm3 =	vmand vm4, vm3;
	(pc) =	sbr.rel @p0 .LBB2_27-.Ltmp13, $4  }
0x1ac: {  	vm0 =	vmor vm0, vm1;
	vm1 =	vmor vm2, vm3  }
0x1ad: {  	vm0 =	vmand vm0, vm1  }
0x1ae: {  	v46 =	vsel vm0, v47, v46;
	v49 =	vsel vm0, v48, v49;
	v48 =	vor.u32 s17, v1  }
0x1af: {  	s16 =	sadd.s32 $0x10, s16;
	vm0 =	vlt.f32 v50, v44;
	vm1 =	vgt.s32 v48, v45;
	v47 =	vmov v50  }
0x1b0: {  	vm2 =	veq.f32 v47, v44;
	vm3 =	veq.f32 v47, v46;
	vm4 =	vlt.s32 v48, v49  }
0x1b1: {  	vm1 =	vmand vm1, vm2;
	vm2 =	vgt.f32 v47, v46;
	vm3 =	vmand vm4, vm3  }
0x1b2: {  	vm0 =	vmor vm0, vm1;
	vm1 =	vmor vm2, vm3  }
0x1b3: {  	vm0 =	vmand vm0, vm1  }
0x1b4: {  	v61 =	vsel vm0, v47, v46;
	v62 =	vsel vm0, v48, v49  }
0x1b5: {  	v63 =	vperm.xlane v61, v2;
	v49 =	vperm.xlane v62, v2;
	_ =	sdelay $0x1  }
0x1b6: {  	vm0 =	veq.f32 v63, v61;
	vm1 =	vlt.s32 v49, v62  }
0x1b7: {  	vm2 =	vgt.f32 v63, v61;
	vm0 =	vmand vm0, vm1  }
0x1b8: {  	vm0 =	vmor vm2, vm0  }
0x1b9: {  	v46 =	vsel vm0, v63, v61;
	v47 =	vsel vm0, v49, v62  }
0x1ba: {  	v48 =	vperm.xlane v46, v3;
	v49 =	vperm.xlane v47, v3;
	_ =	sdelay $0x1  }
0x1bb: {  	vm0 =	veq.f32 v48, v46;
	vm1 =	vlt.s32 v49, v47  }
0x1bc: {  	vm2 =	vgt.f32 v48, v46;
	vm0 =	vmand vm0, vm1  }
0x1bd: {  	vm0 =	vmor vm2, vm0  }
0x1be: {  	v46 =	vsel vm0, v48, v46;
	v47 =	vsel vm0, v49, v47  }
0x1bf: {  	v48 =	vperm.xlane v46, v4;
	v49 =	vperm.xlane v47, v4;
	_ =	sdelay $0x1  }
0x1c0: {  	vm0 =	veq.f32 v48, v46;
	vm1 =	vlt.s32 v49, v47  }
0x1c1: {  	vm2 =	vgt.f32 v48, v46;
	vm0 =	vmand vm0, vm1  }
0x1c2: {  	vm0 =	vmor vm2, vm0  }
0x1c3: {  	v46 =	vsel vm0, v48, v46;
	v47 =	vsel vm0, v49, v47  }
0x1c4: {  	s15 =	simm.s32 $0x0;
	v48 =	vperm.xlane v46, v5;
	v50 =	vperm.xlane v47, v5  }
0x1c5: {  	v49 =	vld [tilespmem:s15+$0x0]  }
0x1c6: {  	vm0 =	veq.f32 v48, v46;
	vm1 =	vlt.s32 v50, v47  }
0x1c7: {  	vm2 =	vgt.f32 v48, v46;
	vm0 =	vmand vm0, vm1  }
0x1c8: {  	v51 =	vimm.s32 $0x40000000;
	vm0 =	vmor vm2, vm0  }
0x1c9: {  	v46 =	vsel vm0, v48, v46;
	v47 =	vsel vm0, v50, v47;
	v50 =	vor.u32 s15, v1  }
0x1ca: {  	s16 =	simm.s32 $0x10;
	v48 =	vimm.f32 $-1.000000000e+00;
	s15 =	simm.s32 $0x10;
	vm0 =	vlt.f32 v49, v46;
	vm1 =	vgt.s32 v50, v47  }
.LBB2_29:
0x1cb: {  	v52 =	vld [tilespmem:s16+$0x0];
	vm2 =	veq.f32 v49, v46;
	vm3 =	veq.f32 v49, v48;
	vm4 =	vlt.s32 v50, v51;
	s17 =	smov.u32 s15;
	p0 =	sne.s32 s15, $0x3F0  }
.Ltmp14:
0x1cc: {  	s15 =	sadd.s32 $0x10, s15;
	vm1 =	vmand vm1, vm2;
	vm2 =	vgt.f32 v49, v48;
	vm3 =	vmand vm4, vm3;
	(pc) =	sbr.rel @p0 .LBB2_29-.Ltmp14, $4  }
0x1cd: {  	vm0 =	vmor vm0, vm1;
	vm1 =	vmor vm2, vm3  }
0x1ce: {  	vm0 =	vmand vm0, vm1  }
0x1cf: {  	v48 =	vsel vm0, v49, v48;
	v51 =	vsel vm0, v50, v51;
	v50 =	vor.u32 s17, v1  }
0x1d0: {  	s16 =	sadd.s32 $0x10, s16;
	vm0 =	vlt.f32 v52, v46;
	vm1 =	vgt.s32 v50, v47;
	v49 =	vmov v52  }
0x1d1: {  	vm2 =	veq.f32 v49, v46;
	vm3 =	veq.f32 v49, v48;
	vm4 =	vlt.s32 v50, v51  }
0x1d2: {  	vm1 =	vmand vm1, vm2;
	vm2 =	vgt.f32 v49, v48;
	vm3 =	vmand vm4, vm3  }
0x1d3: {  	vm0 =	vmor vm0, vm1;
	vm1 =	vmor vm2, vm3  }
0x1d4: {  	vm0 =	vmand vm0, vm1  }
0x1d5: {  	v61 =	vsel vm0, v49, v48;
	v62 =	vsel vm0, v50, v51  }
0x1d6: {  	v63 =	vperm.xlane v61, v2;
	v51 =	vperm.xlane v62, v2;
	_ =	sdelay $0x1  }
0x1d7: {  	vm0 =	veq.f32 v63, v61;
	vm1 =	vlt.s32 v51, v62  }
0x1d8: {  	vm2 =	vgt.f32 v63, v61;
	vm0 =	vmand vm0, vm1  }
0x1d9: {  	vm0 =	vmor vm2, vm0  }
0x1da: {  	v48 =	vsel vm0, v63, v61;
	v49 =	vsel vm0, v51, v62  }
0x1db: {  	v50 =	vperm.xlane v48, v3;
	v51 =	vperm.xlane v49, v3;
	_ =	sdelay $0x1  }
0x1dc: {  	vm0 =	veq.f32 v50, v48;
	vm1 =	vlt.s32 v51, v49  }
0x1dd: {  	vm2 =	vgt.f32 v50, v48;
	vm0 =	vmand vm0, vm1  }
0x1de: {  	vm0 =	vmor vm2, vm0  }
0x1df: {  	v48 =	vsel vm0, v50, v48;
	v49 =	vsel vm0, v51, v49  }
0x1e0: {  	v50 =	vperm.xlane v48, v4;
	v51 =	vperm.xlane v49, v4;
	_ =	sdelay $0x1  }
0x1e1: {  	vm0 =	veq.f32 v50, v48;
	vm1 =	vlt.s32 v51, v49  }
0x1e2: {  	vm2 =	vgt.f32 v50, v48;
	vm0 =	vmand vm0, vm1  }
0x1e3: {  	vm0 =	vmor vm2, vm0  }
0x1e4: {  	v48 =	vsel vm0, v50, v48;
	v49 =	vsel vm0, v51, v49  }
0x1e5: {  	s15 =	simm.s32 $0x0;
	v50 =	vperm.xlane v48, v5;
	v52 =	vperm.xlane v49, v5  }
0x1e6: {  	v51 =	vld [tilespmem:s15+$0x0]  }
0x1e7: {  	vm0 =	veq.f32 v50, v48;
	vm1 =	vlt.s32 v52, v49  }
0x1e8: {  	vm2 =	vgt.f32 v50, v48;
	vm0 =	vmand vm0, vm1  }
0x1e9: {  	v53 =	vimm.s32 $0x40000000;
	vm0 =	vmor vm2, vm0  }
0x1ea: {  	v48 =	vsel vm0, v50, v48;
	v49 =	vsel vm0, v52, v49;
	v52 =	vor.u32 s15, v1  }
0x1eb: {  	s16 =	simm.s32 $0x10;
	v50 =	vimm.f32 $-1.000000000e+00;
	s15 =	simm.s32 $0x10;
	vm0 =	vlt.f32 v51, v48;
	vm1 =	vgt.s32 v52, v49  }
.LBB2_31:
0x1ec: {  	v54 =	vld [tilespmem:s16+$0x0];
	vm2 =	veq.f32 v51, v48;
	vm3 =	veq.f32 v51, v50;
	vm4 =	vlt.s32 v52, v53;
	s17 =	smov.u32 s15;
	p0 =	sne.s32 s15, $0x3F0  }
.Ltmp15:
0x1ed: {  	s15 =	sadd.s32 $0x10, s15;
	vm1 =	vmand vm1, vm2;
	vm2 =	vgt.f32 v51, v50;
	vm3 =	vmand vm4, vm3;
	(pc) =	sbr.rel @p0 .LBB2_31-.Ltmp15, $4  }
0x1ee: {  	vm0 =	vmor vm0, vm1;
	vm1 =	vmor vm2, vm3  }
0x1ef: {  	vm0 =	vmand vm0, vm1  }
0x1f0: {  	v50 =	vsel vm0, v51, v50;
	v53 =	vsel vm0, v52, v53;
	v52 =	vor.u32 s17, v1  }
0x1f1: {  	s16 =	sadd.s32 $0x10, s16;
	vm0 =	vlt.f32 v54, v48;
	vm1 =	vgt.s32 v52, v49;
	v51 =	vmov v54  }
0x1f2: {  	vm2 =	veq.f32 v51, v48;
	vm3 =	veq.f32 v51, v50;
	vm4 =	vlt.s32 v52, v53  }
0x1f3: {  	vm1 =	vmand vm1, vm2;
	vm2 =	vgt.f32 v51, v50;
	vm3 =	vmand vm4, vm3  }
0x1f4: {  	vm0 =	vmor vm0, vm1;
	vm1 =	vmor vm2, vm3  }
0x1f5: {  	vm0 =	vmand vm0, vm1  }
0x1f6: {  	v61 =	vsel vm0, v51, v50;
	v62 =	vsel vm0, v52, v53  }
0x1f7: {  	v63 =	vperm.xlane v61, v2;
	v53 =	vperm.xlane v62, v2;
	_ =	sdelay $0x1  }
0x1f8: {  	vm0 =	veq.f32 v63, v61;
	vm1 =	vlt.s32 v53, v62  }
0x1f9: {  	vm2 =	vgt.f32 v63, v61;
	vm0 =	vmand vm0, vm1  }
0x1fa: {  	vm0 =	vmor vm2, vm0  }
0x1fb: {  	v50 =	vsel vm0, v63, v61;
	v51 =	vsel vm0, v53, v62  }
0x1fc: {  	v52 =	vperm.xlane v50, v3;
	v53 =	vperm.xlane v51, v3;
	_ =	sdelay $0x1  }
0x1fd: {  	vm0 =	veq.f32 v52, v50;
	vm1 =	vlt.s32 v53, v51  }
0x1fe: {  	vm2 =	vgt.f32 v52, v50;
	vm0 =	vmand vm0, vm1  }
0x1ff: {  	vm0 =	vmor vm2, vm0  }
0x200: {  	v50 =	vsel vm0, v52, v50;
	v51 =	vsel vm0, v53, v51  }
0x201: {  	v52 =	vperm.xlane v50, v4;
	v53 =	vperm.xlane v51, v4;
	_ =	sdelay $0x1  }
0x202: {  	vm0 =	veq.f32 v52, v50;
	vm1 =	vlt.s32 v53, v51  }
0x203: {  	vm2 =	vgt.f32 v52, v50;
	vm0 =	vmand vm0, vm1  }
0x204: {  	vm0 =	vmor vm2, vm0  }
0x205: {  	v50 =	vsel vm0, v52, v50;
	v51 =	vsel vm0, v53, v51  }
0x206: {  	s15 =	simm.s32 $0x0;
	v52 =	vperm.xlane v50, v5;
	v54 =	vperm.xlane v51, v5  }
0x207: {  	v53 =	vld [tilespmem:s15+$0x0]  }
0x208: {  	vm0 =	veq.f32 v52, v50;
	vm1 =	vlt.s32 v54, v51  }
0x209: {  	vm2 =	vgt.f32 v52, v50;
	vm0 =	vmand vm0, vm1  }
0x20a: {  	v55 =	vimm.s32 $0x40000000;
	vm0 =	vmor vm2, vm0  }
0x20b: {  	v50 =	vsel vm0, v52, v50;
	v51 =	vsel vm0, v54, v51;
	v54 =	vor.u32 s15, v1  }
0x20c: {  	s16 =	simm.s32 $0x10;
	v52 =	vimm.f32 $-1.000000000e+00;
	s15 =	simm.s32 $0x10;
	vm0 =	vlt.f32 v53, v50;
	vm1 =	vgt.s32 v54, v51  }
.LBB2_33:
0x20d: {  	v56 =	vld [tilespmem:s16+$0x0];
	vm2 =	veq.f32 v53, v50;
	vm3 =	veq.f32 v53, v52;
	vm4 =	vlt.s32 v54, v55;
	s17 =	smov.u32 s15;
	p0 =	sne.s32 s15, $0x3F0  }
.Ltmp16:
0x20e: {  	s15 =	sadd.s32 $0x10, s15;
	vm1 =	vmand vm1, vm2;
	vm2 =	vgt.f32 v53, v52;
	vm3 =	vmand vm4, vm3;
	(pc) =	sbr.rel @p0 .LBB2_33-.Ltmp16, $4  }
0x20f: {  	vm0 =	vmor vm0, vm1;
	vm1 =	vmor vm2, vm3  }
0x210: {  	vm0 =	vmand vm0, vm1  }
0x211: {  	v52 =	vsel vm0, v53, v52;
	v55 =	vsel vm0, v54, v55;
	v54 =	vor.u32 s17, v1  }
0x212: {  	s16 =	sadd.s32 $0x10, s16;
	vm0 =	vlt.f32 v56, v50;
	vm1 =	vgt.s32 v54, v51;
	v53 =	vmov v56  }
0x213: {  	vm2 =	veq.f32 v53, v50;
	vm3 =	veq.f32 v53, v52;
	vm4 =	vlt.s32 v54, v55  }
0x214: {  	vm14 =	vgt.f32 v53, v52;
	vm1 =	vmand vm1, vm2;
	vm3 =	vmand vm4, vm3  }
0x215: {  	vm0 =	vmor vm0, vm1;
	vm15 =	vmor vm14, vm3  }
0x216: {  	vm0 =	vmand vm0, vm15  }
0x217: {  	v61 =	vsel vm0, v53, v52;
	v62 =	vsel vm0, v54, v55  }
0x218: {  	v63 =	vperm.xlane v61, v2;
	v55 =	vperm.xlane v62, v2  }
0x219: {  	vm9 =	vmmov $0x1;
	vm10 =	vmmov $0x3  }
0x21a: {  	vm13 =	vmmov $0x7;
	vm11 =	veq.f32 v63, v61;
	vm12 =	vlt.s32 v55, v62  }
0x21b: {  	v22 =	vsel vm9, v22, v24;
	vm4 =	vgt.f32 v63, v61;
	vm1 =	vmand vm11, vm12  }
0x21c: {  	v23 =	vsel vm9, v23, v25;
	vm9 =	vmmov $0x1f;
	vm14 =	vmor vm4, vm1  }
0x21d: {  	v22 =	vsel vm10, v22, v27;
	v24 =	vsel vm14, v63, v61;
	v25 =	vsel vm14, v55, v62  }
0x21e: {  	v23 =	vsel vm10, v23, v26;
	v26 =	vperm.xlane v24, v3;
	v27 =	vperm.xlane v25, v3  }
0x21f: {  	v22 =	vsel vm13, v22, v29;
	v23 =	vsel vm13, v23, v28;
	vm15 =	vmmov $0xf  }
0x220: {  	vm13 =	vmmov $0x3f;
	vm10 =	veq.f32 v26, v24;
	vm11 =	vlt.s32 v27, v25  }
0x221: {  	v22 =	vsel vm15, v22, v30;
	vm12 =	vgt.f32 v26, v24;
	vm1 =	vmand vm10, vm11  }
0x222: {  	v23 =	vsel vm15, v23, v31;
	vm15 =	vmmov $0xff;
	vm1 =	vmor vm12, vm1  }
0x223: {  	v22 =	vsel vm9, v22, v33;
	v24 =	vsel vm1, v26, v24;
	v25 =	vsel vm1, v27, v25  }
0x224: {  	v23 =	vsel vm9, v23, v32;
	v26 =	vperm.xlane v24, v4;
	v27 =	vperm.xlane v25, v4  }
0x225: {  	v23 =	vsel vm13, v23, v35;
	v22 =	vsel vm13, v22, v34;
	vm13 =	vmmov $0x7ff  }
0x226: {  	vm14 =	vmmov $0x7f;
	vm10 =	veq.f32 v26, v24;
	vm11 =	vlt.s32 v27, v25  }
0x227: {  	v23 =	vsel vm14, v23, v37;
	vm5 =	vgt.f32 v26, v24;
	vm2 =	vmand vm10, vm11  }
0x228: {  	vm4 =	vmmov $0x1ff;
	v23 =	vsel vm15, v23, v39;
	vm2 =	vmor vm5, vm2  }
0x229: {  	v23 =	vsel vm4, v23, v41;
	v24 =	vsel vm2, v26, v24;
	v25 =	vsel vm2, v27, v25  }
0x22a: {  	vm12 =	vmmov $0x3ff;
	v26 =	vperm.xlane v24, v5;
	v27 =	vperm.xlane v25, v5  }
0x22b: {  	v22 =	vsel vm14, v22, v36;
	vm14 =	vmmov $0xfff;
	v23 =	vsel vm12, v23, v43  }
0x22c: {  	v23 =	vsel vm13, v23, v45;
	vm5 =	veq.f32 v26, v24;
	vm6 =	vlt.s32 v27, v25  }
0x22d: {  	v23 =	vsel vm14, v23, v47;
	vm8 =	vgt.f32 v26, v24;
	vm5 =	vmand vm5, vm6  }
0x22e: {  	v23 =	vsel vm7, v23, v49;
	vm6 =	vmmov $0x3fff;
	vm5 =	vmor vm8, vm5  }
0x22f: {  	v23 =	vsel vm6, v23, v51;
	vm8 =	vmmov $0x7fff;
	v25 =	vsel vm5, v27, v25  }
0x230: {  	v27 =	vsel vm15, v22, v38;
	v22 =	vsel vm8, v23, v25  }
0x231: {  	v23 =	vsel vm4, v27, v40;
	v25 =	vadd.s32 v0, v22  }
0x232: {  	v23 =	vsel vm12, v23, v42;
	[tilespmem:$0x400] =	vst v25  }
0x233: {  	v23 =	vsel vm13, v23, v44;
	[tilespmem:s11], [sflag:$0x1] =	stream.indirect.gather [hbm4b:s3+s9], $0x20, s10, s9, $0xb8;
	[tilespmem:$0x4610] =	vst v63  }
0x234: {  	v23 =	vsel vm14, v23, v46;
	_ =	swait.ge [sflag:s12], $0x200  }
0x235: {  	v23 =	vsel vm7, v23, v48;
	[sflag:s12] =	ssyncset.done $0x0  }
0x236: {  	s15 =	simm.s32 $0x0;
	v24 =	vsel vm5, v26, v24;
	v23 =	vsel vm6, v23, v50;
	[sflag:s12] =	ssyncadd.s32 $0xFFFFFE00  }
0x237: {  	v23 =	vsel vm8, v23, v24;
	v24 =	vperm.xlane v22, v6;
	[hbm4b:s4+s15] =	stream.linear.scatter [tilespmem:s11], [sflag:$0x2], $0x200, $0x38;
	[tilespmem:$0x4610] =	vst v63  }
0x238: {  	v26 =	vor.u32 s15, v1;
	v25 =	vperm.xlane v23, v6;
	_ =	swait.ge [sflag:s8], $0x200  }
0x239: {  	vm15 =	veq.s32 v26, v24;
	[sflag:s8] =	ssyncset.done $0x0  }
0x23a: {  	s15 =	simm.s32 $0x610;
	v26 =	vnsel vm15, $0x0, v25;
	[sflag:s8] =	ssyncadd.s32 $0xFFFFFE00  }
0x23b: {  	s16 =	simm.s32 $0x10;
	[tilespmem:s15+$0x0] =	vst v26  }
.LBB2_35:
0x23c: {  	p0 =	sne.s32 s16, $0x3F0  }
.Ltmp17:
0x23d: {  	_ = 	snop;
	(pc) =	sbr.rel @p0 .LBB2_35-.Ltmp17, $4  }
0x23e: {  	v26 =	vor.u32 s16, v1  }
0x23f: {  	vm0 =	veq.s32 v26, v24  }
0x240: {  	s15 =	sadd.s32 $0x10, s15;
	v26 =	vnsel vm0, $0x0, v25  }
0x241: {  	s16 =	sadd.s32 $0x10, s16;
	[tilespmem:s15+$0x0] =	vst v26  }
0x242: {  	v24 =	vperm.xlane v22, v7;
	s15 =	simm.s32 $0x0  }
0x243: {  	v25 =	vperm.xlane v23, v7;
	v26 =	vor.u32 s15, v1  }
0x244: {  	vm0 =	veq.s32 v26, v24  }
0x245: {  	s15 =	simm.s32 $0xA10;
	v26 =	vnsel vm0, $0x0, v25  }
0x246: {  	s16 =	simm.s32 $0x10;
	[tilespmem:s15+$0x0] =	vst v26  }
.LBB2_37:
0x247: {  	p0 =	sne.s32 s16, $0x3F0  }
.Ltmp18:
0x248: {  	_ = 	snop;
	(pc) =	sbr.rel @p0 .LBB2_37-.Ltmp18, $4  }
0x249: {  	v26 =	vor.u32 s16, v1  }
0x24a: {  	vm0 =	veq.s32 v26, v24  }
0x24b: {  	s15 =	sadd.s32 $0x10, s15;
	v26 =	vnsel vm0, $0x0, v25  }
0x24c: {  	s16 =	sadd.s32 $0x10, s16;
	[tilespmem:s15+$0x0] =	vst v26  }
0x24d: {  	v24 =	vperm.xlane v22, v8;
	s15 =	simm.s32 $0x0  }
0x24e: {  	v25 =	vperm.xlane v23, v8;
	v26 =	vor.u32 s15, v1  }
0x24f: {  	vm0 =	veq.s32 v26, v24  }
0x250: {  	s15 =	simm.s32 $0xE10;
	v26 =	vnsel vm0, $0x0, v25  }
0x251: {  	s16 =	simm.s32 $0x10;
	[tilespmem:s15+$0x0] =	vst v26  }
.LBB2_39:
0x252: {  	p0 =	sne.s32 s16, $0x3F0  }
.Ltmp19:
0x253: {  	_ = 	snop;
	(pc) =	sbr.rel @p0 .LBB2_39-.Ltmp19, $4  }
0x254: {  	v26 =	vor.u32 s16, v1  }
0x255: {  	vm0 =	veq.s32 v26, v24  }
0x256: {  	s15 =	sadd.s32 $0x10, s15;
	v26 =	vnsel vm0, $0x0, v25  }
0x257: {  	s16 =	sadd.s32 $0x10, s16;
	[tilespmem:s15+$0x0] =	vst v26  }
0x258: {  	v24 =	vperm.xlane v22, v9;
	s15 =	simm.s32 $0x0  }
0x259: {  	v25 =	vperm.xlane v23, v9;
	v26 =	vor.u32 s15, v1  }
0x25a: {  	vm0 =	veq.s32 v26, v24  }
0x25b: {  	s15 =	simm.s32 $0x1210;
	v26 =	vnsel vm0, $0x0, v25  }
0x25c: {  	s16 =	simm.s32 $0x10;
	[tilespmem:s15+$0x0] =	vst v26  }
.LBB2_41:
0x25d: {  	p0 =	sne.s32 s16, $0x3F0  }
.Ltmp20:
0x25e: {  	_ = 	snop;
	(pc) =	sbr.rel @p0 .LBB2_41-.Ltmp20, $4  }
0x25f: {  	v26 =	vor.u32 s16, v1  }
0x260: {  	vm0 =	veq.s32 v26, v24  }
0x261: {  	s15 =	sadd.s32 $0x10, s15;
	v26 =	vnsel vm0, $0x0, v25  }
0x262: {  	s16 =	sadd.s32 $0x10, s16;
	[tilespmem:s15+$0x0] =	vst v26  }
0x263: {  	v24 =	vperm.xlane v22, v10;
	s15 =	simm.s32 $0x0  }
0x264: {  	v25 =	vperm.xlane v23, v10;
	v26 =	vor.u32 s15, v1  }
0x265: {  	vm0 =	veq.s32 v26, v24  }
0x266: {  	s15 =	simm.s32 $0x1610;
	v26 =	vnsel vm0, $0x0, v25  }
0x267: {  	s16 =	simm.s32 $0x10;
	[tilespmem:s15+$0x0] =	vst v26  }
.LBB2_43:
0x268: {  	p0 =	sne.s32 s16, $0x3F0  }
.Ltmp21:
0x269: {  	_ = 	snop;
	(pc) =	sbr.rel @p0 .LBB2_43-.Ltmp21, $4  }
0x26a: {  	v26 =	vor.u32 s16, v1  }
0x26b: {  	vm0 =	veq.s32 v26, v24  }
0x26c: {  	s15 =	sadd.s32 $0x10, s15;
	v26 =	vnsel vm0, $0x0, v25  }
0x26d: {  	s16 =	sadd.s32 $0x10, s16;
	[tilespmem:s15+$0x0] =	vst v26  }
0x26e: {  	v24 =	vperm.xlane v22, v11;
	s15 =	simm.s32 $0x0  }
0x26f: {  	v25 =	vperm.xlane v23, v11;
	v26 =	vor.u32 s15, v1  }
0x270: {  	vm0 =	veq.s32 v26, v24  }
0x271: {  	s15 =	simm.s32 $0x1A10;
	v26 =	vnsel vm0, $0x0, v25  }
0x272: {  	s16 =	simm.s32 $0x10;
	[tilespmem:s15+$0x0] =	vst v26  }
.LBB2_45:
0x273: {  	p0 =	sne.s32 s16, $0x3F0  }
.Ltmp22:
0x274: {  	_ = 	snop;
	(pc) =	sbr.rel @p0 .LBB2_45-.Ltmp22, $4  }
0x275: {  	v26 =	vor.u32 s16, v1  }
0x276: {  	vm0 =	veq.s32 v26, v24  }
0x277: {  	s15 =	sadd.s32 $0x10, s15;
	v26 =	vnsel vm0, $0x0, v25  }
0x278: {  	s16 =	sadd.s32 $0x10, s16;
	[tilespmem:s15+$0x0] =	vst v26  }
0x279: {  	v24 =	vperm.xlane v22, v12;
	s15 =	simm.s32 $0x0  }
0x27a: {  	v25 =	vperm.xlane v23, v12;
	v26 =	vor.u32 s15, v1  }
0x27b: {  	vm0 =	veq.s32 v26, v24  }
0x27c: {  	s15 =	simm.s32 $0x1E10;
	v26 =	vnsel vm0, $0x0, v25  }
0x27d: {  	s16 =	simm.s32 $0x10;
	[tilespmem:s15+$0x0] =	vst v26  }
.LBB2_47:
0x27e: {  	p0 =	sne.s32 s16, $0x3F0  }
.Ltmp23:
0x27f: {  	_ = 	snop;
	(pc) =	sbr.rel @p0 .LBB2_47-.Ltmp23, $4  }
0x280: {  	v26 =	vor.u32 s16, v1  }
0x281: {  	vm0 =	veq.s32 v26, v24  }
0x282: {  	s15 =	sadd.s32 $0x10, s15;
	v26 =	vnsel vm0, $0x0, v25  }
0x283: {  	s16 =	sadd.s32 $0x10, s16;
	[tilespmem:s15+$0x0] =	vst v26  }
0x284: {  	v24 =	vperm.xlane v22, v13;
	s15 =	simm.s32 $0x0  }
0x285: {  	v25 =	vperm.xlane v23, v13;
	v26 =	vor.u32 s15, v1  }
0x286: {  	vm0 =	veq.s32 v26, v24  }
0x287: {  	s15 =	simm.s32 $0x2210;
	v26 =	vnsel vm0, $0x0, v25  }
0x288: {  	s16 =	simm.s32 $0x10;
	[tilespmem:s15+$0x0] =	vst v26  }
.LBB2_49:
0x289: {  	p0 =	sne.s32 s16, $0x3F0  }
.Ltmp24:
0x28a: {  	_ = 	snop;
	(pc) =	sbr.rel @p0 .LBB2_49-.Ltmp24, $4  }
0x28b: {  	v26 =	vor.u32 s16, v1  }
0x28c: {  	vm0 =	veq.s32 v26, v24  }
0x28d: {  	s15 =	sadd.s32 $0x10, s15;
	v26 =	vnsel vm0, $0x0, v25  }
0x28e: {  	s16 =	sadd.s32 $0x10, s16;
	[tilespmem:s15+$0x0] =	vst v26  }
0x28f: {  	v24 =	vperm.xlane v22, v14;
	s15 =	simm.s32 $0x0  }
0x290: {  	v25 =	vperm.xlane v23, v14;
	v26 =	vor.u32 s15, v1  }
0x291: {  	vm0 =	veq.s32 v26, v24  }
0x292: {  	s15 =	simm.s32 $0x2610;
	v26 =	vnsel vm0, $0x0, v25  }
0x293: {  	s16 =	simm.s32 $0x10;
	[tilespmem:s15+$0x0] =	vst v26  }
.LBB2_51:
0x294: {  	p0 =	sne.s32 s16, $0x3F0  }
.Ltmp25:
0x295: {  	_ = 	snop;
	(pc) =	sbr.rel @p0 .LBB2_51-.Ltmp25, $4  }
0x296: {  	v26 =	vor.u32 s16, v1  }
0x297: {  	vm0 =	veq.s32 v26, v24  }
0x298: {  	s15 =	sadd.s32 $0x10, s15;
	v26 =	vnsel vm0, $0x0, v25  }
0x299: {  	s16 =	sadd.s32 $0x10, s16;
	[tilespmem:s15+$0x0] =	vst v26  }
0x29a: {  	v24 =	vperm.xlane v22, v15;
	s15 =	simm.s32 $0x0  }
0x29b: {  	v25 =	vperm.xlane v23, v15;
	v26 =	vor.u32 s15, v1  }
0x29c: {  	vm0 =	veq.s32 v26, v24  }
0x29d: {  	s15 =	simm.s32 $0x2A10;
	v26 =	vnsel vm0, $0x0, v25  }
0x29e: {  	s16 =	simm.s32 $0x10;
	[tilespmem:s15+$0x0] =	vst v26  }
.LBB2_53:
0x29f: {  	p0 =	sne.s32 s16, $0x3F0  }
.Ltmp26:
0x2a0: {  	_ = 	snop;
	(pc) =	sbr.rel @p0 .LBB2_53-.Ltmp26, $4  }
0x2a1: {  	v26 =	vor.u32 s16, v1  }
0x2a2: {  	vm0 =	veq.s32 v26, v24  }
0x2a3: {  	s15 =	sadd.s32 $0x10, s15;
	v26 =	vnsel vm0, $0x0, v25  }
0x2a4: {  	s16 =	sadd.s32 $0x10, s16;
	[tilespmem:s15+$0x0] =	vst v26  }
0x2a5: {  	v24 =	vperm.xlane v22, v16;
	s15 =	simm.s32 $0x0  }
0x2a6: {  	v25 =	vperm.xlane v23, v16;
	v26 =	vor.u32 s15, v1  }
0x2a7: {  	vm0 =	veq.s32 v26, v24  }
0x2a8: {  	s15 =	simm.s32 $0x2E10;
	v26 =	vnsel vm0, $0x0, v25  }
0x2a9: {  	s16 =	simm.s32 $0x10;
	[tilespmem:s15+$0x0] =	vst v26  }
.LBB2_55:
0x2aa: {  	p0 =	sne.s32 s16, $0x3F0  }
.Ltmp27:
0x2ab: {  	_ = 	snop;
	(pc) =	sbr.rel @p0 .LBB2_55-.Ltmp27, $4  }
0x2ac: {  	v26 =	vor.u32 s16, v1  }
0x2ad: {  	vm0 =	veq.s32 v26, v24  }
0x2ae: {  	s15 =	sadd.s32 $0x10, s15;
	v26 =	vnsel vm0, $0x0, v25  }
0x2af: {  	s16 =	sadd.s32 $0x10, s16;
	[tilespmem:s15+$0x0] =	vst v26  }
0x2b0: {  	v24 =	vperm.xlane v22, v17;
	s15 =	simm.s32 $0x0  }
0x2b1: {  	v25 =	vperm.xlane v23, v17;
	v26 =	vor.u32 s15, v1  }
0x2b2: {  	vm0 =	veq.s32 v26, v24  }
0x2b3: {  	s15 =	simm.s32 $0x3210;
	v26 =	vnsel vm0, $0x0, v25  }
0x2b4: {  	s16 =	simm.s32 $0x10;
	[tilespmem:s15+$0x0] =	vst v26  }
.LBB2_57:
0x2b5: {  	p0 =	sne.s32 s16, $0x3F0  }
.Ltmp28:
0x2b6: {  	_ = 	snop;
	(pc) =	sbr.rel @p0 .LBB2_57-.Ltmp28, $4  }
0x2b7: {  	v26 =	vor.u32 s16, v1  }
0x2b8: {  	vm0 =	veq.s32 v26, v24  }
0x2b9: {  	s15 =	sadd.s32 $0x10, s15;
	v26 =	vnsel vm0, $0x0, v25  }
0x2ba: {  	s16 =	sadd.s32 $0x10, s16;
	[tilespmem:s15+$0x0] =	vst v26  }
0x2bb: {  	v24 =	vperm.xlane v22, v18;
	s15 =	simm.s32 $0x0  }
0x2bc: {  	v25 =	vperm.xlane v23, v18;
	v26 =	vor.u32 s15, v1  }
0x2bd: {  	vm0 =	veq.s32 v26, v24  }
0x2be: {  	s15 =	simm.s32 $0x3610;
	v26 =	vnsel vm0, $0x0, v25  }
0x2bf: {  	s16 =	simm.s32 $0x10;
	[tilespmem:s15+$0x0] =	vst v26  }
.LBB2_59:
0x2c0: {  	p0 =	sne.s32 s16, $0x3F0  }
.Ltmp29:
0x2c1: {  	_ = 	snop;
	(pc) =	sbr.rel @p0 .LBB2_59-.Ltmp29, $4  }
0x2c2: {  	v26 =	vor.u32 s16, v1  }
0x2c3: {  	vm0 =	veq.s32 v26, v24  }
0x2c4: {  	s15 =	sadd.s32 $0x10, s15;
	v26 =	vnsel vm0, $0x0, v25  }
0x2c5: {  	s16 =	sadd.s32 $0x10, s16;
	[tilespmem:s15+$0x0] =	vst v26  }
0x2c6: {  	v24 =	vperm.xlane v22, v19;
	s15 =	simm.s32 $0x0  }
0x2c7: {  	v25 =	vperm.xlane v23, v19;
	v26 =	vor.u32 s15, v1  }
0x2c8: {  	vm0 =	veq.s32 v26, v24  }
0x2c9: {  	s15 =	simm.s32 $0x3A10;
	v26 =	vnsel vm0, $0x0, v25  }
0x2ca: {  	s16 =	simm.s32 $0x10;
	[tilespmem:s15+$0x0] =	vst v26  }
.LBB2_61:
0x2cb: {  	p0 =	sne.s32 s16, $0x3F0  }
.Ltmp30:
0x2cc: {  	_ = 	snop;
	(pc) =	sbr.rel @p0 .LBB2_61-.Ltmp30, $4  }
0x2cd: {  	v26 =	vor.u32 s16, v1  }
0x2ce: {  	vm0 =	veq.s32 v26, v24  }
0x2cf: {  	s15 =	sadd.s32 $0x10, s15;
	v26 =	vnsel vm0, $0x0, v25  }
0x2d0: {  	s16 =	sadd.s32 $0x10, s16;
	[tilespmem:s15+$0x0] =	vst v26  }
0x2d1: {  	v24 =	vperm.xlane v22, v20;
	s15 =	simm.s32 $0x0  }
0x2d2: {  	v25 =	vperm.xlane v23, v20;
	v26 =	vor.u32 s15, v1  }
0x2d3: {  	vm0 =	veq.s32 v26, v24  }
0x2d4: {  	s15 =	simm.s32 $0x3E10;
	v26 =	vnsel vm0, $0x0, v25  }
0x2d5: {  	s16 =	simm.s32 $0x10;
	[tilespmem:s15+$0x0] =	vst v26  }
.LBB2_63:
0x2d6: {  	p0 =	sne.s32 s16, $0x3F0  }
.Ltmp31:
0x2d7: {  	_ = 	snop;
	(pc) =	sbr.rel @p0 .LBB2_63-.Ltmp31, $4  }
0x2d8: {  	v26 =	vor.u32 s16, v1  }
0x2d9: {  	vm0 =	veq.s32 v26, v24  }
0x2da: {  	s15 =	sadd.s32 $0x10, s15;
	v26 =	vnsel vm0, $0x0, v25  }
0x2db: {  	s16 =	sadd.s32 $0x10, s16;
	[tilespmem:s15+$0x0] =	vst v26  }
0x2dc: {  	v22 =	vperm.xlane v22, v21;
	s15 =	simm.s32 $0x0  }
0x2dd: {  	v23 =	vperm.xlane v23, v21;
	v24 =	vor.u32 s15, v1  }
0x2de: {  	vm0 =	veq.s32 v24, v22  }
0x2df: {  	s15 =	simm.s32 $0x4210;
	v24 =	vnsel vm0, $0x0, v23  }
0x2e0: {  	s16 =	simm.s32 $0x10;
	[tilespmem:s15+$0x0] =	vst v24  }
.LBB2_65:
0x2e1: {  	p0 =	sne.s32 s16, $0x3F0  }
.Ltmp32:
0x2e2: {  	_ = 	snop;
	(pc) =	sbr.rel @p0 .LBB2_65-.Ltmp32, $4  }
0x2e3: {  	v24 =	vor.u32 s16, v1  }
0x2e4: {  	vm0 =	veq.s32 v24, v22  }
0x2e5: {  	s15 =	sadd.s32 $0x10, s15;
	v24 =	vnsel vm0, $0x0, v23  }
0x2e6: {  	s16 =	sadd.s32 $0x10, s16;
	[tilespmem:s15+$0x0] =	vst v24  }
0x2e7: {  	s14 =	sadd.s32 $0x1, s14  }
0x2e8: {  	p0 =	sne.s32 s14, s7  }
.Ltmp33:
0x2e9: {  	_ = 	snop;
	(pc) =	sbr.rel @p0 .LBB2_2-.Ltmp33, $4  }
0x2ea: {  	[hbm4b:s5+s2] =	stream.linear.scatter [tilespmem:s13], [sflag:$0x2], $0x4000, $0x38;
	[tilespmem:$0x4610] =	vst v63  }
0x2eb: {  	_ =	swait.ge [sflag:s8], $0x4000  }
0x2ec: {  	[sflag:s8] =	ssyncset.done $0x0  }
0x2ed: {  	[sflag:s8] =	ssyncadd.s32 $0xFFFFC000  }
.LBB2_67:
0x2ee: {  	_ =	sfence.sel $0x180000  }
0x2ef: {  	[bflag:$0x0] =	sbarrier.arrive $0xFFFF  }
0x2f0: {  	p0 =	sne.s32 s1, $0x0;
	_ =	strace $0x90000047  }
0x2f1: {  	s0 =	sadd.s32 @!p0 $0x100000, s0;
	[bflag:$0x2] =	sbarrier.arrive $0xFFFF  }
0x2f2: {  	[sflag:s0] =	ssyncadd.tile.s32 @!p0 $0x1;
	_ =	shalt  }
.Lfunc_end2:
_tile_overlayer_lowered:
.L_overlay_start_2:
0x2f3: {  	(tag) =	ssettag $0x2  }
0x2f4: {  	s0 =	rddreg [dreg:$0x0];
	s2 =	stileid.u32  }
0x2f5: {  	s1 =	rddreg [dreg:$0x1];
	p0 =	sne.s32 s2, $0x0  }
0x2f6: {  	s3 =	rddreg [dreg:$0x2];
	[bflag:$0x3] =	sbarrier.arrive $0xFFFF;
	s2 =	simm.s32 @!p0 $0x1C02  }
0x2f7: {  	[timem:s3], [sflag:s2] =	dma.local @!p0 [hbm:s0], s1  }
0x2f8: {  	s0 =	simm.s32 @!p0 $0x2  }
0x2f9: {  	_ =	swait.ge @!p0 [sflag:s0], s1  }
0x2fa: {  	s1 =	ssub.s32 @!p0 $0x0, s1;
	[sflag:s0] =	ssyncset.done @!p0 $0x0  }
0x2fb: {  	[sflag:s0] =	ssyncadd.s32 @!p0 s1  }
0x2fc: {  	[bflag:$0x3] =	sbarrier.arrive $0xFFFF  }
0x2fd: {  	_ =	shalt  }

</sc_bundles>
